<compile_context>
chip_gen: v7x
topology: tpu7x:2x2x1
jax: 0.10.2.dev20260603
libtpu: 0.0.44.dev20260713+nightly
codegen_flags: <defaults>
</compile_context>

<pallas_src>
import functools

import jax
import jax.numpy as jnp
from jax import lax
from jax.experimental import pallas as pl
from jax.experimental.pallas import tpu as pltpu
from jax.experimental.pallas import tpu_sc as plsc

BATCH = 16384
VOCAB = 1000000
HIDDEN = 64
NUM_SAMPLE = 5

_INFO = plsc.get_sparse_core_info()
NUM_WORKERS = _INFO.num_cores * _INFO.num_subcores
ROWS_PER_WORKER = BATCH // NUM_WORKERS
CHUNK_B = 16
NUM_CHUNKS = ROWS_PER_WORKER // CHUNK_B
CHUNK_ROWS = CHUNK_B * NUM_SAMPLE
HVECS = HIDDEN // 16


def _make_sc_kernel():
  mesh = plsc.VectorSubcoreMesh(core_axis_name="c", subcore_axis_name="s")

  @functools.partial(
      pl.kernel,
      mesh=mesh,
      out_type=jax.ShapeDtypeStruct((BATCH * NUM_SAMPLE,), jnp.float32),
      compiler_params=pltpu.CompilerParams(
          needs_layout_passes=True, use_tc_tiling_on_sc=True),
      scratch_types=[
          pltpu.VMEM((CHUNK_ROWS,), jnp.int32),
          pltpu.VMEM((CHUNK_ROWS, HIDDEN), jnp.float32),
          pltpu.VMEM((CHUNK_B, HIDDEN), jnp.float32),
          pltpu.VMEM((CHUNK_ROWS,), jnp.float32),
          pltpu.SemaphoreType.DMA,
      ],
  )
  def neg_sampling(inputs_hbm, idx_hbm, table_hbm, out_hbm,
                   idx_v, rows_v, inp_v, out_v, sem):
    wid = lax.axis_index("s") * _INFO.num_cores + lax.axis_index("c")
    iota = lax.iota(jnp.int32, 16)
    perms = {w: lax.bitwise_xor(iota, w) for w in (1, 2, 4, 8)}
    masks = {w: lax.bitwise_and(iota, w) == 0 for w in (1, 2, 4, 8)}

    def chunk_body(c, carry):
      base_b = wid * ROWS_PER_WORKER + c * CHUNK_B
      out_base = base_b * NUM_SAMPLE
      pltpu.sync_copy(idx_hbm.at[pl.ds(out_base, CHUNK_ROWS)], idx_v)
      pltpu.sync_copy(inputs_hbm.at[pl.ds(base_b, CHUNK_B)], inp_v)
      for g in range(CHUNK_ROWS // 16):
        rv = idx_v[pl.ds(g * 16, 16)]
        for t in range(16):
          k = g * 16 + t
          pltpu.async_copy(table_hbm.at[pl.ds(rv[t], 1)],
                           rows_v.at[pl.ds(k, 1)], sem)
      pltpu.make_async_copy(
          table_hbm.at[pl.ds(0, CHUNK_ROWS)], rows_v, sem).wait()

      ivecs = [[inp_v[b, pl.ds(j * 16, 16)] for j in range(HVECS)]
               for b in range(CHUNK_B)]
      for g in range(CHUNK_ROWS // 16):
        cur = []
        for t in range(16):
          k = g * 16 + t
          iv = ivecs[k // NUM_SAMPLE]
          acc = iv[0] * rows_v[k, pl.ds(0, 16)]
          for j in range(1, HVECS):
            acc = acc + iv[j] * rows_v[k, pl.ds(j * 16, 16)]
          cur.append(acc)
        for w in (1, 2, 4, 8):
          nxt = []
          for i in range(0, len(cur), 2):
            a, b = cur[i], cur[i + 1]
            t1 = jnp.where(masks[w], a, b)
            t2 = jnp.where(masks[w], b, a)
            nxt.append(t1 + t2.at[perms[w]].get(mode="promise_in_bounds"))
          cur = nxt
        out_v[pl.ds(g * 16, 16)] = 1.0 / (1.0 + jnp.exp(-cur[0]))

      pltpu.sync_copy(out_v, out_hbm.at[pl.ds(out_base, CHUNK_ROWS)])
      return carry

    lax.fori_loop(0, NUM_CHUNKS, chunk_body, 0)

  return neg_sampling


_sc_kernel = _make_sc_kernel()


def kernel(inputs, idxs, out_embedding):
  idx_flat = idxs.astype(jnp.int32).reshape(BATCH * NUM_SAMPLE)
  out_flat = _sc_kernel(inputs, idx_flat, out_embedding)
  return out_flat.reshape(BATCH, NUM_SAMPLE)

# --- scband reference (transcript-rebuilt; emitter-appended) ---
"""Pipeline reference for scband-negative-sampling-layer-10204842295884 (READ-ONLY COPY).

The authoritative reference and input builder live on the scoring server;
editing this copy changes nothing except your own understanding.
"""

import jax, jax.numpy as jnp
import numpy as np

BATCH = 16384
VOCAB = 1000000
HIDDEN = 64
NUM_SAMPLE = 5


def setup_inputs(seed: int = 0) -> dict:
    key = jax.random.key(seed)
    k1, k2, k3 = jax.random.split(key, 3)
    inputs = jax.random.normal(k1, (BATCH, HIDDEN), dtype=jnp.float32)
    idxs = jax.random.randint(k2, (BATCH, NUM_SAMPLE), 0, VOCAB, dtype=jnp.int64)
    # learned parameter: out_embedding table, sized per init_kwargs
    out_embedding = jax.random.normal(k3, (VOCAB, HIDDEN), dtype=jnp.float32) * 0.05
    return {"inputs": inputs, "idxs": idxs, "out_embedding": out_embedding}


def reference(inputs, idxs, out_embedding):
    # inputs: (B, H) -> (B, 1, H)
    x_in = inputs[:, jnp.newaxis, :]
    # embedding lookup: (B, S, H)
    negative_embed = jnp.take(out_embedding, idxs, axis=0)
    # transpose to (B, H, S)
    negative_embed = jnp.transpose(negative_embed, (0, 2, 1))
    # (B, 1, H) @ (B, H, S) -> (B, 1, S)
    x = jnp.matmul(x_in, negative_embed)
    x = jax.nn.sigmoid(x)
    x = jnp.squeeze(x, axis=1)  # (B, S)
    return x

if __name__ == "__main__":
    import jax
    _d = setup_inputs()
    print(jax.jit(kernel)(*tuple(_d.values())))

</pallas_src>

<mosaic_0001>
#map = affine_map<(d0, d1) -> (0, 0)>
#map1 = affine_map<(d0, d1) -> (0)>
module attributes {stable_mosaic.version = 14 : i64} {
  func.func @neg_sampling(%arg0: i32, %arg1: i32, %arg2: memref<16384x64xf32, #tpu.memory_space<hbm>>, %arg3: memref<81920xi32, #tpu.memory_space<hbm>>, %arg4: memref<1000000x64xf32, #tpu.memory_space<hbm>>, %arg5: memref<81920xf32, #tpu.memory_space<hbm>>, %arg6: memref<80xi32, #tpu.memory_space<vmem>>, %arg7: memref<80x64xf32, #tpu.memory_space<vmem>>, %arg8: memref<16x64xf32, #tpu.memory_space<vmem>>, %arg9: memref<80xf32, #tpu.memory_space<vmem>>, %arg10: memref<!tpu.dma_semaphore, #tpu.memory_space<semaphore_mem>>) attributes {dimension_semantics = [#tpu.dimension_semantics<core_parallel>, #tpu.dimension_semantics<subcore_parallel>], iteration_bounds = array<i64: 2, 16>, scalar_prefetch = 0 : i64, scratch_operands = 5 : i64, tpu.core_type = #tpu.core_type<sc_vector_subcore>, window_params = [{transform_indices = #map}, {transform_indices = #map1}, {transform_indices = #map}, {transform_indices = #map1}]} {
    %mul3A = arith.constant 2 : i32
    %mul3A_0 = arith.muli %arg1, %mul3A : i32
    %add3A = arith.addi %mul3A_0, %arg0 : i32
    %iota3A = tpu.iota {dimensions = array<i32: 0>} : vector<16xi32>
    %xor3A = arith.constant 1 : i32
    %xor3A_1 = vector.broadcast %xor3A : i32 to vector<16xi32>
    %xor3A_2 = arith.xori %iota3A, %xor3A_1 : vector<16xi32>
    %xor3A_3 = arith.constant 2 : i32
    %xor3A_4 = vector.broadcast %xor3A_3 : i32 to vector<16xi32>
    %xor3A_5 = arith.xori %iota3A, %xor3A_4 : vector<16xi32>
    %xor3A_6 = arith.constant 4 : i32
    %xor3A_7 = vector.broadcast %xor3A_6 : i32 to vector<16xi32>
    %xor3A_8 = arith.xori %iota3A, %xor3A_7 : vector<16xi32>
    %xor3A_9 = arith.constant 8 : i32
    %xor3A_10 = vector.broadcast %xor3A_9 : i32 to vector<16xi32>
    %xor3A_11 = arith.xori %iota3A, %xor3A_10 : vector<16xi32>
    %and3A = arith.constant 1 : i32
    %and3A_12 = vector.broadcast %and3A : i32 to vector<16xi32>
    %and3A_13 = arith.andi %iota3A, %and3A_12 : vector<16xi32>
    %eq3A = arith.constant 0 : i32
    %eq3A_14 = vector.broadcast %eq3A : i32 to vector<16xi32>
    %eq3A_15 = arith.cmpi eq, %and3A_13, %eq3A_14 : vector<16xi32>
    %and3A_16 = arith.constant 2 : i32
    %and3A_17 = vector.broadcast %and3A_16 : i32 to vector<16xi32>
    %and3A_18 = arith.andi %iota3A, %and3A_17 : vector<16xi32>
    %eq3A_19 = arith.constant 0 : i32
    %eq3A_20 = vector.broadcast %eq3A_19 : i32 to vector<16xi32>
    %eq3A_21 = arith.cmpi eq, %and3A_18, %eq3A_20 : vector<16xi32>
    %and3A_22 = arith.constant 4 : i32
    %and3A_23 = vector.broadcast %and3A_22 : i32 to vector<16xi32>
    %and3A_24 = arith.andi %iota3A, %and3A_23 : vector<16xi32>
    %eq3A_25 = arith.constant 0 : i32
    %eq3A_26 = vector.broadcast %eq3A_25 : i32 to vector<16xi32>
    %eq3A_27 = arith.cmpi eq, %and3A_24, %eq3A_26 : vector<16xi32>
    %and3A_28 = arith.constant 8 : i32
    %and3A_29 = vector.broadcast %and3A_28 : i32 to vector<16xi32>
    %and3A_30 = arith.andi %iota3A, %and3A_29 : vector<16xi32>
    %eq3A_31 = arith.constant 0 : i32
    %eq3A_32 = vector.broadcast %eq3A_31 : i32 to vector<16xi32>
    %eq3A_33 = arith.cmpi eq, %and3A_30, %eq3A_32 : vector<16xi32>
    %scan3A = arith.constant 0 : i32
    %scan3A_34 = arith.constant 0 : i32
    %scan3A_35 = arith.constant 32 : i32
    %scan3A_36 = arith.addi %scan3A_34, %scan3A_35 : i32
    %scan3A_37 = arith.constant 1 : i32
    scf.for %scan3A_39 = %scan3A_34 to %scan3A_36 step %scan3A_37  : i32 {
      %mul3A_40 = arith.constant 512 : i32
      %mul3A_41 = arith.muli %add3A, %mul3A_40 : i32
      %mul3A_42 = arith.constant 16 : i32
      %mul3A_43 = arith.muli %scan3A_39, %mul3A_42 : i32
      %add3A_44 = arith.addi %mul3A_41, %mul3A_43 : i32
      %mul3A_45 = arith.constant 5 : i32
      %mul3A_46 = arith.muli %add3A_44, %mul3A_45 : i32
      "tpu.region"() ({
        %run_scoped3A = tpu.sem_alloc : memref<!tpu.dma_semaphore, #tpu.memory_space<semaphore_mem>>
        %dma_start3A_4540 = tpu.memref_slice %arg3[%mul3A_46] : memref<81920xi32, #tpu.memory_space<hbm>> -> memref<80xi32, #tpu.memory_space<hbm>>
        %dma_start3A_4541 = tpu.memref_slice %arg3[%mul3A_46] : memref<81920xi32, #tpu.memory_space<hbm>> -> memref<80xi32, #tpu.memory_space<hbm>>
        tpu.enqueue_dma source(%dma_start3A_4541 : memref<80xi32, #tpu.memory_space<hbm>>) target(%arg6 : memref<80xi32, #tpu.memory_space<vmem>>) target_semaphore(%run_scoped3A : memref<!tpu.dma_semaphore, #tpu.memory_space<semaphore_mem>>)
        %dma_wait3A_4542 = tpu.memref_slice %arg3[%mul3A_46] : memref<81920xi32, #tpu.memory_space<hbm>> -> memref<80xi32, #tpu.memory_space<hbm>>
        %dma_wait3A_4543 = tpu.memref_slice %arg3[%mul3A_46] : memref<81920xi32, #tpu.memory_space<hbm>> -> memref<80xi32, #tpu.memory_space<hbm>>
        tpu.wait_dma2 semaphore(%run_scoped3A : memref<!tpu.dma_semaphore, #tpu.memory_space<semaphore_mem>>) src(%dma_wait3A_4543 : memref<80xi32, #tpu.memory_space<hbm>>) dst(%arg6 : memref<80xi32, #tpu.memory_space<vmem>>)
        tpu.yield
      }) : () -> ()
      "tpu.region"() ({
        %run_scoped3A = tpu.sem_alloc : memref<!tpu.dma_semaphore, #tpu.memory_space<semaphore_mem>>
        %dma_start3A_4540 = arith.constant 0 : i32
        %dma_start3A_4541 = tpu.memref_slice %arg2[%add3A_44, %dma_start3A_4540] : memref<16384x64xf32, #tpu.memory_space<hbm>> -> memref<16x64xf32, #tpu.memory_space<hbm>>
        %dma_start3A_4542 = arith.constant 0 : i32
        %dma_start3A_4543 = tpu.memref_slice %arg2[%add3A_44, %dma_start3A_4542] : memref<16384x64xf32, #tpu.memory_space<hbm>> -> memref<16x64xf32, #tpu.memory_space<hbm>>
        tpu.enqueue_dma source(%dma_start3A_4543 : memref<16x64xf32, #tpu.memory_space<hbm>>) target(%arg8 : memref<16x64xf32, #tpu.memory_space<vmem>>) target_semaphore(%run_scoped3A : memref<!tpu.dma_semaphore, #tpu.memory_space<semaphore_mem>>)
        %dma_wait3A_4544 = arith.constant 0 : i32
        %dma_wait3A_4545 = tpu.memref_slice %arg2[%add3A_44, %dma_wait3A_4544] : memref<16384x64xf32, #tpu.memory_space<hbm>> -> memref<16x64xf32, #tpu.memory_space<hbm>>
        %dma_wait3A_4546 = arith.constant 0 : i32
        %dma_wait3A_4547 = tpu.memref_slice %arg2[%add3A_44, %dma_wait3A_4546] : memref<16384x64xf32, #tpu.memory_space<hbm>> -> memref<16x64xf32, #tpu.memory_space<hbm>>
        tpu.wait_dma2 semaphore(%run_scoped3A : memref<!tpu.dma_semaphore, #tpu.memory_space<semaphore_mem>>) src(%dma_wait3A_4547 : memref<16x64xf32, #tpu.memory_space<hbm>>) dst(%arg8 : memref<16x64xf32, #tpu.memory_space<vmem>>)
        tpu.yield
      }) : () -> ()
      %get3A = arith.constant 0 : index
      %get3A_47 = tpu.vector_load %arg6[%get3A] {strides = array<i32>} : memref<80xi32, #tpu.memory_space<vmem>>, vector<16xi32>,
      %get3A_48 = vector.shape_cast %get3A_47 : vector<16xi32> to vector<16xi32>
      %slice3A = vector.extract_strided_slice %get3A_48 {offsets = [0], sizes = [1], strides = [1]} : vector<16xi32> to vector<1xi32>
      %squeeze3A = vector.extract %slice3A[0] : i32 from vector<1xi32>
      %dma_start3A = arith.constant 0 : i32
      %dma_start3A_49 = arith.constant 0 : i32
      %dma_start3A_50 = tpu.memref_slice %arg7[%dma_start3A, %dma_start3A_49] : memref<80x64xf32, #tpu.memory_space<vmem>> -> memref<1x64xf32, #tpu.memory_space<vmem>>
      %dma_start3A_51 = arith.constant 0 : i32
      %dma_start3A_52 = tpu.memref_slice %arg4[%squeeze3A, %dma_start3A_51] : memref<1000000x64xf32, #tpu.memory_space<hbm>> -> memref<1x64xf32, #tpu.memory_space<hbm>>
      %dma_start3A_53 = arith.constant 0 : i32
      %dma_start3A_54 = arith.constant 0 : i32
      %dma_start3A_55 = tpu.memref_slice %arg7[%dma_start3A_53, %dma_start3A_54] : memref<80x64xf32, #tpu.memory_space<vmem>> -> memref<1x64xf32, #tpu.memory_space<vmem>>
      %dma_start3A_56 = arith.constant 0 : i32
      %dma_start3A_57 = tpu.memref_slice %arg4[%squeeze3A, %dma_start3A_56] : memref<1000000x64xf32, #tpu.memory_space<hbm>> -> memref<1x64xf32, #tpu.memory_space<hbm>>
      tpu.enqueue_dma source(%dma_start3A_57 : memref<1x64xf32, #tpu.memory_space<hbm>>) target(%dma_start3A_55 : memref<1x64xf32, #tpu.memory_space<vmem>>) target_semaphore(%arg10 : memref<!tpu.dma_semaphore, #tpu.memory_space<semaphore_mem>>)
      %slice3A_58 = vector.extract_strided_slice %get3A_48 {offsets = [1], sizes = [1], strides = [1]} : vector<16xi32> to vector<1xi32>
      %squeeze3A_59 = vector.extract %slice3A_58[0] : i32 from vector<1xi32>
      %dma_start3A_60 = arith.constant 1 : i32
      %dma_start3A_61 = arith.constant 0 : i32
      %dma_start3A_62 = tpu.memref_slice %arg7[%dma_start3A_60, %dma_start3A_61] : memref<80x64xf32, #tpu.memory_space<vmem>> -> memref<1x64xf32, #tpu.memory_space<vmem>>
      %dma_start3A_63 = arith.constant 0 : i32
      %dma_start3A_64 = tpu.memref_slice %arg4[%squeeze3A_59, %dma_start3A_63] : memref<1000000x64xf32, #tpu.memory_space<hbm>> -> memref<1x64xf32, #tpu.memory_space<hbm>>
      %dma_start3A_65 = arith.constant 1 : i32
      %dma_start3A_66 = arith.constant 0 : i32
      %dma_start3A_67 = tpu.memref_slice %arg7[%dma_start3A_65, %dma_start3A_66] : memref<80x64xf32, #tpu.memory_space<vmem>> -> memref<1x64xf32, #tpu.memory_space<vmem>>
      %dma_start3A_68 = arith.constant 0 : i32
      %dma_start3A_69 = tpu.memref_slice %arg4[%squeeze3A_59, %dma_start3A_68] : memref<1000000x64xf32, #tpu.memory_space<hbm>> -> memref<1x64xf32, #tpu.memory_space<hbm>>
      tpu.enqueue_dma source(%dma_start3A_69 : memref<1x64xf32, #tpu.memory_space<hbm>>) target(%dma_start3A_67 : memref<1x64xf32, #tpu.memory_space<vmem>>) target_semaphore(%arg10 : memref<!tpu.dma_semaphore, #tpu.memory_space<semaphore_mem>>)
      %slice3A_70 = vector.extract_strided_slice %get3A_48 {offsets = [2], sizes = [1], strides = [1]} : vector<16xi32> to vector<1xi32>
      %squeeze3A_71 = vector.extract %slice3A_70[0] : i32 from vector<1xi32>
      %dma_start3A_72 = arith.constant 2 : i32
      %dma_start3A_73 = arith.constant 0 : i32
      %dma_start3A_74 = tpu.memref_slice %arg7[%dma_start3A_72, %dma_start3A_73] : memref<80x64xf32, #tpu.memory_space<vmem>> -> memref<1x64xf32, #tpu.memory_space<vmem>>
      %dma_start3A_75 = arith.constant 0 : i32
      %dma_start3A_76 = tpu.memref_slice %arg4[%squeeze3A_71, %dma_start3A_75] : memref<1000000x64xf32, #tpu.memory_space<hbm>> -> memref<1x64xf32, #tpu.memory_space<hbm>>
      %dma_start3A_77 = arith.constant 2 : i32
      %dma_start3A_78 = arith.constant 0 : i32
      %dma_start3A_79 = tpu.memref_slice %arg7[%dma_start3A_77, %dma_start3A_78] : memref<80x64xf32, #tpu.memory_space<vmem>> -> memref<1x64xf32, #tpu.memory_space<vmem>>
      %dma_start3A_80 = arith.constant 0 : i32
      %dma_start3A_81 = tpu.memref_slice %arg4[%squeeze3A_71, %dma_start3A_80] : memref<1000000x64xf32, #tpu.memory_space<hbm>> -> memref<1x64xf32, #tpu.memory_space<hbm>>
      tpu.enqueue_dma source(%dma_start3A_81 : memref<1x64xf32, #tpu.memory_space<hbm>>) target(%dma_start3A_79 : memref<1x64xf32, #tpu.memory_space<vmem>>) target_semaphore(%arg10 : memref<!tpu.dma_semaphore, #tpu.memory_space<semaphore_mem>>)
      %slice3A_82 = vector.extract_strided_slice %get3A_48 {offsets = [3], sizes = [1], strides = [1]} : vector<16xi32> to vector<1xi32>
      %squeeze3A_83 = vector.extract %slice3A_82[0] : i32 from vector<1xi32>
      %dma_start3A_84 = arith.constant 3 : i32
      %dma_start3A_85 = arith.constant 0 : i32
      %dma_start3A_86 = tpu.memref_slice %arg7[%dma_start3A_84, %dma_start3A_85] : memref<80x64xf32, #tpu.memory_space<vmem>> -> memref<1x64xf32, #tpu.memory_space<vmem>>
      %dma_start3A_87 = arith.constant 0 : i32
      %dma_start3A_88 = tpu.memref_slice %arg4[%squeeze3A_83, %dma_start3A_87] : memref<1000000x64xf32, #tpu.memory_space<hbm>> -> memref<1x64xf32, #tpu.memory_space<hbm>>
      %dma_start3A_89 = arith.constant 3 : i32
      %dma_start3A_90 = arith.constant 0 : i32
      %dma_start3A_91 = tpu.memref_slice %arg7[%dma_start3A_89, %dma_start3A_90] : memref<80x64xf32, #tpu.memory_space<vmem>> -> memref<1x64xf32, #tpu.memory_space<vmem>>
      %dma_start3A_92 = arith.constant 0 : i32
      %dma_start3A_93 = tpu.memref_slice %arg4[%squeeze3A_83, %dma_start3A_92] : memref<1000000x64xf32, #tpu.memory_space<hbm>> -> memref<1x64xf32, #tpu.memory_space<hbm>>
      tpu.enqueue_dma source(%dma_start3A_93 : memref<1x64xf32, #tpu.memory_space<hbm>>) target(%dma_start3A_91 : memref<1x64xf32, #tpu.memory_space<vmem>>) target_semaphore(%arg10 : memref<!tpu.dma_semaphore, #tpu.memory_space<semaphore_mem>>)
      %slice3A_94 = vector.extract_strided_slice %get3A_48 {offsets = [4], sizes = [1], strides = [1]} : vector<16xi32> to vector<1xi32>
      %squeeze3A_95 = vector.extract %slice3A_94[0] : i32 from vector<1xi32>
      %dma_start3A_96 = arith.constant 4 : i32
      %dma_start3A_97 = arith.constant 0 : i32
      %dma_start3A_98 = tpu.memref_slice %arg7[%dma_start3A_96, %dma_start3A_97] : memref<80x64xf32, #tpu.memory_space<vmem>> -> memref<1x64xf32, #tpu.memory_space<vmem>>
      %dma_start3A_99 = arith.constant 0 : i32
      %dma_start3A_100 = tpu.memref_slice %arg4[%squeeze3A_95, %dma_start3A_99] : memref<1000000x64xf32, #tpu.memory_space<hbm>> -> memref<1x64xf32, #tpu.memory_space<hbm>>
      %dma_start3A_101 = arith.constant 4 : i32
      %dma_start3A_102 = arith.constant 0 : i32
      %dma_start3A_103 = tpu.memref_slice %arg7[%dma_start3A_101, %dma_start3A_102] : memref<80x64xf32, #tpu.memory_space<vmem>> -> memref<1x64xf32, #tpu.memory_space<vmem>>
      %dma_start3A_104 = arith.constant 0 : i32
      %dma_start3A_105 = tpu.memref_slice %arg4[%squeeze3A_95, %dma_start3A_104] : memref<1000000x64xf32, #tpu.memory_space<hbm>> -> memref<1x64xf32, #tpu.memory_space<hbm>>
      tpu.enqueue_dma source(%dma_start3A_105 : memref<1x64xf32, #tpu.memory_space<hbm>>) target(%dma_start3A_103 : memref<1x64xf32, #tpu.memory_space<vmem>>) target_semaphore(%arg10 : memref<!tpu.dma_semaphore, #tpu.memory_space<semaphore_mem>>)
      %slice3A_106 = vector.extract_strided_slice %get3A_48 {offsets = [5], sizes = [1], strides = [1]} : vector<16xi32> to vector<1xi32>
      %squeeze3A_107 = vector.extract %slice3A_106[0] : i32 from vector<1xi32>
      %dma_start3A_108 = arith.constant 5 : i32
      %dma_start3A_109 = arith.constant 0 : i32
      %dma_start3A_110 = tpu.memref_slice %arg7[%dma_start3A_108, %dma_start3A_109] : memref<80x64xf32, #tpu.memory_space<vmem>> -> memref<1x64xf32, #tpu.memory_space<vmem>>
      %dma_start3A_111 = arith.constant 0 : i32
      %dma_start3A_112 = tpu.memref_slice %arg4[%squeeze3A_107, %dma_start3A_111] : memref<1000000x64xf32, #tpu.memory_space<hbm>> -> memref<1x64xf32, #tpu.memory_space<hbm>>
      %dma_start3A_113 = arith.constant 5 : i32
      %dma_start3A_114 = arith.constant 0 : i32
      %dma_start3A_115 = tpu.memref_slice %arg7[%dma_start3A_113, %dma_start3A_114] : memref<80x64xf32, #tpu.memory_space<vmem>> -> memref<1x64xf32, #tpu.memory_space<vmem>>
      %dma_start3A_116 = arith.constant 0 : i32
      %dma_start3A_117 = tpu.memref_slice %arg4[%squeeze3A_107, %dma_start3A_116] : memref<1000000x64xf32, #tpu.memory_space<hbm>> -> memref<1x64xf32, #tpu.memory_space<hbm>>
      tpu.enqueue_dma source(%dma_start3A_117 : memref<1x64xf32, #tpu.memory_space<hbm>>) target(%dma_start3A_115 : memref<1x64xf32, #tpu.memory_space<vmem>>) target_semaphore(%arg10 : memref<!tpu.dma_semaphore, #tpu.memory_space<semaphore_mem>>)
      %slice3A_118 = vector.extract_strided_slice %get3A_48 {offsets = [6], sizes = [1], strides = [1]} : vector<16xi32> to vector<1xi32>
      %squeeze3A_119 = vector.extract %slice3A_118[0] : i32 from vector<1xi32>
      %dma_start3A_120 = arith.constant 6 : i32
      %dma_start3A_121 = arith.constant 0 : i32
      %dma_start3A_122 = tpu.memref_slice %arg7[%dma_start3A_120, %dma_start3A_121] : memref<80x64xf32, #tpu.memory_space<vmem>> -> memref<1x64xf32, #tpu.memory_space<vmem>>
      %dma_start3A_123 = arith.constant 0 : i32
      %dma_start3A_124 = tpu.memref_slice %arg4[%squeeze3A_119, %dma_start3A_123] : memref<1000000x64xf32, #tpu.memory_space<hbm>> -> memref<1x64xf32, #tpu.memory_space<hbm>>
      %dma_start3A_125 = arith.constant 6 : i32
      %dma_start3A_126 = arith.constant 0 : i32
      %dma_start3A_127 = tpu.memref_slice %arg7[%dma_start3A_125, %dma_start3A_126] : memref<80x64xf32, #tpu.memory_space<vmem>> -> memref<1x64xf32, #tpu.memory_space<vmem>>
      %dma_start3A_128 = arith.constant 0 : i32
      %dma_start3A_129 = tpu.memref_slice %arg4[%squeeze3A_119, %dma_start3A_128] : memref<1000000x64xf32, #tpu.memory_space<hbm>> -> memref<1x64xf32, #tpu.memory_space<hbm>>
      tpu.enqueue_dma source(%dma_start3A_129 : memref<1x64xf32, #tpu.memory_space<hbm>>) target(%dma_start3A_127 : memref<1x64xf32, #tpu.memory_space<vmem>>) target_semaphore(%arg10 : memref<!tpu.dma_semaphore, #tpu.memory_space<semaphore_mem>>)
      %slice3A_130 = vector.extract_strided_slice %get3A_48 {offsets = [7], sizes = [1], strides = [1]} : vector<16xi32> to vector<1xi32>
      %squeeze3A_131 = vector.extract %slice3A_130[0] : i32 from vector<1xi32>
      %dma_start3A_132 = arith.constant 7 : i32
      %dma_start3A_133 = arith.constant 0 : i32
      %dma_start3A_134 = tpu.memref_slice %arg7[%dma_start3A_132, %dma_start3A_133] : memref<80x64xf32, #tpu.memory_space<vmem>> -> memref<1x64xf32, #tpu.memory_space<vmem>>
      %dma_start3A_135 = arith.constant 0 : i32
      %dma_start3A_136 = tpu.memref_slice %arg4[%squeeze3A_131, %dma_start3A_135] : memref<1000000x64xf32, #tpu.memory_space<hbm>> -> memref<1x64xf32, #tpu.memory_space<hbm>>
      %dma_start3A_137 = arith.constant 7 : i32
      %dma_start3A_138 = arith.constant 0 : i32
      %dma_start3A_139 = tpu.memref_slice %arg7[%dma_start3A_137, %dma_start3A_138] : memref<80x64xf32, #tpu.memory_space<vmem>> -> memref<1x64xf32, #tpu.memory_space<vmem>>
      %dma_start3A_140 = arith.constant 0 : i32
      %dma_start3A_141 = tpu.memref_slice %arg4[%squeeze3A_131, %dma_start3A_140] : memref<1000000x64xf32, #tpu.memory_space<hbm>> -> memref<1x64xf32, #tpu.memory_space<hbm>>
      tpu.enqueue_dma source(%dma_start3A_141 : memref<1x64xf32, #tpu.memory_space<hbm>>) target(%dma_start3A_139 : memref<1x64xf32, #tpu.memory_space<vmem>>) target_semaphore(%arg10 : memref<!tpu.dma_semaphore, #tpu.memory_space<semaphore_mem>>)
      %slice3A_142 = vector.extract_strided_slice %get3A_48 {offsets = [8], sizes = [1], strides = [1]} : vector<16xi32> to vector<1xi32>
      %squeeze3A_143 = vector.extract %slice3A_142[0] : i32 from vector<1xi32>
      %dma_start3A_144 = arith.constant 8 : i32
      %dma_start3A_145 = arith.constant 0 : i32
      %dma_start3A_146 = tpu.memref_slice %arg7[%dma_start3A_144, %dma_start3A_145] : memref<80x64xf32, #tpu.memory_space<vmem>> -> memref<1x64xf32, #tpu.memory_space<vmem>>
      %dma_start3A_147 = arith.constant 0 : i32
      %dma_start3A_148 = tpu.memref_slice %arg4[%squeeze3A_143, %dma_start3A_147] : memref<1000000x64xf32, #tpu.memory_space<hbm>> -> memref<1x64xf32, #tpu.memory_space<hbm>>
      %dma_start3A_149 = arith.constant 8 : i32
      %dma_start3A_150 = arith.constant 0 : i32
      %dma_start3A_151 = tpu.memref_slice %arg7[%dma_start3A_149, %dma_start3A_150] : memref<80x64xf32, #tpu.memory_space<vmem>> -> memref<1x64xf32, #tpu.memory_space<vmem>>
      %dma_start3A_152 = arith.constant 0 : i32
      %dma_start3A_153 = tpu.memref_slice %arg4[%squeeze3A_143, %dma_start3A_152] : memref<1000000x64xf32, #tpu.memory_space<hbm>> -> memref<1x64xf32, #tpu.memory_space<hbm>>
      tpu.enqueue_dma source(%dma_start3A_153 : memref<1x64xf32, #tpu.memory_space<hbm>>) target(%dma_start3A_151 : memref<1x64xf32, #tpu.memory_space<vmem>>) target_semaphore(%arg10 : memref<!tpu.dma_semaphore, #tpu.memory_space<semaphore_mem>>)
      %slice3A_154 = vector.extract_strided_slice %get3A_48 {offsets = [9], sizes = [1], strides = [1]} : vector<16xi32> to vector<1xi32>
      %squeeze3A_155 = vector.extract %slice3A_154[0] : i32 from vector<1xi32>
      %dma_start3A_156 = arith.constant 9 : i32
      %dma_start3A_157 = arith.constant 0 : i32
      %dma_start3A_158 = tpu.memref_slice %arg7[%dma_start3A_156, %dma_start3A_157] : memref<80x64xf32, #tpu.memory_space<vmem>> -> memref<1x64xf32, #tpu.memory_space<vmem>>
      %dma_start3A_159 = arith.constant 0 : i32
      %dma_start3A_160 = tpu.memref_slice %arg4[%squeeze3A_155, %dma_start3A_159] : memref<1000000x64xf32, #tpu.memory_space<hbm>> -> memref<1x64xf32, #tpu.memory_space<hbm>>
      %dma_start3A_161 = arith.constant 9 : i32
      %dma_start3A_162 = arith.constant 0 : i32
      %dma_start3A_163 = tpu.memref_slice %arg7[%dma_start3A_161, %dma_start3A_162] : memref<80x64xf32, #tpu.memory_space<vmem>> -> memref<1x64xf32, #tpu.memory_space<vmem>>
      %dma_start3A_164 = arith.constant 0 : i32
      %dma_start3A_165 = tpu.memref_slice %arg4[%squeeze3A_155, %dma_start3A_164] : memref<1000000x64xf32, #tpu.memory_space<hbm>> -> memref<1x64xf32, #tpu.memory_space<hbm>>
      tpu.enqueue_dma source(%dma_start3A_165 : memref<1x64xf32, #tpu.memory_space<hbm>>) target(%dma_start3A_163 : memref<1x64xf32, #tpu.memory_space<vmem>>) target_semaphore(%arg10 : memref<!tpu.dma_semaphore, #tpu.memory_space<semaphore_mem>>)
      %slice3A_166 = vector.extract_strided_slice %get3A_48 {offsets = [10], sizes = [1], strides = [1]} : vector<16xi32> to vector<1xi32>
      %squeeze3A_167 = vector.extract %slice3A_166[0] : i32 from vector<1xi32>
      %dma_start3A_168 = arith.constant 10 : i32
      %dma_start3A_169 = arith.constant 0 : i32
      %dma_start3A_170 = tpu.memref_slice %arg7[%dma_start3A_168, %dma_start3A_169] : memref<80x64xf32, #tpu.memory_space<vmem>> -> memref<1x64xf32, #tpu.memory_space<vmem>>
      %dma_start3A_171 = arith.constant 0 : i32
      %dma_start3A_172 = tpu.memref_slice %arg4[%squeeze3A_167, %dma_start3A_171] : memref<1000000x64xf32, #tpu.memory_space<hbm>> -> memref<1x64xf32, #tpu.memory_space<hbm>>
      %dma_start3A_173 = arith.constant 10 : i32
      %dma_start3A_174 = arith.constant 0 : i32
      %dma_start3A_175 = tpu.memref_slice %arg7[%dma_start3A_173, %dma_start3A_174] : memref<80x64xf32, #tpu.memory_space<vmem>> -> memref<1x64xf32, #tpu.memory_space<vmem>>
      %dma_start3A_176 = arith.constant 0 : i32
      %dma_start3A_177 = tpu.memref_slice %arg4[%squeeze3A_167, %dma_start3A_176] : memref<1000000x64xf32, #tpu.memory_space<hbm>> -> memref<1x64xf32, #tpu.memory_space<hbm>>
      tpu.enqueue_dma source(%dma_start3A_177 : memref<1x64xf32, #tpu.memory_space<hbm>>) target(%dma_start3A_175 : memref<1x64xf32, #tpu.memory_space<vmem>>) target_semaphore(%arg10 : memref<!tpu.dma_semaphore, #tpu.memory_space<semaphore_mem>>)
      %slice3A_178 = vector.extract_strided_slice %get3A_48 {offsets = [11], sizes = [1], strides = [1]} : vector<16xi32> to vector<1xi32>
      %squeeze3A_179 = vector.extract %slice3A_178[0] : i32 from vector<1xi32>
      %dma_start3A_180 = arith.constant 11 : i32
      %dma_start3A_181 = arith.constant 0 : i32
      %dma_start3A_182 = tpu.memref_slice %arg7[%dma_start3A_180, %dma_start3A_181] : memref<80x64xf32, #tpu.memory_space<vmem>> -> memref<1x64xf32, #tpu.memory_space<vmem>>
      %dma_start3A_183 = arith.constant 0 : i32
      %dma_start3A_184 = tpu.memref_slice %arg4[%squeeze3A_179, %dma_start3A_183] : memref<1000000x64xf32, #tpu.memory_space<hbm>> -> memref<1x64xf32, #tpu.memory_space<hbm>>
      %dma_start3A_185 = arith.constant 11 : i32
      %dma_start3A_186 = arith.constant 0 : i32
      %dma_start3A_187 = tpu.memref_slice %arg7[%dma_start3A_185, %dma_start3A_186] : memref<80x64xf32, #tpu.memory_space<vmem>> -> memref<1x64xf32, #tpu.memory_space<vmem>>
      %dma_start3A_188 = arith.constant 0 : i32
      %dma_start3A_189 = tpu.memref_slice %arg4[%squeeze3A_179, %dma_start3A_188] : memref<1000000x64xf32, #tpu.memory_space<hbm>> -> memref<1x64xf32, #tpu.memory_space<hbm>>
      tpu.enqueue_dma source(%dma_start3A_189 : memref<1x64xf32, #tpu.memory_space<hbm>>) target(%dma_start3A_187 : memref<1x64xf32, #tpu.memory_space<vmem>>) target_semaphore(%arg10 : memref<!tpu.dma_semaphore, #tpu.memory_space<semaphore_mem>>)
      %slice3A_190 = vector.extract_strided_slice %get3A_48 {offsets = [12], sizes = [1], strides = [1]} : vector<16xi32> to vector<1xi32>
      %squeeze3A_191 = vector.extract %slice3A_190[0] : i32 from vector<1xi32>
      %dma_start3A_192 = arith.constant 12 : i32
      %dma_start3A_193 = arith.constant 0 : i32
      %dma_start3A_194 = tpu.memref_slice %arg7[%dma_start3A_192, %dma_start3A_193] : memref<80x64xf32, #tpu.memory_space<vmem>> -> memref<1x64xf32, #tpu.memory_space<vmem>>
      %dma_start3A_195 = arith.constant 0 : i32
      %dma_start3A_196 = tpu.memref_slice %arg4[%squeeze3A_191, %dma_start3A_195] : memref<1000000x64xf32, #tpu.memory_space<hbm>> -> memref<1x64xf32, #tpu.memory_space<hbm>>
      %dma_start3A_197 = arith.constant 12 : i32
      %dma_start3A_198 = arith.constant 0 : i32
      %dma_start3A_199 = tpu.memref_slice %arg7[%dma_start3A_197, %dma_start3A_198] : memref<80x64xf32, #tpu.memory_space<vmem>> -> memref<1x64xf32, #tpu.memory_space<vmem>>
      %dma_start3A_200 = arith.constant 0 : i32
      %dma_start3A_201 = tpu.memref_slice %arg4[%squeeze3A_191, %dma_start3A_200] : memref<1000000x64xf32, #tpu.memory_space<hbm>> -> memref<1x64xf32, #tpu.memory_space<hbm>>
      tpu.enqueue_dma source(%dma_start3A_201 : memref<1x64xf32, #tpu.memory_space<hbm>>) target(%dma_start3A_199 : memref<1x64xf32, #tpu.memory_space<vmem>>) target_semaphore(%arg10 : memref<!tpu.dma_semaphore, #tpu.memory_space<semaphore_mem>>)
      %slice3A_202 = vector.extract_strided_slice %get3A_48 {offsets = [13], sizes = [1], strides = [1]} : vector<16xi32> to vector<1xi32>
      %squeeze3A_203 = vector.extract %slice3A_202[0] : i32 from vector<1xi32>
      %dma_start3A_204 = arith.constant 13 : i32
      %dma_start3A_205 = arith.constant 0 : i32
      %dma_start3A_206 = tpu.memref_slice %arg7[%dma_start3A_204, %dma_start3A_205] : memref<80x64xf32, #tpu.memory_space<vmem>> -> memref<1x64xf32, #tpu.memory_space<vmem>>
      %dma_start3A_207 = arith.constant 0 : i32
      %dma_start3A_208 = tpu.memref_slice %arg4[%squeeze3A_203, %dma_start3A_207] : memref<1000000x64xf32, #tpu.memory_space<hbm>> -> memref<1x64xf32, #tpu.memory_space<hbm>>
      %dma_start3A_209 = arith.constant 13 : i32
      %dma_start3A_210 = arith.constant 0 : i32
      %dma_start3A_211 = tpu.memref_slice %arg7[%dma_start3A_209, %dma_start3A_210] : memref<80x64xf32, #tpu.memory_space<vmem>> -> memref<1x64xf32, #tpu.memory_space<vmem>>
      %dma_start3A_212 = arith.constant 0 : i32
      %dma_start3A_213 = tpu.memref_slice %arg4[%squeeze3A_203, %dma_start3A_212] : memref<1000000x64xf32, #tpu.memory_space<hbm>> -> memref<1x64xf32, #tpu.memory_space<hbm>>
      tpu.enqueue_dma source(%dma_start3A_213 : memref<1x64xf32, #tpu.memory_space<hbm>>) target(%dma_start3A_211 : memref<1x64xf32, #tpu.memory_space<vmem>>) target_semaphore(%arg10 : memref<!tpu.dma_semaphore, #tpu.memory_space<semaphore_mem>>)
      %slice3A_214 = vector.extract_strided_slice %get3A_48 {offsets = [14], sizes = [1], strides = [1]} : vector<16xi32> to vector<1xi32>
      %squeeze3A_215 = vector.extract %slice3A_214[0] : i32 from vector<1xi32>
      %dma_start3A_216 = arith.constant 14 : i32
      %dma_start3A_217 = arith.constant 0 : i32
      %dma_start3A_218 = tpu.memref_slice %arg7[%dma_start3A_216, %dma_start3A_217] : memref<80x64xf32, #tpu.memory_space<vmem>> -> memref<1x64xf32, #tpu.memory_space<vmem>>
      %dma_start3A_219 = arith.constant 0 : i32
      %dma_start3A_220 = tpu.memref_slice %arg4[%squeeze3A_215, %dma_start3A_219] : memref<1000000x64xf32, #tpu.memory_space<hbm>> -> memref<1x64xf32, #tpu.memory_space<hbm>>
      %dma_start3A_221 = arith.constant 14 : i32
      %dma_start3A_222 = arith.constant 0 : i32
      %dma_start3A_223 = tpu.memref_slice %arg7[%dma_start3A_221, %dma_start3A_222] : memref<80x64xf32, #tpu.memory_space<vmem>> -> memref<1x64xf32, #tpu.memory_space<vmem>>
      %dma_start3A_224 = arith.constant 0 : i32
      %dma_start3A_225 = tpu.memref_slice %arg4[%squeeze3A_215, %dma_start3A_224] : memref<1000000x64xf32, #tpu.memory_space<hbm>> -> memref<1x64xf32, #tpu.memory_space<hbm>>
      tpu.enqueue_dma source(%dma_start3A_225 : memref<1x64xf32, #tpu.memory_space<hbm>>) target(%dma_start3A_223 : memref<1x64xf32, #tpu.memory_space<vmem>>) target_semaphore(%arg10 : memref<!tpu.dma_semaphore, #tpu.memory_space<semaphore_mem>>)
      %slice3A_226 = vector.extract_strided_slice %get3A_48 {offsets = [15], sizes = [1], strides = [1]} : vector<16xi32> to vector<1xi32>
      %squeeze3A_227 = vector.extract %slice3A_226[0] : i32 from vector<1xi32>
      %dma_start3A_228 = arith.constant 15 : i32
      %dma_start3A_229 = arith.constant 0 : i32
      %dma_start3A_230 = tpu.memref_slice %arg7[%dma_start3A_228, %dma_start3A_229] : memref<80x64xf32, #tpu.memory_space<vmem>> -> memref<1x64xf32, #tpu.memory_space<vmem>>
      %dma_start3A_231 = arith.constant 0 : i32
      %dma_start3A_232 = tpu.memref_slice %arg4[%squeeze3A_227, %dma_start3A_231] : memref<1000000x64xf32, #tpu.memory_space<hbm>> -> memref<1x64xf32, #tpu.memory_space<hbm>>
      %dma_start3A_233 = arith.constant 15 : i32
      %dma_start3A_234 = arith.constant 0 : i32
      %dma_start3A_235 = tpu.memref_slice %arg7[%dma_start3A_233, %dma_start3A_234] : memref<80x64xf32, #tpu.memory_space<vmem>> -> memref<1x64xf32, #tpu.memory_space<vmem>>
      %dma_start3A_236 = arith.constant 0 : i32
      %dma_start3A_237 = tpu.memref_slice %arg4[%squeeze3A_227, %dma_start3A_236] : memref<1000000x64xf32, #tpu.memory_space<hbm>> -> memref<1x64xf32, #tpu.memory_space<hbm>>
      tpu.enqueue_dma source(%dma_start3A_237 : memref<1x64xf32, #tpu.memory_space<hbm>>) target(%dma_start3A_235 : memref<1x64xf32, #tpu.memory_space<vmem>>) target_semaphore(%arg10 : memref<!tpu.dma_semaphore, #tpu.memory_space<semaphore_mem>>)
      %get3A_238 = arith.constant 16 : index
      %get3A_239 = tpu.vector_load %arg6[%get3A_238] {strides = array<i32>} : memref<80xi32, #tpu.memory_space<vmem>>, vector<16xi32>,
      %get3A_240 = vector.shape_cast %get3A_239 : vector<16xi32> to vector<16xi32>
      %slice3A_241 = vector.extract_strided_slice %get3A_240 {offsets = [0], sizes = [1], strides = [1]} : vector<16xi32> to vector<1xi32>
      %squeeze3A_242 = vector.extract %slice3A_241[0] : i32 from vector<1xi32>
      %dma_start3A_243 = arith.constant 16 : i32
      %dma_start3A_244 = arith.constant 0 : i32
      %dma_start3A_245 = tpu.memref_slice %arg7[%dma_start3A_243, %dma_start3A_244] : memref<80x64xf32, #tpu.memory_space<vmem>> -> memref<1x64xf32, #tpu.memory_space<vmem>>
      %dma_start3A_246 = arith.constant 0 : i32
      %dma_start3A_247 = tpu.memref_slice %arg4[%squeeze3A_242, %dma_start3A_246] : memref<1000000x64xf32, #tpu.memory_space<hbm>> -> memref<1x64xf32, #tpu.memory_space<hbm>>
      %dma_start3A_248 = arith.constant 16 : i32
      %dma_start3A_249 = arith.constant 0 : i32
      %dma_start3A_250 = tpu.memref_slice %arg7[%dma_start3A_248, %dma_start3A_249] : memref<80x64xf32, #tpu.memory_space<vmem>> -> memref<1x64xf32, #tpu.memory_space<vmem>>
      %dma_start3A_251 = arith.constant 0 : i32
      %dma_start3A_252 = tpu.memref_slice %arg4[%squeeze3A_242, %dma_start3A_251] : memref<1000000x64xf32, #tpu.memory_space<hbm>> -> memref<1x64xf32, #tpu.memory_space<hbm>>
      tpu.enqueue_dma source(%dma_start3A_252 : memref<1x64xf32, #tpu.memory_space<hbm>>) target(%dma_start3A_250 : memref<1x64xf32, #tpu.memory_space<vmem>>) target_semaphore(%arg10 : memref<!tpu.dma_semaphore, #tpu.memory_space<semaphore_mem>>)
      %slice3A_253 = vector.extract_strided_slice %get3A_240 {offsets = [1], sizes = [1], strides = [1]} : vector<16xi32> to vector<1xi32>
      %squeeze3A_254 = vector.extract %slice3A_253[0] : i32 from vector<1xi32>
      %dma_start3A_255 = arith.constant 17 : i32
      %dma_start3A_256 = arith.constant 0 : i32
      %dma_start3A_257 = tpu.memref_slice %arg7[%dma_start3A_255, %dma_start3A_256] : memref<80x64xf32, #tpu.memory_space<vmem>> -> memref<1x64xf32, #tpu.memory_space<vmem>>
      %dma_start3A_258 = arith.constant 0 : i32
      %dma_start3A_259 = tpu.memref_slice %arg4[%squeeze3A_254, %dma_start3A_258] : memref<1000000x64xf32, #tpu.memory_space<hbm>> -> memref<1x64xf32, #tpu.memory_space<hbm>>
      %dma_start3A_260 = arith.constant 17 : i32
      %dma_start3A_261 = arith.constant 0 : i32
      %dma_start3A_262 = tpu.memref_slice %arg7[%dma_start3A_260, %dma_start3A_261] : memref<80x64xf32, #tpu.memory_space<vmem>> -> memref<1x64xf32, #tpu.memory_space<vmem>>
      %dma_start3A_263 = arith.constant 0 : i32
      %dma_start3A_264 = tpu.memref_slice %arg4[%squeeze3A_254, %dma_start3A_263] : memref<1000000x64xf32, #tpu.memory_space<hbm>> -> memref<1x64xf32, #tpu.memory_space<hbm>>
      tpu.enqueue_dma source(%dma_start3A_264 : memref<1x64xf32, #tpu.memory_space<hbm>>) target(%dma_start3A_262 : memref<1x64xf32, #tpu.memory_space<vmem>>) target_semaphore(%arg10 : memref<!tpu.dma_semaphore, #tpu.memory_space<semaphore_mem>>)
      %slice3A_265 = vector.extract_strided_slice %get3A_240 {offsets = [2], sizes = [1], strides = [1]} : vector<16xi32> to vector<1xi32>
      %squeeze3A_266 = vector.extract %slice3A_265[0] : i32 from vector<1xi32>
      %dma_start3A_267 = arith.constant 18 : i32
      %dma_start3A_268 = arith.constant 0 : i32
      %dma_start3A_269 = tpu.memref_slice %arg7[%dma_start3A_267, %dma_start3A_268] : memref<80x64xf32, #tpu.memory_space<vmem>> -> memref<1x64xf32, #tpu.memory_space<vmem>>
      %dma_start3A_270 = arith.constant 0 : i32
      %dma_start3A_271 = tpu.memref_slice %arg4[%squeeze3A_266, %dma_start3A_270] : memref<1000000x64xf32, #tpu.memory_space<hbm>> -> memref<1x64xf32, #tpu.memory_space<hbm>>
      %dma_start3A_272 = arith.constant 18 : i32
      %dma_start3A_273 = arith.constant 0 : i32
      %dma_start3A_274 = tpu.memref_slice %arg7[%dma_start3A_272, %dma_start3A_273] : memref<80x64xf32, #tpu.memory_space<vmem>> -> memref<1x64xf32, #tpu.memory_space<vmem>>
      %dma_start3A_275 = arith.constant 0 : i32
      %dma_start3A_276 = tpu.memref_slice %arg4[%squeeze3A_266, %dma_start3A_275] : memref<1000000x64xf32, #tpu.memory_space<hbm>> -> memref<1x64xf32, #tpu.memory_space<hbm>>
      tpu.enqueue_dma source(%dma_start3A_276 : memref<1x64xf32, #tpu.memory_space<hbm>>) target(%dma_start3A_274 : memref<1x64xf32, #tpu.memory_space<vmem>>) target_semaphore(%arg10 : memref<!tpu.dma_semaphore, #tpu.memory_space<semaphore_mem>>)
      %slice3A_277 = vector.extract_strided_slice %get3A_240 {offsets = [3], sizes = [1], strides = [1]} : vector<16xi32> to vector<1xi32>
      %squeeze3A_278 = vector.extract %slice3A_277[0] : i32 from vector<1xi32>
      %dma_start3A_279 = arith.constant 19 : i32
      %dma_start3A_280 = arith.constant 0 : i32
      %dma_start3A_281 = tpu.memref_slice %arg7[%dma_start3A_279, %dma_start3A_280] : memref<80x64xf32, #tpu.memory_space<vmem>> -> memref<1x64xf32, #tpu.memory_space<vmem>>
      %dma_start3A_282 = arith.constant 0 : i32
      %dma_start3A_283 = tpu.memref_slice %arg4[%squeeze3A_278, %dma_start3A_282] : memref<1000000x64xf32, #tpu.memory_space<hbm>> -> memref<1x64xf32, #tpu.memory_space<hbm>>
      %dma_start3A_284 = arith.constant 19 : i32
      %dma_start3A_285 = arith.constant 0 : i32
      %dma_start3A_286 = tpu.memref_slice %arg7[%dma_start3A_284, %dma_start3A_285] : memref<80x64xf32, #tpu.memory_space<vmem>> -> memref<1x64xf32, #tpu.memory_space<vmem>>
      %dma_start3A_287 = arith.constant 0 : i32
      %dma_start3A_288 = tpu.memref_slice %arg4[%squeeze3A_278, %dma_start3A_287] : memref<1000000x64xf32, #tpu.memory_space<hbm>> -> memref<1x64xf32, #tpu.memory_space<hbm>>
      tpu.enqueue_dma source(%dma_start3A_288 : memref<1x64xf32, #tpu.memory_space<hbm>>) target(%dma_start3A_286 : memref<1x64xf32, #tpu.memory_space<vmem>>) target_semaphore(%arg10 : memref<!tpu.dma_semaphore, #tpu.memory_space<semaphore_mem>>)
      %slice3A_289 = vector.extract_strided_slice %get3A_240 {offsets = [4], sizes = [1], strides = [1]} : vector<16xi32> to vector<1xi32>
      %squeeze3A_290 = vector.extract %slice3A_289[0] : i32 from vector<1xi32>
      %dma_start3A_291 = arith.constant 20 : i32
      %dma_start3A_292 = arith.constant 0 : i32
      %dma_start3A_293 = tpu.memref_slice %arg7[%dma_start3A_291, %dma_start3A_292] : memref<80x64xf32, #tpu.memory_space<vmem>> -> memref<1x64xf32, #tpu.memory_space<vmem>>
      %dma_start3A_294 = arith.constant 0 : i32
      %dma_start3A_295 = tpu.memref_slice %arg4[%squeeze3A_290, %dma_start3A_294] : memref<1000000x64xf32, #tpu.memory_space<hbm>> -> memref<1x64xf32, #tpu.memory_space<hbm>>
      %dma_start3A_296 = arith.constant 20 : i32
      %dma_start3A_297 = arith.constant 0 : i32
      %dma_start3A_298 = tpu.memref_slice %arg7[%dma_start3A_296, %dma_start3A_297] : memref<80x64xf32, #tpu.memory_space<vmem>> -> memref<1x64xf32, #tpu.memory_space<vmem>>
      %dma_start3A_299 = arith.constant 0 : i32
      %dma_start3A_300 = tpu.memref_slice %arg4[%squeeze3A_290, %dma_start3A_299] : memref<1000000x64xf32, #tpu.memory_space<hbm>> -> memref<1x64xf32, #tpu.memory_space<hbm>>
      tpu.enqueue_dma source(%dma_start3A_300 : memref<1x64xf32, #tpu.memory_space<hbm>>) target(%dma_start3A_298 : memref<1x64xf32, #tpu.memory_space<vmem>>) target_semaphore(%arg10 : memref<!tpu.dma_semaphore, #tpu.memory_space<semaphore_mem>>)
      %slice3A_301 = vector.extract_strided_slice %get3A_240 {offsets = [5], sizes = [1], strides = [1]} : vector<16xi32> to vector<1xi32>
      %squeeze3A_302 = vector.extract %slice3A_301[0] : i32 from vector<1xi32>
      %dma_start3A_303 = arith.constant 21 : i32
      %dma_start3A_304 = arith.constant 0 : i32
      %dma_start3A_305 = tpu.memref_slice %arg7[%dma_start3A_303, %dma_start3A_304] : memref<80x64xf32, #tpu.memory_space<vmem>> -> memref<1x64xf32, #tpu.memory_space<vmem>>
      %dma_start3A_306 = arith.constant 0 : i32
      %dma_start3A_307 = tpu.memref_slice %arg4[%squeeze3A_302, %dma_start3A_306] : memref<1000000x64xf32, #tpu.memory_space<hbm>> -> memref<1x64xf32, #tpu.memory_space<hbm>>
      %dma_start3A_308 = arith.constant 21 : i32
      %dma_start3A_309 = arith.constant 0 : i32
      %dma_start3A_310 = tpu.memref_slice %arg7[%dma_start3A_308, %dma_start3A_309] : memref<80x64xf32, #tpu.memory_space<vmem>> -> memref<1x64xf32, #tpu.memory_space<vmem>>
      %dma_start3A_311 = arith.constant 0 : i32
      %dma_start3A_312 = tpu.memref_slice %arg4[%squeeze3A_302, %dma_start3A_311] : memref<1000000x64xf32, #tpu.memory_space<hbm>> -> memref<1x64xf32, #tpu.memory_space<hbm>>
      tpu.enqueue_dma source(%dma_start3A_312 : memref<1x64xf32, #tpu.memory_space<hbm>>) target(%dma_start3A_310 : memref<1x64xf32, #tpu.memory_space<vmem>>) target_semaphore(%arg10 : memref<!tpu.dma_semaphore, #tpu.memory_space<semaphore_mem>>)
      %slice3A_313 = vector.extract_strided_slice %get3A_240 {offsets = [6], sizes = [1], strides = [1]} : vector<16xi32> to vector<1xi32>
      %squeeze3A_314 = vector.extract %slice3A_313[0] : i32 from vector<1xi32>
      %dma_start3A_315 = arith.constant 22 : i32
      %dma_start3A_316 = arith.constant 0 : i32
      %dma_start3A_317 = tpu.memref_slice %arg7[%dma_start3A_315, %dma_start3A_316] : memref<80x64xf32, #tpu.memory_space<vmem>> -> memref<1x64xf32, #tpu.memory_space<vmem>>
      %dma_start3A_318 = arith.constant 0 : i32
      %dma_start3A_319 = tpu.memref_slice %arg4[%squeeze3A_314, %dma_start3A_318] : memref<1000000x64xf32, #tpu.memory_space<hbm>> -> memref<1x64xf32, #tpu.memory_space<hbm>>
      %dma_start3A_320 = arith.constant 22 : i32
      %dma_start3A_321 = arith.constant 0 : i32
      %dma_start3A_322 = tpu.memref_slice %arg7[%dma_start3A_320, %dma_start3A_321] : memref<80x64xf32, #tpu.memory_space<vmem>> -> memref<1x64xf32, #tpu.memory_space<vmem>>
      %dma_start3A_323 = arith.constant 0 : i32
      %dma_start3A_324 = tpu.memref_slice %arg4[%squeeze3A_314, %dma_start3A_323] : memref<1000000x64xf32, #tpu.memory_space<hbm>> -> memref<1x64xf32, #tpu.memory_space<hbm>>
      tpu.enqueue_dma source(%dma_start3A_324 : memref<1x64xf32, #tpu.memory_space<hbm>>) target(%dma_start3A_322 : memref<1x64xf32, #tpu.memory_space<vmem>>) target_semaphore(%arg10 : memref<!tpu.dma_semaphore, #tpu.memory_space<semaphore_mem>>)
      %slice3A_325 = vector.extract_strided_slice %get3A_240 {offsets = [7], sizes = [1], strides = [1]} : vector<16xi32> to vector<1xi32>
      %squeeze3A_326 = vector.extract %slice3A_325[0] : i32 from vector<1xi32>
      %dma_start3A_327 = arith.constant 23 : i32
      %dma_start3A_328 = arith.constant 0 : i32
      %dma_start3A_329 = tpu.memref_slice %arg7[%dma_start3A_327, %dma_start3A_328] : memref<80x64xf32, #tpu.memory_space<vmem>> -> memref<1x64xf32, #tpu.memory_space<vmem>>
      %dma_start3A_330 = arith.constant 0 : i32
      %dma_start3A_331 = tpu.memref_slice %arg4[%squeeze3A_326, %dma_start3A_330] : memref<1000000x64xf32, #tpu.memory_space<hbm>> -> memref<1x64xf32, #tpu.memory_space<hbm>>
      %dma_start3A_332 = arith.constant 23 : i32
      %dma_start3A_333 = arith.constant 0 : i32
      %dma_start3A_334 = tpu.memref_slice %arg7[%dma_start3A_332, %dma_start3A_333] : memref<80x64xf32, #tpu.memory_space<vmem>> -> memref<1x64xf32, #tpu.memory_space<vmem>>
      %dma_start3A_335 = arith.constant 0 : i32
      %dma_start3A_336 = tpu.memref_slice %arg4[%squeeze3A_326, %dma_start3A_335] : memref<1000000x64xf32, #tpu.memory_space<hbm>> -> memref<1x64xf32, #tpu.memory_space<hbm>>
      tpu.enqueue_dma source(%dma_start3A_336 : memref<1x64xf32, #tpu.memory_space<hbm>>) target(%dma_start3A_334 : memref<1x64xf32, #tpu.memory_space<vmem>>) target_semaphore(%arg10 : memref<!tpu.dma_semaphore, #tpu.memory_space<semaphore_mem>>)
      %slice3A_337 = vector.extract_strided_slice %get3A_240 {offsets = [8], sizes = [1], strides = [1]} : vector<16xi32> to vector<1xi32>
      %squeeze3A_338 = vector.extract %slice3A_337[0] : i32 from vector<1xi32>
      %dma_start3A_339 = arith.constant 24 : i32
      %dma_start3A_340 = arith.constant 0 : i32
      %dma_start3A_341 = tpu.memref_slice %arg7[%dma_start3A_339, %dma_start3A_340] : memref<80x64xf32, #tpu.memory_space<vmem>> -> memref<1x64xf32, #tpu.memory_space<vmem>>
      %dma_start3A_342 = arith.constant 0 : i32
      %dma_start3A_343 = tpu.memref_slice %arg4[%squeeze3A_338, %dma_start3A_342] : memref<1000000x64xf32, #tpu.memory_space<hbm>> -> memref<1x64xf32, #tpu.memory_space<hbm>>
      %dma_start3A_344 = arith.constant 24 : i32
      %dma_start3A_345 = arith.constant 0 : i32
      %dma_start3A_346 = tpu.memref_slice %arg7[%dma_start3A_344, %dma_start3A_345] : memref<80x64xf32, #tpu.memory_space<vmem>> -> memref<1x64xf32, #tpu.memory_space<vmem>>
      %dma_start3A_347 = arith.constant 0 : i32
      %dma_start3A_348 = tpu.memref_slice %arg4[%squeeze3A_338, %dma_start3A_347] : memref<1000000x64xf32, #tpu.memory_space<hbm>> -> memref<1x64xf32, #tpu.memory_space<hbm>>
      tpu.enqueue_dma source(%dma_start3A_348 : memref<1x64xf32, #tpu.memory_space<hbm>>) target(%dma_start3A_346 : memref<1x64xf32, #tpu.memory_space<vmem>>) target_semaphore(%arg10 : memref<!tpu.dma_semaphore, #tpu.memory_space<semaphore_mem>>)
      %slice3A_349 = vector.extract_strided_slice %get3A_240 {offsets = [9], sizes = [1], strides = [1]} : vector<16xi32> to vector<1xi32>
      %squeeze3A_350 = vector.extract %slice3A_349[0] : i32 from vector<1xi32>
      %dma_start3A_351 = arith.constant 25 : i32
      %dma_start3A_352 = arith.constant 0 : i32
      %dma_start3A_353 = tpu.memref_slice %arg7[%dma_start3A_351, %dma_start3A_352] : memref<80x64xf32, #tpu.memory_space<vmem>> -> memref<1x64xf32, #tpu.memory_space<vmem>>
      %dma_start3A_354 = arith.constant 0 : i32
      %dma_start3A_355 = tpu.memref_slice %arg4[%squeeze3A_350, %dma_start3A_354] : memref<1000000x64xf32, #tpu.memory_space<hbm>> -> memref<1x64xf32, #tpu.memory_space<hbm>>
      %dma_start3A_356 = arith.constant 25 : i32
      %dma_start3A_357 = arith.constant 0 : i32
      %dma_start3A_358 = tpu.memref_slice %arg7[%dma_start3A_356, %dma_start3A_357] : memref<80x64xf32, #tpu.memory_space<vmem>> -> memref<1x64xf32, #tpu.memory_space<vmem>>
      %dma_start3A_359 = arith.constant 0 : i32
      %dma_start3A_360 = tpu.memref_slice %arg4[%squeeze3A_350, %dma_start3A_359] : memref<1000000x64xf32, #tpu.memory_space<hbm>> -> memref<1x64xf32, #tpu.memory_space<hbm>>
      tpu.enqueue_dma source(%dma_start3A_360 : memref<1x64xf32, #tpu.memory_space<hbm>>) target(%dma_start3A_358 : memref<1x64xf32, #tpu.memory_space<vmem>>) target_semaphore(%arg10 : memref<!tpu.dma_semaphore, #tpu.memory_space<semaphore_mem>>)
      %slice3A_361 = vector.extract_strided_slice %get3A_240 {offsets = [10], sizes = [1], strides = [1]} : vector<16xi32> to vector<1xi32>
      %squeeze3A_362 = vector.extract %slice3A_361[0] : i32 from vector<1xi32>
      %dma_start3A_363 = arith.constant 26 : i32
      %dma_start3A_364 = arith.constant 0 : i32
      %dma_start3A_365 = tpu.memref_slice %arg7[%dma_start3A_363, %dma_start3A_364] : memref<80x64xf32, #tpu.memory_space<vmem>> -> memref<1x64xf32, #tpu.memory_space<vmem>>
      %dma_start3A_366 = arith.constant 0 : i32
      %dma_start3A_367 = tpu.memref_slice %arg4[%squeeze3A_362, %dma_start3A_366] : memref<1000000x64xf32, #tpu.memory_space<hbm>> -> memref<1x64xf32, #tpu.memory_space<hbm>>
      %dma_start3A_368 = arith.constant 26 : i32
      %dma_start3A_369 = arith.constant 0 : i32
      %dma_start3A_370 = tpu.memref_slice %arg7[%dma_start3A_368, %dma_start3A_369] : memref<80x64xf32, #tpu.memory_space<vmem>> -> memref<1x64xf32, #tpu.memory_space<vmem>>
      %dma_start3A_371 = arith.constant 0 : i32
      %dma_start3A_372 = tpu.memref_slice %arg4[%squeeze3A_362, %dma_start3A_371] : memref<1000000x64xf32, #tpu.memory_space<hbm>> -> memref<1x64xf32, #tpu.memory_space<hbm>>
      tpu.enqueue_dma source(%dma_start3A_372 : memref<1x64xf32, #tpu.memory_space<hbm>>) target(%dma_start3A_370 : memref<1x64xf32, #tpu.memory_space<vmem>>) target_semaphore(%arg10 : memref<!tpu.dma_semaphore, #tpu.memory_space<semaphore_mem>>)
      %slice3A_373 = vector.extract_strided_slice %get3A_240 {offsets = [11], sizes = [1], strides = [1]} : vector<16xi32> to vector<1xi32>
      %squeeze3A_374 = vector.extract %slice3A_373[0] : i32 from vector<1xi32>
      %dma_start3A_375 = arith.constant 27 : i32
      %dma_start3A_376 = arith.constant 0 : i32
      %dma_start3A_377 = tpu.memref_slice %arg7[%dma_start3A_375, %dma_start3A_376] : memref<80x64xf32, #tpu.memory_space<vmem>> -> memref<1x64xf32, #tpu.memory_space<vmem>>
      %dma_start3A_378 = arith.constant 0 : i32
      %dma_start3A_379 = tpu.memref_slice %arg4[%squeeze3A_374, %dma_start3A_378] : memref<1000000x64xf32, #tpu.memory_space<hbm>> -> memref<1x64xf32, #tpu.memory_space<hbm>>
      %dma_start3A_380 = arith.constant 27 : i32
      %dma_start3A_381 = arith.constant 0 : i32
      %dma_start3A_382 = tpu.memref_slice %arg7[%dma_start3A_380, %dma_start3A_381] : memref<80x64xf32, #tpu.memory_space<vmem>> -> memref<1x64xf32, #tpu.memory_space<vmem>>
      %dma_start3A_383 = arith.constant 0 : i32
      %dma_start3A_384 = tpu.memref_slice %arg4[%squeeze3A_374, %dma_start3A_383] : memref<1000000x64xf32, #tpu.memory_space<hbm>> -> memref<1x64xf32, #tpu.memory_space<hbm>>
      tpu.enqueue_dma source(%dma_start3A_384 : memref<1x64xf32, #tpu.memory_space<hbm>>) target(%dma_start3A_382 : memref<1x64xf32, #tpu.memory_space<vmem>>) target_semaphore(%arg10 : memref<!tpu.dma_semaphore, #tpu.memory_space<semaphore_mem>>)
      %slice3A_385 = vector.extract_strided_slice %get3A_240 {offsets = [12], sizes = [1], strides = [1]} : vector<16xi32> to vector<1xi32>
      %squeeze3A_386 = vector.extract %slice3A_385[0] : i32 from vector<1xi32>
      %dma_start3A_387 = arith.constant 28 : i32
      %dma_start3A_388 = arith.constant 0 : i32
      %dma_start3A_389 = tpu.memref_slice %arg7[%dma_start3A_387, %dma_start3A_388] : memref<80x64xf32, #tpu.memory_space<vmem>> -> memref<1x64xf32, #tpu.memory_space<vmem>>
      %dma_start3A_390 = arith.constant 0 : i32
      %dma_start3A_391 = tpu.memref_slice %arg4[%squeeze3A_386, %dma_start3A_390] : memref<1000000x64xf32, #tpu.memory_space<hbm>> -> memref<1x64xf32, #tpu.memory_space<hbm>>
      %dma_start3A_392 = arith.constant 28 : i32
      %dma_start3A_393 = arith.constant 0 : i32
      %dma_start3A_394 = tpu.memref_slice %arg7[%dma_start3A_392, %dma_start3A_393] : memref<80x64xf32, #tpu.memory_space<vmem>> -> memref<1x64xf32, #tpu.memory_space<vmem>>
      %dma_start3A_395 = arith.constant 0 : i32
      %dma_start3A_396 = tpu.memref_slice %arg4[%squeeze3A_386, %dma_start3A_395] : memref<1000000x64xf32, #tpu.memory_space<hbm>> -> memref<1x64xf32, #tpu.memory_space<hbm>>
      tpu.enqueue_dma source(%dma_start3A_396 : memref<1x64xf32, #tpu.memory_space<hbm>>) target(%dma_start3A_394 : memref<1x64xf32, #tpu.memory_space<vmem>>) target_semaphore(%arg10 : memref<!tpu.dma_semaphore, #tpu.memory_space<semaphore_mem>>)
      %slice3A_397 = vector.extract_strided_slice %get3A_240 {offsets = [13], sizes = [1], strides = [1]} : vector<16xi32> to vector<1xi32>
      %squeeze3A_398 = vector.extract %slice3A_397[0] : i32 from vector<1xi32>
      %dma_start3A_399 = arith.constant 29 : i32
      %dma_start3A_400 = arith.constant 0 : i32
      %dma_start3A_401 = tpu.memref_slice %arg7[%dma_start3A_399, %dma_start3A_400] : memref<80x64xf32, #tpu.memory_space<vmem>> -> memref<1x64xf32, #tpu.memory_space<vmem>>
      %dma_start3A_402 = arith.constant 0 : i32
      %dma_start3A_403 = tpu.memref_slice %arg4[%squeeze3A_398, %dma_start3A_402] : memref<1000000x64xf32, #tpu.memory_space<hbm>> -> memref<1x64xf32, #tpu.memory_space<hbm>>
      %dma_start3A_404 = arith.constant 29 : i32
      %dma_start3A_405 = arith.constant 0 : i32
      %dma_start3A_406 = tpu.memref_slice %arg7[%dma_start3A_404, %dma_start3A_405] : memref<80x64xf32, #tpu.memory_space<vmem>> -> memref<1x64xf32, #tpu.memory_space<vmem>>
      %dma_start3A_407 = arith.constant 0 : i32
      %dma_start3A_408 = tpu.memref_slice %arg4[%squeeze3A_398, %dma_start3A_407] : memref<1000000x64xf32, #tpu.memory_space<hbm>> -> memref<1x64xf32, #tpu.memory_space<hbm>>
      tpu.enqueue_dma source(%dma_start3A_408 : memref<1x64xf32, #tpu.memory_space<hbm>>) target(%dma_start3A_406 : memref<1x64xf32, #tpu.memory_space<vmem>>) target_semaphore(%arg10 : memref<!tpu.dma_semaphore, #tpu.memory_space<semaphore_mem>>)
      %slice3A_409 = vector.extract_strided_slice %get3A_240 {offsets = [14], sizes = [1], strides = [1]} : vector<16xi32> to vector<1xi32>
      %squeeze3A_410 = vector.extract %slice3A_409[0] : i32 from vector<1xi32>
      %dma_start3A_411 = arith.constant 30 : i32
      %dma_start3A_412 = arith.constant 0 : i32
      %dma_start3A_413 = tpu.memref_slice %arg7[%dma_start3A_411, %dma_start3A_412] : memref<80x64xf32, #tpu.memory_space<vmem>> -> memref<1x64xf32, #tpu.memory_space<vmem>>
      %dma_start3A_414 = arith.constant 0 : i32
      %dma_start3A_415 = tpu.memref_slice %arg4[%squeeze3A_410, %dma_start3A_414] : memref<1000000x64xf32, #tpu.memory_space<hbm>> -> memref<1x64xf32, #tpu.memory_space<hbm>>
      %dma_start3A_416 = arith.constant 30 : i32
      %dma_start3A_417 = arith.constant 0 : i32
      %dma_start3A_418 = tpu.memref_slice %arg7[%dma_start3A_416, %dma_start3A_417] : memref<80x64xf32, #tpu.memory_space<vmem>> -> memref<1x64xf32, #tpu.memory_space<vmem>>
      %dma_start3A_419 = arith.constant 0 : i32
      %dma_start3A_420 = tpu.memref_slice %arg4[%squeeze3A_410, %dma_start3A_419] : memref<1000000x64xf32, #tpu.memory_space<hbm>> -> memref<1x64xf32, #tpu.memory_space<hbm>>
      tpu.enqueue_dma source(%dma_start3A_420 : memref<1x64xf32, #tpu.memory_space<hbm>>) target(%dma_start3A_418 : memref<1x64xf32, #tpu.memory_space<vmem>>) target_semaphore(%arg10 : memref<!tpu.dma_semaphore, #tpu.memory_space<semaphore_mem>>)
      %slice3A_421 = vector.extract_strided_slice %get3A_240 {offsets = [15], sizes = [1], strides = [1]} : vector<16xi32> to vector<1xi32>
      %squeeze3A_422 = vector.extract %slice3A_421[0] : i32 from vector<1xi32>
      %dma_start3A_423 = arith.constant 31 : i32
      %dma_start3A_424 = arith.constant 0 : i32
      %dma_start3A_425 = tpu.memref_slice %arg7[%dma_start3A_423, %dma_start3A_424] : memref<80x64xf32, #tpu.memory_space<vmem>> -> memref<1x64xf32, #tpu.memory_space<vmem>>
      %dma_start3A_426 = arith.constant 0 : i32
      %dma_start3A_427 = tpu.memref_slice %arg4[%squeeze3A_422, %dma_start3A_426] : memref<1000000x64xf32, #tpu.memory_space<hbm>> -> memref<1x64xf32, #tpu.memory_space<hbm>>
      %dma_start3A_428 = arith.constant 31 : i32
      %dma_start3A_429 = arith.constant 0 : i32
      %dma_start3A_430 = tpu.memref_slice %arg7[%dma_start3A_428, %dma_start3A_429] : memref<80x64xf32, #tpu.memory_space<vmem>> -> memref<1x64xf32, #tpu.memory_space<vmem>>
      %dma_start3A_431 = arith.constant 0 : i32
      %dma_start3A_432 = tpu.memref_slice %arg4[%squeeze3A_422, %dma_start3A_431] : memref<1000000x64xf32, #tpu.memory_space<hbm>> -> memref<1x64xf32, #tpu.memory_space<hbm>>
      tpu.enqueue_dma source(%dma_start3A_432 : memref<1x64xf32, #tpu.memory_space<hbm>>) target(%dma_start3A_430 : memref<1x64xf32, #tpu.memory_space<vmem>>) target_semaphore(%arg10 : memref<!tpu.dma_semaphore, #tpu.memory_space<semaphore_mem>>)
      %get3A_433 = arith.constant 32 : index
      %get3A_434 = tpu.vector_load %arg6[%get3A_433] {strides = array<i32>} : memref<80xi32, #tpu.memory_space<vmem>>, vector<16xi32>,
      %get3A_435 = vector.shape_cast %get3A_434 : vector<16xi32> to vector<16xi32>
      %slice3A_436 = vector.extract_strided_slice %get3A_435 {offsets = [0], sizes = [1], strides = [1]} : vector<16xi32> to vector<1xi32>
      %squeeze3A_437 = vector.extract %slice3A_436[0] : i32 from vector<1xi32>
      %dma_start3A_438 = arith.constant 32 : i32
      %dma_start3A_439 = arith.constant 0 : i32
      %dma_start3A_440 = tpu.memref_slice %arg7[%dma_start3A_438, %dma_start3A_439] : memref<80x64xf32, #tpu.memory_space<vmem>> -> memref<1x64xf32, #tpu.memory_space<vmem>>
      %dma_start3A_441 = arith.constant 0 : i32
      %dma_start3A_442 = tpu.memref_slice %arg4[%squeeze3A_437, %dma_start3A_441] : memref<1000000x64xf32, #tpu.memory_space<hbm>> -> memref<1x64xf32, #tpu.memory_space<hbm>>
      %dma_start3A_443 = arith.constant 32 : i32
      %dma_start3A_444 = arith.constant 0 : i32
      %dma_start3A_445 = tpu.memref_slice %arg7[%dma_start3A_443, %dma_start3A_444] : memref<80x64xf32, #tpu.memory_space<vmem>> -> memref<1x64xf32, #tpu.memory_space<vmem>>
      %dma_start3A_446 = arith.constant 0 : i32
      %dma_start3A_447 = tpu.memref_slice %arg4[%squeeze3A_437, %dma_start3A_446] : memref<1000000x64xf32, #tpu.memory_space<hbm>> -> memref<1x64xf32, #tpu.memory_space<hbm>>
      tpu.enqueue_dma source(%dma_start3A_447 : memref<1x64xf32, #tpu.memory_space<hbm>>) target(%dma_start3A_445 : memref<1x64xf32, #tpu.memory_space<vmem>>) target_semaphore(%arg10 : memref<!tpu.dma_semaphore, #tpu.memory_space<semaphore_mem>>)
      %slice3A_448 = vector.extract_strided_slice %get3A_435 {offsets = [1], sizes = [1], strides = [1]} : vector<16xi32> to vector<1xi32>
      %squeeze3A_449 = vector.extract %slice3A_448[0] : i32 from vector<1xi32>
      %dma_start3A_450 = arith.constant 33 : i32
      %dma_start3A_451 = arith.constant 0 : i32
      %dma_start3A_452 = tpu.memref_slice %arg7[%dma_start3A_450, %dma_start3A_451] : memref<80x64xf32, #tpu.memory_space<vmem>> -> memref<1x64xf32, #tpu.memory_space<vmem>>
      %dma_start3A_453 = arith.constant 0 : i32
      %dma_start3A_454 = tpu.memref_slice %arg4[%squeeze3A_449, %dma_start3A_453] : memref<1000000x64xf32, #tpu.memory_space<hbm>> -> memref<1x64xf32, #tpu.memory_space<hbm>>
      %dma_start3A_455 = arith.constant 33 : i32
      %dma_start3A_456 = arith.constant 0 : i32
      %dma_start3A_457 = tpu.memref_slice %arg7[%dma_start3A_455, %dma_start3A_456] : memref<80x64xf32, #tpu.memory_space<vmem>> -> memref<1x64xf32, #tpu.memory_space<vmem>>
      %dma_start3A_458 = arith.constant 0 : i32
      %dma_start3A_459 = tpu.memref_slice %arg4[%squeeze3A_449, %dma_start3A_458] : memref<1000000x64xf32, #tpu.memory_space<hbm>> -> memref<1x64xf32, #tpu.memory_space<hbm>>
      tpu.enqueue_dma source(%dma_start3A_459 : memref<1x64xf32, #tpu.memory_space<hbm>>) target(%dma_start3A_457 : memref<1x64xf32, #tpu.memory_space<vmem>>) target_semaphore(%arg10 : memref<!tpu.dma_semaphore, #tpu.memory_space<semaphore_mem>>)
      %slice3A_460 = vector.extract_strided_slice %get3A_435 {offsets = [2], sizes = [1], strides = [1]} : vector<16xi32> to vector<1xi32>
      %squeeze3A_461 = vector.extract %slice3A_460[0] : i32 from vector<1xi32>
      %dma_start3A_462 = arith.constant 34 : i32
      %dma_start3A_463 = arith.constant 0 : i32
      %dma_start3A_464 = tpu.memref_slice %arg7[%dma_start3A_462, %dma_start3A_463] : memref<80x64xf32, #tpu.memory_space<vmem>> -> memref<1x64xf32, #tpu.memory_space<vmem>>
      %dma_start3A_465 = arith.constant 0 : i32
      %dma_start3A_466 = tpu.memref_slice %arg4[%squeeze3A_461, %dma_start3A_465] : memref<1000000x64xf32, #tpu.memory_space<hbm>> -> memref<1x64xf32, #tpu.memory_space<hbm>>
      %dma_start3A_467 = arith.constant 34 : i32
      %dma_start3A_468 = arith.constant 0 : i32
      %dma_start3A_469 = tpu.memref_slice %arg7[%dma_start3A_467, %dma_start3A_468] : memref<80x64xf32, #tpu.memory_space<vmem>> -> memref<1x64xf32, #tpu.memory_space<vmem>>
      %dma_start3A_470 = arith.constant 0 : i32
      %dma_start3A_471 = tpu.memref_slice %arg4[%squeeze3A_461, %dma_start3A_470] : memref<1000000x64xf32, #tpu.memory_space<hbm>> -> memref<1x64xf32, #tpu.memory_space<hbm>>
      tpu.enqueue_dma source(%dma_start3A_471 : memref<1x64xf32, #tpu.memory_space<hbm>>) target(%dma_start3A_469 : memref<1x64xf32, #tpu.memory_space<vmem>>) target_semaphore(%arg10 : memref<!tpu.dma_semaphore, #tpu.memory_space<semaphore_mem>>)
      %slice3A_472 = vector.extract_strided_slice %get3A_435 {offsets = [3], sizes = [1], strides = [1]} : vector<16xi32> to vector<1xi32>
      %squeeze3A_473 = vector.extract %slice3A_472[0] : i32 from vector<1xi32>
      %dma_start3A_474 = arith.constant 35 : i32
      %dma_start3A_475 = arith.constant 0 : i32
      %dma_start3A_476 = tpu.memref_slice %arg7[%dma_start3A_474, %dma_start3A_475] : memref<80x64xf32, #tpu.memory_space<vmem>> -> memref<1x64xf32, #tpu.memory_space<vmem>>
      %dma_start3A_477 = arith.constant 0 : i32
      %dma_start3A_478 = tpu.memref_slice %arg4[%squeeze3A_473, %dma_start3A_477] : memref<1000000x64xf32, #tpu.memory_space<hbm>> -> memref<1x64xf32, #tpu.memory_space<hbm>>
      %dma_start3A_479 = arith.constant 35 : i32
      %dma_start3A_480 = arith.constant 0 : i32
      %dma_start3A_481 = tpu.memref_slice %arg7[%dma_start3A_479, %dma_start3A_480] : memref<80x64xf32, #tpu.memory_space<vmem>> -> memref<1x64xf32, #tpu.memory_space<vmem>>
      %dma_start3A_482 = arith.constant 0 : i32
      %dma_start3A_483 = tpu.memref_slice %arg4[%squeeze3A_473, %dma_start3A_482] : memref<1000000x64xf32, #tpu.memory_space<hbm>> -> memref<1x64xf32, #tpu.memory_space<hbm>>
      tpu.enqueue_dma source(%dma_start3A_483 : memref<1x64xf32, #tpu.memory_space<hbm>>) target(%dma_start3A_481 : memref<1x64xf32, #tpu.memory_space<vmem>>) target_semaphore(%arg10 : memref<!tpu.dma_semaphore, #tpu.memory_space<semaphore_mem>>)
      %slice3A_484 = vector.extract_strided_slice %get3A_435 {offsets = [4], sizes = [1], strides = [1]} : vector<16xi32> to vector<1xi32>
      %squeeze3A_485 = vector.extract %slice3A_484[0] : i32 from vector<1xi32>
      %dma_start3A_486 = arith.constant 36 : i32
      %dma_start3A_487 = arith.constant 0 : i32
      %dma_start3A_488 = tpu.memref_slice %arg7[%dma_start3A_486, %dma_start3A_487] : memref<80x64xf32, #tpu.memory_space<vmem>> -> memref<1x64xf32, #tpu.memory_space<vmem>>
      %dma_start3A_489 = arith.constant 0 : i32
      %dma_start3A_490 = tpu.memref_slice %arg4[%squeeze3A_485, %dma_start3A_489] : memref<1000000x64xf32, #tpu.memory_space<hbm>> -> memref<1x64xf32, #tpu.memory_space<hbm>>
      %dma_start3A_491 = arith.constant 36 : i32
      %dma_start3A_492 = arith.constant 0 : i32
      %dma_start3A_493 = tpu.memref_slice %arg7[%dma_start3A_491, %dma_start3A_492] : memref<80x64xf32, #tpu.memory_space<vmem>> -> memref<1x64xf32, #tpu.memory_space<vmem>>
      %dma_start3A_494 = arith.constant 0 : i32
      %dma_start3A_495 = tpu.memref_slice %arg4[%squeeze3A_485, %dma_start3A_494] : memref<1000000x64xf32, #tpu.memory_space<hbm>> -> memref<1x64xf32, #tpu.memory_space<hbm>>
      tpu.enqueue_dma source(%dma_start3A_495 : memref<1x64xf32, #tpu.memory_space<hbm>>) target(%dma_start3A_493 : memref<1x64xf32, #tpu.memory_space<vmem>>) target_semaphore(%arg10 : memref<!tpu.dma_semaphore, #tpu.memory_space<semaphore_mem>>)
      %slice3A_496 = vector.extract_strided_slice %get3A_435 {offsets = [5], sizes = [1], strides = [1]} : vector<16xi32> to vector<1xi32>
      %squeeze3A_497 = vector.extract %slice3A_496[0] : i32 from vector<1xi32>
      %dma_start3A_498 = arith.constant 37 : i32
      %dma_start3A_499 = arith.constant 0 : i32
      %dma_start3A_500 = tpu.memref_slice %arg7[%dma_start3A_498, %dma_start3A_499] : memref<80x64xf32, #tpu.memory_space<vmem>> -> memref<1x64xf32, #tpu.memory_space<vmem>>
      %dma_start3A_501 = arith.constant 0 : i32
      %dma_start3A_502 = tpu.memref_slice %arg4[%squeeze3A_497, %dma_start3A_501] : memref<1000000x64xf32, #tpu.memory_space<hbm>> -> memref<1x64xf32, #tpu.memory_space<hbm>>
      %dma_start3A_503 = arith.constant 37 : i32
      %dma_start3A_504 = arith.constant 0 : i32
      %dma_start3A_505 = tpu.memref_slice %arg7[%dma_start3A_503, %dma_start3A_504] : memref<80x64xf32, #tpu.memory_space<vmem>> -> memref<1x64xf32, #tpu.memory_space<vmem>>
      %dma_start3A_506 = arith.constant 0 : i32
      %dma_start3A_507 = tpu.memref_slice %arg4[%squeeze3A_497, %dma_start3A_506] : memref<1000000x64xf32, #tpu.memory_space<hbm>> -> memref<1x64xf32, #tpu.memory_space<hbm>>
      tpu.enqueue_dma source(%dma_start3A_507 : memref<1x64xf32, #tpu.memory_space<hbm>>) target(%dma_start3A_505 : memref<1x64xf32, #tpu.memory_space<vmem>>) target_semaphore(%arg10 : memref<!tpu.dma_semaphore, #tpu.memory_space<semaphore_mem>>)
      %slice3A_508 = vector.extract_strided_slice %get3A_435 {offsets = [6], sizes = [1], strides = [1]} : vector<16xi32> to vector<1xi32>
      %squeeze3A_509 = vector.extract %slice3A_508[0] : i32 from vector<1xi32>
      %dma_start3A_510 = arith.constant 38 : i32
      %dma_start3A_511 = arith.constant 0 : i32
      %dma_start3A_512 = tpu.memref_slice %arg7[%dma_start3A_510, %dma_start3A_511] : memref<80x64xf32, #tpu.memory_space<vmem>> -> memref<1x64xf32, #tpu.memory_space<vmem>>
      %dma_start3A_513 = arith.constant 0 : i32
      %dma_start3A_514 = tpu.memref_slice %arg4[%squeeze3A_509, %dma_start3A_513] : memref<1000000x64xf32, #tpu.memory_space<hbm>> -> memref<1x64xf32, #tpu.memory_space<hbm>>
      %dma_start3A_515 = arith.constant 38 : i32
      %dma_start3A_516 = arith.constant 0 : i32
      %dma_start3A_517 = tpu.memref_slice %arg7[%dma_start3A_515, %dma_start3A_516] : memref<80x64xf32, #tpu.memory_space<vmem>> -> memref<1x64xf32, #tpu.memory_space<vmem>>
      %dma_start3A_518 = arith.constant 0 : i32
      %dma_start3A_519 = tpu.memref_slice %arg4[%squeeze3A_509, %dma_start3A_518] : memref<1000000x64xf32, #tpu.memory_space<hbm>> -> memref<1x64xf32, #tpu.memory_space<hbm>>
      tpu.enqueue_dma source(%dma_start3A_519 : memref<1x64xf32, #tpu.memory_space<hbm>>) target(%dma_start3A_517 : memref<1x64xf32, #tpu.memory_space<vmem>>) target_semaphore(%arg10 : memref<!tpu.dma_semaphore, #tpu.memory_space<semaphore_mem>>)
      %slice3A_520 = vector.extract_strided_slice %get3A_435 {offsets = [7], sizes = [1], strides = [1]} : vector<16xi32> to vector<1xi32>
      %squeeze3A_521 = vector.extract %slice3A_520[0] : i32 from vector<1xi32>
      %dma_start3A_522 = arith.constant 39 : i32
      %dma_start3A_523 = arith.constant 0 : i32
      %dma_start3A_524 = tpu.memref_slice %arg7[%dma_start3A_522, %dma_start3A_523] : memref<80x64xf32, #tpu.memory_space<vmem>> -> memref<1x64xf32, #tpu.memory_space<vmem>>
      %dma_start3A_525 = arith.constant 0 : i32
      %dma_start3A_526 = tpu.memref_slice %arg4[%squeeze3A_521, %dma_start3A_525] : memref<1000000x64xf32, #tpu.memory_space<hbm>> -> memref<1x64xf32, #tpu.memory_space<hbm>>
      %dma_start3A_527 = arith.constant 39 : i32
      %dma_start3A_528 = arith.constant 0 : i32
      %dma_start3A_529 = tpu.memref_slice %arg7[%dma_start3A_527, %dma_start3A_528] : memref<80x64xf32, #tpu.memory_space<vmem>> -> memref<1x64xf32, #tpu.memory_space<vmem>>
      %dma_start3A_530 = arith.constant 0 : i32
      %dma_start3A_531 = tpu.memref_slice %arg4[%squeeze3A_521, %dma_start3A_530] : memref<1000000x64xf32, #tpu.memory_space<hbm>> -> memref<1x64xf32, #tpu.memory_space<hbm>>
      tpu.enqueue_dma source(%dma_start3A_531 : memref<1x64xf32, #tpu.memory_space<hbm>>) target(%dma_start3A_529 : memref<1x64xf32, #tpu.memory_space<vmem>>) target_semaphore(%arg10 : memref<!tpu.dma_semaphore, #tpu.memory_space<semaphore_mem>>)
      %slice3A_532 = vector.extract_strided_slice %get3A_435 {offsets = [8], sizes = [1], strides = [1]} : vector<16xi32> to vector<1xi32>
      %squeeze3A_533 = vector.extract %slice3A_532[0] : i32 from vector<1xi32>
      %dma_start3A_534 = arith.constant 40 : i32
      %dma_start3A_535 = arith.constant 0 : i32
      %dma_start3A_536 = tpu.memref_slice %arg7[%dma_start3A_534, %dma_start3A_535] : memref<80x64xf32, #tpu.memory_space<vmem>> -> memref<1x64xf32, #tpu.memory_space<vmem>>
      %dma_start3A_537 = arith.constant 0 : i32
      %dma_start3A_538 = tpu.memref_slice %arg4[%squeeze3A_533, %dma_start3A_537] : memref<1000000x64xf32, #tpu.memory_space<hbm>> -> memref<1x64xf32, #tpu.memory_space<hbm>>
      %dma_start3A_539 = arith.constant 40 : i32
      %dma_start3A_540 = arith.constant 0 : i32
      %dma_start3A_541 = tpu.memref_slice %arg7[%dma_start3A_539, %dma_start3A_540] : memref<80x64xf32, #tpu.memory_space<vmem>> -> memref<1x64xf32, #tpu.memory_space<vmem>>
      %dma_start3A_542 = arith.constant 0 : i32
      %dma_start3A_543 = tpu.memref_slice %arg4[%squeeze3A_533, %dma_start3A_542] : memref<1000000x64xf32, #tpu.memory_space<hbm>> -> memref<1x64xf32, #tpu.memory_space<hbm>>
      tpu.enqueue_dma source(%dma_start3A_543 : memref<1x64xf32, #tpu.memory_space<hbm>>) target(%dma_start3A_541 : memref<1x64xf32, #tpu.memory_space<vmem>>) target_semaphore(%arg10 : memref<!tpu.dma_semaphore, #tpu.memory_space<semaphore_mem>>)
      %slice3A_544 = vector.extract_strided_slice %get3A_435 {offsets = [9], sizes = [1], strides = [1]} : vector<16xi32> to vector<1xi32>
      %squeeze3A_545 = vector.extract %slice3A_544[0] : i32 from vector<1xi32>
      %dma_start3A_546 = arith.constant 41 : i32
      %dma_start3A_547 = arith.constant 0 : i32
      %dma_start3A_548 = tpu.memref_slice %arg7[%dma_start3A_546, %dma_start3A_547] : memref<80x64xf32, #tpu.memory_space<vmem>> -> memref<1x64xf32, #tpu.memory_space<vmem>>
      %dma_start3A_549 = arith.constant 0 : i32
      %dma_start3A_550 = tpu.memref_slice %arg4[%squeeze3A_545, %dma_start3A_549] : memref<1000000x64xf32, #tpu.memory_space<hbm>> -> memref<1x64xf32, #tpu.memory_space<hbm>>
      %dma_start3A_551 = arith.constant 41 : i32
      %dma_start3A_552 = arith.constant 0 : i32
      %dma_start3A_553 = tpu.memref_slice %arg7[%dma_start3A_551, %dma_start3A_552] : memref<80x64xf32, #tpu.memory_space<vmem>> -> memref<1x64xf32, #tpu.memory_space<vmem>>
      %dma_start3A_554 = arith.constant 0 : i32
      %dma_start3A_555 = tpu.memref_slice %arg4[%squeeze3A_545, %dma_start3A_554] : memref<1000000x64xf32, #tpu.memory_space<hbm>> -> memref<1x64xf32, #tpu.memory_space<hbm>>
      tpu.enqueue_dma source(%dma_start3A_555 : memref<1x64xf32, #tpu.memory_space<hbm>>) target(%dma_start3A_553 : memref<1x64xf32, #tpu.memory_space<vmem>>) target_semaphore(%arg10 : memref<!tpu.dma_semaphore, #tpu.memory_space<semaphore_mem>>)
      %slice3A_556 = vector.extract_strided_slice %get3A_435 {offsets = [10], sizes = [1], strides = [1]} : vector<16xi32> to vector<1xi32>
      %squeeze3A_557 = vector.extract %slice3A_556[0] : i32 from vector<1xi32>
      %dma_start3A_558 = arith.constant 42 : i32
      %dma_start3A_559 = arith.constant 0 : i32
      %dma_start3A_560 = tpu.memref_slice %arg7[%dma_start3A_558, %dma_start3A_559] : memref<80x64xf32, #tpu.memory_space<vmem>> -> memref<1x64xf32, #tpu.memory_space<vmem>>
      %dma_start3A_561 = arith.constant 0 : i32
      %dma_start3A_562 = tpu.memref_slice %arg4[%squeeze3A_557, %dma_start3A_561] : memref<1000000x64xf32, #tpu.memory_space<hbm>> -> memref<1x64xf32, #tpu.memory_space<hbm>>
      %dma_start3A_563 = arith.constant 42 : i32
      %dma_start3A_564 = arith.constant 0 : i32
      %dma_start3A_565 = tpu.memref_slice %arg7[%dma_start3A_563, %dma_start3A_564] : memref<80x64xf32, #tpu.memory_space<vmem>> -> memref<1x64xf32, #tpu.memory_space<vmem>>
      %dma_start3A_566 = arith.constant 0 : i32
      %dma_start3A_567 = tpu.memref_slice %arg4[%squeeze3A_557, %dma_start3A_566] : memref<1000000x64xf32, #tpu.memory_space<hbm>> -> memref<1x64xf32, #tpu.memory_space<hbm>>
      tpu.enqueue_dma source(%dma_start3A_567 : memref<1x64xf32, #tpu.memory_space<hbm>>) target(%dma_start3A_565 : memref<1x64xf32, #tpu.memory_space<vmem>>) target_semaphore(%arg10 : memref<!tpu.dma_semaphore, #tpu.memory_space<semaphore_mem>>)
      %slice3A_568 = vector.extract_strided_slice %get3A_435 {offsets = [11], sizes = [1], strides = [1]} : vector<16xi32> to vector<1xi32>
      %squeeze3A_569 = vector.extract %slice3A_568[0] : i32 from vector<1xi32>
      %dma_start3A_570 = arith.constant 43 : i32
      %dma_start3A_571 = arith.constant 0 : i32
      %dma_start3A_572 = tpu.memref_slice %arg7[%dma_start3A_570, %dma_start3A_571] : memref<80x64xf32, #tpu.memory_space<vmem>> -> memref<1x64xf32, #tpu.memory_space<vmem>>
      %dma_start3A_573 = arith.constant 0 : i32
      %dma_start3A_574 = tpu.memref_slice %arg4[%squeeze3A_569, %dma_start3A_573] : memref<1000000x64xf32, #tpu.memory_space<hbm>> -> memref<1x64xf32, #tpu.memory_space<hbm>>
      %dma_start3A_575 = arith.constant 43 : i32
      %dma_start3A_576 = arith.constant 0 : i32
      %dma_start3A_577 = tpu.memref_slice %arg7[%dma_start3A_575, %dma_start3A_576] : memref<80x64xf32, #tpu.memory_space<vmem>> -> memref<1x64xf32, #tpu.memory_space<vmem>>
      %dma_start3A_578 = arith.constant 0 : i32
      %dma_start3A_579 = tpu.memref_slice %arg4[%squeeze3A_569, %dma_start3A_578] : memref<1000000x64xf32, #tpu.memory_space<hbm>> -> memref<1x64xf32, #tpu.memory_space<hbm>>
      tpu.enqueue_dma source(%dma_start3A_579 : memref<1x64xf32, #tpu.memory_space<hbm>>) target(%dma_start3A_577 : memref<1x64xf32, #tpu.memory_space<vmem>>) target_semaphore(%arg10 : memref<!tpu.dma_semaphore, #tpu.memory_space<semaphore_mem>>)
      %slice3A_580 = vector.extract_strided_slice %get3A_435 {offsets = [12], sizes = [1], strides = [1]} : vector<16xi32> to vector<1xi32>
      %squeeze3A_581 = vector.extract %slice3A_580[0] : i32 from vector<1xi32>
      %dma_start3A_582 = arith.constant 44 : i32
      %dma_start3A_583 = arith.constant 0 : i32
      %dma_start3A_584 = tpu.memref_slice %arg7[%dma_start3A_582, %dma_start3A_583] : memref<80x64xf32, #tpu.memory_space<vmem>> -> memref<1x64xf32, #tpu.memory_space<vmem>>
      %dma_start3A_585 = arith.constant 0 : i32
      %dma_start3A_586 = tpu.memref_slice %arg4[%squeeze3A_581, %dma_start3A_585] : memref<1000000x64xf32, #tpu.memory_space<hbm>> -> memref<1x64xf32, #tpu.memory_space<hbm>>
      %dma_start3A_587 = arith.constant 44 : i32
      %dma_start3A_588 = arith.constant 0 : i32
      %dma_start3A_589 = tpu.memref_slice %arg7[%dma_start3A_587, %dma_start3A_588] : memref<80x64xf32, #tpu.memory_space<vmem>> -> memref<1x64xf32, #tpu.memory_space<vmem>>
      %dma_start3A_590 = arith.constant 0 : i32
      %dma_start3A_591 = tpu.memref_slice %arg4[%squeeze3A_581, %dma_start3A_590] : memref<1000000x64xf32, #tpu.memory_space<hbm>> -> memref<1x64xf32, #tpu.memory_space<hbm>>
      tpu.enqueue_dma source(%dma_start3A_591 : memref<1x64xf32, #tpu.memory_space<hbm>>) target(%dma_start3A_589 : memref<1x64xf32, #tpu.memory_space<vmem>>) target_semaphore(%arg10 : memref<!tpu.dma_semaphore, #tpu.memory_space<semaphore_mem>>)
      %slice3A_592 = vector.extract_strided_slice %get3A_435 {offsets = [13], sizes = [1], strides = [1]} : vector<16xi32> to vector<1xi32>
      %squeeze3A_593 = vector.extract %slice3A_592[0] : i32 from vector<1xi32>
      %dma_start3A_594 = arith.constant 45 : i32
      %dma_start3A_595 = arith.constant 0 : i32
      %dma_start3A_596 = tpu.memref_slice %arg7[%dma_start3A_594, %dma_start3A_595] : memref<80x64xf32, #tpu.memory_space<vmem>> -> memref<1x64xf32, #tpu.memory_space<vmem>>
      %dma_start3A_597 = arith.constant 0 : i32
      %dma_start3A_598 = tpu.memref_slice %arg4[%squeeze3A_593, %dma_start3A_597] : memref<1000000x64xf32, #tpu.memory_space<hbm>> -> memref<1x64xf32, #tpu.memory_space<hbm>>
      %dma_start3A_599 = arith.constant 45 : i32
      %dma_start3A_600 = arith.constant 0 : i32
      %dma_start3A_601 = tpu.memref_slice %arg7[%dma_start3A_599, %dma_start3A_600] : memref<80x64xf32, #tpu.memory_space<vmem>> -> memref<1x64xf32, #tpu.memory_space<vmem>>
      %dma_start3A_602 = arith.constant 0 : i32
      %dma_start3A_603 = tpu.memref_slice %arg4[%squeeze3A_593, %dma_start3A_602] : memref<1000000x64xf32, #tpu.memory_space<hbm>> -> memref<1x64xf32, #tpu.memory_space<hbm>>
      tpu.enqueue_dma source(%dma_start3A_603 : memref<1x64xf32, #tpu.memory_space<hbm>>) target(%dma_start3A_601 : memref<1x64xf32, #tpu.memory_space<vmem>>) target_semaphore(%arg10 : memref<!tpu.dma_semaphore, #tpu.memory_space<semaphore_mem>>)
      %slice3A_604 = vector.extract_strided_slice %get3A_435 {offsets = [14], sizes = [1], strides = [1]} : vector<16xi32> to vector<1xi32>
      %squeeze3A_605 = vector.extract %slice3A_604[0] : i32 from vector<1xi32>
      %dma_start3A_606 = arith.constant 46 : i32
      %dma_start3A_607 = arith.constant 0 : i32
      %dma_start3A_608 = tpu.memref_slice %arg7[%dma_start3A_606, %dma_start3A_607] : memref<80x64xf32, #tpu.memory_space<vmem>> -> memref<1x64xf32, #tpu.memory_space<vmem>>
      %dma_start3A_609 = arith.constant 0 : i32
      %dma_start3A_610 = tpu.memref_slice %arg4[%squeeze3A_605, %dma_start3A_609] : memref<1000000x64xf32, #tpu.memory_space<hbm>> -> memref<1x64xf32, #tpu.memory_space<hbm>>
      %dma_start3A_611 = arith.constant 46 : i32
      %dma_start3A_612 = arith.constant 0 : i32
      %dma_start3A_613 = tpu.memref_slice %arg7[%dma_start3A_611, %dma_start3A_612] : memref<80x64xf32, #tpu.memory_space<vmem>> -> memref<1x64xf32, #tpu.memory_space<vmem>>
      %dma_start3A_614 = arith.constant 0 : i32
      %dma_start3A_615 = tpu.memref_slice %arg4[%squeeze3A_605, %dma_start3A_614] : memref<1000000x64xf32, #tpu.memory_space<hbm>> -> memref<1x64xf32, #tpu.memory_space<hbm>>
      tpu.enqueue_dma source(%dma_start3A_615 : memref<1x64xf32, #tpu.memory_space<hbm>>) target(%dma_start3A_613 : memref<1x64xf32, #tpu.memory_space<vmem>>) target_semaphore(%arg10 : memref<!tpu.dma_semaphore, #tpu.memory_space<semaphore_mem>>)
      %slice3A_616 = vector.extract_strided_slice %get3A_435 {offsets = [15], sizes = [1], strides = [1]} : vector<16xi32> to vector<1xi32>
      %squeeze3A_617 = vector.extract %slice3A_616[0] : i32 from vector<1xi32>
      %dma_start3A_618 = arith.constant 47 : i32
      %dma_start3A_619 = arith.constant 0 : i32
      %dma_start3A_620 = tpu.memref_slice %arg7[%dma_start3A_618, %dma_start3A_619] : memref<80x64xf32, #tpu.memory_space<vmem>> -> memref<1x64xf32, #tpu.memory_space<vmem>>
      %dma_start3A_621 = arith.constant 0 : i32
      %dma_start3A_622 = tpu.memref_slice %arg4[%squeeze3A_617, %dma_start3A_621] : memref<1000000x64xf32, #tpu.memory_space<hbm>> -> memref<1x64xf32, #tpu.memory_space<hbm>>
      %dma_start3A_623 = arith.constant 47 : i32
      %dma_start3A_624 = arith.constant 0 : i32
      %dma_start3A_625 = tpu.memref_slice %arg7[%dma_start3A_623, %dma_start3A_624] : memref<80x64xf32, #tpu.memory_space<vmem>> -> memref<1x64xf32, #tpu.memory_space<vmem>>
      %dma_start3A_626 = arith.constant 0 : i32
      %dma_start3A_627 = tpu.memref_slice %arg4[%squeeze3A_617, %dma_start3A_626] : memref<1000000x64xf32, #tpu.memory_space<hbm>> -> memref<1x64xf32, #tpu.memory_space<hbm>>
      tpu.enqueue_dma source(%dma_start3A_627 : memref<1x64xf32, #tpu.memory_space<hbm>>) target(%dma_start3A_625 : memref<1x64xf32, #tpu.memory_space<vmem>>) target_semaphore(%arg10 : memref<!tpu.dma_semaphore, #tpu.memory_space<semaphore_mem>>)
      %get3A_628 = arith.constant 48 : index
      %get3A_629 = tpu.vector_load %arg6[%get3A_628] {strides = array<i32>} : memref<80xi32, #tpu.memory_space<vmem>>, vector<16xi32>,
      %get3A_630 = vector.shape_cast %get3A_629 : vector<16xi32> to vector<16xi32>
      %slice3A_631 = vector.extract_strided_slice %get3A_630 {offsets = [0], sizes = [1], strides = [1]} : vector<16xi32> to vector<1xi32>
      %squeeze3A_632 = vector.extract %slice3A_631[0] : i32 from vector<1xi32>
      %dma_start3A_633 = arith.constant 48 : i32
      %dma_start3A_634 = arith.constant 0 : i32
      %dma_start3A_635 = tpu.memref_slice %arg7[%dma_start3A_633, %dma_start3A_634] : memref<80x64xf32, #tpu.memory_space<vmem>> -> memref<1x64xf32, #tpu.memory_space<vmem>>
      %dma_start3A_636 = arith.constant 0 : i32
      %dma_start3A_637 = tpu.memref_slice %arg4[%squeeze3A_632, %dma_start3A_636] : memref<1000000x64xf32, #tpu.memory_space<hbm>> -> memref<1x64xf32, #tpu.memory_space<hbm>>
      %dma_start3A_638 = arith.constant 48 : i32
      %dma_start3A_639 = arith.constant 0 : i32
      %dma_start3A_640 = tpu.memref_slice %arg7[%dma_start3A_638, %dma_start3A_639] : memref<80x64xf32, #tpu.memory_space<vmem>> -> memref<1x64xf32, #tpu.memory_space<vmem>>
      %dma_start3A_641 = arith.constant 0 : i32
      %dma_start3A_642 = tpu.memref_slice %arg4[%squeeze3A_632, %dma_start3A_641] : memref<1000000x64xf32, #tpu.memory_space<hbm>> -> memref<1x64xf32, #tpu.memory_space<hbm>>
      tpu.enqueue_dma source(%dma_start3A_642 : memref<1x64xf32, #tpu.memory_space<hbm>>) target(%dma_start3A_640 : memref<1x64xf32, #tpu.memory_space<vmem>>) target_semaphore(%arg10 : memref<!tpu.dma_semaphore, #tpu.memory_space<semaphore_mem>>)
      %slice3A_643 = vector.extract_strided_slice %get3A_630 {offsets = [1], sizes = [1], strides = [1]} : vector<16xi32> to vector<1xi32>
      %squeeze3A_644 = vector.extract %slice3A_643[0] : i32 from vector<1xi32>
      %dma_start3A_645 = arith.constant 49 : i32
      %dma_start3A_646 = arith.constant 0 : i32
      %dma_start3A_647 = tpu.memref_slice %arg7[%dma_start3A_645, %dma_start3A_646] : memref<80x64xf32, #tpu.memory_space<vmem>> -> memref<1x64xf32, #tpu.memory_space<vmem>>
      %dma_start3A_648 = arith.constant 0 : i32
      %dma_start3A_649 = tpu.memref_slice %arg4[%squeeze3A_644, %dma_start3A_648] : memref<1000000x64xf32, #tpu.memory_space<hbm>> -> memref<1x64xf32, #tpu.memory_space<hbm>>
      %dma_start3A_650 = arith.constant 49 : i32
      %dma_start3A_651 = arith.constant 0 : i32
      %dma_start3A_652 = tpu.memref_slice %arg7[%dma_start3A_650, %dma_start3A_651] : memref<80x64xf32, #tpu.memory_space<vmem>> -> memref<1x64xf32, #tpu.memory_space<vmem>>
      %dma_start3A_653 = arith.constant 0 : i32
      %dma_start3A_654 = tpu.memref_slice %arg4[%squeeze3A_644, %dma_start3A_653] : memref<1000000x64xf32, #tpu.memory_space<hbm>> -> memref<1x64xf32, #tpu.memory_space<hbm>>
      tpu.enqueue_dma source(%dma_start3A_654 : memref<1x64xf32, #tpu.memory_space<hbm>>) target(%dma_start3A_652 : memref<1x64xf32, #tpu.memory_space<vmem>>) target_semaphore(%arg10 : memref<!tpu.dma_semaphore, #tpu.memory_space<semaphore_mem>>)
      %slice3A_655 = vector.extract_strided_slice %get3A_630 {offsets = [2], sizes = [1], strides = [1]} : vector<16xi32> to vector<1xi32>
      %squeeze3A_656 = vector.extract %slice3A_655[0] : i32 from vector<1xi32>
      %dma_start3A_657 = arith.constant 50 : i32
      %dma_start3A_658 = arith.constant 0 : i32
      %dma_start3A_659 = tpu.memref_slice %arg7[%dma_start3A_657, %dma_start3A_658] : memref<80x64xf32, #tpu.memory_space<vmem>> -> memref<1x64xf32, #tpu.memory_space<vmem>>
      %dma_start3A_660 = arith.constant 0 : i32
      %dma_start3A_661 = tpu.memref_slice %arg4[%squeeze3A_656, %dma_start3A_660] : memref<1000000x64xf32, #tpu.memory_space<hbm>> -> memref<1x64xf32, #tpu.memory_space<hbm>>
      %dma_start3A_662 = arith.constant 50 : i32
      %dma_start3A_663 = arith.constant 0 : i32
      %dma_start3A_664 = tpu.memref_slice %arg7[%dma_start3A_662, %dma_start3A_663] : memref<80x64xf32, #tpu.memory_space<vmem>> -> memref<1x64xf32, #tpu.memory_space<vmem>>
      %dma_start3A_665 = arith.constant 0 : i32
      %dma_start3A_666 = tpu.memref_slice %arg4[%squeeze3A_656, %dma_start3A_665] : memref<1000000x64xf32, #tpu.memory_space<hbm>> -> memref<1x64xf32, #tpu.memory_space<hbm>>
      tpu.enqueue_dma source(%dma_start3A_666 : memref<1x64xf32, #tpu.memory_space<hbm>>) target(%dma_start3A_664 : memref<1x64xf32, #tpu.memory_space<vmem>>) target_semaphore(%arg10 : memref<!tpu.dma_semaphore, #tpu.memory_space<semaphore_mem>>)
      %slice3A_667 = vector.extract_strided_slice %get3A_630 {offsets = [3], sizes = [1], strides = [1]} : vector<16xi32> to vector<1xi32>
      %squeeze3A_668 = vector.extract %slice3A_667[0] : i32 from vector<1xi32>
      %dma_start3A_669 = arith.constant 51 : i32
      %dma_start3A_670 = arith.constant 0 : i32
      %dma_start3A_671 = tpu.memref_slice %arg7[%dma_start3A_669, %dma_start3A_670] : memref<80x64xf32, #tpu.memory_space<vmem>> -> memref<1x64xf32, #tpu.memory_space<vmem>>
      %dma_start3A_672 = arith.constant 0 : i32
      %dma_start3A_673 = tpu.memref_slice %arg4[%squeeze3A_668, %dma_start3A_672] : memref<1000000x64xf32, #tpu.memory_space<hbm>> -> memref<1x64xf32, #tpu.memory_space<hbm>>
      %dma_start3A_674 = arith.constant 51 : i32
      %dma_start3A_675 = arith.constant 0 : i32
      %dma_start3A_676 = tpu.memref_slice %arg7[%dma_start3A_674, %dma_start3A_675] : memref<80x64xf32, #tpu.memory_space<vmem>> -> memref<1x64xf32, #tpu.memory_space<vmem>>
      %dma_start3A_677 = arith.constant 0 : i32
      %dma_start3A_678 = tpu.memref_slice %arg4[%squeeze3A_668, %dma_start3A_677] : memref<1000000x64xf32, #tpu.memory_space<hbm>> -> memref<1x64xf32, #tpu.memory_space<hbm>>
      tpu.enqueue_dma source(%dma_start3A_678 : memref<1x64xf32, #tpu.memory_space<hbm>>) target(%dma_start3A_676 : memref<1x64xf32, #tpu.memory_space<vmem>>) target_semaphore(%arg10 : memref<!tpu.dma_semaphore, #tpu.memory_space<semaphore_mem>>)
      %slice3A_679 = vector.extract_strided_slice %get3A_630 {offsets = [4], sizes = [1], strides = [1]} : vector<16xi32> to vector<1xi32>
      %squeeze3A_680 = vector.extract %slice3A_679[0] : i32 from vector<1xi32>
      %dma_start3A_681 = arith.constant 52 : i32
      %dma_start3A_682 = arith.constant 0 : i32
      %dma_start3A_683 = tpu.memref_slice %arg7[%dma_start3A_681, %dma_start3A_682] : memref<80x64xf32, #tpu.memory_space<vmem>> -> memref<1x64xf32, #tpu.memory_space<vmem>>
      %dma_start3A_684 = arith.constant 0 : i32
      %dma_start3A_685 = tpu.memref_slice %arg4[%squeeze3A_680, %dma_start3A_684] : memref<1000000x64xf32, #tpu.memory_space<hbm>> -> memref<1x64xf32, #tpu.memory_space<hbm>>
      %dma_start3A_686 = arith.constant 52 : i32
      %dma_start3A_687 = arith.constant 0 : i32
      %dma_start3A_688 = tpu.memref_slice %arg7[%dma_start3A_686, %dma_start3A_687] : memref<80x64xf32, #tpu.memory_space<vmem>> -> memref<1x64xf32, #tpu.memory_space<vmem>>
      %dma_start3A_689 = arith.constant 0 : i32
      %dma_start3A_690 = tpu.memref_slice %arg4[%squeeze3A_680, %dma_start3A_689] : memref<1000000x64xf32, #tpu.memory_space<hbm>> -> memref<1x64xf32, #tpu.memory_space<hbm>>
      tpu.enqueue_dma source(%dma_start3A_690 : memref<1x64xf32, #tpu.memory_space<hbm>>) target(%dma_start3A_688 : memref<1x64xf32, #tpu.memory_space<vmem>>) target_semaphore(%arg10 : memref<!tpu.dma_semaphore, #tpu.memory_space<semaphore_mem>>)
      %slice3A_691 = vector.extract_strided_slice %get3A_630 {offsets = [5], sizes = [1], strides = [1]} : vector<16xi32> to vector<1xi32>
      %squeeze3A_692 = vector.extract %slice3A_691[0] : i32 from vector<1xi32>
      %dma_start3A_693 = arith.constant 53 : i32
      %dma_start3A_694 = arith.constant 0 : i32
      %dma_start3A_695 = tpu.memref_slice %arg7[%dma_start3A_693, %dma_start3A_694] : memref<80x64xf32, #tpu.memory_space<vmem>> -> memref<1x64xf32, #tpu.memory_space<vmem>>
      %dma_start3A_696 = arith.constant 0 : i32
      %dma_start3A_697 = tpu.memref_slice %arg4[%squeeze3A_692, %dma_start3A_696] : memref<1000000x64xf32, #tpu.memory_space<hbm>> -> memref<1x64xf32, #tpu.memory_space<hbm>>
      %dma_start3A_698 = arith.constant 53 : i32
      %dma_start3A_699 = arith.constant 0 : i32
      %dma_start3A_700 = tpu.memref_slice %arg7[%dma_start3A_698, %dma_start3A_699] : memref<80x64xf32, #tpu.memory_space<vmem>> -> memref<1x64xf32, #tpu.memory_space<vmem>>
      %dma_start3A_701 = arith.constant 0 : i32
      %dma_start3A_702 = tpu.memref_slice %arg4[%squeeze3A_692, %dma_start3A_701] : memref<1000000x64xf32, #tpu.memory_space<hbm>> -> memref<1x64xf32, #tpu.memory_space<hbm>>
      tpu.enqueue_dma source(%dma_start3A_702 : memref<1x64xf32, #tpu.memory_space<hbm>>) target(%dma_start3A_700 : memref<1x64xf32, #tpu.memory_space<vmem>>) target_semaphore(%arg10 : memref<!tpu.dma_semaphore, #tpu.memory_space<semaphore_mem>>)
      %slice3A_703 = vector.extract_strided_slice %get3A_630 {offsets = [6], sizes = [1], strides = [1]} : vector<16xi32> to vector<1xi32>
      %squeeze3A_704 = vector.extract %slice3A_703[0] : i32 from vector<1xi32>
      %dma_start3A_705 = arith.constant 54 : i32
      %dma_start3A_706 = arith.constant 0 : i32
      %dma_start3A_707 = tpu.memref_slice %arg7[%dma_start3A_705, %dma_start3A_706] : memref<80x64xf32, #tpu.memory_space<vmem>> -> memref<1x64xf32, #tpu.memory_space<vmem>>
      %dma_start3A_708 = arith.constant 0 : i32
      %dma_start3A_709 = tpu.memref_slice %arg4[%squeeze3A_704, %dma_start3A_708] : memref<1000000x64xf32, #tpu.memory_space<hbm>> -> memref<1x64xf32, #tpu.memory_space<hbm>>
      %dma_start3A_710 = arith.constant 54 : i32
      %dma_start3A_711 = arith.constant 0 : i32
      %dma_start3A_712 = tpu.memref_slice %arg7[%dma_start3A_710, %dma_start3A_711] : memref<80x64xf32, #tpu.memory_space<vmem>> -> memref<1x64xf32, #tpu.memory_space<vmem>>
      %dma_start3A_713 = arith.constant 0 : i32
      %dma_start3A_714 = tpu.memref_slice %arg4[%squeeze3A_704, %dma_start3A_713] : memref<1000000x64xf32, #tpu.memory_space<hbm>> -> memref<1x64xf32, #tpu.memory_space<hbm>>
      tpu.enqueue_dma source(%dma_start3A_714 : memref<1x64xf32, #tpu.memory_space<hbm>>) target(%dma_start3A_712 : memref<1x64xf32, #tpu.memory_space<vmem>>) target_semaphore(%arg10 : memref<!tpu.dma_semaphore, #tpu.memory_space<semaphore_mem>>)
      %slice3A_715 = vector.extract_strided_slice %get3A_630 {offsets = [7], sizes = [1], strides = [1]} : vector<16xi32> to vector<1xi32>
      %squeeze3A_716 = vector.extract %slice3A_715[0] : i32 from vector<1xi32>
      %dma_start3A_717 = arith.constant 55 : i32
      %dma_start3A_718 = arith.constant 0 : i32
      %dma_start3A_719 = tpu.memref_slice %arg7[%dma_start3A_717, %dma_start3A_718] : memref<80x64xf32, #tpu.memory_space<vmem>> -> memref<1x64xf32, #tpu.memory_space<vmem>>
      %dma_start3A_720 = arith.constant 0 : i32
      %dma_start3A_721 = tpu.memref_slice %arg4[%squeeze3A_716, %dma_start3A_720] : memref<1000000x64xf32, #tpu.memory_space<hbm>> -> memref<1x64xf32, #tpu.memory_space<hbm>>
      %dma_start3A_722 = arith.constant 55 : i32
      %dma_start3A_723 = arith.constant 0 : i32
      %dma_start3A_724 = tpu.memref_slice %arg7[%dma_start3A_722, %dma_start3A_723] : memref<80x64xf32, #tpu.memory_space<vmem>> -> memref<1x64xf32, #tpu.memory_space<vmem>>
      %dma_start3A_725 = arith.constant 0 : i32
      %dma_start3A_726 = tpu.memref_slice %arg4[%squeeze3A_716, %dma_start3A_725] : memref<1000000x64xf32, #tpu.memory_space<hbm>> -> memref<1x64xf32, #tpu.memory_space<hbm>>
      tpu.enqueue_dma source(%dma_start3A_726 : memref<1x64xf32, #tpu.memory_space<hbm>>) target(%dma_start3A_724 : memref<1x64xf32, #tpu.memory_space<vmem>>) target_semaphore(%arg10 : memref<!tpu.dma_semaphore, #tpu.memory_space<semaphore_mem>>)
      %slice3A_727 = vector.extract_strided_slice %get3A_630 {offsets = [8], sizes = [1], strides = [1]} : vector<16xi32> to vector<1xi32>
      %squeeze3A_728 = vector.extract %slice3A_727[0] : i32 from vector<1xi32>
      %dma_start3A_729 = arith.constant 56 : i32
      %dma_start3A_730 = arith.constant 0 : i32
      %dma_start3A_731 = tpu.memref_slice %arg7[%dma_start3A_729, %dma_start3A_730] : memref<80x64xf32, #tpu.memory_space<vmem>> -> memref<1x64xf32, #tpu.memory_space<vmem>>
      %dma_start3A_732 = arith.constant 0 : i32
      %dma_start3A_733 = tpu.memref_slice %arg4[%squeeze3A_728, %dma_start3A_732] : memref<1000000x64xf32, #tpu.memory_space<hbm>> -> memref<1x64xf32, #tpu.memory_space<hbm>>
      %dma_start3A_734 = arith.constant 56 : i32
      %dma_start3A_735 = arith.constant 0 : i32
      %dma_start3A_736 = tpu.memref_slice %arg7[%dma_start3A_734, %dma_start3A_735] : memref<80x64xf32, #tpu.memory_space<vmem>> -> memref<1x64xf32, #tpu.memory_space<vmem>>
      %dma_start3A_737 = arith.constant 0 : i32
      %dma_start3A_738 = tpu.memref_slice %arg4[%squeeze3A_728, %dma_start3A_737] : memref<1000000x64xf32, #tpu.memory_space<hbm>> -> memref<1x64xf32, #tpu.memory_space<hbm>>
      tpu.enqueue_dma source(%dma_start3A_738 : memref<1x64xf32, #tpu.memory_space<hbm>>) target(%dma_start3A_736 : memref<1x64xf32, #tpu.memory_space<vmem>>) target_semaphore(%arg10 : memref<!tpu.dma_semaphore, #tpu.memory_space<semaphore_mem>>)
      %slice3A_739 = vector.extract_strided_slice %get3A_630 {offsets = [9], sizes = [1], strides = [1]} : vector<16xi32> to vector<1xi32>
      %squeeze3A_740 = vector.extract %slice3A_739[0] : i32 from vector<1xi32>
      %dma_start3A_741 = arith.constant 57 : i32
      %dma_start3A_742 = arith.constant 0 : i32
      %dma_start3A_743 = tpu.memref_slice %arg7[%dma_start3A_741, %dma_start3A_742] : memref<80x64xf32, #tpu.memory_space<vmem>> -> memref<1x64xf32, #tpu.memory_space<vmem>>
      %dma_start3A_744 = arith.constant 0 : i32
      %dma_start3A_745 = tpu.memref_slice %arg4[%squeeze3A_740, %dma_start3A_744] : memref<1000000x64xf32, #tpu.memory_space<hbm>> -> memref<1x64xf32, #tpu.memory_space<hbm>>
      %dma_start3A_746 = arith.constant 57 : i32
      %dma_start3A_747 = arith.constant 0 : i32
      %dma_start3A_748 = tpu.memref_slice %arg7[%dma_start3A_746, %dma_start3A_747] : memref<80x64xf32, #tpu.memory_space<vmem>> -> memref<1x64xf32, #tpu.memory_space<vmem>>
      %dma_start3A_749 = arith.constant 0 : i32
      %dma_start3A_750 = tpu.memref_slice %arg4[%squeeze3A_740, %dma_start3A_749] : memref<1000000x64xf32, #tpu.memory_space<hbm>> -> memref<1x64xf32, #tpu.memory_space<hbm>>
      tpu.enqueue_dma source(%dma_start3A_750 : memref<1x64xf32, #tpu.memory_space<hbm>>) target(%dma_start3A_748 : memref<1x64xf32, #tpu.memory_space<vmem>>) target_semaphore(%arg10 : memref<!tpu.dma_semaphore, #tpu.memory_space<semaphore_mem>>)
      %slice3A_751 = vector.extract_strided_slice %get3A_630 {offsets = [10], sizes = [1], strides = [1]} : vector<16xi32> to vector<1xi32>
      %squeeze3A_752 = vector.extract %slice3A_751[0] : i32 from vector<1xi32>
      %dma_start3A_753 = arith.constant 58 : i32
      %dma_start3A_754 = arith.constant 0 : i32
      %dma_start3A_755 = tpu.memref_slice %arg7[%dma_start3A_753, %dma_start3A_754] : memref<80x64xf32, #tpu.memory_space<vmem>> -> memref<1x64xf32, #tpu.memory_space<vmem>>
      %dma_start3A_756 = arith.constant 0 : i32
      %dma_start3A_757 = tpu.memref_slice %arg4[%squeeze3A_752, %dma_start3A_756] : memref<1000000x64xf32, #tpu.memory_space<hbm>> -> memref<1x64xf32, #tpu.memory_space<hbm>>
      %dma_start3A_758 = arith.constant 58 : i32
      %dma_start3A_759 = arith.constant 0 : i32
      %dma_start3A_760 = tpu.memref_slice %arg7[%dma_start3A_758, %dma_start3A_759] : memref<80x64xf32, #tpu.memory_space<vmem>> -> memref<1x64xf32, #tpu.memory_space<vmem>>
      %dma_start3A_761 = arith.constant 0 : i32
      %dma_start3A_762 = tpu.memref_slice %arg4[%squeeze3A_752, %dma_start3A_761] : memref<1000000x64xf32, #tpu.memory_space<hbm>> -> memref<1x64xf32, #tpu.memory_space<hbm>>
      tpu.enqueue_dma source(%dma_start3A_762 : memref<1x64xf32, #tpu.memory_space<hbm>>) target(%dma_start3A_760 : memref<1x64xf32, #tpu.memory_space<vmem>>) target_semaphore(%arg10 : memref<!tpu.dma_semaphore, #tpu.memory_space<semaphore_mem>>)
      %slice3A_763 = vector.extract_strided_slice %get3A_630 {offsets = [11], sizes = [1], strides = [1]} : vector<16xi32> to vector<1xi32>
      %squeeze3A_764 = vector.extract %slice3A_763[0] : i32 from vector<1xi32>
      %dma_start3A_765 = arith.constant 59 : i32
      %dma_start3A_766 = arith.constant 0 : i32
      %dma_start3A_767 = tpu.memref_slice %arg7[%dma_start3A_765, %dma_start3A_766] : memref<80x64xf32, #tpu.memory_space<vmem>> -> memref<1x64xf32, #tpu.memory_space<vmem>>
      %dma_start3A_768 = arith.constant 0 : i32
      %dma_start3A_769 = tpu.memref_slice %arg4[%squeeze3A_764, %dma_start3A_768] : memref<1000000x64xf32, #tpu.memory_space<hbm>> -> memref<1x64xf32, #tpu.memory_space<hbm>>
      %dma_start3A_770 = arith.constant 59 : i32
      %dma_start3A_771 = arith.constant 0 : i32
      %dma_start3A_772 = tpu.memref_slice %arg7[%dma_start3A_770, %dma_start3A_771] : memref<80x64xf32, #tpu.memory_space<vmem>> -> memref<1x64xf32, #tpu.memory_space<vmem>>
      %dma_start3A_773 = arith.constant 0 : i32
      %dma_start3A_774 = tpu.memref_slice %arg4[%squeeze3A_764, %dma_start3A_773] : memref<1000000x64xf32, #tpu.memory_space<hbm>> -> memref<1x64xf32, #tpu.memory_space<hbm>>
      tpu.enqueue_dma source(%dma_start3A_774 : memref<1x64xf32, #tpu.memory_space<hbm>>) target(%dma_start3A_772 : memref<1x64xf32, #tpu.memory_space<vmem>>) target_semaphore(%arg10 : memref<!tpu.dma_semaphore, #tpu.memory_space<semaphore_mem>>)
      %slice3A_775 = vector.extract_strided_slice %get3A_630 {offsets = [12], sizes = [1], strides = [1]} : vector<16xi32> to vector<1xi32>
      %squeeze3A_776 = vector.extract %slice3A_775[0] : i32 from vector<1xi32>
      %dma_start3A_777 = arith.constant 60 : i32
      %dma_start3A_778 = arith.constant 0 : i32
      %dma_start3A_779 = tpu.memref_slice %arg7[%dma_start3A_777, %dma_start3A_778] : memref<80x64xf32, #tpu.memory_space<vmem>> -> memref<1x64xf32, #tpu.memory_space<vmem>>
      %dma_start3A_780 = arith.constant 0 : i32
      %dma_start3A_781 = tpu.memref_slice %arg4[%squeeze3A_776, %dma_start3A_780] : memref<1000000x64xf32, #tpu.memory_space<hbm>> -> memref<1x64xf32, #tpu.memory_space<hbm>>
      %dma_start3A_782 = arith.constant 60 : i32
      %dma_start3A_783 = arith.constant 0 : i32
      %dma_start3A_784 = tpu.memref_slice %arg7[%dma_start3A_782, %dma_start3A_783] : memref<80x64xf32, #tpu.memory_space<vmem>> -> memref<1x64xf32, #tpu.memory_space<vmem>>
      %dma_start3A_785 = arith.constant 0 : i32
      %dma_start3A_786 = tpu.memref_slice %arg4[%squeeze3A_776, %dma_start3A_785] : memref<1000000x64xf32, #tpu.memory_space<hbm>> -> memref<1x64xf32, #tpu.memory_space<hbm>>
      tpu.enqueue_dma source(%dma_start3A_786 : memref<1x64xf32, #tpu.memory_space<hbm>>) target(%dma_start3A_784 : memref<1x64xf32, #tpu.memory_space<vmem>>) target_semaphore(%arg10 : memref<!tpu.dma_semaphore, #tpu.memory_space<semaphore_mem>>)
      %slice3A_787 = vector.extract_strided_slice %get3A_630 {offsets = [13], sizes = [1], strides = [1]} : vector<16xi32> to vector<1xi32>
      %squeeze3A_788 = vector.extract %slice3A_787[0] : i32 from vector<1xi32>
      %dma_start3A_789 = arith.constant 61 : i32
      %dma_start3A_790 = arith.constant 0 : i32
      %dma_start3A_791 = tpu.memref_slice %arg7[%dma_start3A_789, %dma_start3A_790] : memref<80x64xf32, #tpu.memory_space<vmem>> -> memref<1x64xf32, #tpu.memory_space<vmem>>
      %dma_start3A_792 = arith.constant 0 : i32
      %dma_start3A_793 = tpu.memref_slice %arg4[%squeeze3A_788, %dma_start3A_792] : memref<1000000x64xf32, #tpu.memory_space<hbm>> -> memref<1x64xf32, #tpu.memory_space<hbm>>
      %dma_start3A_794 = arith.constant 61 : i32
      %dma_start3A_795 = arith.constant 0 : i32
      %dma_start3A_796 = tpu.memref_slice %arg7[%dma_start3A_794, %dma_start3A_795] : memref<80x64xf32, #tpu.memory_space<vmem>> -> memref<1x64xf32, #tpu.memory_space<vmem>>
      %dma_start3A_797 = arith.constant 0 : i32
      %dma_start3A_798 = tpu.memref_slice %arg4[%squeeze3A_788, %dma_start3A_797] : memref<1000000x64xf32, #tpu.memory_space<hbm>> -> memref<1x64xf32, #tpu.memory_space<hbm>>
      tpu.enqueue_dma source(%dma_start3A_798 : memref<1x64xf32, #tpu.memory_space<hbm>>) target(%dma_start3A_796 : memref<1x64xf32, #tpu.memory_space<vmem>>) target_semaphore(%arg10 : memref<!tpu.dma_semaphore, #tpu.memory_space<semaphore_mem>>)
      %slice3A_799 = vector.extract_strided_slice %get3A_630 {offsets = [14], sizes = [1], strides = [1]} : vector<16xi32> to vector<1xi32>
      %squeeze3A_800 = vector.extract %slice3A_799[0] : i32 from vector<1xi32>
      %dma_start3A_801 = arith.constant 62 : i32
      %dma_start3A_802 = arith.constant 0 : i32
      %dma_start3A_803 = tpu.memref_slice %arg7[%dma_start3A_801, %dma_start3A_802] : memref<80x64xf32, #tpu.memory_space<vmem>> -> memref<1x64xf32, #tpu.memory_space<vmem>>
      %dma_start3A_804 = arith.constant 0 : i32
      %dma_start3A_805 = tpu.memref_slice %arg4[%squeeze3A_800, %dma_start3A_804] : memref<1000000x64xf32, #tpu.memory_space<hbm>> -> memref<1x64xf32, #tpu.memory_space<hbm>>
      %dma_start3A_806 = arith.constant 62 : i32
      %dma_start3A_807 = arith.constant 0 : i32
      %dma_start3A_808 = tpu.memref_slice %arg7[%dma_start3A_806, %dma_start3A_807] : memref<80x64xf32, #tpu.memory_space<vmem>> -> memref<1x64xf32, #tpu.memory_space<vmem>>
      %dma_start3A_809 = arith.constant 0 : i32
      %dma_start3A_810 = tpu.memref_slice %arg4[%squeeze3A_800, %dma_start3A_809] : memref<1000000x64xf32, #tpu.memory_space<hbm>> -> memref<1x64xf32, #tpu.memory_space<hbm>>
      tpu.enqueue_dma source(%dma_start3A_810 : memref<1x64xf32, #tpu.memory_space<hbm>>) target(%dma_start3A_808 : memref<1x64xf32, #tpu.memory_space<vmem>>) target_semaphore(%arg10 : memref<!tpu.dma_semaphore, #tpu.memory_space<semaphore_mem>>)
      %slice3A_811 = vector.extract_strided_slice %get3A_630 {offsets = [15], sizes = [1], strides = [1]} : vector<16xi32> to vector<1xi32>
      %squeeze3A_812 = vector.extract %slice3A_811[0] : i32 from vector<1xi32>
      %dma_start3A_813 = arith.constant 63 : i32
      %dma_start3A_814 = arith.constant 0 : i32
      %dma_start3A_815 = tpu.memref_slice %arg7[%dma_start3A_813, %dma_start3A_814] : memref<80x64xf32, #tpu.memory_space<vmem>> -> memref<1x64xf32, #tpu.memory_space<vmem>>
      %dma_start3A_816 = arith.constant 0 : i32
      %dma_start3A_817 = tpu.memref_slice %arg4[%squeeze3A_812, %dma_start3A_816] : memref<1000000x64xf32, #tpu.memory_space<hbm>> -> memref<1x64xf32, #tpu.memory_space<hbm>>
      %dma_start3A_818 = arith.constant 63 : i32
      %dma_start3A_819 = arith.constant 0 : i32
      %dma_start3A_820 = tpu.memref_slice %arg7[%dma_start3A_818, %dma_start3A_819] : memref<80x64xf32, #tpu.memory_space<vmem>> -> memref<1x64xf32, #tpu.memory_space<vmem>>
      %dma_start3A_821 = arith.constant 0 : i32
      %dma_start3A_822 = tpu.memref_slice %arg4[%squeeze3A_812, %dma_start3A_821] : memref<1000000x64xf32, #tpu.memory_space<hbm>> -> memref<1x64xf32, #tpu.memory_space<hbm>>
      tpu.enqueue_dma source(%dma_start3A_822 : memref<1x64xf32, #tpu.memory_space<hbm>>) target(%dma_start3A_820 : memref<1x64xf32, #tpu.memory_space<vmem>>) target_semaphore(%arg10 : memref<!tpu.dma_semaphore, #tpu.memory_space<semaphore_mem>>)
      %get3A_823 = arith.constant 64 : index
      %get3A_824 = tpu.vector_load %arg6[%get3A_823] {strides = array<i32>} : memref<80xi32, #tpu.memory_space<vmem>>, vector<16xi32>,
      %get3A_825 = vector.shape_cast %get3A_824 : vector<16xi32> to vector<16xi32>
      %slice3A_826 = vector.extract_strided_slice %get3A_825 {offsets = [0], sizes = [1], strides = [1]} : vector<16xi32> to vector<1xi32>
      %squeeze3A_827 = vector.extract %slice3A_826[0] : i32 from vector<1xi32>
      %dma_start3A_828 = arith.constant 64 : i32
      %dma_start3A_829 = arith.constant 0 : i32
      %dma_start3A_830 = tpu.memref_slice %arg7[%dma_start3A_828, %dma_start3A_829] : memref<80x64xf32, #tpu.memory_space<vmem>> -> memref<1x64xf32, #tpu.memory_space<vmem>>
      %dma_start3A_831 = arith.constant 0 : i32
      %dma_start3A_832 = tpu.memref_slice %arg4[%squeeze3A_827, %dma_start3A_831] : memref<1000000x64xf32, #tpu.memory_space<hbm>> -> memref<1x64xf32, #tpu.memory_space<hbm>>
      %dma_start3A_833 = arith.constant 64 : i32
      %dma_start3A_834 = arith.constant 0 : i32
      %dma_start3A_835 = tpu.memref_slice %arg7[%dma_start3A_833, %dma_start3A_834] : memref<80x64xf32, #tpu.memory_space<vmem>> -> memref<1x64xf32, #tpu.memory_space<vmem>>
      %dma_start3A_836 = arith.constant 0 : i32
      %dma_start3A_837 = tpu.memref_slice %arg4[%squeeze3A_827, %dma_start3A_836] : memref<1000000x64xf32, #tpu.memory_space<hbm>> -> memref<1x64xf32, #tpu.memory_space<hbm>>
      tpu.enqueue_dma source(%dma_start3A_837 : memref<1x64xf32, #tpu.memory_space<hbm>>) target(%dma_start3A_835 : memref<1x64xf32, #tpu.memory_space<vmem>>) target_semaphore(%arg10 : memref<!tpu.dma_semaphore, #tpu.memory_space<semaphore_mem>>)
      %slice3A_838 = vector.extract_strided_slice %get3A_825 {offsets = [1], sizes = [1], strides = [1]} : vector<16xi32> to vector<1xi32>
      %squeeze3A_839 = vector.extract %slice3A_838[0] : i32 from vector<1xi32>
      %dma_start3A_840 = arith.constant 65 : i32
      %dma_start3A_841 = arith.constant 0 : i32
      %dma_start3A_842 = tpu.memref_slice %arg7[%dma_start3A_840, %dma_start3A_841] : memref<80x64xf32, #tpu.memory_space<vmem>> -> memref<1x64xf32, #tpu.memory_space<vmem>>
      %dma_start3A_843 = arith.constant 0 : i32
      %dma_start3A_844 = tpu.memref_slice %arg4[%squeeze3A_839, %dma_start3A_843] : memref<1000000x64xf32, #tpu.memory_space<hbm>> -> memref<1x64xf32, #tpu.memory_space<hbm>>
      %dma_start3A_845 = arith.constant 65 : i32
      %dma_start3A_846 = arith.constant 0 : i32
      %dma_start3A_847 = tpu.memref_slice %arg7[%dma_start3A_845, %dma_start3A_846] : memref<80x64xf32, #tpu.memory_space<vmem>> -> memref<1x64xf32, #tpu.memory_space<vmem>>
      %dma_start3A_848 = arith.constant 0 : i32
      %dma_start3A_849 = tpu.memref_slice %arg4[%squeeze3A_839, %dma_start3A_848] : memref<1000000x64xf32, #tpu.memory_space<hbm>> -> memref<1x64xf32, #tpu.memory_space<hbm>>
      tpu.enqueue_dma source(%dma_start3A_849 : memref<1x64xf32, #tpu.memory_space<hbm>>) target(%dma_start3A_847 : memref<1x64xf32, #tpu.memory_space<vmem>>) target_semaphore(%arg10 : memref<!tpu.dma_semaphore, #tpu.memory_space<semaphore_mem>>)
      %slice3A_850 = vector.extract_strided_slice %get3A_825 {offsets = [2], sizes = [1], strides = [1]} : vector<16xi32> to vector<1xi32>
      %squeeze3A_851 = vector.extract %slice3A_850[0] : i32 from vector<1xi32>
      %dma_start3A_852 = arith.constant 66 : i32
      %dma_start3A_853 = arith.constant 0 : i32
      %dma_start3A_854 = tpu.memref_slice %arg7[%dma_start3A_852, %dma_start3A_853] : memref<80x64xf32, #tpu.memory_space<vmem>> -> memref<1x64xf32, #tpu.memory_space<vmem>>
      %dma_start3A_855 = arith.constant 0 : i32
      %dma_start3A_856 = tpu.memref_slice %arg4[%squeeze3A_851, %dma_start3A_855] : memref<1000000x64xf32, #tpu.memory_space<hbm>> -> memref<1x64xf32, #tpu.memory_space<hbm>>
      %dma_start3A_857 = arith.constant 66 : i32
      %dma_start3A_858 = arith.constant 0 : i32
      %dma_start3A_859 = tpu.memref_slice %arg7[%dma_start3A_857, %dma_start3A_858] : memref<80x64xf32, #tpu.memory_space<vmem>> -> memref<1x64xf32, #tpu.memory_space<vmem>>
      %dma_start3A_860 = arith.constant 0 : i32
      %dma_start3A_861 = tpu.memref_slice %arg4[%squeeze3A_851, %dma_start3A_860] : memref<1000000x64xf32, #tpu.memory_space<hbm>> -> memref<1x64xf32, #tpu.memory_space<hbm>>
      tpu.enqueue_dma source(%dma_start3A_861 : memref<1x64xf32, #tpu.memory_space<hbm>>) target(%dma_start3A_859 : memref<1x64xf32, #tpu.memory_space<vmem>>) target_semaphore(%arg10 : memref<!tpu.dma_semaphore, #tpu.memory_space<semaphore_mem>>)
      %slice3A_862 = vector.extract_strided_slice %get3A_825 {offsets = [3], sizes = [1], strides = [1]} : vector<16xi32> to vector<1xi32>
      %squeeze3A_863 = vector.extract %slice3A_862[0] : i32 from vector<1xi32>
      %dma_start3A_864 = arith.constant 67 : i32
      %dma_start3A_865 = arith.constant 0 : i32
      %dma_start3A_866 = tpu.memref_slice %arg7[%dma_start3A_864, %dma_start3A_865] : memref<80x64xf32, #tpu.memory_space<vmem>> -> memref<1x64xf32, #tpu.memory_space<vmem>>
      %dma_start3A_867 = arith.constant 0 : i32
      %dma_start3A_868 = tpu.memref_slice %arg4[%squeeze3A_863, %dma_start3A_867] : memref<1000000x64xf32, #tpu.memory_space<hbm>> -> memref<1x64xf32, #tpu.memory_space<hbm>>
      %dma_start3A_869 = arith.constant 67 : i32
      %dma_start3A_870 = arith.constant 0 : i32
      %dma_start3A_871 = tpu.memref_slice %arg7[%dma_start3A_869, %dma_start3A_870] : memref<80x64xf32, #tpu.memory_space<vmem>> -> memref<1x64xf32, #tpu.memory_space<vmem>>
      %dma_start3A_872 = arith.constant 0 : i32
      %dma_start3A_873 = tpu.memref_slice %arg4[%squeeze3A_863, %dma_start3A_872] : memref<1000000x64xf32, #tpu.memory_space<hbm>> -> memref<1x64xf32, #tpu.memory_space<hbm>>
      tpu.enqueue_dma source(%dma_start3A_873 : memref<1x64xf32, #tpu.memory_space<hbm>>) target(%dma_start3A_871 : memref<1x64xf32, #tpu.memory_space<vmem>>) target_semaphore(%arg10 : memref<!tpu.dma_semaphore, #tpu.memory_space<semaphore_mem>>)
      %slice3A_874 = vector.extract_strided_slice %get3A_825 {offsets = [4], sizes = [1], strides = [1]} : vector<16xi32> to vector<1xi32>
      %squeeze3A_875 = vector.extract %slice3A_874[0] : i32 from vector<1xi32>
      %dma_start3A_876 = arith.constant 68 : i32
      %dma_start3A_877 = arith.constant 0 : i32
      %dma_start3A_878 = tpu.memref_slice %arg7[%dma_start3A_876, %dma_start3A_877] : memref<80x64xf32, #tpu.memory_space<vmem>> -> memref<1x64xf32, #tpu.memory_space<vmem>>
      %dma_start3A_879 = arith.constant 0 : i32
      %dma_start3A_880 = tpu.memref_slice %arg4[%squeeze3A_875, %dma_start3A_879] : memref<1000000x64xf32, #tpu.memory_space<hbm>> -> memref<1x64xf32, #tpu.memory_space<hbm>>
      %dma_start3A_881 = arith.constant 68 : i32
      %dma_start3A_882 = arith.constant 0 : i32
      %dma_start3A_883 = tpu.memref_slice %arg7[%dma_start3A_881, %dma_start3A_882] : memref<80x64xf32, #tpu.memory_space<vmem>> -> memref<1x64xf32, #tpu.memory_space<vmem>>
      %dma_start3A_884 = arith.constant 0 : i32
      %dma_start3A_885 = tpu.memref_slice %arg4[%squeeze3A_875, %dma_start3A_884] : memref<1000000x64xf32, #tpu.memory_space<hbm>> -> memref<1x64xf32, #tpu.memory_space<hbm>>
      tpu.enqueue_dma source(%dma_start3A_885 : memref<1x64xf32, #tpu.memory_space<hbm>>) target(%dma_start3A_883 : memref<1x64xf32, #tpu.memory_space<vmem>>) target_semaphore(%arg10 : memref<!tpu.dma_semaphore, #tpu.memory_space<semaphore_mem>>)
      %slice3A_886 = vector.extract_strided_slice %get3A_825 {offsets = [5], sizes = [1], strides = [1]} : vector<16xi32> to vector<1xi32>
      %squeeze3A_887 = vector.extract %slice3A_886[0] : i32 from vector<1xi32>
      %dma_start3A_888 = arith.constant 69 : i32
      %dma_start3A_889 = arith.constant 0 : i32
      %dma_start3A_890 = tpu.memref_slice %arg7[%dma_start3A_888, %dma_start3A_889] : memref<80x64xf32, #tpu.memory_space<vmem>> -> memref<1x64xf32, #tpu.memory_space<vmem>>
      %dma_start3A_891 = arith.constant 0 : i32
      %dma_start3A_892 = tpu.memref_slice %arg4[%squeeze3A_887, %dma_start3A_891] : memref<1000000x64xf32, #tpu.memory_space<hbm>> -> memref<1x64xf32, #tpu.memory_space<hbm>>
      %dma_start3A_893 = arith.constant 69 : i32
      %dma_start3A_894 = arith.constant 0 : i32
      %dma_start3A_895 = tpu.memref_slice %arg7[%dma_start3A_893, %dma_start3A_894] : memref<80x64xf32, #tpu.memory_space<vmem>> -> memref<1x64xf32, #tpu.memory_space<vmem>>
      %dma_start3A_896 = arith.constant 0 : i32
      %dma_start3A_897 = tpu.memref_slice %arg4[%squeeze3A_887, %dma_start3A_896] : memref<1000000x64xf32, #tpu.memory_space<hbm>> -> memref<1x64xf32, #tpu.memory_space<hbm>>
      tpu.enqueue_dma source(%dma_start3A_897 : memref<1x64xf32, #tpu.memory_space<hbm>>) target(%dma_start3A_895 : memref<1x64xf32, #tpu.memory_space<vmem>>) target_semaphore(%arg10 : memref<!tpu.dma_semaphore, #tpu.memory_space<semaphore_mem>>)
      %slice3A_898 = vector.extract_strided_slice %get3A_825 {offsets = [6], sizes = [1], strides = [1]} : vector<16xi32> to vector<1xi32>
      %squeeze3A_899 = vector.extract %slice3A_898[0] : i32 from vector<1xi32>
      %dma_start3A_900 = arith.constant 70 : i32
      %dma_start3A_901 = arith.constant 0 : i32
      %dma_start3A_902 = tpu.memref_slice %arg7[%dma_start3A_900, %dma_start3A_901] : memref<80x64xf32, #tpu.memory_space<vmem>> -> memref<1x64xf32, #tpu.memory_space<vmem>>
      %dma_start3A_903 = arith.constant 0 : i32
      %dma_start3A_904 = tpu.memref_slice %arg4[%squeeze3A_899, %dma_start3A_903] : memref<1000000x64xf32, #tpu.memory_space<hbm>> -> memref<1x64xf32, #tpu.memory_space<hbm>>
      %dma_start3A_905 = arith.constant 70 : i32
      %dma_start3A_906 = arith.constant 0 : i32
      %dma_start3A_907 = tpu.memref_slice %arg7[%dma_start3A_905, %dma_start3A_906] : memref<80x64xf32, #tpu.memory_space<vmem>> -> memref<1x64xf32, #tpu.memory_space<vmem>>
      %dma_start3A_908 = arith.constant 0 : i32
      %dma_start3A_909 = tpu.memref_slice %arg4[%squeeze3A_899, %dma_start3A_908] : memref<1000000x64xf32, #tpu.memory_space<hbm>> -> memref<1x64xf32, #tpu.memory_space<hbm>>
      tpu.enqueue_dma source(%dma_start3A_909 : memref<1x64xf32, #tpu.memory_space<hbm>>) target(%dma_start3A_907 : memref<1x64xf32, #tpu.memory_space<vmem>>) target_semaphore(%arg10 : memref<!tpu.dma_semaphore, #tpu.memory_space<semaphore_mem>>)
      %slice3A_910 = vector.extract_strided_slice %get3A_825 {offsets = [7], sizes = [1], strides = [1]} : vector<16xi32> to vector<1xi32>
      %squeeze3A_911 = vector.extract %slice3A_910[0] : i32 from vector<1xi32>
      %dma_start3A_912 = arith.constant 71 : i32
      %dma_start3A_913 = arith.constant 0 : i32
      %dma_start3A_914 = tpu.memref_slice %arg7[%dma_start3A_912, %dma_start3A_913] : memref<80x64xf32, #tpu.memory_space<vmem>> -> memref<1x64xf32, #tpu.memory_space<vmem>>
      %dma_start3A_915 = arith.constant 0 : i32
      %dma_start3A_916 = tpu.memref_slice %arg4[%squeeze3A_911, %dma_start3A_915] : memref<1000000x64xf32, #tpu.memory_space<hbm>> -> memref<1x64xf32, #tpu.memory_space<hbm>>
      %dma_start3A_917 = arith.constant 71 : i32
      %dma_start3A_918 = arith.constant 0 : i32
      %dma_start3A_919 = tpu.memref_slice %arg7[%dma_start3A_917, %dma_start3A_918] : memref<80x64xf32, #tpu.memory_space<vmem>> -> memref<1x64xf32, #tpu.memory_space<vmem>>
      %dma_start3A_920 = arith.constant 0 : i32
      %dma_start3A_921 = tpu.memref_slice %arg4[%squeeze3A_911, %dma_start3A_920] : memref<1000000x64xf32, #tpu.memory_space<hbm>> -> memref<1x64xf32, #tpu.memory_space<hbm>>
      tpu.enqueue_dma source(%dma_start3A_921 : memref<1x64xf32, #tpu.memory_space<hbm>>) target(%dma_start3A_919 : memref<1x64xf32, #tpu.memory_space<vmem>>) target_semaphore(%arg10 : memref<!tpu.dma_semaphore, #tpu.memory_space<semaphore_mem>>)
      %slice3A_922 = vector.extract_strided_slice %get3A_825 {offsets = [8], sizes = [1], strides = [1]} : vector<16xi32> to vector<1xi32>
      %squeeze3A_923 = vector.extract %slice3A_922[0] : i32 from vector<1xi32>
      %dma_start3A_924 = arith.constant 72 : i32
      %dma_start3A_925 = arith.constant 0 : i32
      %dma_start3A_926 = tpu.memref_slice %arg7[%dma_start3A_924, %dma_start3A_925] : memref<80x64xf32, #tpu.memory_space<vmem>> -> memref<1x64xf32, #tpu.memory_space<vmem>>
      %dma_start3A_927 = arith.constant 0 : i32
      %dma_start3A_928 = tpu.memref_slice %arg4[%squeeze3A_923, %dma_start3A_927] : memref<1000000x64xf32, #tpu.memory_space<hbm>> -> memref<1x64xf32, #tpu.memory_space<hbm>>
      %dma_start3A_929 = arith.constant 72 : i32
      %dma_start3A_930 = arith.constant 0 : i32
      %dma_start3A_931 = tpu.memref_slice %arg7[%dma_start3A_929, %dma_start3A_930] : memref<80x64xf32, #tpu.memory_space<vmem>> -> memref<1x64xf32, #tpu.memory_space<vmem>>
      %dma_start3A_932 = arith.constant 0 : i32
      %dma_start3A_933 = tpu.memref_slice %arg4[%squeeze3A_923, %dma_start3A_932] : memref<1000000x64xf32, #tpu.memory_space<hbm>> -> memref<1x64xf32, #tpu.memory_space<hbm>>
      tpu.enqueue_dma source(%dma_start3A_933 : memref<1x64xf32, #tpu.memory_space<hbm>>) target(%dma_start3A_931 : memref<1x64xf32, #tpu.memory_space<vmem>>) target_semaphore(%arg10 : memref<!tpu.dma_semaphore, #tpu.memory_space<semaphore_mem>>)
      %slice3A_934 = vector.extract_strided_slice %get3A_825 {offsets = [9], sizes = [1], strides = [1]} : vector<16xi32> to vector<1xi32>
      %squeeze3A_935 = vector.extract %slice3A_934[0] : i32 from vector<1xi32>
      %dma_start3A_936 = arith.constant 73 : i32
      %dma_start3A_937 = arith.constant 0 : i32
      %dma_start3A_938 = tpu.memref_slice %arg7[%dma_start3A_936, %dma_start3A_937] : memref<80x64xf32, #tpu.memory_space<vmem>> -> memref<1x64xf32, #tpu.memory_space<vmem>>
      %dma_start3A_939 = arith.constant 0 : i32
      %dma_start3A_940 = tpu.memref_slice %arg4[%squeeze3A_935, %dma_start3A_939] : memref<1000000x64xf32, #tpu.memory_space<hbm>> -> memref<1x64xf32, #tpu.memory_space<hbm>>
      %dma_start3A_941 = arith.constant 73 : i32
      %dma_start3A_942 = arith.constant 0 : i32
      %dma_start3A_943 = tpu.memref_slice %arg7[%dma_start3A_941, %dma_start3A_942] : memref<80x64xf32, #tpu.memory_space<vmem>> -> memref<1x64xf32, #tpu.memory_space<vmem>>
      %dma_start3A_944 = arith.constant 0 : i32
      %dma_start3A_945 = tpu.memref_slice %arg4[%squeeze3A_935, %dma_start3A_944] : memref<1000000x64xf32, #tpu.memory_space<hbm>> -> memref<1x64xf32, #tpu.memory_space<hbm>>
      tpu.enqueue_dma source(%dma_start3A_945 : memref<1x64xf32, #tpu.memory_space<hbm>>) target(%dma_start3A_943 : memref<1x64xf32, #tpu.memory_space<vmem>>) target_semaphore(%arg10 : memref<!tpu.dma_semaphore, #tpu.memory_space<semaphore_mem>>)
      %slice3A_946 = vector.extract_strided_slice %get3A_825 {offsets = [10], sizes = [1], strides = [1]} : vector<16xi32> to vector<1xi32>
      %squeeze3A_947 = vector.extract %slice3A_946[0] : i32 from vector<1xi32>
      %dma_start3A_948 = arith.constant 74 : i32
      %dma_start3A_949 = arith.constant 0 : i32
      %dma_start3A_950 = tpu.memref_slice %arg7[%dma_start3A_948, %dma_start3A_949] : memref<80x64xf32, #tpu.memory_space<vmem>> -> memref<1x64xf32, #tpu.memory_space<vmem>>
      %dma_start3A_951 = arith.constant 0 : i32
      %dma_start3A_952 = tpu.memref_slice %arg4[%squeeze3A_947, %dma_start3A_951] : memref<1000000x64xf32, #tpu.memory_space<hbm>> -> memref<1x64xf32, #tpu.memory_space<hbm>>
      %dma_start3A_953 = arith.constant 74 : i32
      %dma_start3A_954 = arith.constant 0 : i32
      %dma_start3A_955 = tpu.memref_slice %arg7[%dma_start3A_953, %dma_start3A_954] : memref<80x64xf32, #tpu.memory_space<vmem>> -> memref<1x64xf32, #tpu.memory_space<vmem>>
      %dma_start3A_956 = arith.constant 0 : i32
      %dma_start3A_957 = tpu.memref_slice %arg4[%squeeze3A_947, %dma_start3A_956] : memref<1000000x64xf32, #tpu.memory_space<hbm>> -> memref<1x64xf32, #tpu.memory_space<hbm>>
      tpu.enqueue_dma source(%dma_start3A_957 : memref<1x64xf32, #tpu.memory_space<hbm>>) target(%dma_start3A_955 : memref<1x64xf32, #tpu.memory_space<vmem>>) target_semaphore(%arg10 : memref<!tpu.dma_semaphore, #tpu.memory_space<semaphore_mem>>)
      %slice3A_958 = vector.extract_strided_slice %get3A_825 {offsets = [11], sizes = [1], strides = [1]} : vector<16xi32> to vector<1xi32>
      %squeeze3A_959 = vector.extract %slice3A_958[0] : i32 from vector<1xi32>
      %dma_start3A_960 = arith.constant 75 : i32
      %dma_start3A_961 = arith.constant 0 : i32
      %dma_start3A_962 = tpu.memref_slice %arg7[%dma_start3A_960, %dma_start3A_961] : memref<80x64xf32, #tpu.memory_space<vmem>> -> memref<1x64xf32, #tpu.memory_space<vmem>>
      %dma_start3A_963 = arith.constant 0 : i32
      %dma_start3A_964 = tpu.memref_slice %arg4[%squeeze3A_959, %dma_start3A_963] : memref<1000000x64xf32, #tpu.memory_space<hbm>> -> memref<1x64xf32, #tpu.memory_space<hbm>>
      %dma_start3A_965 = arith.constant 75 : i32
      %dma_start3A_966 = arith.constant 0 : i32
      %dma_start3A_967 = tpu.memref_slice %arg7[%dma_start3A_965, %dma_start3A_966] : memref<80x64xf32, #tpu.memory_space<vmem>> -> memref<1x64xf32, #tpu.memory_space<vmem>>
      %dma_start3A_968 = arith.constant 0 : i32
      %dma_start3A_969 = tpu.memref_slice %arg4[%squeeze3A_959, %dma_start3A_968] : memref<1000000x64xf32, #tpu.memory_space<hbm>> -> memref<1x64xf32, #tpu.memory_space<hbm>>
      tpu.enqueue_dma source(%dma_start3A_969 : memref<1x64xf32, #tpu.memory_space<hbm>>) target(%dma_start3A_967 : memref<1x64xf32, #tpu.memory_space<vmem>>) target_semaphore(%arg10 : memref<!tpu.dma_semaphore, #tpu.memory_space<semaphore_mem>>)
      %slice3A_970 = vector.extract_strided_slice %get3A_825 {offsets = [12], sizes = [1], strides = [1]} : vector<16xi32> to vector<1xi32>
      %squeeze3A_971 = vector.extract %slice3A_970[0] : i32 from vector<1xi32>
      %dma_start3A_972 = arith.constant 76 : i32
      %dma_start3A_973 = arith.constant 0 : i32
      %dma_start3A_974 = tpu.memref_slice %arg7[%dma_start3A_972, %dma_start3A_973] : memref<80x64xf32, #tpu.memory_space<vmem>> -> memref<1x64xf32, #tpu.memory_space<vmem>>
      %dma_start3A_975 = arith.constant 0 : i32
      %dma_start3A_976 = tpu.memref_slice %arg4[%squeeze3A_971, %dma_start3A_975] : memref<1000000x64xf32, #tpu.memory_space<hbm>> -> memref<1x64xf32, #tpu.memory_space<hbm>>
      %dma_start3A_977 = arith.constant 76 : i32
      %dma_start3A_978 = arith.constant 0 : i32
      %dma_start3A_979 = tpu.memref_slice %arg7[%dma_start3A_977, %dma_start3A_978] : memref<80x64xf32, #tpu.memory_space<vmem>> -> memref<1x64xf32, #tpu.memory_space<vmem>>
      %dma_start3A_980 = arith.constant 0 : i32
      %dma_start3A_981 = tpu.memref_slice %arg4[%squeeze3A_971, %dma_start3A_980] : memref<1000000x64xf32, #tpu.memory_space<hbm>> -> memref<1x64xf32, #tpu.memory_space<hbm>>
      tpu.enqueue_dma source(%dma_start3A_981 : memref<1x64xf32, #tpu.memory_space<hbm>>) target(%dma_start3A_979 : memref<1x64xf32, #tpu.memory_space<vmem>>) target_semaphore(%arg10 : memref<!tpu.dma_semaphore, #tpu.memory_space<semaphore_mem>>)
      %slice3A_982 = vector.extract_strided_slice %get3A_825 {offsets = [13], sizes = [1], strides = [1]} : vector<16xi32> to vector<1xi32>
      %squeeze3A_983 = vector.extract %slice3A_982[0] : i32 from vector<1xi32>
      %dma_start3A_984 = arith.constant 77 : i32
      %dma_start3A_985 = arith.constant 0 : i32
      %dma_start3A_986 = tpu.memref_slice %arg7[%dma_start3A_984, %dma_start3A_985] : memref<80x64xf32, #tpu.memory_space<vmem>> -> memref<1x64xf32, #tpu.memory_space<vmem>>
      %dma_start3A_987 = arith.constant 0 : i32
      %dma_start3A_988 = tpu.memref_slice %arg4[%squeeze3A_983, %dma_start3A_987] : memref<1000000x64xf32, #tpu.memory_space<hbm>> -> memref<1x64xf32, #tpu.memory_space<hbm>>
      %dma_start3A_989 = arith.constant 77 : i32
      %dma_start3A_990 = arith.constant 0 : i32
      %dma_start3A_991 = tpu.memref_slice %arg7[%dma_start3A_989, %dma_start3A_990] : memref<80x64xf32, #tpu.memory_space<vmem>> -> memref<1x64xf32, #tpu.memory_space<vmem>>
      %dma_start3A_992 = arith.constant 0 : i32
      %dma_start3A_993 = tpu.memref_slice %arg4[%squeeze3A_983, %dma_start3A_992] : memref<1000000x64xf32, #tpu.memory_space<hbm>> -> memref<1x64xf32, #tpu.memory_space<hbm>>
      tpu.enqueue_dma source(%dma_start3A_993 : memref<1x64xf32, #tpu.memory_space<hbm>>) target(%dma_start3A_991 : memref<1x64xf32, #tpu.memory_space<vmem>>) target_semaphore(%arg10 : memref<!tpu.dma_semaphore, #tpu.memory_space<semaphore_mem>>)
      %slice3A_994 = vector.extract_strided_slice %get3A_825 {offsets = [14], sizes = [1], strides = [1]} : vector<16xi32> to vector<1xi32>
      %squeeze3A_995 = vector.extract %slice3A_994[0] : i32 from vector<1xi32>
      %dma_start3A_996 = arith.constant 78 : i32
      %dma_start3A_997 = arith.constant 0 : i32
      %dma_start3A_998 = tpu.memref_slice %arg7[%dma_start3A_996, %dma_start3A_997] : memref<80x64xf32, #tpu.memory_space<vmem>> -> memref<1x64xf32, #tpu.memory_space<vmem>>
      %dma_start3A_999 = arith.constant 0 : i32
      %dma_start3A_1000 = tpu.memref_slice %arg4[%squeeze3A_995, %dma_start3A_999] : memref<1000000x64xf32, #tpu.memory_space<hbm>> -> memref<1x64xf32, #tpu.memory_space<hbm>>
      %dma_start3A_1001 = arith.constant 78 : i32
      %dma_start3A_1002 = arith.constant 0 : i32
      %dma_start3A_1003 = tpu.memref_slice %arg7[%dma_start3A_1001, %dma_start3A_1002] : memref<80x64xf32, #tpu.memory_space<vmem>> -> memref<1x64xf32, #tpu.memory_space<vmem>>
      %dma_start3A_1004 = arith.constant 0 : i32
      %dma_start3A_1005 = tpu.memref_slice %arg4[%squeeze3A_995, %dma_start3A_1004] : memref<1000000x64xf32, #tpu.memory_space<hbm>> -> memref<1x64xf32, #tpu.memory_space<hbm>>
      tpu.enqueue_dma source(%dma_start3A_1005 : memref<1x64xf32, #tpu.memory_space<hbm>>) target(%dma_start3A_1003 : memref<1x64xf32, #tpu.memory_space<vmem>>) target_semaphore(%arg10 : memref<!tpu.dma_semaphore, #tpu.memory_space<semaphore_mem>>)
      %slice3A_1006 = vector.extract_strided_slice %get3A_825 {offsets = [15], sizes = [1], strides = [1]} : vector<16xi32> to vector<1xi32>
      %squeeze3A_1007 = vector.extract %slice3A_1006[0] : i32 from vector<1xi32>
      %dma_start3A_1008 = arith.constant 79 : i32
      %dma_start3A_1009 = arith.constant 0 : i32
      %dma_start3A_1010 = tpu.memref_slice %arg7[%dma_start3A_1008, %dma_start3A_1009] : memref<80x64xf32, #tpu.memory_space<vmem>> -> memref<1x64xf32, #tpu.memory_space<vmem>>
      %dma_start3A_1011 = arith.constant 0 : i32
      %dma_start3A_1012 = tpu.memref_slice %arg4[%squeeze3A_1007, %dma_start3A_1011] : memref<1000000x64xf32, #tpu.memory_space<hbm>> -> memref<1x64xf32, #tpu.memory_space<hbm>>
      %dma_start3A_1013 = arith.constant 79 : i32
      %dma_start3A_1014 = arith.constant 0 : i32
      %dma_start3A_1015 = tpu.memref_slice %arg7[%dma_start3A_1013, %dma_start3A_1014] : memref<80x64xf32, #tpu.memory_space<vmem>> -> memref<1x64xf32, #tpu.memory_space<vmem>>
      %dma_start3A_1016 = arith.constant 0 : i32
      %dma_start3A_1017 = tpu.memref_slice %arg4[%squeeze3A_1007, %dma_start3A_1016] : memref<1000000x64xf32, #tpu.memory_space<hbm>> -> memref<1x64xf32, #tpu.memory_space<hbm>>
      tpu.enqueue_dma source(%dma_start3A_1017 : memref<1x64xf32, #tpu.memory_space<hbm>>) target(%dma_start3A_1015 : memref<1x64xf32, #tpu.memory_space<vmem>>) target_semaphore(%arg10 : memref<!tpu.dma_semaphore, #tpu.memory_space<semaphore_mem>>)
      %dma_wait3A = arith.constant 0 : i32
      %dma_wait3A_1018 = arith.constant 0 : i32
      %dma_wait3A_1019 = tpu.memref_slice %arg4[%dma_wait3A, %dma_wait3A_1018] : memref<1000000x64xf32, #tpu.memory_space<hbm>> -> memref<80x64xf32, #tpu.memory_space<hbm>>
      %dma_wait3A_1020 = arith.constant 0 : i32
      %dma_wait3A_1021 = arith.constant 0 : i32
      %dma_wait3A_1022 = tpu.memref_slice %arg4[%dma_wait3A_1020, %dma_wait3A_1021] : memref<1000000x64xf32, #tpu.memory_space<hbm>> -> memref<80x64xf32, #tpu.memory_space<hbm>>
      tpu.wait_dma2 semaphore(%arg10 : memref<!tpu.dma_semaphore, #tpu.memory_space<semaphore_mem>>) src(%dma_wait3A_1022 : memref<80x64xf32, #tpu.memory_space<hbm>>) dst(%arg7 : memref<80x64xf32, #tpu.memory_space<vmem>>)
      %get3A_1023 = arith.constant 0 : i32
      %get3A_1024 = arith.index_cast %get3A_1023 : i32 to index
      %get3A_1025 = arith.constant 0 : index
      %get3A_1026 = tpu.vector_load %arg8[%get3A_1024, %get3A_1025] {strides = array<i32>} : memref<16x64xf32, #tpu.memory_space<vmem>>, vector<1x16xf32>,
      %get3A_1027 = vector.shape_cast %get3A_1026 : vector<1x16xf32> to vector<16xf32>
      %get3A_1028 = arith.constant 0 : i32
      %get3A_1029 = arith.index_cast %get3A_1028 : i32 to index
      %get3A_1030 = arith.constant 16 : index
      %get3A_1031 = tpu.vector_load %arg8[%get3A_1029, %get3A_1030] {strides = array<i32>} : memref<16x64xf32, #tpu.memory_space<vmem>>, vector<1x16xf32>,
      %get3A_1032 = vector.shape_cast %get3A_1031 : vector<1x16xf32> to vector<16xf32>
      %get3A_1033 = arith.constant 0 : i32
      %get3A_1034 = arith.index_cast %get3A_1033 : i32 to index
      %get3A_1035 = arith.constant 32 : index
      %get3A_1036 = tpu.vector_load %arg8[%get3A_1034, %get3A_1035] {strides = array<i32>} : memref<16x64xf32, #tpu.memory_space<vmem>>, vector<1x16xf32>,
      %get3A_1037 = vector.shape_cast %get3A_1036 : vector<1x16xf32> to vector<16xf32>
      %get3A_1038 = arith.constant 0 : i32
      %get3A_1039 = arith.index_cast %get3A_1038 : i32 to index
      %get3A_1040 = arith.constant 48 : index
      %get3A_1041 = tpu.vector_load %arg8[%get3A_1039, %get3A_1040] {strides = array<i32>} : memref<16x64xf32, #tpu.memory_space<vmem>>, vector<1x16xf32>,
      %get3A_1042 = vector.shape_cast %get3A_1041 : vector<1x16xf32> to vector<16xf32>
      %get3A_1043 = arith.constant 1 : i32
      %get3A_1044 = arith.index_cast %get3A_1043 : i32 to index
      %get3A_1045 = arith.constant 0 : index
      %get3A_1046 = tpu.vector_load %arg8[%get3A_1044, %get3A_1045] {strides = array<i32>} : memref<16x64xf32, #tpu.memory_space<vmem>>, vector<1x16xf32>,
      %get3A_1047 = vector.shape_cast %get3A_1046 : vector<1x16xf32> to vector<16xf32>
      %get3A_1048 = arith.constant 1 : i32
      %get3A_1049 = arith.index_cast %get3A_1048 : i32 to index
      %get3A_1050 = arith.constant 16 : index
      %get3A_1051 = tpu.vector_load %arg8[%get3A_1049, %get3A_1050] {strides = array<i32>} : memref<16x64xf32, #tpu.memory_space<vmem>>, vector<1x16xf32>,
      %get3A_1052 = vector.shape_cast %get3A_1051 : vector<1x16xf32> to vector<16xf32>
      %get3A_1053 = arith.constant 1 : i32
      %get3A_1054 = arith.index_cast %get3A_1053 : i32 to index
      %get3A_1055 = arith.constant 32 : index
      %get3A_1056 = tpu.vector_load %arg8[%get3A_1054, %get3A_1055] {strides = array<i32>} : memref<16x64xf32, #tpu.memory_space<vmem>>, vector<1x16xf32>,
      %get3A_1057 = vector.shape_cast %get3A_1056 : vector<1x16xf32> to vector<16xf32>
      %get3A_1058 = arith.constant 1 : i32
      %get3A_1059 = arith.index_cast %get3A_1058 : i32 to index
      %get3A_1060 = arith.constant 48 : index
      %get3A_1061 = tpu.vector_load %arg8[%get3A_1059, %get3A_1060] {strides = array<i32>} : memref<16x64xf32, #tpu.memory_space<vmem>>, vector<1x16xf32>,
      %get3A_1062 = vector.shape_cast %get3A_1061 : vector<1x16xf32> to vector<16xf32>
      %get3A_1063 = arith.constant 2 : i32
      %get3A_1064 = arith.index_cast %get3A_1063 : i32 to index
      %get3A_1065 = arith.constant 0 : index
      %get3A_1066 = tpu.vector_load %arg8[%get3A_1064, %get3A_1065] {strides = array<i32>} : memref<16x64xf32, #tpu.memory_space<vmem>>, vector<1x16xf32>,
      %get3A_1067 = vector.shape_cast %get3A_1066 : vector<1x16xf32> to vector<16xf32>
      %get3A_1068 = arith.constant 2 : i32
      %get3A_1069 = arith.index_cast %get3A_1068 : i32 to index
      %get3A_1070 = arith.constant 16 : index
      %get3A_1071 = tpu.vector_load %arg8[%get3A_1069, %get3A_1070] {strides = array<i32>} : memref<16x64xf32, #tpu.memory_space<vmem>>, vector<1x16xf32>,
      %get3A_1072 = vector.shape_cast %get3A_1071 : vector<1x16xf32> to vector<16xf32>
      %get3A_1073 = arith.constant 2 : i32
      %get3A_1074 = arith.index_cast %get3A_1073 : i32 to index
      %get3A_1075 = arith.constant 32 : index
      %get3A_1076 = tpu.vector_load %arg8[%get3A_1074, %get3A_1075] {strides = array<i32>} : memref<16x64xf32, #tpu.memory_space<vmem>>, vector<1x16xf32>,
      %get3A_1077 = vector.shape_cast %get3A_1076 : vector<1x16xf32> to vector<16xf32>
      %get3A_1078 = arith.constant 2 : i32
      %get3A_1079 = arith.index_cast %get3A_1078 : i32 to index
      %get3A_1080 = arith.constant 48 : index
      %get3A_1081 = tpu.vector_load %arg8[%get3A_1079, %get3A_1080] {strides = array<i32>} : memref<16x64xf32, #tpu.memory_space<vmem>>, vector<1x16xf32>,
      %get3A_1082 = vector.shape_cast %get3A_1081 : vector<1x16xf32> to vector<16xf32>
      %get3A_1083 = arith.constant 3 : i32
      %get3A_1084 = arith.index_cast %get3A_1083 : i32 to index
      %get3A_1085 = arith.constant 0 : index
      %get3A_1086 = tpu.vector_load %arg8[%get3A_1084, %get3A_1085] {strides = array<i32>} : memref<16x64xf32, #tpu.memory_space<vmem>>, vector<1x16xf32>,
      %get3A_1087 = vector.shape_cast %get3A_1086 : vector<1x16xf32> to vector<16xf32>
      %get3A_1088 = arith.constant 3 : i32
      %get3A_1089 = arith.index_cast %get3A_1088 : i32 to index
      %get3A_1090 = arith.constant 16 : index
      %get3A_1091 = tpu.vector_load %arg8[%get3A_1089, %get3A_1090] {strides = array<i32>} : memref<16x64xf32, #tpu.memory_space<vmem>>, vector<1x16xf32>,
      %get3A_1092 = vector.shape_cast %get3A_1091 : vector<1x16xf32> to vector<16xf32>
      %get3A_1093 = arith.constant 3 : i32
      %get3A_1094 = arith.index_cast %get3A_1093 : i32 to index
      %get3A_1095 = arith.constant 32 : index
      %get3A_1096 = tpu.vector_load %arg8[%get3A_1094, %get3A_1095] {strides = array<i32>} : memref<16x64xf32, #tpu.memory_space<vmem>>, vector<1x16xf32>,
      %get3A_1097 = vector.shape_cast %get3A_1096 : vector<1x16xf32> to vector<16xf32>
      %get3A_1098 = arith.constant 3 : i32
      %get3A_1099 = arith.index_cast %get3A_1098 : i32 to index
      %get3A_1100 = arith.constant 48 : index
      %get3A_1101 = tpu.vector_load %arg8[%get3A_1099, %get3A_1100] {strides = array<i32>} : memref<16x64xf32, #tpu.memory_space<vmem>>, vector<1x16xf32>,
      %get3A_1102 = vector.shape_cast %get3A_1101 : vector<1x16xf32> to vector<16xf32>
      %get3A_1103 = arith.constant 4 : i32
      %get3A_1104 = arith.index_cast %get3A_1103 : i32 to index
      %get3A_1105 = arith.constant 0 : index
      %get3A_1106 = tpu.vector_load %arg8[%get3A_1104, %get3A_1105] {strides = array<i32>} : memref<16x64xf32, #tpu.memory_space<vmem>>, vector<1x16xf32>,
      %get3A_1107 = vector.shape_cast %get3A_1106 : vector<1x16xf32> to vector<16xf32>
      %get3A_1108 = arith.constant 4 : i32
      %get3A_1109 = arith.index_cast %get3A_1108 : i32 to index
      %get3A_1110 = arith.constant 16 : index
      %get3A_1111 = tpu.vector_load %arg8[%get3A_1109, %get3A_1110] {strides = array<i32>} : memref<16x64xf32, #tpu.memory_space<vmem>>, vector<1x16xf32>,
      %get3A_1112 = vector.shape_cast %get3A_1111 : vector<1x16xf32> to vector<16xf32>
      %get3A_1113 = arith.constant 4 : i32
      %get3A_1114 = arith.index_cast %get3A_1113 : i32 to index
      %get3A_1115 = arith.constant 32 : index
      %get3A_1116 = tpu.vector_load %arg8[%get3A_1114, %get3A_1115] {strides = array<i32>} : memref<16x64xf32, #tpu.memory_space<vmem>>, vector<1x16xf32>,
      %get3A_1117 = vector.shape_cast %get3A_1116 : vector<1x16xf32> to vector<16xf32>
      %get3A_1118 = arith.constant 4 : i32
      %get3A_1119 = arith.index_cast %get3A_1118 : i32 to index
      %get3A_1120 = arith.constant 48 : index
      %get3A_1121 = tpu.vector_load %arg8[%get3A_1119, %get3A_1120] {strides = array<i32>} : memref<16x64xf32, #tpu.memory_space<vmem>>, vector<1x16xf32>,
      %get3A_1122 = vector.shape_cast %get3A_1121 : vector<1x16xf32> to vector<16xf32>
      %get3A_1123 = arith.constant 5 : i32
      %get3A_1124 = arith.index_cast %get3A_1123 : i32 to index
      %get3A_1125 = arith.constant 0 : index
      %get3A_1126 = tpu.vector_load %arg8[%get3A_1124, %get3A_1125] {strides = array<i32>} : memref<16x64xf32, #tpu.memory_space<vmem>>, vector<1x16xf32>,
      %get3A_1127 = vector.shape_cast %get3A_1126 : vector<1x16xf32> to vector<16xf32>
      %get3A_1128 = arith.constant 5 : i32
      %get3A_1129 = arith.index_cast %get3A_1128 : i32 to index
      %get3A_1130 = arith.constant 16 : index
      %get3A_1131 = tpu.vector_load %arg8[%get3A_1129, %get3A_1130] {strides = array<i32>} : memref<16x64xf32, #tpu.memory_space<vmem>>, vector<1x16xf32>,
      %get3A_1132 = vector.shape_cast %get3A_1131 : vector<1x16xf32> to vector<16xf32>
      %get3A_1133 = arith.constant 5 : i32
      %get3A_1134 = arith.index_cast %get3A_1133 : i32 to index
      %get3A_1135 = arith.constant 32 : index
      %get3A_1136 = tpu.vector_load %arg8[%get3A_1134, %get3A_1135] {strides = array<i32>} : memref<16x64xf32, #tpu.memory_space<vmem>>, vector<1x16xf32>,
      %get3A_1137 = vector.shape_cast %get3A_1136 : vector<1x16xf32> to vector<16xf32>
      %get3A_1138 = arith.constant 5 : i32
      %get3A_1139 = arith.index_cast %get3A_1138 : i32 to index
      %get3A_1140 = arith.constant 48 : index
      %get3A_1141 = tpu.vector_load %arg8[%get3A_1139, %get3A_1140] {strides = array<i32>} : memref<16x64xf32, #tpu.memory_space<vmem>>, vector<1x16xf32>,
      %get3A_1142 = vector.shape_cast %get3A_1141 : vector<1x16xf32> to vector<16xf32>
      %get3A_1143 = arith.constant 6 : i32
      %get3A_1144 = arith.index_cast %get3A_1143 : i32 to index
      %get3A_1145 = arith.constant 0 : index
      %get3A_1146 = tpu.vector_load %arg8[%get3A_1144, %get3A_1145] {strides = array<i32>} : memref<16x64xf32, #tpu.memory_space<vmem>>, vector<1x16xf32>,
      %get3A_1147 = vector.shape_cast %get3A_1146 : vector<1x16xf32> to vector<16xf32>
      %get3A_1148 = arith.constant 6 : i32
      %get3A_1149 = arith.index_cast %get3A_1148 : i32 to index
      %get3A_1150 = arith.constant 16 : index
      %get3A_1151 = tpu.vector_load %arg8[%get3A_1149, %get3A_1150] {strides = array<i32>} : memref<16x64xf32, #tpu.memory_space<vmem>>, vector<1x16xf32>,
      %get3A_1152 = vector.shape_cast %get3A_1151 : vector<1x16xf32> to vector<16xf32>
      %get3A_1153 = arith.constant 6 : i32
      %get3A_1154 = arith.index_cast %get3A_1153 : i32 to index
      %get3A_1155 = arith.constant 32 : index
      %get3A_1156 = tpu.vector_load %arg8[%get3A_1154, %get3A_1155] {strides = array<i32>} : memref<16x64xf32, #tpu.memory_space<vmem>>, vector<1x16xf32>,
      %get3A_1157 = vector.shape_cast %get3A_1156 : vector<1x16xf32> to vector<16xf32>
      %get3A_1158 = arith.constant 6 : i32
      %get3A_1159 = arith.index_cast %get3A_1158 : i32 to index
      %get3A_1160 = arith.constant 48 : index
      %get3A_1161 = tpu.vector_load %arg8[%get3A_1159, %get3A_1160] {strides = array<i32>} : memref<16x64xf32, #tpu.memory_space<vmem>>, vector<1x16xf32>,
      %get3A_1162 = vector.shape_cast %get3A_1161 : vector<1x16xf32> to vector<16xf32>
      %get3A_1163 = arith.constant 7 : i32
      %get3A_1164 = arith.index_cast %get3A_1163 : i32 to index
      %get3A_1165 = arith.constant 0 : index
      %get3A_1166 = tpu.vector_load %arg8[%get3A_1164, %get3A_1165] {strides = array<i32>} : memref<16x64xf32, #tpu.memory_space<vmem>>, vector<1x16xf32>,
      %get3A_1167 = vector.shape_cast %get3A_1166 : vector<1x16xf32> to vector<16xf32>
      %get3A_1168 = arith.constant 7 : i32
      %get3A_1169 = arith.index_cast %get3A_1168 : i32 to index
      %get3A_1170 = arith.constant 16 : index
      %get3A_1171 = tpu.vector_load %arg8[%get3A_1169, %get3A_1170] {strides = array<i32>} : memref<16x64xf32, #tpu.memory_space<vmem>>, vector<1x16xf32>,
      %get3A_1172 = vector.shape_cast %get3A_1171 : vector<1x16xf32> to vector<16xf32>
      %get3A_1173 = arith.constant 7 : i32
      %get3A_1174 = arith.index_cast %get3A_1173 : i32 to index
      %get3A_1175 = arith.constant 32 : index
      %get3A_1176 = tpu.vector_load %arg8[%get3A_1174, %get3A_1175] {strides = array<i32>} : memref<16x64xf32, #tpu.memory_space<vmem>>, vector<1x16xf32>,
      %get3A_1177 = vector.shape_cast %get3A_1176 : vector<1x16xf32> to vector<16xf32>
      %get3A_1178 = arith.constant 7 : i32
      %get3A_1179 = arith.index_cast %get3A_1178 : i32 to index
      %get3A_1180 = arith.constant 48 : index
      %get3A_1181 = tpu.vector_load %arg8[%get3A_1179, %get3A_1180] {strides = array<i32>} : memref<16x64xf32, #tpu.memory_space<vmem>>, vector<1x16xf32>,
      %get3A_1182 = vector.shape_cast %get3A_1181 : vector<1x16xf32> to vector<16xf32>
      %get3A_1183 = arith.constant 8 : i32
      %get3A_1184 = arith.index_cast %get3A_1183 : i32 to index
      %get3A_1185 = arith.constant 0 : index
      %get3A_1186 = tpu.vector_load %arg8[%get3A_1184, %get3A_1185] {strides = array<i32>} : memref<16x64xf32, #tpu.memory_space<vmem>>, vector<1x16xf32>,
      %get3A_1187 = vector.shape_cast %get3A_1186 : vector<1x16xf32> to vector<16xf32>
      %get3A_1188 = arith.constant 8 : i32
      %get3A_1189 = arith.index_cast %get3A_1188 : i32 to index
      %get3A_1190 = arith.constant 16 : index
      %get3A_1191 = tpu.vector_load %arg8[%get3A_1189, %get3A_1190] {strides = array<i32>} : memref<16x64xf32, #tpu.memory_space<vmem>>, vector<1x16xf32>,
      %get3A_1192 = vector.shape_cast %get3A_1191 : vector<1x16xf32> to vector<16xf32>
      %get3A_1193 = arith.constant 8 : i32
      %get3A_1194 = arith.index_cast %get3A_1193 : i32 to index
      %get3A_1195 = arith.constant 32 : index
      %get3A_1196 = tpu.vector_load %arg8[%get3A_1194, %get3A_1195] {strides = array<i32>} : memref<16x64xf32, #tpu.memory_space<vmem>>, vector<1x16xf32>,
      %get3A_1197 = vector.shape_cast %get3A_1196 : vector<1x16xf32> to vector<16xf32>
      %get3A_1198 = arith.constant 8 : i32
      %get3A_1199 = arith.index_cast %get3A_1198 : i32 to index
      %get3A_1200 = arith.constant 48 : index
      %get3A_1201 = tpu.vector_load %arg8[%get3A_1199, %get3A_1200] {strides = array<i32>} : memref<16x64xf32, #tpu.memory_space<vmem>>, vector<1x16xf32>,
      %get3A_1202 = vector.shape_cast %get3A_1201 : vector<1x16xf32> to vector<16xf32>
      %get3A_1203 = arith.constant 9 : i32
      %get3A_1204 = arith.index_cast %get3A_1203 : i32 to index
      %get3A_1205 = arith.constant 0 : index
      %get3A_1206 = tpu.vector_load %arg8[%get3A_1204, %get3A_1205] {strides = array<i32>} : memref<16x64xf32, #tpu.memory_space<vmem>>, vector<1x16xf32>,
      %get3A_1207 = vector.shape_cast %get3A_1206 : vector<1x16xf32> to vector<16xf32>
      %get3A_1208 = arith.constant 9 : i32
      %get3A_1209 = arith.index_cast %get3A_1208 : i32 to index
      %get3A_1210 = arith.constant 16 : index
      %get3A_1211 = tpu.vector_load %arg8[%get3A_1209, %get3A_1210] {strides = array<i32>} : memref<16x64xf32, #tpu.memory_space<vmem>>, vector<1x16xf32>,
      %get3A_1212 = vector.shape_cast %get3A_1211 : vector<1x16xf32> to vector<16xf32>
      %get3A_1213 = arith.constant 9 : i32
      %get3A_1214 = arith.index_cast %get3A_1213 : i32 to index
      %get3A_1215 = arith.constant 32 : index
      %get3A_1216 = tpu.vector_load %arg8[%get3A_1214, %get3A_1215] {strides = array<i32>} : memref<16x64xf32, #tpu.memory_space<vmem>>, vector<1x16xf32>,
      %get3A_1217 = vector.shape_cast %get3A_1216 : vector<1x16xf32> to vector<16xf32>
      %get3A_1218 = arith.constant 9 : i32
      %get3A_1219 = arith.index_cast %get3A_1218 : i32 to index
      %get3A_1220 = arith.constant 48 : index
      %get3A_1221 = tpu.vector_load %arg8[%get3A_1219, %get3A_1220] {strides = array<i32>} : memref<16x64xf32, #tpu.memory_space<vmem>>, vector<1x16xf32>,
      %get3A_1222 = vector.shape_cast %get3A_1221 : vector<1x16xf32> to vector<16xf32>
      %get3A_1223 = arith.constant 10 : i32
      %get3A_1224 = arith.index_cast %get3A_1223 : i32 to index
      %get3A_1225 = arith.constant 0 : index
      %get3A_1226 = tpu.vector_load %arg8[%get3A_1224, %get3A_1225] {strides = array<i32>} : memref<16x64xf32, #tpu.memory_space<vmem>>, vector<1x16xf32>,
      %get3A_1227 = vector.shape_cast %get3A_1226 : vector<1x16xf32> to vector<16xf32>
      %get3A_1228 = arith.constant 10 : i32
      %get3A_1229 = arith.index_cast %get3A_1228 : i32 to index
      %get3A_1230 = arith.constant 16 : index
      %get3A_1231 = tpu.vector_load %arg8[%get3A_1229, %get3A_1230] {strides = array<i32>} : memref<16x64xf32, #tpu.memory_space<vmem>>, vector<1x16xf32>,
      %get3A_1232 = vector.shape_cast %get3A_1231 : vector<1x16xf32> to vector<16xf32>
      %get3A_1233 = arith.constant 10 : i32
      %get3A_1234 = arith.index_cast %get3A_1233 : i32 to index
      %get3A_1235 = arith.constant 32 : index
      %get3A_1236 = tpu.vector_load %arg8[%get3A_1234, %get3A_1235] {strides = array<i32>} : memref<16x64xf32, #tpu.memory_space<vmem>>, vector<1x16xf32>,
      %get3A_1237 = vector.shape_cast %get3A_1236 : vector<1x16xf32> to vector<16xf32>
      %get3A_1238 = arith.constant 10 : i32
      %get3A_1239 = arith.index_cast %get3A_1238 : i32 to index
      %get3A_1240 = arith.constant 48 : index
      %get3A_1241 = tpu.vector_load %arg8[%get3A_1239, %get3A_1240] {strides = array<i32>} : memref<16x64xf32, #tpu.memory_space<vmem>>, vector<1x16xf32>,
      %get3A_1242 = vector.shape_cast %get3A_1241 : vector<1x16xf32> to vector<16xf32>
      %get3A_1243 = arith.constant 11 : i32
      %get3A_1244 = arith.index_cast %get3A_1243 : i32 to index
      %get3A_1245 = arith.constant 0 : index
      %get3A_1246 = tpu.vector_load %arg8[%get3A_1244, %get3A_1245] {strides = array<i32>} : memref<16x64xf32, #tpu.memory_space<vmem>>, vector<1x16xf32>,
      %get3A_1247 = vector.shape_cast %get3A_1246 : vector<1x16xf32> to vector<16xf32>
      %get3A_1248 = arith.constant 11 : i32
      %get3A_1249 = arith.index_cast %get3A_1248 : i32 to index
      %get3A_1250 = arith.constant 16 : index
      %get3A_1251 = tpu.vector_load %arg8[%get3A_1249, %get3A_1250] {strides = array<i32>} : memref<16x64xf32, #tpu.memory_space<vmem>>, vector<1x16xf32>,
      %get3A_1252 = vector.shape_cast %get3A_1251 : vector<1x16xf32> to vector<16xf32>
      %get3A_1253 = arith.constant 11 : i32
      %get3A_1254 = arith.index_cast %get3A_1253 : i32 to index
      %get3A_1255 = arith.constant 32 : index
      %get3A_1256 = tpu.vector_load %arg8[%get3A_1254, %get3A_1255] {strides = array<i32>} : memref<16x64xf32, #tpu.memory_space<vmem>>, vector<1x16xf32>,
      %get3A_1257 = vector.shape_cast %get3A_1256 : vector<1x16xf32> to vector<16xf32>
      %get3A_1258 = arith.constant 11 : i32
      %get3A_1259 = arith.index_cast %get3A_1258 : i32 to index
      %get3A_1260 = arith.constant 48 : index
      %get3A_1261 = tpu.vector_load %arg8[%get3A_1259, %get3A_1260] {strides = array<i32>} : memref<16x64xf32, #tpu.memory_space<vmem>>, vector<1x16xf32>,
      %get3A_1262 = vector.shape_cast %get3A_1261 : vector<1x16xf32> to vector<16xf32>
      %get3A_1263 = arith.constant 12 : i32
      %get3A_1264 = arith.index_cast %get3A_1263 : i32 to index
      %get3A_1265 = arith.constant 0 : index
      %get3A_1266 = tpu.vector_load %arg8[%get3A_1264, %get3A_1265] {strides = array<i32>} : memref<16x64xf32, #tpu.memory_space<vmem>>, vector<1x16xf32>,
      %get3A_1267 = vector.shape_cast %get3A_1266 : vector<1x16xf32> to vector<16xf32>
      %get3A_1268 = arith.constant 12 : i32
      %get3A_1269 = arith.index_cast %get3A_1268 : i32 to index
      %get3A_1270 = arith.constant 16 : index
      %get3A_1271 = tpu.vector_load %arg8[%get3A_1269, %get3A_1270] {strides = array<i32>} : memref<16x64xf32, #tpu.memory_space<vmem>>, vector<1x16xf32>,
      %get3A_1272 = vector.shape_cast %get3A_1271 : vector<1x16xf32> to vector<16xf32>
      %get3A_1273 = arith.constant 12 : i32
      %get3A_1274 = arith.index_cast %get3A_1273 : i32 to index
      %get3A_1275 = arith.constant 32 : index
      %get3A_1276 = tpu.vector_load %arg8[%get3A_1274, %get3A_1275] {strides = array<i32>} : memref<16x64xf32, #tpu.memory_space<vmem>>, vector<1x16xf32>,
      %get3A_1277 = vector.shape_cast %get3A_1276 : vector<1x16xf32> to vector<16xf32>
      %get3A_1278 = arith.constant 12 : i32
      %get3A_1279 = arith.index_cast %get3A_1278 : i32 to index
      %get3A_1280 = arith.constant 48 : index
      %get3A_1281 = tpu.vector_load %arg8[%get3A_1279, %get3A_1280] {strides = array<i32>} : memref<16x64xf32, #tpu.memory_space<vmem>>, vector<1x16xf32>,
      %get3A_1282 = vector.shape_cast %get3A_1281 : vector<1x16xf32> to vector<16xf32>
      %get3A_1283 = arith.constant 13 : i32
      %get3A_1284 = arith.index_cast %get3A_1283 : i32 to index
      %get3A_1285 = arith.constant 0 : index
      %get3A_1286 = tpu.vector_load %arg8[%get3A_1284, %get3A_1285] {strides = array<i32>} : memref<16x64xf32, #tpu.memory_space<vmem>>, vector<1x16xf32>,
      %get3A_1287 = vector.shape_cast %get3A_1286 : vector<1x16xf32> to vector<16xf32>
      %get3A_1288 = arith.constant 13 : i32
      %get3A_1289 = arith.index_cast %get3A_1288 : i32 to index
      %get3A_1290 = arith.constant 16 : index
      %get3A_1291 = tpu.vector_load %arg8[%get3A_1289, %get3A_1290] {strides = array<i32>} : memref<16x64xf32, #tpu.memory_space<vmem>>, vector<1x16xf32>,
      %get3A_1292 = vector.shape_cast %get3A_1291 : vector<1x16xf32> to vector<16xf32>
      %get3A_1293 = arith.constant 13 : i32
      %get3A_1294 = arith.index_cast %get3A_1293 : i32 to index
      %get3A_1295 = arith.constant 32 : index
      %get3A_1296 = tpu.vector_load %arg8[%get3A_1294, %get3A_1295] {strides = array<i32>} : memref<16x64xf32, #tpu.memory_space<vmem>>, vector<1x16xf32>,
      %get3A_1297 = vector.shape_cast %get3A_1296 : vector<1x16xf32> to vector<16xf32>
      %get3A_1298 = arith.constant 13 : i32
      %get3A_1299 = arith.index_cast %get3A_1298 : i32 to index
      %get3A_1300 = arith.constant 48 : index
      %get3A_1301 = tpu.vector_load %arg8[%get3A_1299, %get3A_1300] {strides = array<i32>} : memref<16x64xf32, #tpu.memory_space<vmem>>, vector<1x16xf32>,
      %get3A_1302 = vector.shape_cast %get3A_1301 : vector<1x16xf32> to vector<16xf32>
      %get3A_1303 = arith.constant 14 : i32
      %get3A_1304 = arith.index_cast %get3A_1303 : i32 to index
      %get3A_1305 = arith.constant 0 : index
      %get3A_1306 = tpu.vector_load %arg8[%get3A_1304, %get3A_1305] {strides = array<i32>} : memref<16x64xf32, #tpu.memory_space<vmem>>, vector<1x16xf32>,
      %get3A_1307 = vector.shape_cast %get3A_1306 : vector<1x16xf32> to vector<16xf32>
      %get3A_1308 = arith.constant 14 : i32
      %get3A_1309 = arith.index_cast %get3A_1308 : i32 to index
      %get3A_1310 = arith.constant 16 : index
      %get3A_1311 = tpu.vector_load %arg8[%get3A_1309, %get3A_1310] {strides = array<i32>} : memref<16x64xf32, #tpu.memory_space<vmem>>, vector<1x16xf32>,
      %get3A_1312 = vector.shape_cast %get3A_1311 : vector<1x16xf32> to vector<16xf32>
      %get3A_1313 = arith.constant 14 : i32
      %get3A_1314 = arith.index_cast %get3A_1313 : i32 to index
      %get3A_1315 = arith.constant 32 : index
      %get3A_1316 = tpu.vector_load %arg8[%get3A_1314, %get3A_1315] {strides = array<i32>} : memref<16x64xf32, #tpu.memory_space<vmem>>, vector<1x16xf32>,
      %get3A_1317 = vector.shape_cast %get3A_1316 : vector<1x16xf32> to vector<16xf32>
      %get3A_1318 = arith.constant 14 : i32
      %get3A_1319 = arith.index_cast %get3A_1318 : i32 to index
      %get3A_1320 = arith.constant 48 : index
      %get3A_1321 = tpu.vector_load %arg8[%get3A_1319, %get3A_1320] {strides = array<i32>} : memref<16x64xf32, #tpu.memory_space<vmem>>, vector<1x16xf32>,
      %get3A_1322 = vector.shape_cast %get3A_1321 : vector<1x16xf32> to vector<16xf32>
      %get3A_1323 = arith.constant 15 : i32
      %get3A_1324 = arith.index_cast %get3A_1323 : i32 to index
      %get3A_1325 = arith.constant 0 : index
      %get3A_1326 = tpu.vector_load %arg8[%get3A_1324, %get3A_1325] {strides = array<i32>} : memref<16x64xf32, #tpu.memory_space<vmem>>, vector<1x16xf32>,
      %get3A_1327 = vector.shape_cast %get3A_1326 : vector<1x16xf32> to vector<16xf32>
      %get3A_1328 = arith.constant 15 : i32
      %get3A_1329 = arith.index_cast %get3A_1328 : i32 to index
      %get3A_1330 = arith.constant 16 : index
      %get3A_1331 = tpu.vector_load %arg8[%get3A_1329, %get3A_1330] {strides = array<i32>} : memref<16x64xf32, #tpu.memory_space<vmem>>, vector<1x16xf32>,
      %get3A_1332 = vector.shape_cast %get3A_1331 : vector<1x16xf32> to vector<16xf32>
      %get3A_1333 = arith.constant 15 : i32
      %get3A_1334 = arith.index_cast %get3A_1333 : i32 to index
      %get3A_1335 = arith.constant 32 : index
      %get3A_1336 = tpu.vector_load %arg8[%get3A_1334, %get3A_1335] {strides = array<i32>} : memref<16x64xf32, #tpu.memory_space<vmem>>, vector<1x16xf32>,
      %get3A_1337 = vector.shape_cast %get3A_1336 : vector<1x16xf32> to vector<16xf32>
      %get3A_1338 = arith.constant 15 : i32
      %get3A_1339 = arith.index_cast %get3A_1338 : i32 to index
      %get3A_1340 = arith.constant 48 : index
      %get3A_1341 = tpu.vector_load %arg8[%get3A_1339, %get3A_1340] {strides = array<i32>} : memref<16x64xf32, #tpu.memory_space<vmem>>, vector<1x16xf32>,
      %get3A_1342 = vector.shape_cast %get3A_1341 : vector<1x16xf32> to vector<16xf32>
      %get3A_1343 = arith.constant 0 : i32
      %get3A_1344 = arith.index_cast %get3A_1343 : i32 to index
      %get3A_1345 = arith.constant 0 : index
      %get3A_1346 = tpu.vector_load %arg7[%get3A_1344, %get3A_1345] {strides = array<i32>} : memref<80x64xf32, #tpu.memory_space<vmem>>, vector<1x16xf32>,
      %get3A_1347 = vector.shape_cast %get3A_1346 : vector<1x16xf32> to vector<16xf32>
      %mul3A_1348 = arith.mulf %get3A_1027, %get3A_1347 : vector<16xf32>
      %get3A_1349 = arith.constant 0 : i32
      %get3A_1350 = arith.index_cast %get3A_1349 : i32 to index
      %get3A_1351 = arith.constant 16 : index
      %get3A_1352 = tpu.vector_load %arg7[%get3A_1350, %get3A_1351] {strides = array<i32>} : memref<80x64xf32, #tpu.memory_space<vmem>>, vector<1x16xf32>,
      %get3A_1353 = vector.shape_cast %get3A_1352 : vector<1x16xf32> to vector<16xf32>
      %mul3A_1354 = arith.mulf %get3A_1032, %get3A_1353 : vector<16xf32>
      %add3A_1355 = arith.addf %mul3A_1348, %mul3A_1354 : vector<16xf32>
      %get3A_1356 = arith.constant 0 : i32
      %get3A_1357 = arith.index_cast %get3A_1356 : i32 to index
      %get3A_1358 = arith.constant 32 : index
      %get3A_1359 = tpu.vector_load %arg7[%get3A_1357, %get3A_1358] {strides = array<i32>} : memref<80x64xf32, #tpu.memory_space<vmem>>, vector<1x16xf32>,
      %get3A_1360 = vector.shape_cast %get3A_1359 : vector<1x16xf32> to vector<16xf32>
      %mul3A_1361 = arith.mulf %get3A_1037, %get3A_1360 : vector<16xf32>
      %add3A_1362 = arith.addf %add3A_1355, %mul3A_1361 : vector<16xf32>
      %get3A_1363 = arith.constant 0 : i32
      %get3A_1364 = arith.index_cast %get3A_1363 : i32 to index
      %get3A_1365 = arith.constant 48 : index
      %get3A_1366 = tpu.vector_load %arg7[%get3A_1364, %get3A_1365] {strides = array<i32>} : memref<80x64xf32, #tpu.memory_space<vmem>>, vector<1x16xf32>,
      %get3A_1367 = vector.shape_cast %get3A_1366 : vector<1x16xf32> to vector<16xf32>
      %mul3A_1368 = arith.mulf %get3A_1042, %get3A_1367 : vector<16xf32>
      %add3A_1369 = arith.addf %add3A_1362, %mul3A_1368 : vector<16xf32>
      %get3A_1370 = arith.constant 1 : i32
      %get3A_1371 = arith.index_cast %get3A_1370 : i32 to index
      %get3A_1372 = arith.constant 0 : index
      %get3A_1373 = tpu.vector_load %arg7[%get3A_1371, %get3A_1372] {strides = array<i32>} : memref<80x64xf32, #tpu.memory_space<vmem>>, vector<1x16xf32>,
      %get3A_1374 = vector.shape_cast %get3A_1373 : vector<1x16xf32> to vector<16xf32>
      %mul3A_1375 = arith.mulf %get3A_1027, %get3A_1374 : vector<16xf32>
      %get3A_1376 = arith.constant 1 : i32
      %get3A_1377 = arith.index_cast %get3A_1376 : i32 to index
      %get3A_1378 = arith.constant 16 : index
      %get3A_1379 = tpu.vector_load %arg7[%get3A_1377, %get3A_1378] {strides = array<i32>} : memref<80x64xf32, #tpu.memory_space<vmem>>, vector<1x16xf32>,
      %get3A_1380 = vector.shape_cast %get3A_1379 : vector<1x16xf32> to vector<16xf32>
      %mul3A_1381 = arith.mulf %get3A_1032, %get3A_1380 : vector<16xf32>
      %add3A_1382 = arith.addf %mul3A_1375, %mul3A_1381 : vector<16xf32>
      %get3A_1383 = arith.constant 1 : i32
      %get3A_1384 = arith.index_cast %get3A_1383 : i32 to index
      %get3A_1385 = arith.constant 32 : index
      %get3A_1386 = tpu.vector_load %arg7[%get3A_1384, %get3A_1385] {strides = array<i32>} : memref<80x64xf32, #tpu.memory_space<vmem>>, vector<1x16xf32>,
      %get3A_1387 = vector.shape_cast %get3A_1386 : vector<1x16xf32> to vector<16xf32>
      %mul3A_1388 = arith.mulf %get3A_1037, %get3A_1387 : vector<16xf32>
      %add3A_1389 = arith.addf %add3A_1382, %mul3A_1388 : vector<16xf32>
      %get3A_1390 = arith.constant 1 : i32
      %get3A_1391 = arith.index_cast %get3A_1390 : i32 to index
      %get3A_1392 = arith.constant 48 : index
      %get3A_1393 = tpu.vector_load %arg7[%get3A_1391, %get3A_1392] {strides = array<i32>} : memref<80x64xf32, #tpu.memory_space<vmem>>, vector<1x16xf32>,
      %get3A_1394 = vector.shape_cast %get3A_1393 : vector<1x16xf32> to vector<16xf32>
      %mul3A_1395 = arith.mulf %get3A_1042, %get3A_1394 : vector<16xf32>
      %add3A_1396 = arith.addf %add3A_1389, %mul3A_1395 : vector<16xf32>
      %get3A_1397 = arith.constant 2 : i32
      %get3A_1398 = arith.index_cast %get3A_1397 : i32 to index
      %get3A_1399 = arith.constant 0 : index
      %get3A_1400 = tpu.vector_load %arg7[%get3A_1398, %get3A_1399] {strides = array<i32>} : memref<80x64xf32, #tpu.memory_space<vmem>>, vector<1x16xf32>,
      %get3A_1401 = vector.shape_cast %get3A_1400 : vector<1x16xf32> to vector<16xf32>
      %mul3A_1402 = arith.mulf %get3A_1027, %get3A_1401 : vector<16xf32>
      %get3A_1403 = arith.constant 2 : i32
      %get3A_1404 = arith.index_cast %get3A_1403 : i32 to index
      %get3A_1405 = arith.constant 16 : index
      %get3A_1406 = tpu.vector_load %arg7[%get3A_1404, %get3A_1405] {strides = array<i32>} : memref<80x64xf32, #tpu.memory_space<vmem>>, vector<1x16xf32>,
      %get3A_1407 = vector.shape_cast %get3A_1406 : vector<1x16xf32> to vector<16xf32>
      %mul3A_1408 = arith.mulf %get3A_1032, %get3A_1407 : vector<16xf32>
      %add3A_1409 = arith.addf %mul3A_1402, %mul3A_1408 : vector<16xf32>
      %get3A_1410 = arith.constant 2 : i32
      %get3A_1411 = arith.index_cast %get3A_1410 : i32 to index
      %get3A_1412 = arith.constant 32 : index
      %get3A_1413 = tpu.vector_load %arg7[%get3A_1411, %get3A_1412] {strides = array<i32>} : memref<80x64xf32, #tpu.memory_space<vmem>>, vector<1x16xf32>,
      %get3A_1414 = vector.shape_cast %get3A_1413 : vector<1x16xf32> to vector<16xf32>
      %mul3A_1415 = arith.mulf %get3A_1037, %get3A_1414 : vector<16xf32>
      %add3A_1416 = arith.addf %add3A_1409, %mul3A_1415 : vector<16xf32>
      %get3A_1417 = arith.constant 2 : i32
      %get3A_1418 = arith.index_cast %get3A_1417 : i32 to index
      %get3A_1419 = arith.constant 48 : index
      %get3A_1420 = tpu.vector_load %arg7[%get3A_1418, %get3A_1419] {strides = array<i32>} : memref<80x64xf32, #tpu.memory_space<vmem>>, vector<1x16xf32>,
      %get3A_1421 = vector.shape_cast %get3A_1420 : vector<1x16xf32> to vector<16xf32>
      %mul3A_1422 = arith.mulf %get3A_1042, %get3A_1421 : vector<16xf32>
      %add3A_1423 = arith.addf %add3A_1416, %mul3A_1422 : vector<16xf32>
      %get3A_1424 = arith.constant 3 : i32
      %get3A_1425 = arith.index_cast %get3A_1424 : i32 to index
      %get3A_1426 = arith.constant 0 : index
      %get3A_1427 = tpu.vector_load %arg7[%get3A_1425, %get3A_1426] {strides = array<i32>} : memref<80x64xf32, #tpu.memory_space<vmem>>, vector<1x16xf32>,
      %get3A_1428 = vector.shape_cast %get3A_1427 : vector<1x16xf32> to vector<16xf32>
      %mul3A_1429 = arith.mulf %get3A_1027, %get3A_1428 : vector<16xf32>
      %get3A_1430 = arith.constant 3 : i32
      %get3A_1431 = arith.index_cast %get3A_1430 : i32 to index
      %get3A_1432 = arith.constant 16 : index
      %get3A_1433 = tpu.vector_load %arg7[%get3A_1431, %get3A_1432] {strides = array<i32>} : memref<80x64xf32, #tpu.memory_space<vmem>>, vector<1x16xf32>,
      %get3A_1434 = vector.shape_cast %get3A_1433 : vector<1x16xf32> to vector<16xf32>
      %mul3A_1435 = arith.mulf %get3A_1032, %get3A_1434 : vector<16xf32>
      %add3A_1436 = arith.addf %mul3A_1429, %mul3A_1435 : vector<16xf32>
      %get3A_1437 = arith.constant 3 : i32
      %get3A_1438 = arith.index_cast %get3A_1437 : i32 to index
      %get3A_1439 = arith.constant 32 : index
      %get3A_1440 = tpu.vector_load %arg7[%get3A_1438, %get3A_1439] {strides = array<i32>} : memref<80x64xf32, #tpu.memory_space<vmem>>, vector<1x16xf32>,
      %get3A_1441 = vector.shape_cast %get3A_1440 : vector<1x16xf32> to vector<16xf32>
      %mul3A_1442 = arith.mulf %get3A_1037, %get3A_1441 : vector<16xf32>
      %add3A_1443 = arith.addf %add3A_1436, %mul3A_1442 : vector<16xf32>
      %get3A_1444 = arith.constant 3 : i32
      %get3A_1445 = arith.index_cast %get3A_1444 : i32 to index
      %get3A_1446 = arith.constant 48 : index
      %get3A_1447 = tpu.vector_load %arg7[%get3A_1445, %get3A_1446] {strides = array<i32>} : memref<80x64xf32, #tpu.memory_space<vmem>>, vector<1x16xf32>,
      %get3A_1448 = vector.shape_cast %get3A_1447 : vector<1x16xf32> to vector<16xf32>
      %mul3A_1449 = arith.mulf %get3A_1042, %get3A_1448 : vector<16xf32>
      %add3A_1450 = arith.addf %add3A_1443, %mul3A_1449 : vector<16xf32>
      %get3A_1451 = arith.constant 4 : i32
      %get3A_1452 = arith.index_cast %get3A_1451 : i32 to index
      %get3A_1453 = arith.constant 0 : index
      %get3A_1454 = tpu.vector_load %arg7[%get3A_1452, %get3A_1453] {strides = array<i32>} : memref<80x64xf32, #tpu.memory_space<vmem>>, vector<1x16xf32>,
      %get3A_1455 = vector.shape_cast %get3A_1454 : vector<1x16xf32> to vector<16xf32>
      %mul3A_1456 = arith.mulf %get3A_1027, %get3A_1455 : vector<16xf32>
      %get3A_1457 = arith.constant 4 : i32
      %get3A_1458 = arith.index_cast %get3A_1457 : i32 to index
      %get3A_1459 = arith.constant 16 : index
      %get3A_1460 = tpu.vector_load %arg7[%get3A_1458, %get3A_1459] {strides = array<i32>} : memref<80x64xf32, #tpu.memory_space<vmem>>, vector<1x16xf32>,
      %get3A_1461 = vector.shape_cast %get3A_1460 : vector<1x16xf32> to vector<16xf32>
      %mul3A_1462 = arith.mulf %get3A_1032, %get3A_1461 : vector<16xf32>
      %add3A_1463 = arith.addf %mul3A_1456, %mul3A_1462 : vector<16xf32>
      %get3A_1464 = arith.constant 4 : i32
      %get3A_1465 = arith.index_cast %get3A_1464 : i32 to index
      %get3A_1466 = arith.constant 32 : index
      %get3A_1467 = tpu.vector_load %arg7[%get3A_1465, %get3A_1466] {strides = array<i32>} : memref<80x64xf32, #tpu.memory_space<vmem>>, vector<1x16xf32>,
      %get3A_1468 = vector.shape_cast %get3A_1467 : vector<1x16xf32> to vector<16xf32>
      %mul3A_1469 = arith.mulf %get3A_1037, %get3A_1468 : vector<16xf32>
      %add3A_1470 = arith.addf %add3A_1463, %mul3A_1469 : vector<16xf32>
      %get3A_1471 = arith.constant 4 : i32
      %get3A_1472 = arith.index_cast %get3A_1471 : i32 to index
      %get3A_1473 = arith.constant 48 : index
      %get3A_1474 = tpu.vector_load %arg7[%get3A_1472, %get3A_1473] {strides = array<i32>} : memref<80x64xf32, #tpu.memory_space<vmem>>, vector<1x16xf32>,
      %get3A_1475 = vector.shape_cast %get3A_1474 : vector<1x16xf32> to vector<16xf32>
      %mul3A_1476 = arith.mulf %get3A_1042, %get3A_1475 : vector<16xf32>
      %add3A_1477 = arith.addf %add3A_1470, %mul3A_1476 : vector<16xf32>
      %get3A_1478 = arith.constant 5 : i32
      %get3A_1479 = arith.index_cast %get3A_1478 : i32 to index
      %get3A_1480 = arith.constant 0 : index
      %get3A_1481 = tpu.vector_load %arg7[%get3A_1479, %get3A_1480] {strides = array<i32>} : memref<80x64xf32, #tpu.memory_space<vmem>>, vector<1x16xf32>,
      %get3A_1482 = vector.shape_cast %get3A_1481 : vector<1x16xf32> to vector<16xf32>
      %mul3A_1483 = arith.mulf %get3A_1047, %get3A_1482 : vector<16xf32>
      %get3A_1484 = arith.constant 5 : i32
      %get3A_1485 = arith.index_cast %get3A_1484 : i32 to index
      %get3A_1486 = arith.constant 16 : index
      %get3A_1487 = tpu.vector_load %arg7[%get3A_1485, %get3A_1486] {strides = array<i32>} : memref<80x64xf32, #tpu.memory_space<vmem>>, vector<1x16xf32>,
      %get3A_1488 = vector.shape_cast %get3A_1487 : vector<1x16xf32> to vector<16xf32>
      %mul3A_1489 = arith.mulf %get3A_1052, %get3A_1488 : vector<16xf32>
      %add3A_1490 = arith.addf %mul3A_1483, %mul3A_1489 : vector<16xf32>
      %get3A_1491 = arith.constant 5 : i32
      %get3A_1492 = arith.index_cast %get3A_1491 : i32 to index
      %get3A_1493 = arith.constant 32 : index
      %get3A_1494 = tpu.vector_load %arg7[%get3A_1492, %get3A_1493] {strides = array<i32>} : memref<80x64xf32, #tpu.memory_space<vmem>>, vector<1x16xf32>,
      %get3A_1495 = vector.shape_cast %get3A_1494 : vector<1x16xf32> to vector<16xf32>
      %mul3A_1496 = arith.mulf %get3A_1057, %get3A_1495 : vector<16xf32>
      %add3A_1497 = arith.addf %add3A_1490, %mul3A_1496 : vector<16xf32>
      %get3A_1498 = arith.constant 5 : i32
      %get3A_1499 = arith.index_cast %get3A_1498 : i32 to index
      %get3A_1500 = arith.constant 48 : index
      %get3A_1501 = tpu.vector_load %arg7[%get3A_1499, %get3A_1500] {strides = array<i32>} : memref<80x64xf32, #tpu.memory_space<vmem>>, vector<1x16xf32>,
      %get3A_1502 = vector.shape_cast %get3A_1501 : vector<1x16xf32> to vector<16xf32>
      %mul3A_1503 = arith.mulf %get3A_1062, %get3A_1502 : vector<16xf32>
      %add3A_1504 = arith.addf %add3A_1497, %mul3A_1503 : vector<16xf32>
      %get3A_1505 = arith.constant 6 : i32
      %get3A_1506 = arith.index_cast %get3A_1505 : i32 to index
      %get3A_1507 = arith.constant 0 : index
      %get3A_1508 = tpu.vector_load %arg7[%get3A_1506, %get3A_1507] {strides = array<i32>} : memref<80x64xf32, #tpu.memory_space<vmem>>, vector<1x16xf32>,
      %get3A_1509 = vector.shape_cast %get3A_1508 : vector<1x16xf32> to vector<16xf32>
      %mul3A_1510 = arith.mulf %get3A_1047, %get3A_1509 : vector<16xf32>
      %get3A_1511 = arith.constant 6 : i32
      %get3A_1512 = arith.index_cast %get3A_1511 : i32 to index
      %get3A_1513 = arith.constant 16 : index
      %get3A_1514 = tpu.vector_load %arg7[%get3A_1512, %get3A_1513] {strides = array<i32>} : memref<80x64xf32, #tpu.memory_space<vmem>>, vector<1x16xf32>,
      %get3A_1515 = vector.shape_cast %get3A_1514 : vector<1x16xf32> to vector<16xf32>
      %mul3A_1516 = arith.mulf %get3A_1052, %get3A_1515 : vector<16xf32>
      %add3A_1517 = arith.addf %mul3A_1510, %mul3A_1516 : vector<16xf32>
      %get3A_1518 = arith.constant 6 : i32
      %get3A_1519 = arith.index_cast %get3A_1518 : i32 to index
      %get3A_1520 = arith.constant 32 : index
      %get3A_1521 = tpu.vector_load %arg7[%get3A_1519, %get3A_1520] {strides = array<i32>} : memref<80x64xf32, #tpu.memory_space<vmem>>, vector<1x16xf32>,
      %get3A_1522 = vector.shape_cast %get3A_1521 : vector<1x16xf32> to vector<16xf32>
      %mul3A_1523 = arith.mulf %get3A_1057, %get3A_1522 : vector<16xf32>
      %add3A_1524 = arith.addf %add3A_1517, %mul3A_1523 : vector<16xf32>
      %get3A_1525 = arith.constant 6 : i32
      %get3A_1526 = arith.index_cast %get3A_1525 : i32 to index
      %get3A_1527 = arith.constant 48 : index
      %get3A_1528 = tpu.vector_load %arg7[%get3A_1526, %get3A_1527] {strides = array<i32>} : memref<80x64xf32, #tpu.memory_space<vmem>>, vector<1x16xf32>,
      %get3A_1529 = vector.shape_cast %get3A_1528 : vector<1x16xf32> to vector<16xf32>
      %mul3A_1530 = arith.mulf %get3A_1062, %get3A_1529 : vector<16xf32>
      %add3A_1531 = arith.addf %add3A_1524, %mul3A_1530 : vector<16xf32>
      %get3A_1532 = arith.constant 7 : i32
      %get3A_1533 = arith.index_cast %get3A_1532 : i32 to index
      %get3A_1534 = arith.constant 0 : index
      %get3A_1535 = tpu.vector_load %arg7[%get3A_1533, %get3A_1534] {strides = array<i32>} : memref<80x64xf32, #tpu.memory_space<vmem>>, vector<1x16xf32>,
      %get3A_1536 = vector.shape_cast %get3A_1535 : vector<1x16xf32> to vector<16xf32>
      %mul3A_1537 = arith.mulf %get3A_1047, %get3A_1536 : vector<16xf32>
      %get3A_1538 = arith.constant 7 : i32
      %get3A_1539 = arith.index_cast %get3A_1538 : i32 to index
      %get3A_1540 = arith.constant 16 : index
      %get3A_1541 = tpu.vector_load %arg7[%get3A_1539, %get3A_1540] {strides = array<i32>} : memref<80x64xf32, #tpu.memory_space<vmem>>, vector<1x16xf32>,
      %get3A_1542 = vector.shape_cast %get3A_1541 : vector<1x16xf32> to vector<16xf32>
      %mul3A_1543 = arith.mulf %get3A_1052, %get3A_1542 : vector<16xf32>
      %add3A_1544 = arith.addf %mul3A_1537, %mul3A_1543 : vector<16xf32>
      %get3A_1545 = arith.constant 7 : i32
      %get3A_1546 = arith.index_cast %get3A_1545 : i32 to index
      %get3A_1547 = arith.constant 32 : index
      %get3A_1548 = tpu.vector_load %arg7[%get3A_1546, %get3A_1547] {strides = array<i32>} : memref<80x64xf32, #tpu.memory_space<vmem>>, vector<1x16xf32>,
      %get3A_1549 = vector.shape_cast %get3A_1548 : vector<1x16xf32> to vector<16xf32>
      %mul3A_1550 = arith.mulf %get3A_1057, %get3A_1549 : vector<16xf32>
      %add3A_1551 = arith.addf %add3A_1544, %mul3A_1550 : vector<16xf32>
      %get3A_1552 = arith.constant 7 : i32
      %get3A_1553 = arith.index_cast %get3A_1552 : i32 to index
      %get3A_1554 = arith.constant 48 : index
      %get3A_1555 = tpu.vector_load %arg7[%get3A_1553, %get3A_1554] {strides = array<i32>} : memref<80x64xf32, #tpu.memory_space<vmem>>, vector<1x16xf32>,
      %get3A_1556 = vector.shape_cast %get3A_1555 : vector<1x16xf32> to vector<16xf32>
      %mul3A_1557 = arith.mulf %get3A_1062, %get3A_1556 : vector<16xf32>
      %add3A_1558 = arith.addf %add3A_1551, %mul3A_1557 : vector<16xf32>
      %get3A_1559 = arith.constant 8 : i32
      %get3A_1560 = arith.index_cast %get3A_1559 : i32 to index
      %get3A_1561 = arith.constant 0 : index
      %get3A_1562 = tpu.vector_load %arg7[%get3A_1560, %get3A_1561] {strides = array<i32>} : memref<80x64xf32, #tpu.memory_space<vmem>>, vector<1x16xf32>,
      %get3A_1563 = vector.shape_cast %get3A_1562 : vector<1x16xf32> to vector<16xf32>
      %mul3A_1564 = arith.mulf %get3A_1047, %get3A_1563 : vector<16xf32>
      %get3A_1565 = arith.constant 8 : i32
      %get3A_1566 = arith.index_cast %get3A_1565 : i32 to index
      %get3A_1567 = arith.constant 16 : index
      %get3A_1568 = tpu.vector_load %arg7[%get3A_1566, %get3A_1567] {strides = array<i32>} : memref<80x64xf32, #tpu.memory_space<vmem>>, vector<1x16xf32>,
      %get3A_1569 = vector.shape_cast %get3A_1568 : vector<1x16xf32> to vector<16xf32>
      %mul3A_1570 = arith.mulf %get3A_1052, %get3A_1569 : vector<16xf32>
      %add3A_1571 = arith.addf %mul3A_1564, %mul3A_1570 : vector<16xf32>
      %get3A_1572 = arith.constant 8 : i32
      %get3A_1573 = arith.index_cast %get3A_1572 : i32 to index
      %get3A_1574 = arith.constant 32 : index
      %get3A_1575 = tpu.vector_load %arg7[%get3A_1573, %get3A_1574] {strides = array<i32>} : memref<80x64xf32, #tpu.memory_space<vmem>>, vector<1x16xf32>,
      %get3A_1576 = vector.shape_cast %get3A_1575 : vector<1x16xf32> to vector<16xf32>
      %mul3A_1577 = arith.mulf %get3A_1057, %get3A_1576 : vector<16xf32>
      %add3A_1578 = arith.addf %add3A_1571, %mul3A_1577 : vector<16xf32>
      %get3A_1579 = arith.constant 8 : i32
      %get3A_1580 = arith.index_cast %get3A_1579 : i32 to index
      %get3A_1581 = arith.constant 48 : index
      %get3A_1582 = tpu.vector_load %arg7[%get3A_1580, %get3A_1581] {strides = array<i32>} : memref<80x64xf32, #tpu.memory_space<vmem>>, vector<1x16xf32>,
      %get3A_1583 = vector.shape_cast %get3A_1582 : vector<1x16xf32> to vector<16xf32>
      %mul3A_1584 = arith.mulf %get3A_1062, %get3A_1583 : vector<16xf32>
      %add3A_1585 = arith.addf %add3A_1578, %mul3A_1584 : vector<16xf32>
      %get3A_1586 = arith.constant 9 : i32
      %get3A_1587 = arith.index_cast %get3A_1586 : i32 to index
      %get3A_1588 = arith.constant 0 : index
      %get3A_1589 = tpu.vector_load %arg7[%get3A_1587, %get3A_1588] {strides = array<i32>} : memref<80x64xf32, #tpu.memory_space<vmem>>, vector<1x16xf32>,
      %get3A_1590 = vector.shape_cast %get3A_1589 : vector<1x16xf32> to vector<16xf32>
      %mul3A_1591 = arith.mulf %get3A_1047, %get3A_1590 : vector<16xf32>
      %get3A_1592 = arith.constant 9 : i32
      %get3A_1593 = arith.index_cast %get3A_1592 : i32 to index
      %get3A_1594 = arith.constant 16 : index
      %get3A_1595 = tpu.vector_load %arg7[%get3A_1593, %get3A_1594] {strides = array<i32>} : memref<80x64xf32, #tpu.memory_space<vmem>>, vector<1x16xf32>,
      %get3A_1596 = vector.shape_cast %get3A_1595 : vector<1x16xf32> to vector<16xf32>
      %mul3A_1597 = arith.mulf %get3A_1052, %get3A_1596 : vector<16xf32>
      %add3A_1598 = arith.addf %mul3A_1591, %mul3A_1597 : vector<16xf32>
      %get3A_1599 = arith.constant 9 : i32
      %get3A_1600 = arith.index_cast %get3A_1599 : i32 to index
      %get3A_1601 = arith.constant 32 : index
      %get3A_1602 = tpu.vector_load %arg7[%get3A_1600, %get3A_1601] {strides = array<i32>} : memref<80x64xf32, #tpu.memory_space<vmem>>, vector<1x16xf32>,
      %get3A_1603 = vector.shape_cast %get3A_1602 : vector<1x16xf32> to vector<16xf32>
      %mul3A_1604 = arith.mulf %get3A_1057, %get3A_1603 : vector<16xf32>
      %add3A_1605 = arith.addf %add3A_1598, %mul3A_1604 : vector<16xf32>
      %get3A_1606 = arith.constant 9 : i32
      %get3A_1607 = arith.index_cast %get3A_1606 : i32 to index
      %get3A_1608 = arith.constant 48 : index
      %get3A_1609 = tpu.vector_load %arg7[%get3A_1607, %get3A_1608] {strides = array<i32>} : memref<80x64xf32, #tpu.memory_space<vmem>>, vector<1x16xf32>,
      %get3A_1610 = vector.shape_cast %get3A_1609 : vector<1x16xf32> to vector<16xf32>
      %mul3A_1611 = arith.mulf %get3A_1062, %get3A_1610 : vector<16xf32>
      %add3A_1612 = arith.addf %add3A_1605, %mul3A_1611 : vector<16xf32>
      %get3A_1613 = arith.constant 10 : i32
      %get3A_1614 = arith.index_cast %get3A_1613 : i32 to index
      %get3A_1615 = arith.constant 0 : index
      %get3A_1616 = tpu.vector_load %arg7[%get3A_1614, %get3A_1615] {strides = array<i32>} : memref<80x64xf32, #tpu.memory_space<vmem>>, vector<1x16xf32>,
      %get3A_1617 = vector.shape_cast %get3A_1616 : vector<1x16xf32> to vector<16xf32>
      %mul3A_1618 = arith.mulf %get3A_1067, %get3A_1617 : vector<16xf32>
      %get3A_1619 = arith.constant 10 : i32
      %get3A_1620 = arith.index_cast %get3A_1619 : i32 to index
      %get3A_1621 = arith.constant 16 : index
      %get3A_1622 = tpu.vector_load %arg7[%get3A_1620, %get3A_1621] {strides = array<i32>} : memref<80x64xf32, #tpu.memory_space<vmem>>, vector<1x16xf32>,
      %get3A_1623 = vector.shape_cast %get3A_1622 : vector<1x16xf32> to vector<16xf32>
      %mul3A_1624 = arith.mulf %get3A_1072, %get3A_1623 : vector<16xf32>
      %add3A_1625 = arith.addf %mul3A_1618, %mul3A_1624 : vector<16xf32>
      %get3A_1626 = arith.constant 10 : i32
      %get3A_1627 = arith.index_cast %get3A_1626 : i32 to index
      %get3A_1628 = arith.constant 32 : index
      %get3A_1629 = tpu.vector_load %arg7[%get3A_1627, %get3A_1628] {strides = array<i32>} : memref<80x64xf32, #tpu.memory_space<vmem>>, vector<1x16xf32>,
      %get3A_1630 = vector.shape_cast %get3A_1629 : vector<1x16xf32> to vector<16xf32>
      %mul3A_1631 = arith.mulf %get3A_1077, %get3A_1630 : vector<16xf32>
      %add3A_1632 = arith.addf %add3A_1625, %mul3A_1631 : vector<16xf32>
      %get3A_1633 = arith.constant 10 : i32
      %get3A_1634 = arith.index_cast %get3A_1633 : i32 to index
      %get3A_1635 = arith.constant 48 : index
      %get3A_1636 = tpu.vector_load %arg7[%get3A_1634, %get3A_1635] {strides = array<i32>} : memref<80x64xf32, #tpu.memory_space<vmem>>, vector<1x16xf32>,
      %get3A_1637 = vector.shape_cast %get3A_1636 : vector<1x16xf32> to vector<16xf32>
      %mul3A_1638 = arith.mulf %get3A_1082, %get3A_1637 : vector<16xf32>
      %add3A_1639 = arith.addf %add3A_1632, %mul3A_1638 : vector<16xf32>
      %get3A_1640 = arith.constant 11 : i32
      %get3A_1641 = arith.index_cast %get3A_1640 : i32 to index
      %get3A_1642 = arith.constant 0 : index
      %get3A_1643 = tpu.vector_load %arg7[%get3A_1641, %get3A_1642] {strides = array<i32>} : memref<80x64xf32, #tpu.memory_space<vmem>>, vector<1x16xf32>,
      %get3A_1644 = vector.shape_cast %get3A_1643 : vector<1x16xf32> to vector<16xf32>
      %mul3A_1645 = arith.mulf %get3A_1067, %get3A_1644 : vector<16xf32>
      %get3A_1646 = arith.constant 11 : i32
      %get3A_1647 = arith.index_cast %get3A_1646 : i32 to index
      %get3A_1648 = arith.constant 16 : index
      %get3A_1649 = tpu.vector_load %arg7[%get3A_1647, %get3A_1648] {strides = array<i32>} : memref<80x64xf32, #tpu.memory_space<vmem>>, vector<1x16xf32>,
      %get3A_1650 = vector.shape_cast %get3A_1649 : vector<1x16xf32> to vector<16xf32>
      %mul3A_1651 = arith.mulf %get3A_1072, %get3A_1650 : vector<16xf32>
      %add3A_1652 = arith.addf %mul3A_1645, %mul3A_1651 : vector<16xf32>
      %get3A_1653 = arith.constant 11 : i32
      %get3A_1654 = arith.index_cast %get3A_1653 : i32 to index
      %get3A_1655 = arith.constant 32 : index
      %get3A_1656 = tpu.vector_load %arg7[%get3A_1654, %get3A_1655] {strides = array<i32>} : memref<80x64xf32, #tpu.memory_space<vmem>>, vector<1x16xf32>,
      %get3A_1657 = vector.shape_cast %get3A_1656 : vector<1x16xf32> to vector<16xf32>
      %mul3A_1658 = arith.mulf %get3A_1077, %get3A_1657 : vector<16xf32>
      %add3A_1659 = arith.addf %add3A_1652, %mul3A_1658 : vector<16xf32>
      %get3A_1660 = arith.constant 11 : i32
      %get3A_1661 = arith.index_cast %get3A_1660 : i32 to index
      %get3A_1662 = arith.constant 48 : index
      %get3A_1663 = tpu.vector_load %arg7[%get3A_1661, %get3A_1662] {strides = array<i32>} : memref<80x64xf32, #tpu.memory_space<vmem>>, vector<1x16xf32>,
      %get3A_1664 = vector.shape_cast %get3A_1663 : vector<1x16xf32> to vector<16xf32>
      %mul3A_1665 = arith.mulf %get3A_1082, %get3A_1664 : vector<16xf32>
      %add3A_1666 = arith.addf %add3A_1659, %mul3A_1665 : vector<16xf32>
      %get3A_1667 = arith.constant 12 : i32
      %get3A_1668 = arith.index_cast %get3A_1667 : i32 to index
      %get3A_1669 = arith.constant 0 : index
      %get3A_1670 = tpu.vector_load %arg7[%get3A_1668, %get3A_1669] {strides = array<i32>} : memref<80x64xf32, #tpu.memory_space<vmem>>, vector<1x16xf32>,
      %get3A_1671 = vector.shape_cast %get3A_1670 : vector<1x16xf32> to vector<16xf32>
      %mul3A_1672 = arith.mulf %get3A_1067, %get3A_1671 : vector<16xf32>
      %get3A_1673 = arith.constant 12 : i32
      %get3A_1674 = arith.index_cast %get3A_1673 : i32 to index
      %get3A_1675 = arith.constant 16 : index
      %get3A_1676 = tpu.vector_load %arg7[%get3A_1674, %get3A_1675] {strides = array<i32>} : memref<80x64xf32, #tpu.memory_space<vmem>>, vector<1x16xf32>,
      %get3A_1677 = vector.shape_cast %get3A_1676 : vector<1x16xf32> to vector<16xf32>
      %mul3A_1678 = arith.mulf %get3A_1072, %get3A_1677 : vector<16xf32>
      %add3A_1679 = arith.addf %mul3A_1672, %mul3A_1678 : vector<16xf32>
      %get3A_1680 = arith.constant 12 : i32
      %get3A_1681 = arith.index_cast %get3A_1680 : i32 to index
      %get3A_1682 = arith.constant 32 : index
      %get3A_1683 = tpu.vector_load %arg7[%get3A_1681, %get3A_1682] {strides = array<i32>} : memref<80x64xf32, #tpu.memory_space<vmem>>, vector<1x16xf32>,
      %get3A_1684 = vector.shape_cast %get3A_1683 : vector<1x16xf32> to vector<16xf32>
      %mul3A_1685 = arith.mulf %get3A_1077, %get3A_1684 : vector<16xf32>
      %add3A_1686 = arith.addf %add3A_1679, %mul3A_1685 : vector<16xf32>
      %get3A_1687 = arith.constant 12 : i32
      %get3A_1688 = arith.index_cast %get3A_1687 : i32 to index
      %get3A_1689 = arith.constant 48 : index
      %get3A_1690 = tpu.vector_load %arg7[%get3A_1688, %get3A_1689] {strides = array<i32>} : memref<80x64xf32, #tpu.memory_space<vmem>>, vector<1x16xf32>,
      %get3A_1691 = vector.shape_cast %get3A_1690 : vector<1x16xf32> to vector<16xf32>
      %mul3A_1692 = arith.mulf %get3A_1082, %get3A_1691 : vector<16xf32>
      %add3A_1693 = arith.addf %add3A_1686, %mul3A_1692 : vector<16xf32>
      %get3A_1694 = arith.constant 13 : i32
      %get3A_1695 = arith.index_cast %get3A_1694 : i32 to index
      %get3A_1696 = arith.constant 0 : index
      %get3A_1697 = tpu.vector_load %arg7[%get3A_1695, %get3A_1696] {strides = array<i32>} : memref<80x64xf32, #tpu.memory_space<vmem>>, vector<1x16xf32>,
      %get3A_1698 = vector.shape_cast %get3A_1697 : vector<1x16xf32> to vector<16xf32>
      %mul3A_1699 = arith.mulf %get3A_1067, %get3A_1698 : vector<16xf32>
      %get3A_1700 = arith.constant 13 : i32
      %get3A_1701 = arith.index_cast %get3A_1700 : i32 to index
      %get3A_1702 = arith.constant 16 : index
      %get3A_1703 = tpu.vector_load %arg7[%get3A_1701, %get3A_1702] {strides = array<i32>} : memref<80x64xf32, #tpu.memory_space<vmem>>, vector<1x16xf32>,
      %get3A_1704 = vector.shape_cast %get3A_1703 : vector<1x16xf32> to vector<16xf32>
      %mul3A_1705 = arith.mulf %get3A_1072, %get3A_1704 : vector<16xf32>
      %add3A_1706 = arith.addf %mul3A_1699, %mul3A_1705 : vector<16xf32>
      %get3A_1707 = arith.constant 13 : i32
      %get3A_1708 = arith.index_cast %get3A_1707 : i32 to index
      %get3A_1709 = arith.constant 32 : index
      %get3A_1710 = tpu.vector_load %arg7[%get3A_1708, %get3A_1709] {strides = array<i32>} : memref<80x64xf32, #tpu.memory_space<vmem>>, vector<1x16xf32>,
      %get3A_1711 = vector.shape_cast %get3A_1710 : vector<1x16xf32> to vector<16xf32>
      %mul3A_1712 = arith.mulf %get3A_1077, %get3A_1711 : vector<16xf32>
      %add3A_1713 = arith.addf %add3A_1706, %mul3A_1712 : vector<16xf32>
      %get3A_1714 = arith.constant 13 : i32
      %get3A_1715 = arith.index_cast %get3A_1714 : i32 to index
      %get3A_1716 = arith.constant 48 : index
      %get3A_1717 = tpu.vector_load %arg7[%get3A_1715, %get3A_1716] {strides = array<i32>} : memref<80x64xf32, #tpu.memory_space<vmem>>, vector<1x16xf32>,
      %get3A_1718 = vector.shape_cast %get3A_1717 : vector<1x16xf32> to vector<16xf32>
      %mul3A_1719 = arith.mulf %get3A_1082, %get3A_1718 : vector<16xf32>
      %add3A_1720 = arith.addf %add3A_1713, %mul3A_1719 : vector<16xf32>
      %get3A_1721 = arith.constant 14 : i32
      %get3A_1722 = arith.index_cast %get3A_1721 : i32 to index
      %get3A_1723 = arith.constant 0 : index
      %get3A_1724 = tpu.vector_load %arg7[%get3A_1722, %get3A_1723] {strides = array<i32>} : memref<80x64xf32, #tpu.memory_space<vmem>>, vector<1x16xf32>,
      %get3A_1725 = vector.shape_cast %get3A_1724 : vector<1x16xf32> to vector<16xf32>
      %mul3A_1726 = arith.mulf %get3A_1067, %get3A_1725 : vector<16xf32>
      %get3A_1727 = arith.constant 14 : i32
      %get3A_1728 = arith.index_cast %get3A_1727 : i32 to index
      %get3A_1729 = arith.constant 16 : index
      %get3A_1730 = tpu.vector_load %arg7[%get3A_1728, %get3A_1729] {strides = array<i32>} : memref<80x64xf32, #tpu.memory_space<vmem>>, vector<1x16xf32>,
      %get3A_1731 = vector.shape_cast %get3A_1730 : vector<1x16xf32> to vector<16xf32>
      %mul3A_1732 = arith.mulf %get3A_1072, %get3A_1731 : vector<16xf32>
      %add3A_1733 = arith.addf %mul3A_1726, %mul3A_1732 : vector<16xf32>
      %get3A_1734 = arith.constant 14 : i32
      %get3A_1735 = arith.index_cast %get3A_1734 : i32 to index
      %get3A_1736 = arith.constant 32 : index
      %get3A_1737 = tpu.vector_load %arg7[%get3A_1735, %get3A_1736] {strides = array<i32>} : memref<80x64xf32, #tpu.memory_space<vmem>>, vector<1x16xf32>,
      %get3A_1738 = vector.shape_cast %get3A_1737 : vector<1x16xf32> to vector<16xf32>
      %mul3A_1739 = arith.mulf %get3A_1077, %get3A_1738 : vector<16xf32>
      %add3A_1740 = arith.addf %add3A_1733, %mul3A_1739 : vector<16xf32>
      %get3A_1741 = arith.constant 14 : i32
      %get3A_1742 = arith.index_cast %get3A_1741 : i32 to index
      %get3A_1743 = arith.constant 48 : index
      %get3A_1744 = tpu.vector_load %arg7[%get3A_1742, %get3A_1743] {strides = array<i32>} : memref<80x64xf32, #tpu.memory_space<vmem>>, vector<1x16xf32>,
      %get3A_1745 = vector.shape_cast %get3A_1744 : vector<1x16xf32> to vector<16xf32>
      %mul3A_1746 = arith.mulf %get3A_1082, %get3A_1745 : vector<16xf32>
      %add3A_1747 = arith.addf %add3A_1740, %mul3A_1746 : vector<16xf32>
      %get3A_1748 = arith.constant 15 : i32
      %get3A_1749 = arith.index_cast %get3A_1748 : i32 to index
      %get3A_1750 = arith.constant 0 : index
      %get3A_1751 = tpu.vector_load %arg7[%get3A_1749, %get3A_1750] {strides = array<i32>} : memref<80x64xf32, #tpu.memory_space<vmem>>, vector<1x16xf32>,
      %get3A_1752 = vector.shape_cast %get3A_1751 : vector<1x16xf32> to vector<16xf32>
      %mul3A_1753 = arith.mulf %get3A_1087, %get3A_1752 : vector<16xf32>
      %get3A_1754 = arith.constant 15 : i32
      %get3A_1755 = arith.index_cast %get3A_1754 : i32 to index
      %get3A_1756 = arith.constant 16 : index
      %get3A_1757 = tpu.vector_load %arg7[%get3A_1755, %get3A_1756] {strides = array<i32>} : memref<80x64xf32, #tpu.memory_space<vmem>>, vector<1x16xf32>,
      %get3A_1758 = vector.shape_cast %get3A_1757 : vector<1x16xf32> to vector<16xf32>
      %mul3A_1759 = arith.mulf %get3A_1092, %get3A_1758 : vector<16xf32>
      %add3A_1760 = arith.addf %mul3A_1753, %mul3A_1759 : vector<16xf32>
      %get3A_1761 = arith.constant 15 : i32
      %get3A_1762 = arith.index_cast %get3A_1761 : i32 to index
      %get3A_1763 = arith.constant 32 : index
      %get3A_1764 = tpu.vector_load %arg7[%get3A_1762, %get3A_1763] {strides = array<i32>} : memref<80x64xf32, #tpu.memory_space<vmem>>, vector<1x16xf32>,
      %get3A_1765 = vector.shape_cast %get3A_1764 : vector<1x16xf32> to vector<16xf32>
      %mul3A_1766 = arith.mulf %get3A_1097, %get3A_1765 : vector<16xf32>
      %add3A_1767 = arith.addf %add3A_1760, %mul3A_1766 : vector<16xf32>
      %get3A_1768 = arith.constant 15 : i32
      %get3A_1769 = arith.index_cast %get3A_1768 : i32 to index
      %get3A_1770 = arith.constant 48 : index
      %get3A_1771 = tpu.vector_load %arg7[%get3A_1769, %get3A_1770] {strides = array<i32>} : memref<80x64xf32, #tpu.memory_space<vmem>>, vector<1x16xf32>,
      %get3A_1772 = vector.shape_cast %get3A_1771 : vector<1x16xf32> to vector<16xf32>
      %mul3A_1773 = arith.mulf %get3A_1102, %get3A_1772 : vector<16xf32>
      %add3A_1774 = arith.addf %add3A_1767, %mul3A_1773 : vector<16xf32>
      %select_n3A = arith.select %eq3A_15, %add3A_1369, %add3A_1396 : vector<16xi1>, vector<16xf32>
      %select_n3A_1775 = arith.select %eq3A_15, %add3A_1396, %add3A_1369 : vector<16xi1>, vector<16xf32>
      %lt3A = arith.constant 0 : i32
      %lt3A_1776 = vector.broadcast %lt3A : i32 to vector<16xi32>
      %lt3A_1777 = arith.cmpi slt, %xor3A_2, %lt3A_1776 : vector<16xi32>
      %add3A_1778 = arith.constant 16 : i32
      %add3A_1779 = vector.broadcast %add3A_1778 : i32 to vector<16xi32>
      %add3A_1780 = arith.addi %xor3A_2, %add3A_1779 : vector<16xi32>
      %select_n3A_1781 = arith.select %lt3A_1777, %add3A_1780, %xor3A_2 : vector<16xi1>, vector<16xi32>
      %broadcast_in_dim3A = vector.shape_cast %select_n3A_1781 : vector<16xi32> to vector<16x1xi32>
      %gather3A = vector.shape_cast %broadcast_in_dim3A : vector<16x1xi32> to vector<16xi32>
      %gather3A_1782 = tpu.dynamic_gather %select_n3A_1775[%gather3A] in [0] : vector<16xf32>, vector<16xi32> -> vector<16xf32>
      %add3A_1783 = arith.addf %select_n3A, %gather3A_1782 : vector<16xf32>
      %select_n3A_1784 = arith.select %eq3A_15, %add3A_1423, %add3A_1450 : vector<16xi1>, vector<16xf32>
      %select_n3A_1785 = arith.select %eq3A_15, %add3A_1450, %add3A_1423 : vector<16xi1>, vector<16xf32>
      %lt3A_1786 = arith.constant 0 : i32
      %lt3A_1787 = vector.broadcast %lt3A_1786 : i32 to vector<16xi32>
      %lt3A_1788 = arith.cmpi slt, %xor3A_2, %lt3A_1787 : vector<16xi32>
      %add3A_1789 = arith.constant 16 : i32
      %add3A_1790 = vector.broadcast %add3A_1789 : i32 to vector<16xi32>
      %add3A_1791 = arith.addi %xor3A_2, %add3A_1790 : vector<16xi32>
      %select_n3A_1792 = arith.select %lt3A_1788, %add3A_1791, %xor3A_2 : vector<16xi1>, vector<16xi32>
      %broadcast_in_dim3A_1793 = vector.shape_cast %select_n3A_1792 : vector<16xi32> to vector<16x1xi32>
      %gather3A_1794 = vector.shape_cast %broadcast_in_dim3A_1793 : vector<16x1xi32> to vector<16xi32>
      %gather3A_1795 = tpu.dynamic_gather %select_n3A_1785[%gather3A_1794] in [0] : vector<16xf32>, vector<16xi32> -> vector<16xf32>
      %add3A_1796 = arith.addf %select_n3A_1784, %gather3A_1795 : vector<16xf32>
      %select_n3A_1797 = arith.select %eq3A_15, %add3A_1477, %add3A_1504 : vector<16xi1>, vector<16xf32>
      %select_n3A_1798 = arith.select %eq3A_15, %add3A_1504, %add3A_1477 : vector<16xi1>, vector<16xf32>
      %lt3A_1799 = arith.constant 0 : i32
      %lt3A_1800 = vector.broadcast %lt3A_1799 : i32 to vector<16xi32>
      %lt3A_1801 = arith.cmpi slt, %xor3A_2, %lt3A_1800 : vector<16xi32>
      %add3A_1802 = arith.constant 16 : i32
      %add3A_1803 = vector.broadcast %add3A_1802 : i32 to vector<16xi32>
      %add3A_1804 = arith.addi %xor3A_2, %add3A_1803 : vector<16xi32>
      %select_n3A_1805 = arith.select %lt3A_1801, %add3A_1804, %xor3A_2 : vector<16xi1>, vector<16xi32>
      %broadcast_in_dim3A_1806 = vector.shape_cast %select_n3A_1805 : vector<16xi32> to vector<16x1xi32>
      %gather3A_1807 = vector.shape_cast %broadcast_in_dim3A_1806 : vector<16x1xi32> to vector<16xi32>
      %gather3A_1808 = tpu.dynamic_gather %select_n3A_1798[%gather3A_1807] in [0] : vector<16xf32>, vector<16xi32> -> vector<16xf32>
      %add3A_1809 = arith.addf %select_n3A_1797, %gather3A_1808 : vector<16xf32>
      %select_n3A_1810 = arith.select %eq3A_15, %add3A_1531, %add3A_1558 : vector<16xi1>, vector<16xf32>
      %select_n3A_1811 = arith.select %eq3A_15, %add3A_1558, %add3A_1531 : vector<16xi1>, vector<16xf32>
      %lt3A_1812 = arith.constant 0 : i32
      %lt3A_1813 = vector.broadcast %lt3A_1812 : i32 to vector<16xi32>
      %lt3A_1814 = arith.cmpi slt, %xor3A_2, %lt3A_1813 : vector<16xi32>
      %add3A_1815 = arith.constant 16 : i32
      %add3A_1816 = vector.broadcast %add3A_1815 : i32 to vector<16xi32>
      %add3A_1817 = arith.addi %xor3A_2, %add3A_1816 : vector<16xi32>
      %select_n3A_1818 = arith.select %lt3A_1814, %add3A_1817, %xor3A_2 : vector<16xi1>, vector<16xi32>
      %broadcast_in_dim3A_1819 = vector.shape_cast %select_n3A_1818 : vector<16xi32> to vector<16x1xi32>
      %gather3A_1820 = vector.shape_cast %broadcast_in_dim3A_1819 : vector<16x1xi32> to vector<16xi32>
      %gather3A_1821 = tpu.dynamic_gather %select_n3A_1811[%gather3A_1820] in [0] : vector<16xf32>, vector<16xi32> -> vector<16xf32>
      %add3A_1822 = arith.addf %select_n3A_1810, %gather3A_1821 : vector<16xf32>
      %select_n3A_1823 = arith.select %eq3A_15, %add3A_1585, %add3A_1612 : vector<16xi1>, vector<16xf32>
      %select_n3A_1824 = arith.select %eq3A_15, %add3A_1612, %add3A_1585 : vector<16xi1>, vector<16xf32>
      %lt3A_1825 = arith.constant 0 : i32
      %lt3A_1826 = vector.broadcast %lt3A_1825 : i32 to vector<16xi32>
      %lt3A_1827 = arith.cmpi slt, %xor3A_2, %lt3A_1826 : vector<16xi32>
      %add3A_1828 = arith.constant 16 : i32
      %add3A_1829 = vector.broadcast %add3A_1828 : i32 to vector<16xi32>
      %add3A_1830 = arith.addi %xor3A_2, %add3A_1829 : vector<16xi32>
      %select_n3A_1831 = arith.select %lt3A_1827, %add3A_1830, %xor3A_2 : vector<16xi1>, vector<16xi32>
      %broadcast_in_dim3A_1832 = vector.shape_cast %select_n3A_1831 : vector<16xi32> to vector<16x1xi32>
      %gather3A_1833 = vector.shape_cast %broadcast_in_dim3A_1832 : vector<16x1xi32> to vector<16xi32>
      %gather3A_1834 = tpu.dynamic_gather %select_n3A_1824[%gather3A_1833] in [0] : vector<16xf32>, vector<16xi32> -> vector<16xf32>
      %add3A_1835 = arith.addf %select_n3A_1823, %gather3A_1834 : vector<16xf32>
      %select_n3A_1836 = arith.select %eq3A_15, %add3A_1639, %add3A_1666 : vector<16xi1>, vector<16xf32>
      %select_n3A_1837 = arith.select %eq3A_15, %add3A_1666, %add3A_1639 : vector<16xi1>, vector<16xf32>
      %lt3A_1838 = arith.constant 0 : i32
      %lt3A_1839 = vector.broadcast %lt3A_1838 : i32 to vector<16xi32>
      %lt3A_1840 = arith.cmpi slt, %xor3A_2, %lt3A_1839 : vector<16xi32>
      %add3A_1841 = arith.constant 16 : i32
      %add3A_1842 = vector.broadcast %add3A_1841 : i32 to vector<16xi32>
      %add3A_1843 = arith.addi %xor3A_2, %add3A_1842 : vector<16xi32>
      %select_n3A_1844 = arith.select %lt3A_1840, %add3A_1843, %xor3A_2 : vector<16xi1>, vector<16xi32>
      %broadcast_in_dim3A_1845 = vector.shape_cast %select_n3A_1844 : vector<16xi32> to vector<16x1xi32>
      %gather3A_1846 = vector.shape_cast %broadcast_in_dim3A_1845 : vector<16x1xi32> to vector<16xi32>
      %gather3A_1847 = tpu.dynamic_gather %select_n3A_1837[%gather3A_1846] in [0] : vector<16xf32>, vector<16xi32> -> vector<16xf32>
      %add3A_1848 = arith.addf %select_n3A_1836, %gather3A_1847 : vector<16xf32>
      %select_n3A_1849 = arith.select %eq3A_15, %add3A_1693, %add3A_1720 : vector<16xi1>, vector<16xf32>
      %select_n3A_1850 = arith.select %eq3A_15, %add3A_1720, %add3A_1693 : vector<16xi1>, vector<16xf32>
      %lt3A_1851 = arith.constant 0 : i32
      %lt3A_1852 = vector.broadcast %lt3A_1851 : i32 to vector<16xi32>
      %lt3A_1853 = arith.cmpi slt, %xor3A_2, %lt3A_1852 : vector<16xi32>
      %add3A_1854 = arith.constant 16 : i32
      %add3A_1855 = vector.broadcast %add3A_1854 : i32 to vector<16xi32>
      %add3A_1856 = arith.addi %xor3A_2, %add3A_1855 : vector<16xi32>
      %select_n3A_1857 = arith.select %lt3A_1853, %add3A_1856, %xor3A_2 : vector<16xi1>, vector<16xi32>
      %broadcast_in_dim3A_1858 = vector.shape_cast %select_n3A_1857 : vector<16xi32> to vector<16x1xi32>
      %gather3A_1859 = vector.shape_cast %broadcast_in_dim3A_1858 : vector<16x1xi32> to vector<16xi32>
      %gather3A_1860 = tpu.dynamic_gather %select_n3A_1850[%gather3A_1859] in [0] : vector<16xf32>, vector<16xi32> -> vector<16xf32>
      %add3A_1861 = arith.addf %select_n3A_1849, %gather3A_1860 : vector<16xf32>
      %select_n3A_1862 = arith.select %eq3A_15, %add3A_1747, %add3A_1774 : vector<16xi1>, vector<16xf32>
      %select_n3A_1863 = arith.select %eq3A_15, %add3A_1774, %add3A_1747 : vector<16xi1>, vector<16xf32>
      %lt3A_1864 = arith.constant 0 : i32
      %lt3A_1865 = vector.broadcast %lt3A_1864 : i32 to vector<16xi32>
      %lt3A_1866 = arith.cmpi slt, %xor3A_2, %lt3A_1865 : vector<16xi32>
      %add3A_1867 = arith.constant 16 : i32
      %add3A_1868 = vector.broadcast %add3A_1867 : i32 to vector<16xi32>
      %add3A_1869 = arith.addi %xor3A_2, %add3A_1868 : vector<16xi32>
      %select_n3A_1870 = arith.select %lt3A_1866, %add3A_1869, %xor3A_2 : vector<16xi1>, vector<16xi32>
      %broadcast_in_dim3A_1871 = vector.shape_cast %select_n3A_1870 : vector<16xi32> to vector<16x1xi32>
      %gather3A_1872 = vector.shape_cast %broadcast_in_dim3A_1871 : vector<16x1xi32> to vector<16xi32>
      %gather3A_1873 = tpu.dynamic_gather %select_n3A_1863[%gather3A_1872] in [0] : vector<16xf32>, vector<16xi32> -> vector<16xf32>
      %add3A_1874 = arith.addf %select_n3A_1862, %gather3A_1873 : vector<16xf32>
      %select_n3A_1875 = arith.select %eq3A_21, %add3A_1783, %add3A_1796 : vector<16xi1>, vector<16xf32>
      %select_n3A_1876 = arith.select %eq3A_21, %add3A_1796, %add3A_1783 : vector<16xi1>, vector<16xf32>
      %lt3A_1877 = arith.constant 0 : i32
      %lt3A_1878 = vector.broadcast %lt3A_1877 : i32 to vector<16xi32>
      %lt3A_1879 = arith.cmpi slt, %xor3A_5, %lt3A_1878 : vector<16xi32>
      %add3A_1880 = arith.constant 16 : i32
      %add3A_1881 = vector.broadcast %add3A_1880 : i32 to vector<16xi32>
      %add3A_1882 = arith.addi %xor3A_5, %add3A_1881 : vector<16xi32>
      %select_n3A_1883 = arith.select %lt3A_1879, %add3A_1882, %xor3A_5 : vector<16xi1>, vector<16xi32>
      %broadcast_in_dim3A_1884 = vector.shape_cast %select_n3A_1883 : vector<16xi32> to vector<16x1xi32>
      %gather3A_1885 = vector.shape_cast %broadcast_in_dim3A_1884 : vector<16x1xi32> to vector<16xi32>
      %gather3A_1886 = tpu.dynamic_gather %select_n3A_1876[%gather3A_1885] in [0] : vector<16xf32>, vector<16xi32> -> vector<16xf32>
      %add3A_1887 = arith.addf %select_n3A_1875, %gather3A_1886 : vector<16xf32>
      %select_n3A_1888 = arith.select %eq3A_21, %add3A_1809, %add3A_1822 : vector<16xi1>, vector<16xf32>
      %select_n3A_1889 = arith.select %eq3A_21, %add3A_1822, %add3A_1809 : vector<16xi1>, vector<16xf32>
      %lt3A_1890 = arith.constant 0 : i32
      %lt3A_1891 = vector.broadcast %lt3A_1890 : i32 to vector<16xi32>
      %lt3A_1892 = arith.cmpi slt, %xor3A_5, %lt3A_1891 : vector<16xi32>
      %add3A_1893 = arith.constant 16 : i32
      %add3A_1894 = vector.broadcast %add3A_1893 : i32 to vector<16xi32>
      %add3A_1895 = arith.addi %xor3A_5, %add3A_1894 : vector<16xi32>
      %select_n3A_1896 = arith.select %lt3A_1892, %add3A_1895, %xor3A_5 : vector<16xi1>, vector<16xi32>
      %broadcast_in_dim3A_1897 = vector.shape_cast %select_n3A_1896 : vector<16xi32> to vector<16x1xi32>
      %gather3A_1898 = vector.shape_cast %broadcast_in_dim3A_1897 : vector<16x1xi32> to vector<16xi32>
      %gather3A_1899 = tpu.dynamic_gather %select_n3A_1889[%gather3A_1898] in [0] : vector<16xf32>, vector<16xi32> -> vector<16xf32>
      %add3A_1900 = arith.addf %select_n3A_1888, %gather3A_1899 : vector<16xf32>
      %select_n3A_1901 = arith.select %eq3A_21, %add3A_1835, %add3A_1848 : vector<16xi1>, vector<16xf32>
      %select_n3A_1902 = arith.select %eq3A_21, %add3A_1848, %add3A_1835 : vector<16xi1>, vector<16xf32>
      %lt3A_1903 = arith.constant 0 : i32
      %lt3A_1904 = vector.broadcast %lt3A_1903 : i32 to vector<16xi32>
      %lt3A_1905 = arith.cmpi slt, %xor3A_5, %lt3A_1904 : vector<16xi32>
      %add3A_1906 = arith.constant 16 : i32
      %add3A_1907 = vector.broadcast %add3A_1906 : i32 to vector<16xi32>
      %add3A_1908 = arith.addi %xor3A_5, %add3A_1907 : vector<16xi32>
      %select_n3A_1909 = arith.select %lt3A_1905, %add3A_1908, %xor3A_5 : vector<16xi1>, vector<16xi32>
      %broadcast_in_dim3A_1910 = vector.shape_cast %select_n3A_1909 : vector<16xi32> to vector<16x1xi32>
      %gather3A_1911 = vector.shape_cast %broadcast_in_dim3A_1910 : vector<16x1xi32> to vector<16xi32>
      %gather3A_1912 = tpu.dynamic_gather %select_n3A_1902[%gather3A_1911] in [0] : vector<16xf32>, vector<16xi32> -> vector<16xf32>
      %add3A_1913 = arith.addf %select_n3A_1901, %gather3A_1912 : vector<16xf32>
      %select_n3A_1914 = arith.select %eq3A_21, %add3A_1861, %add3A_1874 : vector<16xi1>, vector<16xf32>
      %select_n3A_1915 = arith.select %eq3A_21, %add3A_1874, %add3A_1861 : vector<16xi1>, vector<16xf32>
      %lt3A_1916 = arith.constant 0 : i32
      %lt3A_1917 = vector.broadcast %lt3A_1916 : i32 to vector<16xi32>
      %lt3A_1918 = arith.cmpi slt, %xor3A_5, %lt3A_1917 : vector<16xi32>
      %add3A_1919 = arith.constant 16 : i32
      %add3A_1920 = vector.broadcast %add3A_1919 : i32 to vector<16xi32>
      %add3A_1921 = arith.addi %xor3A_5, %add3A_1920 : vector<16xi32>
      %select_n3A_1922 = arith.select %lt3A_1918, %add3A_1921, %xor3A_5 : vector<16xi1>, vector<16xi32>
      %broadcast_in_dim3A_1923 = vector.shape_cast %select_n3A_1922 : vector<16xi32> to vector<16x1xi32>
      %gather3A_1924 = vector.shape_cast %broadcast_in_dim3A_1923 : vector<16x1xi32> to vector<16xi32>
      %gather3A_1925 = tpu.dynamic_gather %select_n3A_1915[%gather3A_1924] in [0] : vector<16xf32>, vector<16xi32> -> vector<16xf32>
      %add3A_1926 = arith.addf %select_n3A_1914, %gather3A_1925 : vector<16xf32>
      %select_n3A_1927 = arith.select %eq3A_27, %add3A_1887, %add3A_1900 : vector<16xi1>, vector<16xf32>
      %select_n3A_1928 = arith.select %eq3A_27, %add3A_1900, %add3A_1887 : vector<16xi1>, vector<16xf32>
      %lt3A_1929 = arith.constant 0 : i32
      %lt3A_1930 = vector.broadcast %lt3A_1929 : i32 to vector<16xi32>
      %lt3A_1931 = arith.cmpi slt, %xor3A_8, %lt3A_1930 : vector<16xi32>
      %add3A_1932 = arith.constant 16 : i32
      %add3A_1933 = vector.broadcast %add3A_1932 : i32 to vector<16xi32>
      %add3A_1934 = arith.addi %xor3A_8, %add3A_1933 : vector<16xi32>
      %select_n3A_1935 = arith.select %lt3A_1931, %add3A_1934, %xor3A_8 : vector<16xi1>, vector<16xi32>
      %broadcast_in_dim3A_1936 = vector.shape_cast %select_n3A_1935 : vector<16xi32> to vector<16x1xi32>
      %gather3A_1937 = vector.shape_cast %broadcast_in_dim3A_1936 : vector<16x1xi32> to vector<16xi32>
      %gather3A_1938 = tpu.dynamic_gather %select_n3A_1928[%gather3A_1937] in [0] : vector<16xf32>, vector<16xi32> -> vector<16xf32>
      %add3A_1939 = arith.addf %select_n3A_1927, %gather3A_1938 : vector<16xf32>
      %select_n3A_1940 = arith.select %eq3A_27, %add3A_1913, %add3A_1926 : vector<16xi1>, vector<16xf32>
      %select_n3A_1941 = arith.select %eq3A_27, %add3A_1926, %add3A_1913 : vector<16xi1>, vector<16xf32>
      %lt3A_1942 = arith.constant 0 : i32
      %lt3A_1943 = vector.broadcast %lt3A_1942 : i32 to vector<16xi32>
      %lt3A_1944 = arith.cmpi slt, %xor3A_8, %lt3A_1943 : vector<16xi32>
      %add3A_1945 = arith.constant 16 : i32
      %add3A_1946 = vector.broadcast %add3A_1945 : i32 to vector<16xi32>
      %add3A_1947 = arith.addi %xor3A_8, %add3A_1946 : vector<16xi32>
      %select_n3A_1948 = arith.select %lt3A_1944, %add3A_1947, %xor3A_8 : vector<16xi1>, vector<16xi32>
      %broadcast_in_dim3A_1949 = vector.shape_cast %select_n3A_1948 : vector<16xi32> to vector<16x1xi32>
      %gather3A_1950 = vector.shape_cast %broadcast_in_dim3A_1949 : vector<16x1xi32> to vector<16xi32>
      %gather3A_1951 = tpu.dynamic_gather %select_n3A_1941[%gather3A_1950] in [0] : vector<16xf32>, vector<16xi32> -> vector<16xf32>
      %add3A_1952 = arith.addf %select_n3A_1940, %gather3A_1951 : vector<16xf32>
      %select_n3A_1953 = arith.select %eq3A_33, %add3A_1939, %add3A_1952 : vector<16xi1>, vector<16xf32>
      %select_n3A_1954 = arith.select %eq3A_33, %add3A_1952, %add3A_1939 : vector<16xi1>, vector<16xf32>
      %lt3A_1955 = arith.constant 0 : i32
      %lt3A_1956 = vector.broadcast %lt3A_1955 : i32 to vector<16xi32>
      %lt3A_1957 = arith.cmpi slt, %xor3A_11, %lt3A_1956 : vector<16xi32>
      %add3A_1958 = arith.constant 16 : i32
      %add3A_1959 = vector.broadcast %add3A_1958 : i32 to vector<16xi32>
      %add3A_1960 = arith.addi %xor3A_11, %add3A_1959 : vector<16xi32>
      %select_n3A_1961 = arith.select %lt3A_1957, %add3A_1960, %xor3A_11 : vector<16xi1>, vector<16xi32>
      %broadcast_in_dim3A_1962 = vector.shape_cast %select_n3A_1961 : vector<16xi32> to vector<16x1xi32>
      %gather3A_1963 = vector.shape_cast %broadcast_in_dim3A_1962 : vector<16x1xi32> to vector<16xi32>
      %gather3A_1964 = tpu.dynamic_gather %select_n3A_1954[%gather3A_1963] in [0] : vector<16xf32>, vector<16xi32> -> vector<16xf32>
      %add3A_1965 = arith.addf %select_n3A_1953, %gather3A_1964 : vector<16xf32>
      %neg3A = arith.constant 0.000000e+00 : f32
      %neg3A_1966 = vector.broadcast %neg3A : f32 to vector<16xf32>
      %neg3A_1967 = arith.subf %neg3A_1966, %add3A_1965 : vector<16xf32>
      %exp3A = math.exp %neg3A_1967 : vector<16xf32>
      %add3A_1968 = arith.constant 1.000000e+00 : f32
      %add3A_1969 = vector.broadcast %add3A_1968 : f32 to vector<16xf32>
      %add3A_1970 = arith.addf %add3A_1969, %exp3A : vector<16xf32>
      %div3A = arith.constant 1.000000e+00 : f32
      %div3A_1971 = vector.broadcast %div3A : f32 to vector<16xf32>
      %div3A_1972 = arith.divf %div3A_1971, %add3A_1970 : vector<16xf32>
      %swap3A = arith.constant 0 : index
      %swap3A_1973 = tpu.vector_load %arg9[%swap3A] {strides = array<i32>} : memref<80xf32, #tpu.memory_space<vmem>>, vector<16xf32>,
      %swap3A_1974 = vector.shape_cast %swap3A_1973 : vector<16xf32> to vector<16xf32>
      %swap3A_1975 = vector.shape_cast %div3A_1972 : vector<16xf32> to vector<16xf32>
      tpu.vector_store %arg9[%swap3A], %swap3A_1975 {strides = array<i32>} : memref<80xf32, #tpu.memory_space<vmem>>, vector<16xf32>,
      %get3A_1976 = arith.constant 16 : i32
      %get3A_1977 = arith.index_cast %get3A_1976 : i32 to index
      %get3A_1978 = arith.constant 0 : index
      %get3A_1979 = tpu.vector_load %arg7[%get3A_1977, %get3A_1978] {strides = array<i32>} : memref<80x64xf32, #tpu.memory_space<vmem>>, vector<1x16xf32>,
      %get3A_1980 = vector.shape_cast %get3A_1979 : vector<1x16xf32> to vector<16xf32>
      %mul3A_1981 = arith.mulf %get3A_1087, %get3A_1980 : vector<16xf32>
      %get3A_1982 = arith.constant 16 : i32
      %get3A_1983 = arith.index_cast %get3A_1982 : i32 to index
      %get3A_1984 = arith.constant 16 : index
      %get3A_1985 = tpu.vector_load %arg7[%get3A_1983, %get3A_1984] {strides = array<i32>} : memref<80x64xf32, #tpu.memory_space<vmem>>, vector<1x16xf32>,
      %get3A_1986 = vector.shape_cast %get3A_1985 : vector<1x16xf32> to vector<16xf32>
      %mul3A_1987 = arith.mulf %get3A_1092, %get3A_1986 : vector<16xf32>
      %add3A_1988 = arith.addf %mul3A_1981, %mul3A_1987 : vector<16xf32>
      %get3A_1989 = arith.constant 16 : i32
      %get3A_1990 = arith.index_cast %get3A_1989 : i32 to index
      %get3A_1991 = arith.constant 32 : index
      %get3A_1992 = tpu.vector_load %arg7[%get3A_1990, %get3A_1991] {strides = array<i32>} : memref<80x64xf32, #tpu.memory_space<vmem>>, vector<1x16xf32>,
      %get3A_1993 = vector.shape_cast %get3A_1992 : vector<1x16xf32> to vector<16xf32>
      %mul3A_1994 = arith.mulf %get3A_1097, %get3A_1993 : vector<16xf32>
      %add3A_1995 = arith.addf %add3A_1988, %mul3A_1994 : vector<16xf32>
      %get3A_1996 = arith.constant 16 : i32
      %get3A_1997 = arith.index_cast %get3A_1996 : i32 to index
      %get3A_1998 = arith.constant 48 : index
      %get3A_1999 = tpu.vector_load %arg7[%get3A_1997, %get3A_1998] {strides = array<i32>} : memref<80x64xf32, #tpu.memory_space<vmem>>, vector<1x16xf32>,
      %get3A_2000 = vector.shape_cast %get3A_1999 : vector<1x16xf32> to vector<16xf32>
      %mul3A_2001 = arith.mulf %get3A_1102, %get3A_2000 : vector<16xf32>
      %add3A_2002 = arith.addf %add3A_1995, %mul3A_2001 : vector<16xf32>
      %get3A_2003 = arith.constant 17 : i32
      %get3A_2004 = arith.index_cast %get3A_2003 : i32 to index
      %get3A_2005 = arith.constant 0 : index
      %get3A_2006 = tpu.vector_load %arg7[%get3A_2004, %get3A_2005] {strides = array<i32>} : memref<80x64xf32, #tpu.memory_space<vmem>>, vector<1x16xf32>,
      %get3A_2007 = vector.shape_cast %get3A_2006 : vector<1x16xf32> to vector<16xf32>
      %mul3A_2008 = arith.mulf %get3A_1087, %get3A_2007 : vector<16xf32>
      %get3A_2009 = arith.constant 17 : i32
      %get3A_2010 = arith.index_cast %get3A_2009 : i32 to index
      %get3A_2011 = arith.constant 16 : index
      %get3A_2012 = tpu.vector_load %arg7[%get3A_2010, %get3A_2011] {strides = array<i32>} : memref<80x64xf32, #tpu.memory_space<vmem>>, vector<1x16xf32>,
      %get3A_2013 = vector.shape_cast %get3A_2012 : vector<1x16xf32> to vector<16xf32>
      %mul3A_2014 = arith.mulf %get3A_1092, %get3A_2013 : vector<16xf32>
      %add3A_2015 = arith.addf %mul3A_2008, %mul3A_2014 : vector<16xf32>
      %get3A_2016 = arith.constant 17 : i32
      %get3A_2017 = arith.index_cast %get3A_2016 : i32 to index
      %get3A_2018 = arith.constant 32 : index
      %get3A_2019 = tpu.vector_load %arg7[%get3A_2017, %get3A_2018] {strides = array<i32>} : memref<80x64xf32, #tpu.memory_space<vmem>>, vector<1x16xf32>,
      %get3A_2020 = vector.shape_cast %get3A_2019 : vector<1x16xf32> to vector<16xf32>
      %mul3A_2021 = arith.mulf %get3A_1097, %get3A_2020 : vector<16xf32>
      %add3A_2022 = arith.addf %add3A_2015, %mul3A_2021 : vector<16xf32>
      %get3A_2023 = arith.constant 17 : i32
      %get3A_2024 = arith.index_cast %get3A_2023 : i32 to index
      %get3A_2025 = arith.constant 48 : index
      %get3A_2026 = tpu.vector_load %arg7[%get3A_2024, %get3A_2025] {strides = array<i32>} : memref<80x64xf32, #tpu.memory_space<vmem>>, vector<1x16xf32>,
      %get3A_2027 = vector.shape_cast %get3A_2026 : vector<1x16xf32> to vector<16xf32>
      %mul3A_2028 = arith.mulf %get3A_1102, %get3A_2027 : vector<16xf32>
      %add3A_2029 = arith.addf %add3A_2022, %mul3A_2028 : vector<16xf32>
      %get3A_2030 = arith.constant 18 : i32
      %get3A_2031 = arith.index_cast %get3A_2030 : i32 to index
      %get3A_2032 = arith.constant 0 : index
      %get3A_2033 = tpu.vector_load %arg7[%get3A_2031, %get3A_2032] {strides = array<i32>} : memref<80x64xf32, #tpu.memory_space<vmem>>, vector<1x16xf32>,
      %get3A_2034 = vector.shape_cast %get3A_2033 : vector<1x16xf32> to vector<16xf32>
      %mul3A_2035 = arith.mulf %get3A_1087, %get3A_2034 : vector<16xf32>
      %get3A_2036 = arith.constant 18 : i32
      %get3A_2037 = arith.index_cast %get3A_2036 : i32 to index
      %get3A_2038 = arith.constant 16 : index
      %get3A_2039 = tpu.vector_load %arg7[%get3A_2037, %get3A_2038] {strides = array<i32>} : memref<80x64xf32, #tpu.memory_space<vmem>>, vector<1x16xf32>,
      %get3A_2040 = vector.shape_cast %get3A_2039 : vector<1x16xf32> to vector<16xf32>
      %mul3A_2041 = arith.mulf %get3A_1092, %get3A_2040 : vector<16xf32>
      %add3A_2042 = arith.addf %mul3A_2035, %mul3A_2041 : vector<16xf32>
      %get3A_2043 = arith.constant 18 : i32
      %get3A_2044 = arith.index_cast %get3A_2043 : i32 to index
      %get3A_2045 = arith.constant 32 : index
      %get3A_2046 = tpu.vector_load %arg7[%get3A_2044, %get3A_2045] {strides = array<i32>} : memref<80x64xf32, #tpu.memory_space<vmem>>, vector<1x16xf32>,
      %get3A_2047 = vector.shape_cast %get3A_2046 : vector<1x16xf32> to vector<16xf32>
      %mul3A_2048 = arith.mulf %get3A_1097, %get3A_2047 : vector<16xf32>
      %add3A_2049 = arith.addf %add3A_2042, %mul3A_2048 : vector<16xf32>
      %get3A_2050 = arith.constant 18 : i32
      %get3A_2051 = arith.index_cast %get3A_2050 : i32 to index
      %get3A_2052 = arith.constant 48 : index
      %get3A_2053 = tpu.vector_load %arg7[%get3A_2051, %get3A_2052] {strides = array<i32>} : memref<80x64xf32, #tpu.memory_space<vmem>>, vector<1x16xf32>,
      %get3A_2054 = vector.shape_cast %get3A_2053 : vector<1x16xf32> to vector<16xf32>
      %mul3A_2055 = arith.mulf %get3A_1102, %get3A_2054 : vector<16xf32>
      %add3A_2056 = arith.addf %add3A_2049, %mul3A_2055 : vector<16xf32>
      %get3A_2057 = arith.constant 19 : i32
      %get3A_2058 = arith.index_cast %get3A_2057 : i32 to index
      %get3A_2059 = arith.constant 0 : index
      %get3A_2060 = tpu.vector_load %arg7[%get3A_2058, %get3A_2059] {strides = array<i32>} : memref<80x64xf32, #tpu.memory_space<vmem>>, vector<1x16xf32>,
      %get3A_2061 = vector.shape_cast %get3A_2060 : vector<1x16xf32> to vector<16xf32>
      %mul3A_2062 = arith.mulf %get3A_1087, %get3A_2061 : vector<16xf32>
      %get3A_2063 = arith.constant 19 : i32
      %get3A_2064 = arith.index_cast %get3A_2063 : i32 to index
      %get3A_2065 = arith.constant 16 : index
      %get3A_2066 = tpu.vector_load %arg7[%get3A_2064, %get3A_2065] {strides = array<i32>} : memref<80x64xf32, #tpu.memory_space<vmem>>, vector<1x16xf32>,
      %get3A_2067 = vector.shape_cast %get3A_2066 : vector<1x16xf32> to vector<16xf32>
      %mul3A_2068 = arith.mulf %get3A_1092, %get3A_2067 : vector<16xf32>
      %add3A_2069 = arith.addf %mul3A_2062, %mul3A_2068 : vector<16xf32>
      %get3A_2070 = arith.constant 19 : i32
      %get3A_2071 = arith.index_cast %get3A_2070 : i32 to index
      %get3A_2072 = arith.constant 32 : index
      %get3A_2073 = tpu.vector_load %arg7[%get3A_2071, %get3A_2072] {strides = array<i32>} : memref<80x64xf32, #tpu.memory_space<vmem>>, vector<1x16xf32>,
      %get3A_2074 = vector.shape_cast %get3A_2073 : vector<1x16xf32> to vector<16xf32>
      %mul3A_2075 = arith.mulf %get3A_1097, %get3A_2074 : vector<16xf32>
      %add3A_2076 = arith.addf %add3A_2069, %mul3A_2075 : vector<16xf32>
      %get3A_2077 = arith.constant 19 : i32
      %get3A_2078 = arith.index_cast %get3A_2077 : i32 to index
      %get3A_2079 = arith.constant 48 : index
      %get3A_2080 = tpu.vector_load %arg7[%get3A_2078, %get3A_2079] {strides = array<i32>} : memref<80x64xf32, #tpu.memory_space<vmem>>, vector<1x16xf32>,
      %get3A_2081 = vector.shape_cast %get3A_2080 : vector<1x16xf32> to vector<16xf32>
      %mul3A_2082 = arith.mulf %get3A_1102, %get3A_2081 : vector<16xf32>
      %add3A_2083 = arith.addf %add3A_2076, %mul3A_2082 : vector<16xf32>
      %get3A_2084 = arith.constant 20 : i32
      %get3A_2085 = arith.index_cast %get3A_2084 : i32 to index
      %get3A_2086 = arith.constant 0 : index
      %get3A_2087 = tpu.vector_load %arg7[%get3A_2085, %get3A_2086] {strides = array<i32>} : memref<80x64xf32, #tpu.memory_space<vmem>>, vector<1x16xf32>,
      %get3A_2088 = vector.shape_cast %get3A_2087 : vector<1x16xf32> to vector<16xf32>
      %mul3A_2089 = arith.mulf %get3A_1107, %get3A_2088 : vector<16xf32>
      %get3A_2090 = arith.constant 20 : i32
      %get3A_2091 = arith.index_cast %get3A_2090 : i32 to index
      %get3A_2092 = arith.constant 16 : index
      %get3A_2093 = tpu.vector_load %arg7[%get3A_2091, %get3A_2092] {strides = array<i32>} : memref<80x64xf32, #tpu.memory_space<vmem>>, vector<1x16xf32>,
      %get3A_2094 = vector.shape_cast %get3A_2093 : vector<1x16xf32> to vector<16xf32>
      %mul3A_2095 = arith.mulf %get3A_1112, %get3A_2094 : vector<16xf32>
      %add3A_2096 = arith.addf %mul3A_2089, %mul3A_2095 : vector<16xf32>
      %get3A_2097 = arith.constant 20 : i32
      %get3A_2098 = arith.index_cast %get3A_2097 : i32 to index
      %get3A_2099 = arith.constant 32 : index
      %get3A_2100 = tpu.vector_load %arg7[%get3A_2098, %get3A_2099] {strides = array<i32>} : memref<80x64xf32, #tpu.memory_space<vmem>>, vector<1x16xf32>,
      %get3A_2101 = vector.shape_cast %get3A_2100 : vector<1x16xf32> to vector<16xf32>
      %mul3A_2102 = arith.mulf %get3A_1117, %get3A_2101 : vector<16xf32>
      %add3A_2103 = arith.addf %add3A_2096, %mul3A_2102 : vector<16xf32>
      %get3A_2104 = arith.constant 20 : i32
      %get3A_2105 = arith.index_cast %get3A_2104 : i32 to index
      %get3A_2106 = arith.constant 48 : index
      %get3A_2107 = tpu.vector_load %arg7[%get3A_2105, %get3A_2106] {strides = array<i32>} : memref<80x64xf32, #tpu.memory_space<vmem>>, vector<1x16xf32>,
      %get3A_2108 = vector.shape_cast %get3A_2107 : vector<1x16xf32> to vector<16xf32>
      %mul3A_2109 = arith.mulf %get3A_1122, %get3A_2108 : vector<16xf32>
      %add3A_2110 = arith.addf %add3A_2103, %mul3A_2109 : vector<16xf32>
      %get3A_2111 = arith.constant 21 : i32
      %get3A_2112 = arith.index_cast %get3A_2111 : i32 to index
      %get3A_2113 = arith.constant 0 : index
      %get3A_2114 = tpu.vector_load %arg7[%get3A_2112, %get3A_2113] {strides = array<i32>} : memref<80x64xf32, #tpu.memory_space<vmem>>, vector<1x16xf32>,
      %get3A_2115 = vector.shape_cast %get3A_2114 : vector<1x16xf32> to vector<16xf32>
      %mul3A_2116 = arith.mulf %get3A_1107, %get3A_2115 : vector<16xf32>
      %get3A_2117 = arith.constant 21 : i32
      %get3A_2118 = arith.index_cast %get3A_2117 : i32 to index
      %get3A_2119 = arith.constant 16 : index
      %get3A_2120 = tpu.vector_load %arg7[%get3A_2118, %get3A_2119] {strides = array<i32>} : memref<80x64xf32, #tpu.memory_space<vmem>>, vector<1x16xf32>,
      %get3A_2121 = vector.shape_cast %get3A_2120 : vector<1x16xf32> to vector<16xf32>
      %mul3A_2122 = arith.mulf %get3A_1112, %get3A_2121 : vector<16xf32>
      %add3A_2123 = arith.addf %mul3A_2116, %mul3A_2122 : vector<16xf32>
      %get3A_2124 = arith.constant 21 : i32
      %get3A_2125 = arith.index_cast %get3A_2124 : i32 to index
      %get3A_2126 = arith.constant 32 : index
      %get3A_2127 = tpu.vector_load %arg7[%get3A_2125, %get3A_2126] {strides = array<i32>} : memref<80x64xf32, #tpu.memory_space<vmem>>, vector<1x16xf32>,
      %get3A_2128 = vector.shape_cast %get3A_2127 : vector<1x16xf32> to vector<16xf32>
      %mul3A_2129 = arith.mulf %get3A_1117, %get3A_2128 : vector<16xf32>
      %add3A_2130 = arith.addf %add3A_2123, %mul3A_2129 : vector<16xf32>
      %get3A_2131 = arith.constant 21 : i32
      %get3A_2132 = arith.index_cast %get3A_2131 : i32 to index
      %get3A_2133 = arith.constant 48 : index
      %get3A_2134 = tpu.vector_load %arg7[%get3A_2132, %get3A_2133] {strides = array<i32>} : memref<80x64xf32, #tpu.memory_space<vmem>>, vector<1x16xf32>,
      %get3A_2135 = vector.shape_cast %get3A_2134 : vector<1x16xf32> to vector<16xf32>
      %mul3A_2136 = arith.mulf %get3A_1122, %get3A_2135 : vector<16xf32>
      %add3A_2137 = arith.addf %add3A_2130, %mul3A_2136 : vector<16xf32>
      %get3A_2138 = arith.constant 22 : i32
      %get3A_2139 = arith.index_cast %get3A_2138 : i32 to index
      %get3A_2140 = arith.constant 0 : index
      %get3A_2141 = tpu.vector_load %arg7[%get3A_2139, %get3A_2140] {strides = array<i32>} : memref<80x64xf32, #tpu.memory_space<vmem>>, vector<1x16xf32>,
      %get3A_2142 = vector.shape_cast %get3A_2141 : vector<1x16xf32> to vector<16xf32>
      %mul3A_2143 = arith.mulf %get3A_1107, %get3A_2142 : vector<16xf32>
      %get3A_2144 = arith.constant 22 : i32
      %get3A_2145 = arith.index_cast %get3A_2144 : i32 to index
      %get3A_2146 = arith.constant 16 : index
      %get3A_2147 = tpu.vector_load %arg7[%get3A_2145, %get3A_2146] {strides = array<i32>} : memref<80x64xf32, #tpu.memory_space<vmem>>, vector<1x16xf32>,
      %get3A_2148 = vector.shape_cast %get3A_2147 : vector<1x16xf32> to vector<16xf32>
      %mul3A_2149 = arith.mulf %get3A_1112, %get3A_2148 : vector<16xf32>
      %add3A_2150 = arith.addf %mul3A_2143, %mul3A_2149 : vector<16xf32>
      %get3A_2151 = arith.constant 22 : i32
      %get3A_2152 = arith.index_cast %get3A_2151 : i32 to index
      %get3A_2153 = arith.constant 32 : index
      %get3A_2154 = tpu.vector_load %arg7[%get3A_2152, %get3A_2153] {strides = array<i32>} : memref<80x64xf32, #tpu.memory_space<vmem>>, vector<1x16xf32>,
      %get3A_2155 = vector.shape_cast %get3A_2154 : vector<1x16xf32> to vector<16xf32>
      %mul3A_2156 = arith.mulf %get3A_1117, %get3A_2155 : vector<16xf32>
      %add3A_2157 = arith.addf %add3A_2150, %mul3A_2156 : vector<16xf32>
      %get3A_2158 = arith.constant 22 : i32
      %get3A_2159 = arith.index_cast %get3A_2158 : i32 to index
      %get3A_2160 = arith.constant 48 : index
      %get3A_2161 = tpu.vector_load %arg7[%get3A_2159, %get3A_2160] {strides = array<i32>} : memref<80x64xf32, #tpu.memory_space<vmem>>, vector<1x16xf32>,
      %get3A_2162 = vector.shape_cast %get3A_2161 : vector<1x16xf32> to vector<16xf32>
      %mul3A_2163 = arith.mulf %get3A_1122, %get3A_2162 : vector<16xf32>
      %add3A_2164 = arith.addf %add3A_2157, %mul3A_2163 : vector<16xf32>
      %get3A_2165 = arith.constant 23 : i32
      %get3A_2166 = arith.index_cast %get3A_2165 : i32 to index
      %get3A_2167 = arith.constant 0 : index
      %get3A_2168 = tpu.vector_load %arg7[%get3A_2166, %get3A_2167] {strides = array<i32>} : memref<80x64xf32, #tpu.memory_space<vmem>>, vector<1x16xf32>,
      %get3A_2169 = vector.shape_cast %get3A_2168 : vector<1x16xf32> to vector<16xf32>
      %mul3A_2170 = arith.mulf %get3A_1107, %get3A_2169 : vector<16xf32>
      %get3A_2171 = arith.constant 23 : i32
      %get3A_2172 = arith.index_cast %get3A_2171 : i32 to index
      %get3A_2173 = arith.constant 16 : index
      %get3A_2174 = tpu.vector_load %arg7[%get3A_2172, %get3A_2173] {strides = array<i32>} : memref<80x64xf32, #tpu.memory_space<vmem>>, vector<1x16xf32>,
      %get3A_2175 = vector.shape_cast %get3A_2174 : vector<1x16xf32> to vector<16xf32>
      %mul3A_2176 = arith.mulf %get3A_1112, %get3A_2175 : vector<16xf32>
      %add3A_2177 = arith.addf %mul3A_2170, %mul3A_2176 : vector<16xf32>
      %get3A_2178 = arith.constant 23 : i32
      %get3A_2179 = arith.index_cast %get3A_2178 : i32 to index
      %get3A_2180 = arith.constant 32 : index
      %get3A_2181 = tpu.vector_load %arg7[%get3A_2179, %get3A_2180] {strides = array<i32>} : memref<80x64xf32, #tpu.memory_space<vmem>>, vector<1x16xf32>,
      %get3A_2182 = vector.shape_cast %get3A_2181 : vector<1x16xf32> to vector<16xf32>
      %mul3A_2183 = arith.mulf %get3A_1117, %get3A_2182 : vector<16xf32>
      %add3A_2184 = arith.addf %add3A_2177, %mul3A_2183 : vector<16xf32>
      %get3A_2185 = arith.constant 23 : i32
      %get3A_2186 = arith.index_cast %get3A_2185 : i32 to index
      %get3A_2187 = arith.constant 48 : index
      %get3A_2188 = tpu.vector_load %arg7[%get3A_2186, %get3A_2187] {strides = array<i32>} : memref<80x64xf32, #tpu.memory_space<vmem>>, vector<1x16xf32>,
      %get3A_2189 = vector.shape_cast %get3A_2188 : vector<1x16xf32> to vector<16xf32>
      %mul3A_2190 = arith.mulf %get3A_1122, %get3A_2189 : vector<16xf32>
      %add3A_2191 = arith.addf %add3A_2184, %mul3A_2190 : vector<16xf32>
      %get3A_2192 = arith.constant 24 : i32
      %get3A_2193 = arith.index_cast %get3A_2192 : i32 to index
      %get3A_2194 = arith.constant 0 : index
      %get3A_2195 = tpu.vector_load %arg7[%get3A_2193, %get3A_2194] {strides = array<i32>} : memref<80x64xf32, #tpu.memory_space<vmem>>, vector<1x16xf32>,
      %get3A_2196 = vector.shape_cast %get3A_2195 : vector<1x16xf32> to vector<16xf32>
      %mul3A_2197 = arith.mulf %get3A_1107, %get3A_2196 : vector<16xf32>
      %get3A_2198 = arith.constant 24 : i32
      %get3A_2199 = arith.index_cast %get3A_2198 : i32 to index
      %get3A_2200 = arith.constant 16 : index
      %get3A_2201 = tpu.vector_load %arg7[%get3A_2199, %get3A_2200] {strides = array<i32>} : memref<80x64xf32, #tpu.memory_space<vmem>>, vector<1x16xf32>,
      %get3A_2202 = vector.shape_cast %get3A_2201 : vector<1x16xf32> to vector<16xf32>
      %mul3A_2203 = arith.mulf %get3A_1112, %get3A_2202 : vector<16xf32>
      %add3A_2204 = arith.addf %mul3A_2197, %mul3A_2203 : vector<16xf32>
      %get3A_2205 = arith.constant 24 : i32
      %get3A_2206 = arith.index_cast %get3A_2205 : i32 to index
      %get3A_2207 = arith.constant 32 : index
      %get3A_2208 = tpu.vector_load %arg7[%get3A_2206, %get3A_2207] {strides = array<i32>} : memref<80x64xf32, #tpu.memory_space<vmem>>, vector<1x16xf32>,
      %get3A_2209 = vector.shape_cast %get3A_2208 : vector<1x16xf32> to vector<16xf32>
      %mul3A_2210 = arith.mulf %get3A_1117, %get3A_2209 : vector<16xf32>
      %add3A_2211 = arith.addf %add3A_2204, %mul3A_2210 : vector<16xf32>
      %get3A_2212 = arith.constant 24 : i32
      %get3A_2213 = arith.index_cast %get3A_2212 : i32 to index
      %get3A_2214 = arith.constant 48 : index
      %get3A_2215 = tpu.vector_load %arg7[%get3A_2213, %get3A_2214] {strides = array<i32>} : memref<80x64xf32, #tpu.memory_space<vmem>>, vector<1x16xf32>,
      %get3A_2216 = vector.shape_cast %get3A_2215 : vector<1x16xf32> to vector<16xf32>
      %mul3A_2217 = arith.mulf %get3A_1122, %get3A_2216 : vector<16xf32>
      %add3A_2218 = arith.addf %add3A_2211, %mul3A_2217 : vector<16xf32>
      %get3A_2219 = arith.constant 25 : i32
      %get3A_2220 = arith.index_cast %get3A_2219 : i32 to index
      %get3A_2221 = arith.constant 0 : index
      %get3A_2222 = tpu.vector_load %arg7[%get3A_2220, %get3A_2221] {strides = array<i32>} : memref<80x64xf32, #tpu.memory_space<vmem>>, vector<1x16xf32>,
      %get3A_2223 = vector.shape_cast %get3A_2222 : vector<1x16xf32> to vector<16xf32>
      %mul3A_2224 = arith.mulf %get3A_1127, %get3A_2223 : vector<16xf32>
      %get3A_2225 = arith.constant 25 : i32
      %get3A_2226 = arith.index_cast %get3A_2225 : i32 to index
      %get3A_2227 = arith.constant 16 : index
      %get3A_2228 = tpu.vector_load %arg7[%get3A_2226, %get3A_2227] {strides = array<i32>} : memref<80x64xf32, #tpu.memory_space<vmem>>, vector<1x16xf32>,
      %get3A_2229 = vector.shape_cast %get3A_2228 : vector<1x16xf32> to vector<16xf32>
      %mul3A_2230 = arith.mulf %get3A_1132, %get3A_2229 : vector<16xf32>
      %add3A_2231 = arith.addf %mul3A_2224, %mul3A_2230 : vector<16xf32>
      %get3A_2232 = arith.constant 25 : i32
      %get3A_2233 = arith.index_cast %get3A_2232 : i32 to index
      %get3A_2234 = arith.constant 32 : index
      %get3A_2235 = tpu.vector_load %arg7[%get3A_2233, %get3A_2234] {strides = array<i32>} : memref<80x64xf32, #tpu.memory_space<vmem>>, vector<1x16xf32>,
      %get3A_2236 = vector.shape_cast %get3A_2235 : vector<1x16xf32> to vector<16xf32>
      %mul3A_2237 = arith.mulf %get3A_1137, %get3A_2236 : vector<16xf32>
      %add3A_2238 = arith.addf %add3A_2231, %mul3A_2237 : vector<16xf32>
      %get3A_2239 = arith.constant 25 : i32
      %get3A_2240 = arith.index_cast %get3A_2239 : i32 to index
      %get3A_2241 = arith.constant 48 : index
      %get3A_2242 = tpu.vector_load %arg7[%get3A_2240, %get3A_2241] {strides = array<i32>} : memref<80x64xf32, #tpu.memory_space<vmem>>, vector<1x16xf32>,
      %get3A_2243 = vector.shape_cast %get3A_2242 : vector<1x16xf32> to vector<16xf32>
      %mul3A_2244 = arith.mulf %get3A_1142, %get3A_2243 : vector<16xf32>
      %add3A_2245 = arith.addf %add3A_2238, %mul3A_2244 : vector<16xf32>
      %get3A_2246 = arith.constant 26 : i32
      %get3A_2247 = arith.index_cast %get3A_2246 : i32 to index
      %get3A_2248 = arith.constant 0 : index
      %get3A_2249 = tpu.vector_load %arg7[%get3A_2247, %get3A_2248] {strides = array<i32>} : memref<80x64xf32, #tpu.memory_space<vmem>>, vector<1x16xf32>,
      %get3A_2250 = vector.shape_cast %get3A_2249 : vector<1x16xf32> to vector<16xf32>
      %mul3A_2251 = arith.mulf %get3A_1127, %get3A_2250 : vector<16xf32>
      %get3A_2252 = arith.constant 26 : i32
      %get3A_2253 = arith.index_cast %get3A_2252 : i32 to index
      %get3A_2254 = arith.constant 16 : index
      %get3A_2255 = tpu.vector_load %arg7[%get3A_2253, %get3A_2254] {strides = array<i32>} : memref<80x64xf32, #tpu.memory_space<vmem>>, vector<1x16xf32>,
      %get3A_2256 = vector.shape_cast %get3A_2255 : vector<1x16xf32> to vector<16xf32>
      %mul3A_2257 = arith.mulf %get3A_1132, %get3A_2256 : vector<16xf32>
      %add3A_2258 = arith.addf %mul3A_2251, %mul3A_2257 : vector<16xf32>
      %get3A_2259 = arith.constant 26 : i32
      %get3A_2260 = arith.index_cast %get3A_2259 : i32 to index
      %get3A_2261 = arith.constant 32 : index
      %get3A_2262 = tpu.vector_load %arg7[%get3A_2260, %get3A_2261] {strides = array<i32>} : memref<80x64xf32, #tpu.memory_space<vmem>>, vector<1x16xf32>,
      %get3A_2263 = vector.shape_cast %get3A_2262 : vector<1x16xf32> to vector<16xf32>
      %mul3A_2264 = arith.mulf %get3A_1137, %get3A_2263 : vector<16xf32>
      %add3A_2265 = arith.addf %add3A_2258, %mul3A_2264 : vector<16xf32>
      %get3A_2266 = arith.constant 26 : i32
      %get3A_2267 = arith.index_cast %get3A_2266 : i32 to index
      %get3A_2268 = arith.constant 48 : index
      %get3A_2269 = tpu.vector_load %arg7[%get3A_2267, %get3A_2268] {strides = array<i32>} : memref<80x64xf32, #tpu.memory_space<vmem>>, vector<1x16xf32>,
      %get3A_2270 = vector.shape_cast %get3A_2269 : vector<1x16xf32> to vector<16xf32>
      %mul3A_2271 = arith.mulf %get3A_1142, %get3A_2270 : vector<16xf32>
      %add3A_2272 = arith.addf %add3A_2265, %mul3A_2271 : vector<16xf32>
      %get3A_2273 = arith.constant 27 : i32
      %get3A_2274 = arith.index_cast %get3A_2273 : i32 to index
      %get3A_2275 = arith.constant 0 : index
      %get3A_2276 = tpu.vector_load %arg7[%get3A_2274, %get3A_2275] {strides = array<i32>} : memref<80x64xf32, #tpu.memory_space<vmem>>, vector<1x16xf32>,
      %get3A_2277 = vector.shape_cast %get3A_2276 : vector<1x16xf32> to vector<16xf32>
      %mul3A_2278 = arith.mulf %get3A_1127, %get3A_2277 : vector<16xf32>
      %get3A_2279 = arith.constant 27 : i32
      %get3A_2280 = arith.index_cast %get3A_2279 : i32 to index
      %get3A_2281 = arith.constant 16 : index
      %get3A_2282 = tpu.vector_load %arg7[%get3A_2280, %get3A_2281] {strides = array<i32>} : memref<80x64xf32, #tpu.memory_space<vmem>>, vector<1x16xf32>,
      %get3A_2283 = vector.shape_cast %get3A_2282 : vector<1x16xf32> to vector<16xf32>
      %mul3A_2284 = arith.mulf %get3A_1132, %get3A_2283 : vector<16xf32>
      %add3A_2285 = arith.addf %mul3A_2278, %mul3A_2284 : vector<16xf32>
      %get3A_2286 = arith.constant 27 : i32
      %get3A_2287 = arith.index_cast %get3A_2286 : i32 to index
      %get3A_2288 = arith.constant 32 : index
      %get3A_2289 = tpu.vector_load %arg7[%get3A_2287, %get3A_2288] {strides = array<i32>} : memref<80x64xf32, #tpu.memory_space<vmem>>, vector<1x16xf32>,
      %get3A_2290 = vector.shape_cast %get3A_2289 : vector<1x16xf32> to vector<16xf32>
      %mul3A_2291 = arith.mulf %get3A_1137, %get3A_2290 : vector<16xf32>
      %add3A_2292 = arith.addf %add3A_2285, %mul3A_2291 : vector<16xf32>
      %get3A_2293 = arith.constant 27 : i32
      %get3A_2294 = arith.index_cast %get3A_2293 : i32 to index
      %get3A_2295 = arith.constant 48 : index
      %get3A_2296 = tpu.vector_load %arg7[%get3A_2294, %get3A_2295] {strides = array<i32>} : memref<80x64xf32, #tpu.memory_space<vmem>>, vector<1x16xf32>,
      %get3A_2297 = vector.shape_cast %get3A_2296 : vector<1x16xf32> to vector<16xf32>
      %mul3A_2298 = arith.mulf %get3A_1142, %get3A_2297 : vector<16xf32>
      %add3A_2299 = arith.addf %add3A_2292, %mul3A_2298 : vector<16xf32>
      %get3A_2300 = arith.constant 28 : i32
      %get3A_2301 = arith.index_cast %get3A_2300 : i32 to index
      %get3A_2302 = arith.constant 0 : index
      %get3A_2303 = tpu.vector_load %arg7[%get3A_2301, %get3A_2302] {strides = array<i32>} : memref<80x64xf32, #tpu.memory_space<vmem>>, vector<1x16xf32>,
      %get3A_2304 = vector.shape_cast %get3A_2303 : vector<1x16xf32> to vector<16xf32>
      %mul3A_2305 = arith.mulf %get3A_1127, %get3A_2304 : vector<16xf32>
      %get3A_2306 = arith.constant 28 : i32
      %get3A_2307 = arith.index_cast %get3A_2306 : i32 to index
      %get3A_2308 = arith.constant 16 : index
      %get3A_2309 = tpu.vector_load %arg7[%get3A_2307, %get3A_2308] {strides = array<i32>} : memref<80x64xf32, #tpu.memory_space<vmem>>, vector<1x16xf32>,
      %get3A_2310 = vector.shape_cast %get3A_2309 : vector<1x16xf32> to vector<16xf32>
      %mul3A_2311 = arith.mulf %get3A_1132, %get3A_2310 : vector<16xf32>
      %add3A_2312 = arith.addf %mul3A_2305, %mul3A_2311 : vector<16xf32>
      %get3A_2313 = arith.constant 28 : i32
      %get3A_2314 = arith.index_cast %get3A_2313 : i32 to index
      %get3A_2315 = arith.constant 32 : index
      %get3A_2316 = tpu.vector_load %arg7[%get3A_2314, %get3A_2315] {strides = array<i32>} : memref<80x64xf32, #tpu.memory_space<vmem>>, vector<1x16xf32>,
      %get3A_2317 = vector.shape_cast %get3A_2316 : vector<1x16xf32> to vector<16xf32>
      %mul3A_2318 = arith.mulf %get3A_1137, %get3A_2317 : vector<16xf32>
      %add3A_2319 = arith.addf %add3A_2312, %mul3A_2318 : vector<16xf32>
      %get3A_2320 = arith.constant 28 : i32
      %get3A_2321 = arith.index_cast %get3A_2320 : i32 to index
      %get3A_2322 = arith.constant 48 : index
      %get3A_2323 = tpu.vector_load %arg7[%get3A_2321, %get3A_2322] {strides = array<i32>} : memref<80x64xf32, #tpu.memory_space<vmem>>, vector<1x16xf32>,
      %get3A_2324 = vector.shape_cast %get3A_2323 : vector<1x16xf32> to vector<16xf32>
      %mul3A_2325 = arith.mulf %get3A_1142, %get3A_2324 : vector<16xf32>
      %add3A_2326 = arith.addf %add3A_2319, %mul3A_2325 : vector<16xf32>
      %get3A_2327 = arith.constant 29 : i32
      %get3A_2328 = arith.index_cast %get3A_2327 : i32 to index
      %get3A_2329 = arith.constant 0 : index
      %get3A_2330 = tpu.vector_load %arg7[%get3A_2328, %get3A_2329] {strides = array<i32>} : memref<80x64xf32, #tpu.memory_space<vmem>>, vector<1x16xf32>,
      %get3A_2331 = vector.shape_cast %get3A_2330 : vector<1x16xf32> to vector<16xf32>
      %mul3A_2332 = arith.mulf %get3A_1127, %get3A_2331 : vector<16xf32>
      %get3A_2333 = arith.constant 29 : i32
      %get3A_2334 = arith.index_cast %get3A_2333 : i32 to index
      %get3A_2335 = arith.constant 16 : index
      %get3A_2336 = tpu.vector_load %arg7[%get3A_2334, %get3A_2335] {strides = array<i32>} : memref<80x64xf32, #tpu.memory_space<vmem>>, vector<1x16xf32>,
      %get3A_2337 = vector.shape_cast %get3A_2336 : vector<1x16xf32> to vector<16xf32>
      %mul3A_2338 = arith.mulf %get3A_1132, %get3A_2337 : vector<16xf32>
      %add3A_2339 = arith.addf %mul3A_2332, %mul3A_2338 : vector<16xf32>
      %get3A_2340 = arith.constant 29 : i32
      %get3A_2341 = arith.index_cast %get3A_2340 : i32 to index
      %get3A_2342 = arith.constant 32 : index
      %get3A_2343 = tpu.vector_load %arg7[%get3A_2341, %get3A_2342] {strides = array<i32>} : memref<80x64xf32, #tpu.memory_space<vmem>>, vector<1x16xf32>,
      %get3A_2344 = vector.shape_cast %get3A_2343 : vector<1x16xf32> to vector<16xf32>
      %mul3A_2345 = arith.mulf %get3A_1137, %get3A_2344 : vector<16xf32>
      %add3A_2346 = arith.addf %add3A_2339, %mul3A_2345 : vector<16xf32>
      %get3A_2347 = arith.constant 29 : i32
      %get3A_2348 = arith.index_cast %get3A_2347 : i32 to index
      %get3A_2349 = arith.constant 48 : index
      %get3A_2350 = tpu.vector_load %arg7[%get3A_2348, %get3A_2349] {strides = array<i32>} : memref<80x64xf32, #tpu.memory_space<vmem>>, vector<1x16xf32>,
      %get3A_2351 = vector.shape_cast %get3A_2350 : vector<1x16xf32> to vector<16xf32>
      %mul3A_2352 = arith.mulf %get3A_1142, %get3A_2351 : vector<16xf32>
      %add3A_2353 = arith.addf %add3A_2346, %mul3A_2352 : vector<16xf32>
      %get3A_2354 = arith.constant 30 : i32
      %get3A_2355 = arith.index_cast %get3A_2354 : i32 to index
      %get3A_2356 = arith.constant 0 : index
      %get3A_2357 = tpu.vector_load %arg7[%get3A_2355, %get3A_2356] {strides = array<i32>} : memref<80x64xf32, #tpu.memory_space<vmem>>, vector<1x16xf32>,
      %get3A_2358 = vector.shape_cast %get3A_2357 : vector<1x16xf32> to vector<16xf32>
      %mul3A_2359 = arith.mulf %get3A_1147, %get3A_2358 : vector<16xf32>
      %get3A_2360 = arith.constant 30 : i32
      %get3A_2361 = arith.index_cast %get3A_2360 : i32 to index
      %get3A_2362 = arith.constant 16 : index
      %get3A_2363 = tpu.vector_load %arg7[%get3A_2361, %get3A_2362] {strides = array<i32>} : memref<80x64xf32, #tpu.memory_space<vmem>>, vector<1x16xf32>,
      %get3A_2364 = vector.shape_cast %get3A_2363 : vector<1x16xf32> to vector<16xf32>
      %mul3A_2365 = arith.mulf %get3A_1152, %get3A_2364 : vector<16xf32>
      %add3A_2366 = arith.addf %mul3A_2359, %mul3A_2365 : vector<16xf32>
      %get3A_2367 = arith.constant 30 : i32
      %get3A_2368 = arith.index_cast %get3A_2367 : i32 to index
      %get3A_2369 = arith.constant 32 : index
      %get3A_2370 = tpu.vector_load %arg7[%get3A_2368, %get3A_2369] {strides = array<i32>} : memref<80x64xf32, #tpu.memory_space<vmem>>, vector<1x16xf32>,
      %get3A_2371 = vector.shape_cast %get3A_2370 : vector<1x16xf32> to vector<16xf32>
      %mul3A_2372 = arith.mulf %get3A_1157, %get3A_2371 : vector<16xf32>
      %add3A_2373 = arith.addf %add3A_2366, %mul3A_2372 : vector<16xf32>
      %get3A_2374 = arith.constant 30 : i32
      %get3A_2375 = arith.index_cast %get3A_2374 : i32 to index
      %get3A_2376 = arith.constant 48 : index
      %get3A_2377 = tpu.vector_load %arg7[%get3A_2375, %get3A_2376] {strides = array<i32>} : memref<80x64xf32, #tpu.memory_space<vmem>>, vector<1x16xf32>,
      %get3A_2378 = vector.shape_cast %get3A_2377 : vector<1x16xf32> to vector<16xf32>
      %mul3A_2379 = arith.mulf %get3A_1162, %get3A_2378 : vector<16xf32>
      %add3A_2380 = arith.addf %add3A_2373, %mul3A_2379 : vector<16xf32>
      %get3A_2381 = arith.constant 31 : i32
      %get3A_2382 = arith.index_cast %get3A_2381 : i32 to index
      %get3A_2383 = arith.constant 0 : index
      %get3A_2384 = tpu.vector_load %arg7[%get3A_2382, %get3A_2383] {strides = array<i32>} : memref<80x64xf32, #tpu.memory_space<vmem>>, vector<1x16xf32>,
      %get3A_2385 = vector.shape_cast %get3A_2384 : vector<1x16xf32> to vector<16xf32>
      %mul3A_2386 = arith.mulf %get3A_1147, %get3A_2385 : vector<16xf32>
      %get3A_2387 = arith.constant 31 : i32
      %get3A_2388 = arith.index_cast %get3A_2387 : i32 to index
      %get3A_2389 = arith.constant 16 : index
      %get3A_2390 = tpu.vector_load %arg7[%get3A_2388, %get3A_2389] {strides = array<i32>} : memref<80x64xf32, #tpu.memory_space<vmem>>, vector<1x16xf32>,
      %get3A_2391 = vector.shape_cast %get3A_2390 : vector<1x16xf32> to vector<16xf32>
      %mul3A_2392 = arith.mulf %get3A_1152, %get3A_2391 : vector<16xf32>
      %add3A_2393 = arith.addf %mul3A_2386, %mul3A_2392 : vector<16xf32>
      %get3A_2394 = arith.constant 31 : i32
      %get3A_2395 = arith.index_cast %get3A_2394 : i32 to index
      %get3A_2396 = arith.constant 32 : index
      %get3A_2397 = tpu.vector_load %arg7[%get3A_2395, %get3A_2396] {strides = array<i32>} : memref<80x64xf32, #tpu.memory_space<vmem>>, vector<1x16xf32>,
      %get3A_2398 = vector.shape_cast %get3A_2397 : vector<1x16xf32> to vector<16xf32>
      %mul3A_2399 = arith.mulf %get3A_1157, %get3A_2398 : vector<16xf32>
      %add3A_2400 = arith.addf %add3A_2393, %mul3A_2399 : vector<16xf32>
      %get3A_2401 = arith.constant 31 : i32
      %get3A_2402 = arith.index_cast %get3A_2401 : i32 to index
      %get3A_2403 = arith.constant 48 : index
      %get3A_2404 = tpu.vector_load %arg7[%get3A_2402, %get3A_2403] {strides = array<i32>} : memref<80x64xf32, #tpu.memory_space<vmem>>, vector<1x16xf32>,
      %get3A_2405 = vector.shape_cast %get3A_2404 : vector<1x16xf32> to vector<16xf32>
      %mul3A_2406 = arith.mulf %get3A_1162, %get3A_2405 : vector<16xf32>
      %add3A_2407 = arith.addf %add3A_2400, %mul3A_2406 : vector<16xf32>
      %select_n3A_2408 = arith.select %eq3A_15, %add3A_2002, %add3A_2029 : vector<16xi1>, vector<16xf32>
      %select_n3A_2409 = arith.select %eq3A_15, %add3A_2029, %add3A_2002 : vector<16xi1>, vector<16xf32>
      %lt3A_2410 = arith.constant 0 : i32
      %lt3A_2411 = vector.broadcast %lt3A_2410 : i32 to vector<16xi32>
      %lt3A_2412 = arith.cmpi slt, %xor3A_2, %lt3A_2411 : vector<16xi32>
      %add3A_2413 = arith.constant 16 : i32
      %add3A_2414 = vector.broadcast %add3A_2413 : i32 to vector<16xi32>
      %add3A_2415 = arith.addi %xor3A_2, %add3A_2414 : vector<16xi32>
      %select_n3A_2416 = arith.select %lt3A_2412, %add3A_2415, %xor3A_2 : vector<16xi1>, vector<16xi32>
      %broadcast_in_dim3A_2417 = vector.shape_cast %select_n3A_2416 : vector<16xi32> to vector<16x1xi32>
      %gather3A_2418 = vector.shape_cast %broadcast_in_dim3A_2417 : vector<16x1xi32> to vector<16xi32>
      %gather3A_2419 = tpu.dynamic_gather %select_n3A_2409[%gather3A_2418] in [0] : vector<16xf32>, vector<16xi32> -> vector<16xf32>
      %add3A_2420 = arith.addf %select_n3A_2408, %gather3A_2419 : vector<16xf32>
      %select_n3A_2421 = arith.select %eq3A_15, %add3A_2056, %add3A_2083 : vector<16xi1>, vector<16xf32>
      %select_n3A_2422 = arith.select %eq3A_15, %add3A_2083, %add3A_2056 : vector<16xi1>, vector<16xf32>
      %lt3A_2423 = arith.constant 0 : i32
      %lt3A_2424 = vector.broadcast %lt3A_2423 : i32 to vector<16xi32>
      %lt3A_2425 = arith.cmpi slt, %xor3A_2, %lt3A_2424 : vector<16xi32>
      %add3A_2426 = arith.constant 16 : i32
      %add3A_2427 = vector.broadcast %add3A_2426 : i32 to vector<16xi32>
      %add3A_2428 = arith.addi %xor3A_2, %add3A_2427 : vector<16xi32>
      %select_n3A_2429 = arith.select %lt3A_2425, %add3A_2428, %xor3A_2 : vector<16xi1>, vector<16xi32>
      %broadcast_in_dim3A_2430 = vector.shape_cast %select_n3A_2429 : vector<16xi32> to vector<16x1xi32>
      %gather3A_2431 = vector.shape_cast %broadcast_in_dim3A_2430 : vector<16x1xi32> to vector<16xi32>
      %gather3A_2432 = tpu.dynamic_gather %select_n3A_2422[%gather3A_2431] in [0] : vector<16xf32>, vector<16xi32> -> vector<16xf32>
      %add3A_2433 = arith.addf %select_n3A_2421, %gather3A_2432 : vector<16xf32>
      %select_n3A_2434 = arith.select %eq3A_15, %add3A_2110, %add3A_2137 : vector<16xi1>, vector<16xf32>
      %select_n3A_2435 = arith.select %eq3A_15, %add3A_2137, %add3A_2110 : vector<16xi1>, vector<16xf32>
      %lt3A_2436 = arith.constant 0 : i32
      %lt3A_2437 = vector.broadcast %lt3A_2436 : i32 to vector<16xi32>
      %lt3A_2438 = arith.cmpi slt, %xor3A_2, %lt3A_2437 : vector<16xi32>
      %add3A_2439 = arith.constant 16 : i32
      %add3A_2440 = vector.broadcast %add3A_2439 : i32 to vector<16xi32>
      %add3A_2441 = arith.addi %xor3A_2, %add3A_2440 : vector<16xi32>
      %select_n3A_2442 = arith.select %lt3A_2438, %add3A_2441, %xor3A_2 : vector<16xi1>, vector<16xi32>
      %broadcast_in_dim3A_2443 = vector.shape_cast %select_n3A_2442 : vector<16xi32> to vector<16x1xi32>
      %gather3A_2444 = vector.shape_cast %broadcast_in_dim3A_2443 : vector<16x1xi32> to vector<16xi32>
      %gather3A_2445 = tpu.dynamic_gather %select_n3A_2435[%gather3A_2444] in [0] : vector<16xf32>, vector<16xi32> -> vector<16xf32>
      %add3A_2446 = arith.addf %select_n3A_2434, %gather3A_2445 : vector<16xf32>
      %select_n3A_2447 = arith.select %eq3A_15, %add3A_2164, %add3A_2191 : vector<16xi1>, vector<16xf32>
      %select_n3A_2448 = arith.select %eq3A_15, %add3A_2191, %add3A_2164 : vector<16xi1>, vector<16xf32>
      %lt3A_2449 = arith.constant 0 : i32
      %lt3A_2450 = vector.broadcast %lt3A_2449 : i32 to vector<16xi32>
      %lt3A_2451 = arith.cmpi slt, %xor3A_2, %lt3A_2450 : vector<16xi32>
      %add3A_2452 = arith.constant 16 : i32
      %add3A_2453 = vector.broadcast %add3A_2452 : i32 to vector<16xi32>
      %add3A_2454 = arith.addi %xor3A_2, %add3A_2453 : vector<16xi32>
      %select_n3A_2455 = arith.select %lt3A_2451, %add3A_2454, %xor3A_2 : vector<16xi1>, vector<16xi32>
      %broadcast_in_dim3A_2456 = vector.shape_cast %select_n3A_2455 : vector<16xi32> to vector<16x1xi32>
      %gather3A_2457 = vector.shape_cast %broadcast_in_dim3A_2456 : vector<16x1xi32> to vector<16xi32>
      %gather3A_2458 = tpu.dynamic_gather %select_n3A_2448[%gather3A_2457] in [0] : vector<16xf32>, vector<16xi32> -> vector<16xf32>
      %add3A_2459 = arith.addf %select_n3A_2447, %gather3A_2458 : vector<16xf32>
      %select_n3A_2460 = arith.select %eq3A_15, %add3A_2218, %add3A_2245 : vector<16xi1>, vector<16xf32>
      %select_n3A_2461 = arith.select %eq3A_15, %add3A_2245, %add3A_2218 : vector<16xi1>, vector<16xf32>
      %lt3A_2462 = arith.constant 0 : i32
      %lt3A_2463 = vector.broadcast %lt3A_2462 : i32 to vector<16xi32>
      %lt3A_2464 = arith.cmpi slt, %xor3A_2, %lt3A_2463 : vector<16xi32>
      %add3A_2465 = arith.constant 16 : i32
      %add3A_2466 = vector.broadcast %add3A_2465 : i32 to vector<16xi32>
      %add3A_2467 = arith.addi %xor3A_2, %add3A_2466 : vector<16xi32>
      %select_n3A_2468 = arith.select %lt3A_2464, %add3A_2467, %xor3A_2 : vector<16xi1>, vector<16xi32>
      %broadcast_in_dim3A_2469 = vector.shape_cast %select_n3A_2468 : vector<16xi32> to vector<16x1xi32>
      %gather3A_2470 = vector.shape_cast %broadcast_in_dim3A_2469 : vector<16x1xi32> to vector<16xi32>
      %gather3A_2471 = tpu.dynamic_gather %select_n3A_2461[%gather3A_2470] in [0] : vector<16xf32>, vector<16xi32> -> vector<16xf32>
      %add3A_2472 = arith.addf %select_n3A_2460, %gather3A_2471 : vector<16xf32>
      %select_n3A_2473 = arith.select %eq3A_15, %add3A_2272, %add3A_2299 : vector<16xi1>, vector<16xf32>
      %select_n3A_2474 = arith.select %eq3A_15, %add3A_2299, %add3A_2272 : vector<16xi1>, vector<16xf32>
      %lt3A_2475 = arith.constant 0 : i32
      %lt3A_2476 = vector.broadcast %lt3A_2475 : i32 to vector<16xi32>
      %lt3A_2477 = arith.cmpi slt, %xor3A_2, %lt3A_2476 : vector<16xi32>
      %add3A_2478 = arith.constant 16 : i32
      %add3A_2479 = vector.broadcast %add3A_2478 : i32 to vector<16xi32>
      %add3A_2480 = arith.addi %xor3A_2, %add3A_2479 : vector<16xi32>
      %select_n3A_2481 = arith.select %lt3A_2477, %add3A_2480, %xor3A_2 : vector<16xi1>, vector<16xi32>
      %broadcast_in_dim3A_2482 = vector.shape_cast %select_n3A_2481 : vector<16xi32> to vector<16x1xi32>
      %gather3A_2483 = vector.shape_cast %broadcast_in_dim3A_2482 : vector<16x1xi32> to vector<16xi32>
      %gather3A_2484 = tpu.dynamic_gather %select_n3A_2474[%gather3A_2483] in [0] : vector<16xf32>, vector<16xi32> -> vector<16xf32>
      %add3A_2485 = arith.addf %select_n3A_2473, %gather3A_2484 : vector<16xf32>
      %select_n3A_2486 = arith.select %eq3A_15, %add3A_2326, %add3A_2353 : vector<16xi1>, vector<16xf32>
      %select_n3A_2487 = arith.select %eq3A_15, %add3A_2353, %add3A_2326 : vector<16xi1>, vector<16xf32>
      %lt3A_2488 = arith.constant 0 : i32
      %lt3A_2489 = vector.broadcast %lt3A_2488 : i32 to vector<16xi32>
      %lt3A_2490 = arith.cmpi slt, %xor3A_2, %lt3A_2489 : vector<16xi32>
      %add3A_2491 = arith.constant 16 : i32
      %add3A_2492 = vector.broadcast %add3A_2491 : i32 to vector<16xi32>
      %add3A_2493 = arith.addi %xor3A_2, %add3A_2492 : vector<16xi32>
      %select_n3A_2494 = arith.select %lt3A_2490, %add3A_2493, %xor3A_2 : vector<16xi1>, vector<16xi32>
      %broadcast_in_dim3A_2495 = vector.shape_cast %select_n3A_2494 : vector<16xi32> to vector<16x1xi32>
      %gather3A_2496 = vector.shape_cast %broadcast_in_dim3A_2495 : vector<16x1xi32> to vector<16xi32>
      %gather3A_2497 = tpu.dynamic_gather %select_n3A_2487[%gather3A_2496] in [0] : vector<16xf32>, vector<16xi32> -> vector<16xf32>
      %add3A_2498 = arith.addf %select_n3A_2486, %gather3A_2497 : vector<16xf32>
      %select_n3A_2499 = arith.select %eq3A_15, %add3A_2380, %add3A_2407 : vector<16xi1>, vector<16xf32>
      %select_n3A_2500 = arith.select %eq3A_15, %add3A_2407, %add3A_2380 : vector<16xi1>, vector<16xf32>
      %lt3A_2501 = arith.constant 0 : i32
      %lt3A_2502 = vector.broadcast %lt3A_2501 : i32 to vector<16xi32>
      %lt3A_2503 = arith.cmpi slt, %xor3A_2, %lt3A_2502 : vector<16xi32>
      %add3A_2504 = arith.constant 16 : i32
      %add3A_2505 = vector.broadcast %add3A_2504 : i32 to vector<16xi32>
      %add3A_2506 = arith.addi %xor3A_2, %add3A_2505 : vector<16xi32>
      %select_n3A_2507 = arith.select %lt3A_2503, %add3A_2506, %xor3A_2 : vector<16xi1>, vector<16xi32>
      %broadcast_in_dim3A_2508 = vector.shape_cast %select_n3A_2507 : vector<16xi32> to vector<16x1xi32>
      %gather3A_2509 = vector.shape_cast %broadcast_in_dim3A_2508 : vector<16x1xi32> to vector<16xi32>
      %gather3A_2510 = tpu.dynamic_gather %select_n3A_2500[%gather3A_2509] in [0] : vector<16xf32>, vector<16xi32> -> vector<16xf32>
      %add3A_2511 = arith.addf %select_n3A_2499, %gather3A_2510 : vector<16xf32>
      %select_n3A_2512 = arith.select %eq3A_21, %add3A_2420, %add3A_2433 : vector<16xi1>, vector<16xf32>
      %select_n3A_2513 = arith.select %eq3A_21, %add3A_2433, %add3A_2420 : vector<16xi1>, vector<16xf32>
      %lt3A_2514 = arith.constant 0 : i32
      %lt3A_2515 = vector.broadcast %lt3A_2514 : i32 to vector<16xi32>
      %lt3A_2516 = arith.cmpi slt, %xor3A_5, %lt3A_2515 : vector<16xi32>
      %add3A_2517 = arith.constant 16 : i32
      %add3A_2518 = vector.broadcast %add3A_2517 : i32 to vector<16xi32>
      %add3A_2519 = arith.addi %xor3A_5, %add3A_2518 : vector<16xi32>
      %select_n3A_2520 = arith.select %lt3A_2516, %add3A_2519, %xor3A_5 : vector<16xi1>, vector<16xi32>
      %broadcast_in_dim3A_2521 = vector.shape_cast %select_n3A_2520 : vector<16xi32> to vector<16x1xi32>
      %gather3A_2522 = vector.shape_cast %broadcast_in_dim3A_2521 : vector<16x1xi32> to vector<16xi32>
      %gather3A_2523 = tpu.dynamic_gather %select_n3A_2513[%gather3A_2522] in [0] : vector<16xf32>, vector<16xi32> -> vector<16xf32>
      %add3A_2524 = arith.addf %select_n3A_2512, %gather3A_2523 : vector<16xf32>
      %select_n3A_2525 = arith.select %eq3A_21, %add3A_2446, %add3A_2459 : vector<16xi1>, vector<16xf32>
      %select_n3A_2526 = arith.select %eq3A_21, %add3A_2459, %add3A_2446 : vector<16xi1>, vector<16xf32>
      %lt3A_2527 = arith.constant 0 : i32
      %lt3A_2528 = vector.broadcast %lt3A_2527 : i32 to vector<16xi32>
      %lt3A_2529 = arith.cmpi slt, %xor3A_5, %lt3A_2528 : vector<16xi32>
      %add3A_2530 = arith.constant 16 : i32
      %add3A_2531 = vector.broadcast %add3A_2530 : i32 to vector<16xi32>
      %add3A_2532 = arith.addi %xor3A_5, %add3A_2531 : vector<16xi32>
      %select_n3A_2533 = arith.select %lt3A_2529, %add3A_2532, %xor3A_5 : vector<16xi1>, vector<16xi32>
      %broadcast_in_dim3A_2534 = vector.shape_cast %select_n3A_2533 : vector<16xi32> to vector<16x1xi32>
      %gather3A_2535 = vector.shape_cast %broadcast_in_dim3A_2534 : vector<16x1xi32> to vector<16xi32>
      %gather3A_2536 = tpu.dynamic_gather %select_n3A_2526[%gather3A_2535] in [0] : vector<16xf32>, vector<16xi32> -> vector<16xf32>
      %add3A_2537 = arith.addf %select_n3A_2525, %gather3A_2536 : vector<16xf32>
      %select_n3A_2538 = arith.select %eq3A_21, %add3A_2472, %add3A_2485 : vector<16xi1>, vector<16xf32>
      %select_n3A_2539 = arith.select %eq3A_21, %add3A_2485, %add3A_2472 : vector<16xi1>, vector<16xf32>
      %lt3A_2540 = arith.constant 0 : i32
      %lt3A_2541 = vector.broadcast %lt3A_2540 : i32 to vector<16xi32>
      %lt3A_2542 = arith.cmpi slt, %xor3A_5, %lt3A_2541 : vector<16xi32>
      %add3A_2543 = arith.constant 16 : i32
      %add3A_2544 = vector.broadcast %add3A_2543 : i32 to vector<16xi32>
      %add3A_2545 = arith.addi %xor3A_5, %add3A_2544 : vector<16xi32>
      %select_n3A_2546 = arith.select %lt3A_2542, %add3A_2545, %xor3A_5 : vector<16xi1>, vector<16xi32>
      %broadcast_in_dim3A_2547 = vector.shape_cast %select_n3A_2546 : vector<16xi32> to vector<16x1xi32>
      %gather3A_2548 = vector.shape_cast %broadcast_in_dim3A_2547 : vector<16x1xi32> to vector<16xi32>
      %gather3A_2549 = tpu.dynamic_gather %select_n3A_2539[%gather3A_2548] in [0] : vector<16xf32>, vector<16xi32> -> vector<16xf32>
      %add3A_2550 = arith.addf %select_n3A_2538, %gather3A_2549 : vector<16xf32>
      %select_n3A_2551 = arith.select %eq3A_21, %add3A_2498, %add3A_2511 : vector<16xi1>, vector<16xf32>
      %select_n3A_2552 = arith.select %eq3A_21, %add3A_2511, %add3A_2498 : vector<16xi1>, vector<16xf32>
      %lt3A_2553 = arith.constant 0 : i32
      %lt3A_2554 = vector.broadcast %lt3A_2553 : i32 to vector<16xi32>
      %lt3A_2555 = arith.cmpi slt, %xor3A_5, %lt3A_2554 : vector<16xi32>
      %add3A_2556 = arith.constant 16 : i32
      %add3A_2557 = vector.broadcast %add3A_2556 : i32 to vector<16xi32>
      %add3A_2558 = arith.addi %xor3A_5, %add3A_2557 : vector<16xi32>
      %select_n3A_2559 = arith.select %lt3A_2555, %add3A_2558, %xor3A_5 : vector<16xi1>, vector<16xi32>
      %broadcast_in_dim3A_2560 = vector.shape_cast %select_n3A_2559 : vector<16xi32> to vector<16x1xi32>
      %gather3A_2561 = vector.shape_cast %broadcast_in_dim3A_2560 : vector<16x1xi32> to vector<16xi32>
      %gather3A_2562 = tpu.dynamic_gather %select_n3A_2552[%gather3A_2561] in [0] : vector<16xf32>, vector<16xi32> -> vector<16xf32>
      %add3A_2563 = arith.addf %select_n3A_2551, %gather3A_2562 : vector<16xf32>
      %select_n3A_2564 = arith.select %eq3A_27, %add3A_2524, %add3A_2537 : vector<16xi1>, vector<16xf32>
      %select_n3A_2565 = arith.select %eq3A_27, %add3A_2537, %add3A_2524 : vector<16xi1>, vector<16xf32>
      %lt3A_2566 = arith.constant 0 : i32
      %lt3A_2567 = vector.broadcast %lt3A_2566 : i32 to vector<16xi32>
      %lt3A_2568 = arith.cmpi slt, %xor3A_8, %lt3A_2567 : vector<16xi32>
      %add3A_2569 = arith.constant 16 : i32
      %add3A_2570 = vector.broadcast %add3A_2569 : i32 to vector<16xi32>
      %add3A_2571 = arith.addi %xor3A_8, %add3A_2570 : vector<16xi32>
      %select_n3A_2572 = arith.select %lt3A_2568, %add3A_2571, %xor3A_8 : vector<16xi1>, vector<16xi32>
      %broadcast_in_dim3A_2573 = vector.shape_cast %select_n3A_2572 : vector<16xi32> to vector<16x1xi32>
      %gather3A_2574 = vector.shape_cast %broadcast_in_dim3A_2573 : vector<16x1xi32> to vector<16xi32>
      %gather3A_2575 = tpu.dynamic_gather %select_n3A_2565[%gather3A_2574] in [0] : vector<16xf32>, vector<16xi32> -> vector<16xf32>
      %add3A_2576 = arith.addf %select_n3A_2564, %gather3A_2575 : vector<16xf32>
      %select_n3A_2577 = arith.select %eq3A_27, %add3A_2550, %add3A_2563 : vector<16xi1>, vector<16xf32>
      %select_n3A_2578 = arith.select %eq3A_27, %add3A_2563, %add3A_2550 : vector<16xi1>, vector<16xf32>
      %lt3A_2579 = arith.constant 0 : i32
      %lt3A_2580 = vector.broadcast %lt3A_2579 : i32 to vector<16xi32>
      %lt3A_2581 = arith.cmpi slt, %xor3A_8, %lt3A_2580 : vector<16xi32>
      %add3A_2582 = arith.constant 16 : i32
      %add3A_2583 = vector.broadcast %add3A_2582 : i32 to vector<16xi32>
      %add3A_2584 = arith.addi %xor3A_8, %add3A_2583 : vector<16xi32>
      %select_n3A_2585 = arith.select %lt3A_2581, %add3A_2584, %xor3A_8 : vector<16xi1>, vector<16xi32>
      %broadcast_in_dim3A_2586 = vector.shape_cast %select_n3A_2585 : vector<16xi32> to vector<16x1xi32>
      %gather3A_2587 = vector.shape_cast %broadcast_in_dim3A_2586 : vector<16x1xi32> to vector<16xi32>
      %gather3A_2588 = tpu.dynamic_gather %select_n3A_2578[%gather3A_2587] in [0] : vector<16xf32>, vector<16xi32> -> vector<16xf32>
      %add3A_2589 = arith.addf %select_n3A_2577, %gather3A_2588 : vector<16xf32>
      %select_n3A_2590 = arith.select %eq3A_33, %add3A_2576, %add3A_2589 : vector<16xi1>, vector<16xf32>
      %select_n3A_2591 = arith.select %eq3A_33, %add3A_2589, %add3A_2576 : vector<16xi1>, vector<16xf32>
      %lt3A_2592 = arith.constant 0 : i32
      %lt3A_2593 = vector.broadcast %lt3A_2592 : i32 to vector<16xi32>
      %lt3A_2594 = arith.cmpi slt, %xor3A_11, %lt3A_2593 : vector<16xi32>
      %add3A_2595 = arith.constant 16 : i32
      %add3A_2596 = vector.broadcast %add3A_2595 : i32 to vector<16xi32>
      %add3A_2597 = arith.addi %xor3A_11, %add3A_2596 : vector<16xi32>
      %select_n3A_2598 = arith.select %lt3A_2594, %add3A_2597, %xor3A_11 : vector<16xi1>, vector<16xi32>
      %broadcast_in_dim3A_2599 = vector.shape_cast %select_n3A_2598 : vector<16xi32> to vector<16x1xi32>
      %gather3A_2600 = vector.shape_cast %broadcast_in_dim3A_2599 : vector<16x1xi32> to vector<16xi32>
      %gather3A_2601 = tpu.dynamic_gather %select_n3A_2591[%gather3A_2600] in [0] : vector<16xf32>, vector<16xi32> -> vector<16xf32>
      %add3A_2602 = arith.addf %select_n3A_2590, %gather3A_2601 : vector<16xf32>
      %neg3A_2603 = arith.constant 0.000000e+00 : f32
      %neg3A_2604 = vector.broadcast %neg3A_2603 : f32 to vector<16xf32>
      %neg3A_2605 = arith.subf %neg3A_2604, %add3A_2602 : vector<16xf32>
      %exp3A_2606 = math.exp %neg3A_2605 : vector<16xf32>
      %add3A_2607 = arith.constant 1.000000e+00 : f32
      %add3A_2608 = vector.broadcast %add3A_2607 : f32 to vector<16xf32>
      %add3A_2609 = arith.addf %add3A_2608, %exp3A_2606 : vector<16xf32>
      %div3A_2610 = arith.constant 1.000000e+00 : f32
      %div3A_2611 = vector.broadcast %div3A_2610 : f32 to vector<16xf32>
      %div3A_2612 = arith.divf %div3A_2611, %add3A_2609 : vector<16xf32>
      %swap3A_2613 = arith.constant 16 : index
      %swap3A_2614 = tpu.vector_load %arg9[%swap3A_2613] {strides = array<i32>} : memref<80xf32, #tpu.memory_space<vmem>>, vector<16xf32>,
      %swap3A_2615 = vector.shape_cast %swap3A_2614 : vector<16xf32> to vector<16xf32>
      %swap3A_2616 = vector.shape_cast %div3A_2612 : vector<16xf32> to vector<16xf32>
      tpu.vector_store %arg9[%swap3A_2613], %swap3A_2616 {strides = array<i32>} : memref<80xf32, #tpu.memory_space<vmem>>, vector<16xf32>,
      %get3A_2617 = arith.constant 32 : i32
      %get3A_2618 = arith.index_cast %get3A_2617 : i32 to index
      %get3A_2619 = arith.constant 0 : index
      %get3A_2620 = tpu.vector_load %arg7[%get3A_2618, %get3A_2619] {strides = array<i32>} : memref<80x64xf32, #tpu.memory_space<vmem>>, vector<1x16xf32>,
      %get3A_2621 = vector.shape_cast %get3A_2620 : vector<1x16xf32> to vector<16xf32>
      %mul3A_2622 = arith.mulf %get3A_1147, %get3A_2621 : vector<16xf32>
      %get3A_2623 = arith.constant 32 : i32
      %get3A_2624 = arith.index_cast %get3A_2623 : i32 to index
      %get3A_2625 = arith.constant 16 : index
      %get3A_2626 = tpu.vector_load %arg7[%get3A_2624, %get3A_2625] {strides = array<i32>} : memref<80x64xf32, #tpu.memory_space<vmem>>, vector<1x16xf32>,
      %get3A_2627 = vector.shape_cast %get3A_2626 : vector<1x16xf32> to vector<16xf32>
      %mul3A_2628 = arith.mulf %get3A_1152, %get3A_2627 : vector<16xf32>
      %add3A_2629 = arith.addf %mul3A_2622, %mul3A_2628 : vector<16xf32>
      %get3A_2630 = arith.constant 32 : i32
      %get3A_2631 = arith.index_cast %get3A_2630 : i32 to index
      %get3A_2632 = arith.constant 32 : index
      %get3A_2633 = tpu.vector_load %arg7[%get3A_2631, %get3A_2632] {strides = array<i32>} : memref<80x64xf32, #tpu.memory_space<vmem>>, vector<1x16xf32>,
      %get3A_2634 = vector.shape_cast %get3A_2633 : vector<1x16xf32> to vector<16xf32>
      %mul3A_2635 = arith.mulf %get3A_1157, %get3A_2634 : vector<16xf32>
      %add3A_2636 = arith.addf %add3A_2629, %mul3A_2635 : vector<16xf32>
      %get3A_2637 = arith.constant 32 : i32
      %get3A_2638 = arith.index_cast %get3A_2637 : i32 to index
      %get3A_2639 = arith.constant 48 : index
      %get3A_2640 = tpu.vector_load %arg7[%get3A_2638, %get3A_2639] {strides = array<i32>} : memref<80x64xf32, #tpu.memory_space<vmem>>, vector<1x16xf32>,
      %get3A_2641 = vector.shape_cast %get3A_2640 : vector<1x16xf32> to vector<16xf32>
      %mul3A_2642 = arith.mulf %get3A_1162, %get3A_2641 : vector<16xf32>
      %add3A_2643 = arith.addf %add3A_2636, %mul3A_2642 : vector<16xf32>
      %get3A_2644 = arith.constant 33 : i32
      %get3A_2645 = arith.index_cast %get3A_2644 : i32 to index
      %get3A_2646 = arith.constant 0 : index
      %get3A_2647 = tpu.vector_load %arg7[%get3A_2645, %get3A_2646] {strides = array<i32>} : memref<80x64xf32, #tpu.memory_space<vmem>>, vector<1x16xf32>,
      %get3A_2648 = vector.shape_cast %get3A_2647 : vector<1x16xf32> to vector<16xf32>
      %mul3A_2649 = arith.mulf %get3A_1147, %get3A_2648 : vector<16xf32>
      %get3A_2650 = arith.constant 33 : i32
      %get3A_2651 = arith.index_cast %get3A_2650 : i32 to index
      %get3A_2652 = arith.constant 16 : index
      %get3A_2653 = tpu.vector_load %arg7[%get3A_2651, %get3A_2652] {strides = array<i32>} : memref<80x64xf32, #tpu.memory_space<vmem>>, vector<1x16xf32>,
      %get3A_2654 = vector.shape_cast %get3A_2653 : vector<1x16xf32> to vector<16xf32>
      %mul3A_2655 = arith.mulf %get3A_1152, %get3A_2654 : vector<16xf32>
      %add3A_2656 = arith.addf %mul3A_2649, %mul3A_2655 : vector<16xf32>
      %get3A_2657 = arith.constant 33 : i32
      %get3A_2658 = arith.index_cast %get3A_2657 : i32 to index
      %get3A_2659 = arith.constant 32 : index
      %get3A_2660 = tpu.vector_load %arg7[%get3A_2658, %get3A_2659] {strides = array<i32>} : memref<80x64xf32, #tpu.memory_space<vmem>>, vector<1x16xf32>,
      %get3A_2661 = vector.shape_cast %get3A_2660 : vector<1x16xf32> to vector<16xf32>
      %mul3A_2662 = arith.mulf %get3A_1157, %get3A_2661 : vector<16xf32>
      %add3A_2663 = arith.addf %add3A_2656, %mul3A_2662 : vector<16xf32>
      %get3A_2664 = arith.constant 33 : i32
      %get3A_2665 = arith.index_cast %get3A_2664 : i32 to index
      %get3A_2666 = arith.constant 48 : index
      %get3A_2667 = tpu.vector_load %arg7[%get3A_2665, %get3A_2666] {strides = array<i32>} : memref<80x64xf32, #tpu.memory_space<vmem>>, vector<1x16xf32>,
      %get3A_2668 = vector.shape_cast %get3A_2667 : vector<1x16xf32> to vector<16xf32>
      %mul3A_2669 = arith.mulf %get3A_1162, %get3A_2668 : vector<16xf32>
      %add3A_2670 = arith.addf %add3A_2663, %mul3A_2669 : vector<16xf32>
      %get3A_2671 = arith.constant 34 : i32
      %get3A_2672 = arith.index_cast %get3A_2671 : i32 to index
      %get3A_2673 = arith.constant 0 : index
      %get3A_2674 = tpu.vector_load %arg7[%get3A_2672, %get3A_2673] {strides = array<i32>} : memref<80x64xf32, #tpu.memory_space<vmem>>, vector<1x16xf32>,
      %get3A_2675 = vector.shape_cast %get3A_2674 : vector<1x16xf32> to vector<16xf32>
      %mul3A_2676 = arith.mulf %get3A_1147, %get3A_2675 : vector<16xf32>
      %get3A_2677 = arith.constant 34 : i32
      %get3A_2678 = arith.index_cast %get3A_2677 : i32 to index
      %get3A_2679 = arith.constant 16 : index
      %get3A_2680 = tpu.vector_load %arg7[%get3A_2678, %get3A_2679] {strides = array<i32>} : memref<80x64xf32, #tpu.memory_space<vmem>>, vector<1x16xf32>,
      %get3A_2681 = vector.shape_cast %get3A_2680 : vector<1x16xf32> to vector<16xf32>
      %mul3A_2682 = arith.mulf %get3A_1152, %get3A_2681 : vector<16xf32>
      %add3A_2683 = arith.addf %mul3A_2676, %mul3A_2682 : vector<16xf32>
      %get3A_2684 = arith.constant 34 : i32
      %get3A_2685 = arith.index_cast %get3A_2684 : i32 to index
      %get3A_2686 = arith.constant 32 : index
      %get3A_2687 = tpu.vector_load %arg7[%get3A_2685, %get3A_2686] {strides = array<i32>} : memref<80x64xf32, #tpu.memory_space<vmem>>, vector<1x16xf32>,
      %get3A_2688 = vector.shape_cast %get3A_2687 : vector<1x16xf32> to vector<16xf32>
      %mul3A_2689 = arith.mulf %get3A_1157, %get3A_2688 : vector<16xf32>
      %add3A_2690 = arith.addf %add3A_2683, %mul3A_2689 : vector<16xf32>
      %get3A_2691 = arith.constant 34 : i32
      %get3A_2692 = arith.index_cast %get3A_2691 : i32 to index
      %get3A_2693 = arith.constant 48 : index
      %get3A_2694 = tpu.vector_load %arg7[%get3A_2692, %get3A_2693] {strides = array<i32>} : memref<80x64xf32, #tpu.memory_space<vmem>>, vector<1x16xf32>,
      %get3A_2695 = vector.shape_cast %get3A_2694 : vector<1x16xf32> to vector<16xf32>
      %mul3A_2696 = arith.mulf %get3A_1162, %get3A_2695 : vector<16xf32>
      %add3A_2697 = arith.addf %add3A_2690, %mul3A_2696 : vector<16xf32>
      %get3A_2698 = arith.constant 35 : i32
      %get3A_2699 = arith.index_cast %get3A_2698 : i32 to index
      %get3A_2700 = arith.constant 0 : index
      %get3A_2701 = tpu.vector_load %arg7[%get3A_2699, %get3A_2700] {strides = array<i32>} : memref<80x64xf32, #tpu.memory_space<vmem>>, vector<1x16xf32>,
      %get3A_2702 = vector.shape_cast %get3A_2701 : vector<1x16xf32> to vector<16xf32>
      %mul3A_2703 = arith.mulf %get3A_1167, %get3A_2702 : vector<16xf32>
      %get3A_2704 = arith.constant 35 : i32
      %get3A_2705 = arith.index_cast %get3A_2704 : i32 to index
      %get3A_2706 = arith.constant 16 : index
      %get3A_2707 = tpu.vector_load %arg7[%get3A_2705, %get3A_2706] {strides = array<i32>} : memref<80x64xf32, #tpu.memory_space<vmem>>, vector<1x16xf32>,
      %get3A_2708 = vector.shape_cast %get3A_2707 : vector<1x16xf32> to vector<16xf32>
      %mul3A_2709 = arith.mulf %get3A_1172, %get3A_2708 : vector<16xf32>
      %add3A_2710 = arith.addf %mul3A_2703, %mul3A_2709 : vector<16xf32>
      %get3A_2711 = arith.constant 35 : i32
      %get3A_2712 = arith.index_cast %get3A_2711 : i32 to index
      %get3A_2713 = arith.constant 32 : index
      %get3A_2714 = tpu.vector_load %arg7[%get3A_2712, %get3A_2713] {strides = array<i32>} : memref<80x64xf32, #tpu.memory_space<vmem>>, vector<1x16xf32>,
      %get3A_2715 = vector.shape_cast %get3A_2714 : vector<1x16xf32> to vector<16xf32>
      %mul3A_2716 = arith.mulf %get3A_1177, %get3A_2715 : vector<16xf32>
      %add3A_2717 = arith.addf %add3A_2710, %mul3A_2716 : vector<16xf32>
      %get3A_2718 = arith.constant 35 : i32
      %get3A_2719 = arith.index_cast %get3A_2718 : i32 to index
      %get3A_2720 = arith.constant 48 : index
      %get3A_2721 = tpu.vector_load %arg7[%get3A_2719, %get3A_2720] {strides = array<i32>} : memref<80x64xf32, #tpu.memory_space<vmem>>, vector<1x16xf32>,
      %get3A_2722 = vector.shape_cast %get3A_2721 : vector<1x16xf32> to vector<16xf32>
      %mul3A_2723 = arith.mulf %get3A_1182, %get3A_2722 : vector<16xf32>
      %add3A_2724 = arith.addf %add3A_2717, %mul3A_2723 : vector<16xf32>
      %get3A_2725 = arith.constant 36 : i32
      %get3A_2726 = arith.index_cast %get3A_2725 : i32 to index
      %get3A_2727 = arith.constant 0 : index
      %get3A_2728 = tpu.vector_load %arg7[%get3A_2726, %get3A_2727] {strides = array<i32>} : memref<80x64xf32, #tpu.memory_space<vmem>>, vector<1x16xf32>,
      %get3A_2729 = vector.shape_cast %get3A_2728 : vector<1x16xf32> to vector<16xf32>
      %mul3A_2730 = arith.mulf %get3A_1167, %get3A_2729 : vector<16xf32>
      %get3A_2731 = arith.constant 36 : i32
      %get3A_2732 = arith.index_cast %get3A_2731 : i32 to index
      %get3A_2733 = arith.constant 16 : index
      %get3A_2734 = tpu.vector_load %arg7[%get3A_2732, %get3A_2733] {strides = array<i32>} : memref<80x64xf32, #tpu.memory_space<vmem>>, vector<1x16xf32>,
      %get3A_2735 = vector.shape_cast %get3A_2734 : vector<1x16xf32> to vector<16xf32>
      %mul3A_2736 = arith.mulf %get3A_1172, %get3A_2735 : vector<16xf32>
      %add3A_2737 = arith.addf %mul3A_2730, %mul3A_2736 : vector<16xf32>
      %get3A_2738 = arith.constant 36 : i32
      %get3A_2739 = arith.index_cast %get3A_2738 : i32 to index
      %get3A_2740 = arith.constant 32 : index
      %get3A_2741 = tpu.vector_load %arg7[%get3A_2739, %get3A_2740] {strides = array<i32>} : memref<80x64xf32, #tpu.memory_space<vmem>>, vector<1x16xf32>,
      %get3A_2742 = vector.shape_cast %get3A_2741 : vector<1x16xf32> to vector<16xf32>
      %mul3A_2743 = arith.mulf %get3A_1177, %get3A_2742 : vector<16xf32>
      %add3A_2744 = arith.addf %add3A_2737, %mul3A_2743 : vector<16xf32>
      %get3A_2745 = arith.constant 36 : i32
      %get3A_2746 = arith.index_cast %get3A_2745 : i32 to index
      %get3A_2747 = arith.constant 48 : index
      %get3A_2748 = tpu.vector_load %arg7[%get3A_2746, %get3A_2747] {strides = array<i32>} : memref<80x64xf32, #tpu.memory_space<vmem>>, vector<1x16xf32>,
      %get3A_2749 = vector.shape_cast %get3A_2748 : vector<1x16xf32> to vector<16xf32>
      %mul3A_2750 = arith.mulf %get3A_1182, %get3A_2749 : vector<16xf32>
      %add3A_2751 = arith.addf %add3A_2744, %mul3A_2750 : vector<16xf32>
      %get3A_2752 = arith.constant 37 : i32
      %get3A_2753 = arith.index_cast %get3A_2752 : i32 to index
      %get3A_2754 = arith.constant 0 : index
      %get3A_2755 = tpu.vector_load %arg7[%get3A_2753, %get3A_2754] {strides = array<i32>} : memref<80x64xf32, #tpu.memory_space<vmem>>, vector<1x16xf32>,
      %get3A_2756 = vector.shape_cast %get3A_2755 : vector<1x16xf32> to vector<16xf32>
      %mul3A_2757 = arith.mulf %get3A_1167, %get3A_2756 : vector<16xf32>
      %get3A_2758 = arith.constant 37 : i32
      %get3A_2759 = arith.index_cast %get3A_2758 : i32 to index
      %get3A_2760 = arith.constant 16 : index
      %get3A_2761 = tpu.vector_load %arg7[%get3A_2759, %get3A_2760] {strides = array<i32>} : memref<80x64xf32, #tpu.memory_space<vmem>>, vector<1x16xf32>,
      %get3A_2762 = vector.shape_cast %get3A_2761 : vector<1x16xf32> to vector<16xf32>
      %mul3A_2763 = arith.mulf %get3A_1172, %get3A_2762 : vector<16xf32>
      %add3A_2764 = arith.addf %mul3A_2757, %mul3A_2763 : vector<16xf32>
      %get3A_2765 = arith.constant 37 : i32
      %get3A_2766 = arith.index_cast %get3A_2765 : i32 to index
      %get3A_2767 = arith.constant 32 : index
      %get3A_2768 = tpu.vector_load %arg7[%get3A_2766, %get3A_2767] {strides = array<i32>} : memref<80x64xf32, #tpu.memory_space<vmem>>, vector<1x16xf32>,
      %get3A_2769 = vector.shape_cast %get3A_2768 : vector<1x16xf32> to vector<16xf32>
      %mul3A_2770 = arith.mulf %get3A_1177, %get3A_2769 : vector<16xf32>
      %add3A_2771 = arith.addf %add3A_2764, %mul3A_2770 : vector<16xf32>
      %get3A_2772 = arith.constant 37 : i32
      %get3A_2773 = arith.index_cast %get3A_2772 : i32 to index
      %get3A_2774 = arith.constant 48 : index
      %get3A_2775 = tpu.vector_load %arg7[%get3A_2773, %get3A_2774] {strides = array<i32>} : memref<80x64xf32, #tpu.memory_space<vmem>>, vector<1x16xf32>,
      %get3A_2776 = vector.shape_cast %get3A_2775 : vector<1x16xf32> to vector<16xf32>
      %mul3A_2777 = arith.mulf %get3A_1182, %get3A_2776 : vector<16xf32>
      %add3A_2778 = arith.addf %add3A_2771, %mul3A_2777 : vector<16xf32>
      %get3A_2779 = arith.constant 38 : i32
      %get3A_2780 = arith.index_cast %get3A_2779 : i32 to index
      %get3A_2781 = arith.constant 0 : index
      %get3A_2782 = tpu.vector_load %arg7[%get3A_2780, %get3A_2781] {strides = array<i32>} : memref<80x64xf32, #tpu.memory_space<vmem>>, vector<1x16xf32>,
      %get3A_2783 = vector.shape_cast %get3A_2782 : vector<1x16xf32> to vector<16xf32>
      %mul3A_2784 = arith.mulf %get3A_1167, %get3A_2783 : vector<16xf32>
      %get3A_2785 = arith.constant 38 : i32
      %get3A_2786 = arith.index_cast %get3A_2785 : i32 to index
      %get3A_2787 = arith.constant 16 : index
      %get3A_2788 = tpu.vector_load %arg7[%get3A_2786, %get3A_2787] {strides = array<i32>} : memref<80x64xf32, #tpu.memory_space<vmem>>, vector<1x16xf32>,
      %get3A_2789 = vector.shape_cast %get3A_2788 : vector<1x16xf32> to vector<16xf32>
      %mul3A_2790 = arith.mulf %get3A_1172, %get3A_2789 : vector<16xf32>
      %add3A_2791 = arith.addf %mul3A_2784, %mul3A_2790 : vector<16xf32>
      %get3A_2792 = arith.constant 38 : i32
      %get3A_2793 = arith.index_cast %get3A_2792 : i32 to index
      %get3A_2794 = arith.constant 32 : index
      %get3A_2795 = tpu.vector_load %arg7[%get3A_2793, %get3A_2794] {strides = array<i32>} : memref<80x64xf32, #tpu.memory_space<vmem>>, vector<1x16xf32>,
      %get3A_2796 = vector.shape_cast %get3A_2795 : vector<1x16xf32> to vector<16xf32>
      %mul3A_2797 = arith.mulf %get3A_1177, %get3A_2796 : vector<16xf32>
      %add3A_2798 = arith.addf %add3A_2791, %mul3A_2797 : vector<16xf32>
      %get3A_2799 = arith.constant 38 : i32
      %get3A_2800 = arith.index_cast %get3A_2799 : i32 to index
      %get3A_2801 = arith.constant 48 : index
      %get3A_2802 = tpu.vector_load %arg7[%get3A_2800, %get3A_2801] {strides = array<i32>} : memref<80x64xf32, #tpu.memory_space<vmem>>, vector<1x16xf32>,
      %get3A_2803 = vector.shape_cast %get3A_2802 : vector<1x16xf32> to vector<16xf32>
      %mul3A_2804 = arith.mulf %get3A_1182, %get3A_2803 : vector<16xf32>
      %add3A_2805 = arith.addf %add3A_2798, %mul3A_2804 : vector<16xf32>
      %get3A_2806 = arith.constant 39 : i32
      %get3A_2807 = arith.index_cast %get3A_2806 : i32 to index
      %get3A_2808 = arith.constant 0 : index
      %get3A_2809 = tpu.vector_load %arg7[%get3A_2807, %get3A_2808] {strides = array<i32>} : memref<80x64xf32, #tpu.memory_space<vmem>>, vector<1x16xf32>,
      %get3A_2810 = vector.shape_cast %get3A_2809 : vector<1x16xf32> to vector<16xf32>
      %mul3A_2811 = arith.mulf %get3A_1167, %get3A_2810 : vector<16xf32>
      %get3A_2812 = arith.constant 39 : i32
      %get3A_2813 = arith.index_cast %get3A_2812 : i32 to index
      %get3A_2814 = arith.constant 16 : index
      %get3A_2815 = tpu.vector_load %arg7[%get3A_2813, %get3A_2814] {strides = array<i32>} : memref<80x64xf32, #tpu.memory_space<vmem>>, vector<1x16xf32>,
      %get3A_2816 = vector.shape_cast %get3A_2815 : vector<1x16xf32> to vector<16xf32>
      %mul3A_2817 = arith.mulf %get3A_1172, %get3A_2816 : vector<16xf32>
      %add3A_2818 = arith.addf %mul3A_2811, %mul3A_2817 : vector<16xf32>
      %get3A_2819 = arith.constant 39 : i32
      %get3A_2820 = arith.index_cast %get3A_2819 : i32 to index
      %get3A_2821 = arith.constant 32 : index
      %get3A_2822 = tpu.vector_load %arg7[%get3A_2820, %get3A_2821] {strides = array<i32>} : memref<80x64xf32, #tpu.memory_space<vmem>>, vector<1x16xf32>,
      %get3A_2823 = vector.shape_cast %get3A_2822 : vector<1x16xf32> to vector<16xf32>
      %mul3A_2824 = arith.mulf %get3A_1177, %get3A_2823 : vector<16xf32>
      %add3A_2825 = arith.addf %add3A_2818, %mul3A_2824 : vector<16xf32>
      %get3A_2826 = arith.constant 39 : i32
      %get3A_2827 = arith.index_cast %get3A_2826 : i32 to index
      %get3A_2828 = arith.constant 48 : index
      %get3A_2829 = tpu.vector_load %arg7[%get3A_2827, %get3A_2828] {strides = array<i32>} : memref<80x64xf32, #tpu.memory_space<vmem>>, vector<1x16xf32>,
      %get3A_2830 = vector.shape_cast %get3A_2829 : vector<1x16xf32> to vector<16xf32>
      %mul3A_2831 = arith.mulf %get3A_1182, %get3A_2830 : vector<16xf32>
      %add3A_2832 = arith.addf %add3A_2825, %mul3A_2831 : vector<16xf32>
      %get3A_2833 = arith.constant 40 : i32
      %get3A_2834 = arith.index_cast %get3A_2833 : i32 to index
      %get3A_2835 = arith.constant 0 : index
      %get3A_2836 = tpu.vector_load %arg7[%get3A_2834, %get3A_2835] {strides = array<i32>} : memref<80x64xf32, #tpu.memory_space<vmem>>, vector<1x16xf32>,
      %get3A_2837 = vector.shape_cast %get3A_2836 : vector<1x16xf32> to vector<16xf32>
      %mul3A_2838 = arith.mulf %get3A_1187, %get3A_2837 : vector<16xf32>
      %get3A_2839 = arith.constant 40 : i32
      %get3A_2840 = arith.index_cast %get3A_2839 : i32 to index
      %get3A_2841 = arith.constant 16 : index
      %get3A_2842 = tpu.vector_load %arg7[%get3A_2840, %get3A_2841] {strides = array<i32>} : memref<80x64xf32, #tpu.memory_space<vmem>>, vector<1x16xf32>,
      %get3A_2843 = vector.shape_cast %get3A_2842 : vector<1x16xf32> to vector<16xf32>
      %mul3A_2844 = arith.mulf %get3A_1192, %get3A_2843 : vector<16xf32>
      %add3A_2845 = arith.addf %mul3A_2838, %mul3A_2844 : vector<16xf32>
      %get3A_2846 = arith.constant 40 : i32
      %get3A_2847 = arith.index_cast %get3A_2846 : i32 to index
      %get3A_2848 = arith.constant 32 : index
      %get3A_2849 = tpu.vector_load %arg7[%get3A_2847, %get3A_2848] {strides = array<i32>} : memref<80x64xf32, #tpu.memory_space<vmem>>, vector<1x16xf32>,
      %get3A_2850 = vector.shape_cast %get3A_2849 : vector<1x16xf32> to vector<16xf32>
      %mul3A_2851 = arith.mulf %get3A_1197, %get3A_2850 : vector<16xf32>
      %add3A_2852 = arith.addf %add3A_2845, %mul3A_2851 : vector<16xf32>
      %get3A_2853 = arith.constant 40 : i32
      %get3A_2854 = arith.index_cast %get3A_2853 : i32 to index
      %get3A_2855 = arith.constant 48 : index
      %get3A_2856 = tpu.vector_load %arg7[%get3A_2854, %get3A_2855] {strides = array<i32>} : memref<80x64xf32, #tpu.memory_space<vmem>>, vector<1x16xf32>,
      %get3A_2857 = vector.shape_cast %get3A_2856 : vector<1x16xf32> to vector<16xf32>
      %mul3A_2858 = arith.mulf %get3A_1202, %get3A_2857 : vector<16xf32>
      %add3A_2859 = arith.addf %add3A_2852, %mul3A_2858 : vector<16xf32>
      %get3A_2860 = arith.constant 41 : i32
      %get3A_2861 = arith.index_cast %get3A_2860 : i32 to index
      %get3A_2862 = arith.constant 0 : index
      %get3A_2863 = tpu.vector_load %arg7[%get3A_2861, %get3A_2862] {strides = array<i32>} : memref<80x64xf32, #tpu.memory_space<vmem>>, vector<1x16xf32>,
      %get3A_2864 = vector.shape_cast %get3A_2863 : vector<1x16xf32> to vector<16xf32>
      %mul3A_2865 = arith.mulf %get3A_1187, %get3A_2864 : vector<16xf32>
      %get3A_2866 = arith.constant 41 : i32
      %get3A_2867 = arith.index_cast %get3A_2866 : i32 to index
      %get3A_2868 = arith.constant 16 : index
      %get3A_2869 = tpu.vector_load %arg7[%get3A_2867, %get3A_2868] {strides = array<i32>} : memref<80x64xf32, #tpu.memory_space<vmem>>, vector<1x16xf32>,
      %get3A_2870 = vector.shape_cast %get3A_2869 : vector<1x16xf32> to vector<16xf32>
      %mul3A_2871 = arith.mulf %get3A_1192, %get3A_2870 : vector<16xf32>
      %add3A_2872 = arith.addf %mul3A_2865, %mul3A_2871 : vector<16xf32>
      %get3A_2873 = arith.constant 41 : i32
      %get3A_2874 = arith.index_cast %get3A_2873 : i32 to index
      %get3A_2875 = arith.constant 32 : index
      %get3A_2876 = tpu.vector_load %arg7[%get3A_2874, %get3A_2875] {strides = array<i32>} : memref<80x64xf32, #tpu.memory_space<vmem>>, vector<1x16xf32>,
      %get3A_2877 = vector.shape_cast %get3A_2876 : vector<1x16xf32> to vector<16xf32>
      %mul3A_2878 = arith.mulf %get3A_1197, %get3A_2877 : vector<16xf32>
      %add3A_2879 = arith.addf %add3A_2872, %mul3A_2878 : vector<16xf32>
      %get3A_2880 = arith.constant 41 : i32
      %get3A_2881 = arith.index_cast %get3A_2880 : i32 to index
      %get3A_2882 = arith.constant 48 : index
      %get3A_2883 = tpu.vector_load %arg7[%get3A_2881, %get3A_2882] {strides = array<i32>} : memref<80x64xf32, #tpu.memory_space<vmem>>, vector<1x16xf32>,
      %get3A_2884 = vector.shape_cast %get3A_2883 : vector<1x16xf32> to vector<16xf32>
      %mul3A_2885 = arith.mulf %get3A_1202, %get3A_2884 : vector<16xf32>
      %add3A_2886 = arith.addf %add3A_2879, %mul3A_2885 : vector<16xf32>
      %get3A_2887 = arith.constant 42 : i32
      %get3A_2888 = arith.index_cast %get3A_2887 : i32 to index
      %get3A_2889 = arith.constant 0 : index
      %get3A_2890 = tpu.vector_load %arg7[%get3A_2888, %get3A_2889] {strides = array<i32>} : memref<80x64xf32, #tpu.memory_space<vmem>>, vector<1x16xf32>,
      %get3A_2891 = vector.shape_cast %get3A_2890 : vector<1x16xf32> to vector<16xf32>
      %mul3A_2892 = arith.mulf %get3A_1187, %get3A_2891 : vector<16xf32>
      %get3A_2893 = arith.constant 42 : i32
      %get3A_2894 = arith.index_cast %get3A_2893 : i32 to index
      %get3A_2895 = arith.constant 16 : index
      %get3A_2896 = tpu.vector_load %arg7[%get3A_2894, %get3A_2895] {strides = array<i32>} : memref<80x64xf32, #tpu.memory_space<vmem>>, vector<1x16xf32>,
      %get3A_2897 = vector.shape_cast %get3A_2896 : vector<1x16xf32> to vector<16xf32>
      %mul3A_2898 = arith.mulf %get3A_1192, %get3A_2897 : vector<16xf32>
      %add3A_2899 = arith.addf %mul3A_2892, %mul3A_2898 : vector<16xf32>
      %get3A_2900 = arith.constant 42 : i32
      %get3A_2901 = arith.index_cast %get3A_2900 : i32 to index
      %get3A_2902 = arith.constant 32 : index
      %get3A_2903 = tpu.vector_load %arg7[%get3A_2901, %get3A_2902] {strides = array<i32>} : memref<80x64xf32, #tpu.memory_space<vmem>>, vector<1x16xf32>,
      %get3A_2904 = vector.shape_cast %get3A_2903 : vector<1x16xf32> to vector<16xf32>
      %mul3A_2905 = arith.mulf %get3A_1197, %get3A_2904 : vector<16xf32>
      %add3A_2906 = arith.addf %add3A_2899, %mul3A_2905 : vector<16xf32>
      %get3A_2907 = arith.constant 42 : i32
      %get3A_2908 = arith.index_cast %get3A_2907 : i32 to index
      %get3A_2909 = arith.constant 48 : index
      %get3A_2910 = tpu.vector_load %arg7[%get3A_2908, %get3A_2909] {strides = array<i32>} : memref<80x64xf32, #tpu.memory_space<vmem>>, vector<1x16xf32>,
      %get3A_2911 = vector.shape_cast %get3A_2910 : vector<1x16xf32> to vector<16xf32>
      %mul3A_2912 = arith.mulf %get3A_1202, %get3A_2911 : vector<16xf32>
      %add3A_2913 = arith.addf %add3A_2906, %mul3A_2912 : vector<16xf32>
      %get3A_2914 = arith.constant 43 : i32
      %get3A_2915 = arith.index_cast %get3A_2914 : i32 to index
      %get3A_2916 = arith.constant 0 : index
      %get3A_2917 = tpu.vector_load %arg7[%get3A_2915, %get3A_2916] {strides = array<i32>} : memref<80x64xf32, #tpu.memory_space<vmem>>, vector<1x16xf32>,
      %get3A_2918 = vector.shape_cast %get3A_2917 : vector<1x16xf32> to vector<16xf32>
      %mul3A_2919 = arith.mulf %get3A_1187, %get3A_2918 : vector<16xf32>
      %get3A_2920 = arith.constant 43 : i32
      %get3A_2921 = arith.index_cast %get3A_2920 : i32 to index
      %get3A_2922 = arith.constant 16 : index
      %get3A_2923 = tpu.vector_load %arg7[%get3A_2921, %get3A_2922] {strides = array<i32>} : memref<80x64xf32, #tpu.memory_space<vmem>>, vector<1x16xf32>,
      %get3A_2924 = vector.shape_cast %get3A_2923 : vector<1x16xf32> to vector<16xf32>
      %mul3A_2925 = arith.mulf %get3A_1192, %get3A_2924 : vector<16xf32>
      %add3A_2926 = arith.addf %mul3A_2919, %mul3A_2925 : vector<16xf32>
      %get3A_2927 = arith.constant 43 : i32
      %get3A_2928 = arith.index_cast %get3A_2927 : i32 to index
      %get3A_2929 = arith.constant 32 : index
      %get3A_2930 = tpu.vector_load %arg7[%get3A_2928, %get3A_2929] {strides = array<i32>} : memref<80x64xf32, #tpu.memory_space<vmem>>, vector<1x16xf32>,
      %get3A_2931 = vector.shape_cast %get3A_2930 : vector<1x16xf32> to vector<16xf32>
      %mul3A_2932 = arith.mulf %get3A_1197, %get3A_2931 : vector<16xf32>
      %add3A_2933 = arith.addf %add3A_2926, %mul3A_2932 : vector<16xf32>
      %get3A_2934 = arith.constant 43 : i32
      %get3A_2935 = arith.index_cast %get3A_2934 : i32 to index
      %get3A_2936 = arith.constant 48 : index
      %get3A_2937 = tpu.vector_load %arg7[%get3A_2935, %get3A_2936] {strides = array<i32>} : memref<80x64xf32, #tpu.memory_space<vmem>>, vector<1x16xf32>,
      %get3A_2938 = vector.shape_cast %get3A_2937 : vector<1x16xf32> to vector<16xf32>
      %mul3A_2939 = arith.mulf %get3A_1202, %get3A_2938 : vector<16xf32>
      %add3A_2940 = arith.addf %add3A_2933, %mul3A_2939 : vector<16xf32>
      %get3A_2941 = arith.constant 44 : i32
      %get3A_2942 = arith.index_cast %get3A_2941 : i32 to index
      %get3A_2943 = arith.constant 0 : index
      %get3A_2944 = tpu.vector_load %arg7[%get3A_2942, %get3A_2943] {strides = array<i32>} : memref<80x64xf32, #tpu.memory_space<vmem>>, vector<1x16xf32>,
      %get3A_2945 = vector.shape_cast %get3A_2944 : vector<1x16xf32> to vector<16xf32>
      %mul3A_2946 = arith.mulf %get3A_1187, %get3A_2945 : vector<16xf32>
      %get3A_2947 = arith.constant 44 : i32
      %get3A_2948 = arith.index_cast %get3A_2947 : i32 to index
      %get3A_2949 = arith.constant 16 : index
      %get3A_2950 = tpu.vector_load %arg7[%get3A_2948, %get3A_2949] {strides = array<i32>} : memref<80x64xf32, #tpu.memory_space<vmem>>, vector<1x16xf32>,
      %get3A_2951 = vector.shape_cast %get3A_2950 : vector<1x16xf32> to vector<16xf32>
      %mul3A_2952 = arith.mulf %get3A_1192, %get3A_2951 : vector<16xf32>
      %add3A_2953 = arith.addf %mul3A_2946, %mul3A_2952 : vector<16xf32>
      %get3A_2954 = arith.constant 44 : i32
      %get3A_2955 = arith.index_cast %get3A_2954 : i32 to index
      %get3A_2956 = arith.constant 32 : index
      %get3A_2957 = tpu.vector_load %arg7[%get3A_2955, %get3A_2956] {strides = array<i32>} : memref<80x64xf32, #tpu.memory_space<vmem>>, vector<1x16xf32>,
      %get3A_2958 = vector.shape_cast %get3A_2957 : vector<1x16xf32> to vector<16xf32>
      %mul3A_2959 = arith.mulf %get3A_1197, %get3A_2958 : vector<16xf32>
      %add3A_2960 = arith.addf %add3A_2953, %mul3A_2959 : vector<16xf32>
      %get3A_2961 = arith.constant 44 : i32
      %get3A_2962 = arith.index_cast %get3A_2961 : i32 to index
      %get3A_2963 = arith.constant 48 : index
      %get3A_2964 = tpu.vector_load %arg7[%get3A_2962, %get3A_2963] {strides = array<i32>} : memref<80x64xf32, #tpu.memory_space<vmem>>, vector<1x16xf32>,
      %get3A_2965 = vector.shape_cast %get3A_2964 : vector<1x16xf32> to vector<16xf32>
      %mul3A_2966 = arith.mulf %get3A_1202, %get3A_2965 : vector<16xf32>
      %add3A_2967 = arith.addf %add3A_2960, %mul3A_2966 : vector<16xf32>
      %get3A_2968 = arith.constant 45 : i32
      %get3A_2969 = arith.index_cast %get3A_2968 : i32 to index
      %get3A_2970 = arith.constant 0 : index
      %get3A_2971 = tpu.vector_load %arg7[%get3A_2969, %get3A_2970] {strides = array<i32>} : memref<80x64xf32, #tpu.memory_space<vmem>>, vector<1x16xf32>,
      %get3A_2972 = vector.shape_cast %get3A_2971 : vector<1x16xf32> to vector<16xf32>
      %mul3A_2973 = arith.mulf %get3A_1207, %get3A_2972 : vector<16xf32>
      %get3A_2974 = arith.constant 45 : i32
      %get3A_2975 = arith.index_cast %get3A_2974 : i32 to index
      %get3A_2976 = arith.constant 16 : index
      %get3A_2977 = tpu.vector_load %arg7[%get3A_2975, %get3A_2976] {strides = array<i32>} : memref<80x64xf32, #tpu.memory_space<vmem>>, vector<1x16xf32>,
      %get3A_2978 = vector.shape_cast %get3A_2977 : vector<1x16xf32> to vector<16xf32>
      %mul3A_2979 = arith.mulf %get3A_1212, %get3A_2978 : vector<16xf32>
      %add3A_2980 = arith.addf %mul3A_2973, %mul3A_2979 : vector<16xf32>
      %get3A_2981 = arith.constant 45 : i32
      %get3A_2982 = arith.index_cast %get3A_2981 : i32 to index
      %get3A_2983 = arith.constant 32 : index
      %get3A_2984 = tpu.vector_load %arg7[%get3A_2982, %get3A_2983] {strides = array<i32>} : memref<80x64xf32, #tpu.memory_space<vmem>>, vector<1x16xf32>,
      %get3A_2985 = vector.shape_cast %get3A_2984 : vector<1x16xf32> to vector<16xf32>
      %mul3A_2986 = arith.mulf %get3A_1217, %get3A_2985 : vector<16xf32>
      %add3A_2987 = arith.addf %add3A_2980, %mul3A_2986 : vector<16xf32>
      %get3A_2988 = arith.constant 45 : i32
      %get3A_2989 = arith.index_cast %get3A_2988 : i32 to index
      %get3A_2990 = arith.constant 48 : index
      %get3A_2991 = tpu.vector_load %arg7[%get3A_2989, %get3A_2990] {strides = array<i32>} : memref<80x64xf32, #tpu.memory_space<vmem>>, vector<1x16xf32>,
      %get3A_2992 = vector.shape_cast %get3A_2991 : vector<1x16xf32> to vector<16xf32>
      %mul3A_2993 = arith.mulf %get3A_1222, %get3A_2992 : vector<16xf32>
      %add3A_2994 = arith.addf %add3A_2987, %mul3A_2993 : vector<16xf32>
      %get3A_2995 = arith.constant 46 : i32
      %get3A_2996 = arith.index_cast %get3A_2995 : i32 to index
      %get3A_2997 = arith.constant 0 : index
      %get3A_2998 = tpu.vector_load %arg7[%get3A_2996, %get3A_2997] {strides = array<i32>} : memref<80x64xf32, #tpu.memory_space<vmem>>, vector<1x16xf32>,
      %get3A_2999 = vector.shape_cast %get3A_2998 : vector<1x16xf32> to vector<16xf32>
      %mul3A_3000 = arith.mulf %get3A_1207, %get3A_2999 : vector<16xf32>
      %get3A_3001 = arith.constant 46 : i32
      %get3A_3002 = arith.index_cast %get3A_3001 : i32 to index
      %get3A_3003 = arith.constant 16 : index
      %get3A_3004 = tpu.vector_load %arg7[%get3A_3002, %get3A_3003] {strides = array<i32>} : memref<80x64xf32, #tpu.memory_space<vmem>>, vector<1x16xf32>,
      %get3A_3005 = vector.shape_cast %get3A_3004 : vector<1x16xf32> to vector<16xf32>
      %mul3A_3006 = arith.mulf %get3A_1212, %get3A_3005 : vector<16xf32>
      %add3A_3007 = arith.addf %mul3A_3000, %mul3A_3006 : vector<16xf32>
      %get3A_3008 = arith.constant 46 : i32
      %get3A_3009 = arith.index_cast %get3A_3008 : i32 to index
      %get3A_3010 = arith.constant 32 : index
      %get3A_3011 = tpu.vector_load %arg7[%get3A_3009, %get3A_3010] {strides = array<i32>} : memref<80x64xf32, #tpu.memory_space<vmem>>, vector<1x16xf32>,
      %get3A_3012 = vector.shape_cast %get3A_3011 : vector<1x16xf32> to vector<16xf32>
      %mul3A_3013 = arith.mulf %get3A_1217, %get3A_3012 : vector<16xf32>
      %add3A_3014 = arith.addf %add3A_3007, %mul3A_3013 : vector<16xf32>
      %get3A_3015 = arith.constant 46 : i32
      %get3A_3016 = arith.index_cast %get3A_3015 : i32 to index
      %get3A_3017 = arith.constant 48 : index
      %get3A_3018 = tpu.vector_load %arg7[%get3A_3016, %get3A_3017] {strides = array<i32>} : memref<80x64xf32, #tpu.memory_space<vmem>>, vector<1x16xf32>,
      %get3A_3019 = vector.shape_cast %get3A_3018 : vector<1x16xf32> to vector<16xf32>
      %mul3A_3020 = arith.mulf %get3A_1222, %get3A_3019 : vector<16xf32>
      %add3A_3021 = arith.addf %add3A_3014, %mul3A_3020 : vector<16xf32>
      %get3A_3022 = arith.constant 47 : i32
      %get3A_3023 = arith.index_cast %get3A_3022 : i32 to index
      %get3A_3024 = arith.constant 0 : index
      %get3A_3025 = tpu.vector_load %arg7[%get3A_3023, %get3A_3024] {strides = array<i32>} : memref<80x64xf32, #tpu.memory_space<vmem>>, vector<1x16xf32>,
      %get3A_3026 = vector.shape_cast %get3A_3025 : vector<1x16xf32> to vector<16xf32>
      %mul3A_3027 = arith.mulf %get3A_1207, %get3A_3026 : vector<16xf32>
      %get3A_3028 = arith.constant 47 : i32
      %get3A_3029 = arith.index_cast %get3A_3028 : i32 to index
      %get3A_3030 = arith.constant 16 : index
      %get3A_3031 = tpu.vector_load %arg7[%get3A_3029, %get3A_3030] {strides = array<i32>} : memref<80x64xf32, #tpu.memory_space<vmem>>, vector<1x16xf32>,
      %get3A_3032 = vector.shape_cast %get3A_3031 : vector<1x16xf32> to vector<16xf32>
      %mul3A_3033 = arith.mulf %get3A_1212, %get3A_3032 : vector<16xf32>
      %add3A_3034 = arith.addf %mul3A_3027, %mul3A_3033 : vector<16xf32>
      %get3A_3035 = arith.constant 47 : i32
      %get3A_3036 = arith.index_cast %get3A_3035 : i32 to index
      %get3A_3037 = arith.constant 32 : index
      %get3A_3038 = tpu.vector_load %arg7[%get3A_3036, %get3A_3037] {strides = array<i32>} : memref<80x64xf32, #tpu.memory_space<vmem>>, vector<1x16xf32>,
      %get3A_3039 = vector.shape_cast %get3A_3038 : vector<1x16xf32> to vector<16xf32>
      %mul3A_3040 = arith.mulf %get3A_1217, %get3A_3039 : vector<16xf32>
      %add3A_3041 = arith.addf %add3A_3034, %mul3A_3040 : vector<16xf32>
      %get3A_3042 = arith.constant 47 : i32
      %get3A_3043 = arith.index_cast %get3A_3042 : i32 to index
      %get3A_3044 = arith.constant 48 : index
      %get3A_3045 = tpu.vector_load %arg7[%get3A_3043, %get3A_3044] {strides = array<i32>} : memref<80x64xf32, #tpu.memory_space<vmem>>, vector<1x16xf32>,
      %get3A_3046 = vector.shape_cast %get3A_3045 : vector<1x16xf32> to vector<16xf32>
      %mul3A_3047 = arith.mulf %get3A_1222, %get3A_3046 : vector<16xf32>
      %add3A_3048 = arith.addf %add3A_3041, %mul3A_3047 : vector<16xf32>
      %select_n3A_3049 = arith.select %eq3A_15, %add3A_2643, %add3A_2670 : vector<16xi1>, vector<16xf32>
      %select_n3A_3050 = arith.select %eq3A_15, %add3A_2670, %add3A_2643 : vector<16xi1>, vector<16xf32>
      %lt3A_3051 = arith.constant 0 : i32
      %lt3A_3052 = vector.broadcast %lt3A_3051 : i32 to vector<16xi32>
      %lt3A_3053 = arith.cmpi slt, %xor3A_2, %lt3A_3052 : vector<16xi32>
      %add3A_3054 = arith.constant 16 : i32
      %add3A_3055 = vector.broadcast %add3A_3054 : i32 to vector<16xi32>
      %add3A_3056 = arith.addi %xor3A_2, %add3A_3055 : vector<16xi32>
      %select_n3A_3057 = arith.select %lt3A_3053, %add3A_3056, %xor3A_2 : vector<16xi1>, vector<16xi32>
      %broadcast_in_dim3A_3058 = vector.shape_cast %select_n3A_3057 : vector<16xi32> to vector<16x1xi32>
      %gather3A_3059 = vector.shape_cast %broadcast_in_dim3A_3058 : vector<16x1xi32> to vector<16xi32>
      %gather3A_3060 = tpu.dynamic_gather %select_n3A_3050[%gather3A_3059] in [0] : vector<16xf32>, vector<16xi32> -> vector<16xf32>
      %add3A_3061 = arith.addf %select_n3A_3049, %gather3A_3060 : vector<16xf32>
      %select_n3A_3062 = arith.select %eq3A_15, %add3A_2697, %add3A_2724 : vector<16xi1>, vector<16xf32>
      %select_n3A_3063 = arith.select %eq3A_15, %add3A_2724, %add3A_2697 : vector<16xi1>, vector<16xf32>
      %lt3A_3064 = arith.constant 0 : i32
      %lt3A_3065 = vector.broadcast %lt3A_3064 : i32 to vector<16xi32>
      %lt3A_3066 = arith.cmpi slt, %xor3A_2, %lt3A_3065 : vector<16xi32>
      %add3A_3067 = arith.constant 16 : i32
      %add3A_3068 = vector.broadcast %add3A_3067 : i32 to vector<16xi32>
      %add3A_3069 = arith.addi %xor3A_2, %add3A_3068 : vector<16xi32>
      %select_n3A_3070 = arith.select %lt3A_3066, %add3A_3069, %xor3A_2 : vector<16xi1>, vector<16xi32>
      %broadcast_in_dim3A_3071 = vector.shape_cast %select_n3A_3070 : vector<16xi32> to vector<16x1xi32>
      %gather3A_3072 = vector.shape_cast %broadcast_in_dim3A_3071 : vector<16x1xi32> to vector<16xi32>
      %gather3A_3073 = tpu.dynamic_gather %select_n3A_3063[%gather3A_3072] in [0] : vector<16xf32>, vector<16xi32> -> vector<16xf32>
      %add3A_3074 = arith.addf %select_n3A_3062, %gather3A_3073 : vector<16xf32>
      %select_n3A_3075 = arith.select %eq3A_15, %add3A_2751, %add3A_2778 : vector<16xi1>, vector<16xf32>
      %select_n3A_3076 = arith.select %eq3A_15, %add3A_2778, %add3A_2751 : vector<16xi1>, vector<16xf32>
      %lt3A_3077 = arith.constant 0 : i32
      %lt3A_3078 = vector.broadcast %lt3A_3077 : i32 to vector<16xi32>
      %lt3A_3079 = arith.cmpi slt, %xor3A_2, %lt3A_3078 : vector<16xi32>
      %add3A_3080 = arith.constant 16 : i32
      %add3A_3081 = vector.broadcast %add3A_3080 : i32 to vector<16xi32>
      %add3A_3082 = arith.addi %xor3A_2, %add3A_3081 : vector<16xi32>
      %select_n3A_3083 = arith.select %lt3A_3079, %add3A_3082, %xor3A_2 : vector<16xi1>, vector<16xi32>
      %broadcast_in_dim3A_3084 = vector.shape_cast %select_n3A_3083 : vector<16xi32> to vector<16x1xi32>
      %gather3A_3085 = vector.shape_cast %broadcast_in_dim3A_3084 : vector<16x1xi32> to vector<16xi32>
      %gather3A_3086 = tpu.dynamic_gather %select_n3A_3076[%gather3A_3085] in [0] : vector<16xf32>, vector<16xi32> -> vector<16xf32>
      %add3A_3087 = arith.addf %select_n3A_3075, %gather3A_3086 : vector<16xf32>
      %select_n3A_3088 = arith.select %eq3A_15, %add3A_2805, %add3A_2832 : vector<16xi1>, vector<16xf32>
      %select_n3A_3089 = arith.select %eq3A_15, %add3A_2832, %add3A_2805 : vector<16xi1>, vector<16xf32>
      %lt3A_3090 = arith.constant 0 : i32
      %lt3A_3091 = vector.broadcast %lt3A_3090 : i32 to vector<16xi32>
      %lt3A_3092 = arith.cmpi slt, %xor3A_2, %lt3A_3091 : vector<16xi32>
      %add3A_3093 = arith.constant 16 : i32
      %add3A_3094 = vector.broadcast %add3A_3093 : i32 to vector<16xi32>
      %add3A_3095 = arith.addi %xor3A_2, %add3A_3094 : vector<16xi32>
      %select_n3A_3096 = arith.select %lt3A_3092, %add3A_3095, %xor3A_2 : vector<16xi1>, vector<16xi32>
      %broadcast_in_dim3A_3097 = vector.shape_cast %select_n3A_3096 : vector<16xi32> to vector<16x1xi32>
      %gather3A_3098 = vector.shape_cast %broadcast_in_dim3A_3097 : vector<16x1xi32> to vector<16xi32>
      %gather3A_3099 = tpu.dynamic_gather %select_n3A_3089[%gather3A_3098] in [0] : vector<16xf32>, vector<16xi32> -> vector<16xf32>
      %add3A_3100 = arith.addf %select_n3A_3088, %gather3A_3099 : vector<16xf32>
      %select_n3A_3101 = arith.select %eq3A_15, %add3A_2859, %add3A_2886 : vector<16xi1>, vector<16xf32>
      %select_n3A_3102 = arith.select %eq3A_15, %add3A_2886, %add3A_2859 : vector<16xi1>, vector<16xf32>
      %lt3A_3103 = arith.constant 0 : i32
      %lt3A_3104 = vector.broadcast %lt3A_3103 : i32 to vector<16xi32>
      %lt3A_3105 = arith.cmpi slt, %xor3A_2, %lt3A_3104 : vector<16xi32>
      %add3A_3106 = arith.constant 16 : i32
      %add3A_3107 = vector.broadcast %add3A_3106 : i32 to vector<16xi32>
      %add3A_3108 = arith.addi %xor3A_2, %add3A_3107 : vector<16xi32>
      %select_n3A_3109 = arith.select %lt3A_3105, %add3A_3108, %xor3A_2 : vector<16xi1>, vector<16xi32>
      %broadcast_in_dim3A_3110 = vector.shape_cast %select_n3A_3109 : vector<16xi32> to vector<16x1xi32>
      %gather3A_3111 = vector.shape_cast %broadcast_in_dim3A_3110 : vector<16x1xi32> to vector<16xi32>
      %gather3A_3112 = tpu.dynamic_gather %select_n3A_3102[%gather3A_3111] in [0] : vector<16xf32>, vector<16xi32> -> vector<16xf32>
      %add3A_3113 = arith.addf %select_n3A_3101, %gather3A_3112 : vector<16xf32>
      %select_n3A_3114 = arith.select %eq3A_15, %add3A_2913, %add3A_2940 : vector<16xi1>, vector<16xf32>
      %select_n3A_3115 = arith.select %eq3A_15, %add3A_2940, %add3A_2913 : vector<16xi1>, vector<16xf32>
      %lt3A_3116 = arith.constant 0 : i32
      %lt3A_3117 = vector.broadcast %lt3A_3116 : i32 to vector<16xi32>
      %lt3A_3118 = arith.cmpi slt, %xor3A_2, %lt3A_3117 : vector<16xi32>
      %add3A_3119 = arith.constant 16 : i32
      %add3A_3120 = vector.broadcast %add3A_3119 : i32 to vector<16xi32>
      %add3A_3121 = arith.addi %xor3A_2, %add3A_3120 : vector<16xi32>
      %select_n3A_3122 = arith.select %lt3A_3118, %add3A_3121, %xor3A_2 : vector<16xi1>, vector<16xi32>
      %broadcast_in_dim3A_3123 = vector.shape_cast %select_n3A_3122 : vector<16xi32> to vector<16x1xi32>
      %gather3A_3124 = vector.shape_cast %broadcast_in_dim3A_3123 : vector<16x1xi32> to vector<16xi32>
      %gather3A_3125 = tpu.dynamic_gather %select_n3A_3115[%gather3A_3124] in [0] : vector<16xf32>, vector<16xi32> -> vector<16xf32>
      %add3A_3126 = arith.addf %select_n3A_3114, %gather3A_3125 : vector<16xf32>
      %select_n3A_3127 = arith.select %eq3A_15, %add3A_2967, %add3A_2994 : vector<16xi1>, vector<16xf32>
      %select_n3A_3128 = arith.select %eq3A_15, %add3A_2994, %add3A_2967 : vector<16xi1>, vector<16xf32>
      %lt3A_3129 = arith.constant 0 : i32
      %lt3A_3130 = vector.broadcast %lt3A_3129 : i32 to vector<16xi32>
      %lt3A_3131 = arith.cmpi slt, %xor3A_2, %lt3A_3130 : vector<16xi32>
      %add3A_3132 = arith.constant 16 : i32
      %add3A_3133 = vector.broadcast %add3A_3132 : i32 to vector<16xi32>
      %add3A_3134 = arith.addi %xor3A_2, %add3A_3133 : vector<16xi32>
      %select_n3A_3135 = arith.select %lt3A_3131, %add3A_3134, %xor3A_2 : vector<16xi1>, vector<16xi32>
      %broadcast_in_dim3A_3136 = vector.shape_cast %select_n3A_3135 : vector<16xi32> to vector<16x1xi32>
      %gather3A_3137 = vector.shape_cast %broadcast_in_dim3A_3136 : vector<16x1xi32> to vector<16xi32>
      %gather3A_3138 = tpu.dynamic_gather %select_n3A_3128[%gather3A_3137] in [0] : vector<16xf32>, vector<16xi32> -> vector<16xf32>
      %add3A_3139 = arith.addf %select_n3A_3127, %gather3A_3138 : vector<16xf32>
      %select_n3A_3140 = arith.select %eq3A_15, %add3A_3021, %add3A_3048 : vector<16xi1>, vector<16xf32>
      %select_n3A_3141 = arith.select %eq3A_15, %add3A_3048, %add3A_3021 : vector<16xi1>, vector<16xf32>
      %lt3A_3142 = arith.constant 0 : i32
      %lt3A_3143 = vector.broadcast %lt3A_3142 : i32 to vector<16xi32>
      %lt3A_3144 = arith.cmpi slt, %xor3A_2, %lt3A_3143 : vector<16xi32>
      %add3A_3145 = arith.constant 16 : i32
      %add3A_3146 = vector.broadcast %add3A_3145 : i32 to vector<16xi32>
      %add3A_3147 = arith.addi %xor3A_2, %add3A_3146 : vector<16xi32>
      %select_n3A_3148 = arith.select %lt3A_3144, %add3A_3147, %xor3A_2 : vector<16xi1>, vector<16xi32>
      %broadcast_in_dim3A_3149 = vector.shape_cast %select_n3A_3148 : vector<16xi32> to vector<16x1xi32>
      %gather3A_3150 = vector.shape_cast %broadcast_in_dim3A_3149 : vector<16x1xi32> to vector<16xi32>
      %gather3A_3151 = tpu.dynamic_gather %select_n3A_3141[%gather3A_3150] in [0] : vector<16xf32>, vector<16xi32> -> vector<16xf32>
      %add3A_3152 = arith.addf %select_n3A_3140, %gather3A_3151 : vector<16xf32>
      %select_n3A_3153 = arith.select %eq3A_21, %add3A_3061, %add3A_3074 : vector<16xi1>, vector<16xf32>
      %select_n3A_3154 = arith.select %eq3A_21, %add3A_3074, %add3A_3061 : vector<16xi1>, vector<16xf32>
      %lt3A_3155 = arith.constant 0 : i32
      %lt3A_3156 = vector.broadcast %lt3A_3155 : i32 to vector<16xi32>
      %lt3A_3157 = arith.cmpi slt, %xor3A_5, %lt3A_3156 : vector<16xi32>
      %add3A_3158 = arith.constant 16 : i32
      %add3A_3159 = vector.broadcast %add3A_3158 : i32 to vector<16xi32>
      %add3A_3160 = arith.addi %xor3A_5, %add3A_3159 : vector<16xi32>
      %select_n3A_3161 = arith.select %lt3A_3157, %add3A_3160, %xor3A_5 : vector<16xi1>, vector<16xi32>
      %broadcast_in_dim3A_3162 = vector.shape_cast %select_n3A_3161 : vector<16xi32> to vector<16x1xi32>
      %gather3A_3163 = vector.shape_cast %broadcast_in_dim3A_3162 : vector<16x1xi32> to vector<16xi32>
      %gather3A_3164 = tpu.dynamic_gather %select_n3A_3154[%gather3A_3163] in [0] : vector<16xf32>, vector<16xi32> -> vector<16xf32>
      %add3A_3165 = arith.addf %select_n3A_3153, %gather3A_3164 : vector<16xf32>
      %select_n3A_3166 = arith.select %eq3A_21, %add3A_3087, %add3A_3100 : vector<16xi1>, vector<16xf32>
      %select_n3A_3167 = arith.select %eq3A_21, %add3A_3100, %add3A_3087 : vector<16xi1>, vector<16xf32>
      %lt3A_3168 = arith.constant 0 : i32
      %lt3A_3169 = vector.broadcast %lt3A_3168 : i32 to vector<16xi32>
      %lt3A_3170 = arith.cmpi slt, %xor3A_5, %lt3A_3169 : vector<16xi32>
      %add3A_3171 = arith.constant 16 : i32
      %add3A_3172 = vector.broadcast %add3A_3171 : i32 to vector<16xi32>
      %add3A_3173 = arith.addi %xor3A_5, %add3A_3172 : vector<16xi32>
      %select_n3A_3174 = arith.select %lt3A_3170, %add3A_3173, %xor3A_5 : vector<16xi1>, vector<16xi32>
      %broadcast_in_dim3A_3175 = vector.shape_cast %select_n3A_3174 : vector<16xi32> to vector<16x1xi32>
      %gather3A_3176 = vector.shape_cast %broadcast_in_dim3A_3175 : vector<16x1xi32> to vector<16xi32>
      %gather3A_3177 = tpu.dynamic_gather %select_n3A_3167[%gather3A_3176] in [0] : vector<16xf32>, vector<16xi32> -> vector<16xf32>
      %add3A_3178 = arith.addf %select_n3A_3166, %gather3A_3177 : vector<16xf32>
      %select_n3A_3179 = arith.select %eq3A_21, %add3A_3113, %add3A_3126 : vector<16xi1>, vector<16xf32>
      %select_n3A_3180 = arith.select %eq3A_21, %add3A_3126, %add3A_3113 : vector<16xi1>, vector<16xf32>
      %lt3A_3181 = arith.constant 0 : i32
      %lt3A_3182 = vector.broadcast %lt3A_3181 : i32 to vector<16xi32>
      %lt3A_3183 = arith.cmpi slt, %xor3A_5, %lt3A_3182 : vector<16xi32>
      %add3A_3184 = arith.constant 16 : i32
      %add3A_3185 = vector.broadcast %add3A_3184 : i32 to vector<16xi32>
      %add3A_3186 = arith.addi %xor3A_5, %add3A_3185 : vector<16xi32>
      %select_n3A_3187 = arith.select %lt3A_3183, %add3A_3186, %xor3A_5 : vector<16xi1>, vector<16xi32>
      %broadcast_in_dim3A_3188 = vector.shape_cast %select_n3A_3187 : vector<16xi32> to vector<16x1xi32>
      %gather3A_3189 = vector.shape_cast %broadcast_in_dim3A_3188 : vector<16x1xi32> to vector<16xi32>
      %gather3A_3190 = tpu.dynamic_gather %select_n3A_3180[%gather3A_3189] in [0] : vector<16xf32>, vector<16xi32> -> vector<16xf32>
      %add3A_3191 = arith.addf %select_n3A_3179, %gather3A_3190 : vector<16xf32>
      %select_n3A_3192 = arith.select %eq3A_21, %add3A_3139, %add3A_3152 : vector<16xi1>, vector<16xf32>
      %select_n3A_3193 = arith.select %eq3A_21, %add3A_3152, %add3A_3139 : vector<16xi1>, vector<16xf32>
      %lt3A_3194 = arith.constant 0 : i32
      %lt3A_3195 = vector.broadcast %lt3A_3194 : i32 to vector<16xi32>
      %lt3A_3196 = arith.cmpi slt, %xor3A_5, %lt3A_3195 : vector<16xi32>
      %add3A_3197 = arith.constant 16 : i32
      %add3A_3198 = vector.broadcast %add3A_3197 : i32 to vector<16xi32>
      %add3A_3199 = arith.addi %xor3A_5, %add3A_3198 : vector<16xi32>
      %select_n3A_3200 = arith.select %lt3A_3196, %add3A_3199, %xor3A_5 : vector<16xi1>, vector<16xi32>
      %broadcast_in_dim3A_3201 = vector.shape_cast %select_n3A_3200 : vector<16xi32> to vector<16x1xi32>
      %gather3A_3202 = vector.shape_cast %broadcast_in_dim3A_3201 : vector<16x1xi32> to vector<16xi32>
      %gather3A_3203 = tpu.dynamic_gather %select_n3A_3193[%gather3A_3202] in [0] : vector<16xf32>, vector<16xi32> -> vector<16xf32>
      %add3A_3204 = arith.addf %select_n3A_3192, %gather3A_3203 : vector<16xf32>
      %select_n3A_3205 = arith.select %eq3A_27, %add3A_3165, %add3A_3178 : vector<16xi1>, vector<16xf32>
      %select_n3A_3206 = arith.select %eq3A_27, %add3A_3178, %add3A_3165 : vector<16xi1>, vector<16xf32>
      %lt3A_3207 = arith.constant 0 : i32
      %lt3A_3208 = vector.broadcast %lt3A_3207 : i32 to vector<16xi32>
      %lt3A_3209 = arith.cmpi slt, %xor3A_8, %lt3A_3208 : vector<16xi32>
      %add3A_3210 = arith.constant 16 : i32
      %add3A_3211 = vector.broadcast %add3A_3210 : i32 to vector<16xi32>
      %add3A_3212 = arith.addi %xor3A_8, %add3A_3211 : vector<16xi32>
      %select_n3A_3213 = arith.select %lt3A_3209, %add3A_3212, %xor3A_8 : vector<16xi1>, vector<16xi32>
      %broadcast_in_dim3A_3214 = vector.shape_cast %select_n3A_3213 : vector<16xi32> to vector<16x1xi32>
      %gather3A_3215 = vector.shape_cast %broadcast_in_dim3A_3214 : vector<16x1xi32> to vector<16xi32>
      %gather3A_3216 = tpu.dynamic_gather %select_n3A_3206[%gather3A_3215] in [0] : vector<16xf32>, vector<16xi32> -> vector<16xf32>
      %add3A_3217 = arith.addf %select_n3A_3205, %gather3A_3216 : vector<16xf32>
      %select_n3A_3218 = arith.select %eq3A_27, %add3A_3191, %add3A_3204 : vector<16xi1>, vector<16xf32>
      %select_n3A_3219 = arith.select %eq3A_27, %add3A_3204, %add3A_3191 : vector<16xi1>, vector<16xf32>
      %lt3A_3220 = arith.constant 0 : i32
      %lt3A_3221 = vector.broadcast %lt3A_3220 : i32 to vector<16xi32>
      %lt3A_3222 = arith.cmpi slt, %xor3A_8, %lt3A_3221 : vector<16xi32>
      %add3A_3223 = arith.constant 16 : i32
      %add3A_3224 = vector.broadcast %add3A_3223 : i32 to vector<16xi32>
      %add3A_3225 = arith.addi %xor3A_8, %add3A_3224 : vector<16xi32>
      %select_n3A_3226 = arith.select %lt3A_3222, %add3A_3225, %xor3A_8 : vector<16xi1>, vector<16xi32>
      %broadcast_in_dim3A_3227 = vector.shape_cast %select_n3A_3226 : vector<16xi32> to vector<16x1xi32>
      %gather3A_3228 = vector.shape_cast %broadcast_in_dim3A_3227 : vector<16x1xi32> to vector<16xi32>
      %gather3A_3229 = tpu.dynamic_gather %select_n3A_3219[%gather3A_3228] in [0] : vector<16xf32>, vector<16xi32> -> vector<16xf32>
      %add3A_3230 = arith.addf %select_n3A_3218, %gather3A_3229 : vector<16xf32>
      %select_n3A_3231 = arith.select %eq3A_33, %add3A_3217, %add3A_3230 : vector<16xi1>, vector<16xf32>
      %select_n3A_3232 = arith.select %eq3A_33, %add3A_3230, %add3A_3217 : vector<16xi1>, vector<16xf32>
      %lt3A_3233 = arith.constant 0 : i32
      %lt3A_3234 = vector.broadcast %lt3A_3233 : i32 to vector<16xi32>
      %lt3A_3235 = arith.cmpi slt, %xor3A_11, %lt3A_3234 : vector<16xi32>
      %add3A_3236 = arith.constant 16 : i32
      %add3A_3237 = vector.broadcast %add3A_3236 : i32 to vector<16xi32>
      %add3A_3238 = arith.addi %xor3A_11, %add3A_3237 : vector<16xi32>
      %select_n3A_3239 = arith.select %lt3A_3235, %add3A_3238, %xor3A_11 : vector<16xi1>, vector<16xi32>
      %broadcast_in_dim3A_3240 = vector.shape_cast %select_n3A_3239 : vector<16xi32> to vector<16x1xi32>
      %gather3A_3241 = vector.shape_cast %broadcast_in_dim3A_3240 : vector<16x1xi32> to vector<16xi32>
      %gather3A_3242 = tpu.dynamic_gather %select_n3A_3232[%gather3A_3241] in [0] : vector<16xf32>, vector<16xi32> -> vector<16xf32>
      %add3A_3243 = arith.addf %select_n3A_3231, %gather3A_3242 : vector<16xf32>
      %neg3A_3244 = arith.constant 0.000000e+00 : f32
      %neg3A_3245 = vector.broadcast %neg3A_3244 : f32 to vector<16xf32>
      %neg3A_3246 = arith.subf %neg3A_3245, %add3A_3243 : vector<16xf32>
      %exp3A_3247 = math.exp %neg3A_3246 : vector<16xf32>
      %add3A_3248 = arith.constant 1.000000e+00 : f32
      %add3A_3249 = vector.broadcast %add3A_3248 : f32 to vector<16xf32>
      %add3A_3250 = arith.addf %add3A_3249, %exp3A_3247 : vector<16xf32>
      %div3A_3251 = arith.constant 1.000000e+00 : f32
      %div3A_3252 = vector.broadcast %div3A_3251 : f32 to vector<16xf32>
      %div3A_3253 = arith.divf %div3A_3252, %add3A_3250 : vector<16xf32>
      %swap3A_3254 = arith.constant 32 : index
      %swap3A_3255 = tpu.vector_load %arg9[%swap3A_3254] {strides = array<i32>} : memref<80xf32, #tpu.memory_space<vmem>>, vector<16xf32>,
      %swap3A_3256 = vector.shape_cast %swap3A_3255 : vector<16xf32> to vector<16xf32>
      %swap3A_3257 = vector.shape_cast %div3A_3253 : vector<16xf32> to vector<16xf32>
      tpu.vector_store %arg9[%swap3A_3254], %swap3A_3257 {strides = array<i32>} : memref<80xf32, #tpu.memory_space<vmem>>, vector<16xf32>,
      %get3A_3258 = arith.constant 48 : i32
      %get3A_3259 = arith.index_cast %get3A_3258 : i32 to index
      %get3A_3260 = arith.constant 0 : index
      %get3A_3261 = tpu.vector_load %arg7[%get3A_3259, %get3A_3260] {strides = array<i32>} : memref<80x64xf32, #tpu.memory_space<vmem>>, vector<1x16xf32>,
      %get3A_3262 = vector.shape_cast %get3A_3261 : vector<1x16xf32> to vector<16xf32>
      %mul3A_3263 = arith.mulf %get3A_1207, %get3A_3262 : vector<16xf32>
      %get3A_3264 = arith.constant 48 : i32
      %get3A_3265 = arith.index_cast %get3A_3264 : i32 to index
      %get3A_3266 = arith.constant 16 : index
      %get3A_3267 = tpu.vector_load %arg7[%get3A_3265, %get3A_3266] {strides = array<i32>} : memref<80x64xf32, #tpu.memory_space<vmem>>, vector<1x16xf32>,
      %get3A_3268 = vector.shape_cast %get3A_3267 : vector<1x16xf32> to vector<16xf32>
      %mul3A_3269 = arith.mulf %get3A_1212, %get3A_3268 : vector<16xf32>
      %add3A_3270 = arith.addf %mul3A_3263, %mul3A_3269 : vector<16xf32>
      %get3A_3271 = arith.constant 48 : i32
      %get3A_3272 = arith.index_cast %get3A_3271 : i32 to index
      %get3A_3273 = arith.constant 32 : index
      %get3A_3274 = tpu.vector_load %arg7[%get3A_3272, %get3A_3273] {strides = array<i32>} : memref<80x64xf32, #tpu.memory_space<vmem>>, vector<1x16xf32>,
      %get3A_3275 = vector.shape_cast %get3A_3274 : vector<1x16xf32> to vector<16xf32>
      %mul3A_3276 = arith.mulf %get3A_1217, %get3A_3275 : vector<16xf32>
      %add3A_3277 = arith.addf %add3A_3270, %mul3A_3276 : vector<16xf32>
      %get3A_3278 = arith.constant 48 : i32
      %get3A_3279 = arith.index_cast %get3A_3278 : i32 to index
      %get3A_3280 = arith.constant 48 : index
      %get3A_3281 = tpu.vector_load %arg7[%get3A_3279, %get3A_3280] {strides = array<i32>} : memref<80x64xf32, #tpu.memory_space<vmem>>, vector<1x16xf32>,
      %get3A_3282 = vector.shape_cast %get3A_3281 : vector<1x16xf32> to vector<16xf32>
      %mul3A_3283 = arith.mulf %get3A_1222, %get3A_3282 : vector<16xf32>
      %add3A_3284 = arith.addf %add3A_3277, %mul3A_3283 : vector<16xf32>
      %get3A_3285 = arith.constant 49 : i32
      %get3A_3286 = arith.index_cast %get3A_3285 : i32 to index
      %get3A_3287 = arith.constant 0 : index
      %get3A_3288 = tpu.vector_load %arg7[%get3A_3286, %get3A_3287] {strides = array<i32>} : memref<80x64xf32, #tpu.memory_space<vmem>>, vector<1x16xf32>,
      %get3A_3289 = vector.shape_cast %get3A_3288 : vector<1x16xf32> to vector<16xf32>
      %mul3A_3290 = arith.mulf %get3A_1207, %get3A_3289 : vector<16xf32>
      %get3A_3291 = arith.constant 49 : i32
      %get3A_3292 = arith.index_cast %get3A_3291 : i32 to index
      %get3A_3293 = arith.constant 16 : index
      %get3A_3294 = tpu.vector_load %arg7[%get3A_3292, %get3A_3293] {strides = array<i32>} : memref<80x64xf32, #tpu.memory_space<vmem>>, vector<1x16xf32>,
      %get3A_3295 = vector.shape_cast %get3A_3294 : vector<1x16xf32> to vector<16xf32>
      %mul3A_3296 = arith.mulf %get3A_1212, %get3A_3295 : vector<16xf32>
      %add3A_3297 = arith.addf %mul3A_3290, %mul3A_3296 : vector<16xf32>
      %get3A_3298 = arith.constant 49 : i32
      %get3A_3299 = arith.index_cast %get3A_3298 : i32 to index
      %get3A_3300 = arith.constant 32 : index
      %get3A_3301 = tpu.vector_load %arg7[%get3A_3299, %get3A_3300] {strides = array<i32>} : memref<80x64xf32, #tpu.memory_space<vmem>>, vector<1x16xf32>,
      %get3A_3302 = vector.shape_cast %get3A_3301 : vector<1x16xf32> to vector<16xf32>
      %mul3A_3303 = arith.mulf %get3A_1217, %get3A_3302 : vector<16xf32>
      %add3A_3304 = arith.addf %add3A_3297, %mul3A_3303 : vector<16xf32>
      %get3A_3305 = arith.constant 49 : i32
      %get3A_3306 = arith.index_cast %get3A_3305 : i32 to index
      %get3A_3307 = arith.constant 48 : index
      %get3A_3308 = tpu.vector_load %arg7[%get3A_3306, %get3A_3307] {strides = array<i32>} : memref<80x64xf32, #tpu.memory_space<vmem>>, vector<1x16xf32>,
      %get3A_3309 = vector.shape_cast %get3A_3308 : vector<1x16xf32> to vector<16xf32>
      %mul3A_3310 = arith.mulf %get3A_1222, %get3A_3309 : vector<16xf32>
      %add3A_3311 = arith.addf %add3A_3304, %mul3A_3310 : vector<16xf32>
      %get3A_3312 = arith.constant 50 : i32
      %get3A_3313 = arith.index_cast %get3A_3312 : i32 to index
      %get3A_3314 = arith.constant 0 : index
      %get3A_3315 = tpu.vector_load %arg7[%get3A_3313, %get3A_3314] {strides = array<i32>} : memref<80x64xf32, #tpu.memory_space<vmem>>, vector<1x16xf32>,
      %get3A_3316 = vector.shape_cast %get3A_3315 : vector<1x16xf32> to vector<16xf32>
      %mul3A_3317 = arith.mulf %get3A_1227, %get3A_3316 : vector<16xf32>
      %get3A_3318 = arith.constant 50 : i32
      %get3A_3319 = arith.index_cast %get3A_3318 : i32 to index
      %get3A_3320 = arith.constant 16 : index
      %get3A_3321 = tpu.vector_load %arg7[%get3A_3319, %get3A_3320] {strides = array<i32>} : memref<80x64xf32, #tpu.memory_space<vmem>>, vector<1x16xf32>,
      %get3A_3322 = vector.shape_cast %get3A_3321 : vector<1x16xf32> to vector<16xf32>
      %mul3A_3323 = arith.mulf %get3A_1232, %get3A_3322 : vector<16xf32>
      %add3A_3324 = arith.addf %mul3A_3317, %mul3A_3323 : vector<16xf32>
      %get3A_3325 = arith.constant 50 : i32
      %get3A_3326 = arith.index_cast %get3A_3325 : i32 to index
      %get3A_3327 = arith.constant 32 : index
      %get3A_3328 = tpu.vector_load %arg7[%get3A_3326, %get3A_3327] {strides = array<i32>} : memref<80x64xf32, #tpu.memory_space<vmem>>, vector<1x16xf32>,
      %get3A_3329 = vector.shape_cast %get3A_3328 : vector<1x16xf32> to vector<16xf32>
      %mul3A_3330 = arith.mulf %get3A_1237, %get3A_3329 : vector<16xf32>
      %add3A_3331 = arith.addf %add3A_3324, %mul3A_3330 : vector<16xf32>
      %get3A_3332 = arith.constant 50 : i32
      %get3A_3333 = arith.index_cast %get3A_3332 : i32 to index
      %get3A_3334 = arith.constant 48 : index
      %get3A_3335 = tpu.vector_load %arg7[%get3A_3333, %get3A_3334] {strides = array<i32>} : memref<80x64xf32, #tpu.memory_space<vmem>>, vector<1x16xf32>,
      %get3A_3336 = vector.shape_cast %get3A_3335 : vector<1x16xf32> to vector<16xf32>
      %mul3A_3337 = arith.mulf %get3A_1242, %get3A_3336 : vector<16xf32>
      %add3A_3338 = arith.addf %add3A_3331, %mul3A_3337 : vector<16xf32>
      %get3A_3339 = arith.constant 51 : i32
      %get3A_3340 = arith.index_cast %get3A_3339 : i32 to index
      %get3A_3341 = arith.constant 0 : index
      %get3A_3342 = tpu.vector_load %arg7[%get3A_3340, %get3A_3341] {strides = array<i32>} : memref<80x64xf32, #tpu.memory_space<vmem>>, vector<1x16xf32>,
      %get3A_3343 = vector.shape_cast %get3A_3342 : vector<1x16xf32> to vector<16xf32>
      %mul3A_3344 = arith.mulf %get3A_1227, %get3A_3343 : vector<16xf32>
      %get3A_3345 = arith.constant 51 : i32
      %get3A_3346 = arith.index_cast %get3A_3345 : i32 to index
      %get3A_3347 = arith.constant 16 : index
      %get3A_3348 = tpu.vector_load %arg7[%get3A_3346, %get3A_3347] {strides = array<i32>} : memref<80x64xf32, #tpu.memory_space<vmem>>, vector<1x16xf32>,
      %get3A_3349 = vector.shape_cast %get3A_3348 : vector<1x16xf32> to vector<16xf32>
      %mul3A_3350 = arith.mulf %get3A_1232, %get3A_3349 : vector<16xf32>
      %add3A_3351 = arith.addf %mul3A_3344, %mul3A_3350 : vector<16xf32>
      %get3A_3352 = arith.constant 51 : i32
      %get3A_3353 = arith.index_cast %get3A_3352 : i32 to index
      %get3A_3354 = arith.constant 32 : index
      %get3A_3355 = tpu.vector_load %arg7[%get3A_3353, %get3A_3354] {strides = array<i32>} : memref<80x64xf32, #tpu.memory_space<vmem>>, vector<1x16xf32>,
      %get3A_3356 = vector.shape_cast %get3A_3355 : vector<1x16xf32> to vector<16xf32>
      %mul3A_3357 = arith.mulf %get3A_1237, %get3A_3356 : vector<16xf32>
      %add3A_3358 = arith.addf %add3A_3351, %mul3A_3357 : vector<16xf32>
      %get3A_3359 = arith.constant 51 : i32
      %get3A_3360 = arith.index_cast %get3A_3359 : i32 to index
      %get3A_3361 = arith.constant 48 : index
      %get3A_3362 = tpu.vector_load %arg7[%get3A_3360, %get3A_3361] {strides = array<i32>} : memref<80x64xf32, #tpu.memory_space<vmem>>, vector<1x16xf32>,
      %get3A_3363 = vector.shape_cast %get3A_3362 : vector<1x16xf32> to vector<16xf32>
      %mul3A_3364 = arith.mulf %get3A_1242, %get3A_3363 : vector<16xf32>
      %add3A_3365 = arith.addf %add3A_3358, %mul3A_3364 : vector<16xf32>
      %get3A_3366 = arith.constant 52 : i32
      %get3A_3367 = arith.index_cast %get3A_3366 : i32 to index
      %get3A_3368 = arith.constant 0 : index
      %get3A_3369 = tpu.vector_load %arg7[%get3A_3367, %get3A_3368] {strides = array<i32>} : memref<80x64xf32, #tpu.memory_space<vmem>>, vector<1x16xf32>,
      %get3A_3370 = vector.shape_cast %get3A_3369 : vector<1x16xf32> to vector<16xf32>
      %mul3A_3371 = arith.mulf %get3A_1227, %get3A_3370 : vector<16xf32>
      %get3A_3372 = arith.constant 52 : i32
      %get3A_3373 = arith.index_cast %get3A_3372 : i32 to index
      %get3A_3374 = arith.constant 16 : index
      %get3A_3375 = tpu.vector_load %arg7[%get3A_3373, %get3A_3374] {strides = array<i32>} : memref<80x64xf32, #tpu.memory_space<vmem>>, vector<1x16xf32>,
      %get3A_3376 = vector.shape_cast %get3A_3375 : vector<1x16xf32> to vector<16xf32>
      %mul3A_3377 = arith.mulf %get3A_1232, %get3A_3376 : vector<16xf32>
      %add3A_3378 = arith.addf %mul3A_3371, %mul3A_3377 : vector<16xf32>
      %get3A_3379 = arith.constant 52 : i32
      %get3A_3380 = arith.index_cast %get3A_3379 : i32 to index
      %get3A_3381 = arith.constant 32 : index
      %get3A_3382 = tpu.vector_load %arg7[%get3A_3380, %get3A_3381] {strides = array<i32>} : memref<80x64xf32, #tpu.memory_space<vmem>>, vector<1x16xf32>,
      %get3A_3383 = vector.shape_cast %get3A_3382 : vector<1x16xf32> to vector<16xf32>
      %mul3A_3384 = arith.mulf %get3A_1237, %get3A_3383 : vector<16xf32>
      %add3A_3385 = arith.addf %add3A_3378, %mul3A_3384 : vector<16xf32>
      %get3A_3386 = arith.constant 52 : i32
      %get3A_3387 = arith.index_cast %get3A_3386 : i32 to index
      %get3A_3388 = arith.constant 48 : index
      %get3A_3389 = tpu.vector_load %arg7[%get3A_3387, %get3A_3388] {strides = array<i32>} : memref<80x64xf32, #tpu.memory_space<vmem>>, vector<1x16xf32>,
      %get3A_3390 = vector.shape_cast %get3A_3389 : vector<1x16xf32> to vector<16xf32>
      %mul3A_3391 = arith.mulf %get3A_1242, %get3A_3390 : vector<16xf32>
      %add3A_3392 = arith.addf %add3A_3385, %mul3A_3391 : vector<16xf32>
      %get3A_3393 = arith.constant 53 : i32
      %get3A_3394 = arith.index_cast %get3A_3393 : i32 to index
      %get3A_3395 = arith.constant 0 : index
      %get3A_3396 = tpu.vector_load %arg7[%get3A_3394, %get3A_3395] {strides = array<i32>} : memref<80x64xf32, #tpu.memory_space<vmem>>, vector<1x16xf32>,
      %get3A_3397 = vector.shape_cast %get3A_3396 : vector<1x16xf32> to vector<16xf32>
      %mul3A_3398 = arith.mulf %get3A_1227, %get3A_3397 : vector<16xf32>
      %get3A_3399 = arith.constant 53 : i32
      %get3A_3400 = arith.index_cast %get3A_3399 : i32 to index
      %get3A_3401 = arith.constant 16 : index
      %get3A_3402 = tpu.vector_load %arg7[%get3A_3400, %get3A_3401] {strides = array<i32>} : memref<80x64xf32, #tpu.memory_space<vmem>>, vector<1x16xf32>,
      %get3A_3403 = vector.shape_cast %get3A_3402 : vector<1x16xf32> to vector<16xf32>
      %mul3A_3404 = arith.mulf %get3A_1232, %get3A_3403 : vector<16xf32>
      %add3A_3405 = arith.addf %mul3A_3398, %mul3A_3404 : vector<16xf32>
      %get3A_3406 = arith.constant 53 : i32
      %get3A_3407 = arith.index_cast %get3A_3406 : i32 to index
      %get3A_3408 = arith.constant 32 : index
      %get3A_3409 = tpu.vector_load %arg7[%get3A_3407, %get3A_3408] {strides = array<i32>} : memref<80x64xf32, #tpu.memory_space<vmem>>, vector<1x16xf32>,
      %get3A_3410 = vector.shape_cast %get3A_3409 : vector<1x16xf32> to vector<16xf32>
      %mul3A_3411 = arith.mulf %get3A_1237, %get3A_3410 : vector<16xf32>
      %add3A_3412 = arith.addf %add3A_3405, %mul3A_3411 : vector<16xf32>
      %get3A_3413 = arith.constant 53 : i32
      %get3A_3414 = arith.index_cast %get3A_3413 : i32 to index
      %get3A_3415 = arith.constant 48 : index
      %get3A_3416 = tpu.vector_load %arg7[%get3A_3414, %get3A_3415] {strides = array<i32>} : memref<80x64xf32, #tpu.memory_space<vmem>>, vector<1x16xf32>,
      %get3A_3417 = vector.shape_cast %get3A_3416 : vector<1x16xf32> to vector<16xf32>
      %mul3A_3418 = arith.mulf %get3A_1242, %get3A_3417 : vector<16xf32>
      %add3A_3419 = arith.addf %add3A_3412, %mul3A_3418 : vector<16xf32>
      %get3A_3420 = arith.constant 54 : i32
      %get3A_3421 = arith.index_cast %get3A_3420 : i32 to index
      %get3A_3422 = arith.constant 0 : index
      %get3A_3423 = tpu.vector_load %arg7[%get3A_3421, %get3A_3422] {strides = array<i32>} : memref<80x64xf32, #tpu.memory_space<vmem>>, vector<1x16xf32>,
      %get3A_3424 = vector.shape_cast %get3A_3423 : vector<1x16xf32> to vector<16xf32>
      %mul3A_3425 = arith.mulf %get3A_1227, %get3A_3424 : vector<16xf32>
      %get3A_3426 = arith.constant 54 : i32
      %get3A_3427 = arith.index_cast %get3A_3426 : i32 to index
      %get3A_3428 = arith.constant 16 : index
      %get3A_3429 = tpu.vector_load %arg7[%get3A_3427, %get3A_3428] {strides = array<i32>} : memref<80x64xf32, #tpu.memory_space<vmem>>, vector<1x16xf32>,
      %get3A_3430 = vector.shape_cast %get3A_3429 : vector<1x16xf32> to vector<16xf32>
      %mul3A_3431 = arith.mulf %get3A_1232, %get3A_3430 : vector<16xf32>
      %add3A_3432 = arith.addf %mul3A_3425, %mul3A_3431 : vector<16xf32>
      %get3A_3433 = arith.constant 54 : i32
      %get3A_3434 = arith.index_cast %get3A_3433 : i32 to index
      %get3A_3435 = arith.constant 32 : index
      %get3A_3436 = tpu.vector_load %arg7[%get3A_3434, %get3A_3435] {strides = array<i32>} : memref<80x64xf32, #tpu.memory_space<vmem>>, vector<1x16xf32>,
      %get3A_3437 = vector.shape_cast %get3A_3436 : vector<1x16xf32> to vector<16xf32>
      %mul3A_3438 = arith.mulf %get3A_1237, %get3A_3437 : vector<16xf32>
      %add3A_3439 = arith.addf %add3A_3432, %mul3A_3438 : vector<16xf32>
      %get3A_3440 = arith.constant 54 : i32
      %get3A_3441 = arith.index_cast %get3A_3440 : i32 to index
      %get3A_3442 = arith.constant 48 : index
      %get3A_3443 = tpu.vector_load %arg7[%get3A_3441, %get3A_3442] {strides = array<i32>} : memref<80x64xf32, #tpu.memory_space<vmem>>, vector<1x16xf32>,
      %get3A_3444 = vector.shape_cast %get3A_3443 : vector<1x16xf32> to vector<16xf32>
      %mul3A_3445 = arith.mulf %get3A_1242, %get3A_3444 : vector<16xf32>
      %add3A_3446 = arith.addf %add3A_3439, %mul3A_3445 : vector<16xf32>
      %get3A_3447 = arith.constant 55 : i32
      %get3A_3448 = arith.index_cast %get3A_3447 : i32 to index
      %get3A_3449 = arith.constant 0 : index
      %get3A_3450 = tpu.vector_load %arg7[%get3A_3448, %get3A_3449] {strides = array<i32>} : memref<80x64xf32, #tpu.memory_space<vmem>>, vector<1x16xf32>,
      %get3A_3451 = vector.shape_cast %get3A_3450 : vector<1x16xf32> to vector<16xf32>
      %mul3A_3452 = arith.mulf %get3A_1247, %get3A_3451 : vector<16xf32>
      %get3A_3453 = arith.constant 55 : i32
      %get3A_3454 = arith.index_cast %get3A_3453 : i32 to index
      %get3A_3455 = arith.constant 16 : index
      %get3A_3456 = tpu.vector_load %arg7[%get3A_3454, %get3A_3455] {strides = array<i32>} : memref<80x64xf32, #tpu.memory_space<vmem>>, vector<1x16xf32>,
      %get3A_3457 = vector.shape_cast %get3A_3456 : vector<1x16xf32> to vector<16xf32>
      %mul3A_3458 = arith.mulf %get3A_1252, %get3A_3457 : vector<16xf32>
      %add3A_3459 = arith.addf %mul3A_3452, %mul3A_3458 : vector<16xf32>
      %get3A_3460 = arith.constant 55 : i32
      %get3A_3461 = arith.index_cast %get3A_3460 : i32 to index
      %get3A_3462 = arith.constant 32 : index
      %get3A_3463 = tpu.vector_load %arg7[%get3A_3461, %get3A_3462] {strides = array<i32>} : memref<80x64xf32, #tpu.memory_space<vmem>>, vector<1x16xf32>,
      %get3A_3464 = vector.shape_cast %get3A_3463 : vector<1x16xf32> to vector<16xf32>
      %mul3A_3465 = arith.mulf %get3A_1257, %get3A_3464 : vector<16xf32>
      %add3A_3466 = arith.addf %add3A_3459, %mul3A_3465 : vector<16xf32>
      %get3A_3467 = arith.constant 55 : i32
      %get3A_3468 = arith.index_cast %get3A_3467 : i32 to index
      %get3A_3469 = arith.constant 48 : index
      %get3A_3470 = tpu.vector_load %arg7[%get3A_3468, %get3A_3469] {strides = array<i32>} : memref<80x64xf32, #tpu.memory_space<vmem>>, vector<1x16xf32>,
      %get3A_3471 = vector.shape_cast %get3A_3470 : vector<1x16xf32> to vector<16xf32>
      %mul3A_3472 = arith.mulf %get3A_1262, %get3A_3471 : vector<16xf32>
      %add3A_3473 = arith.addf %add3A_3466, %mul3A_3472 : vector<16xf32>
      %get3A_3474 = arith.constant 56 : i32
      %get3A_3475 = arith.index_cast %get3A_3474 : i32 to index
      %get3A_3476 = arith.constant 0 : index
      %get3A_3477 = tpu.vector_load %arg7[%get3A_3475, %get3A_3476] {strides = array<i32>} : memref<80x64xf32, #tpu.memory_space<vmem>>, vector<1x16xf32>,
      %get3A_3478 = vector.shape_cast %get3A_3477 : vector<1x16xf32> to vector<16xf32>
      %mul3A_3479 = arith.mulf %get3A_1247, %get3A_3478 : vector<16xf32>
      %get3A_3480 = arith.constant 56 : i32
      %get3A_3481 = arith.index_cast %get3A_3480 : i32 to index
      %get3A_3482 = arith.constant 16 : index
      %get3A_3483 = tpu.vector_load %arg7[%get3A_3481, %get3A_3482] {strides = array<i32>} : memref<80x64xf32, #tpu.memory_space<vmem>>, vector<1x16xf32>,
      %get3A_3484 = vector.shape_cast %get3A_3483 : vector<1x16xf32> to vector<16xf32>
      %mul3A_3485 = arith.mulf %get3A_1252, %get3A_3484 : vector<16xf32>
      %add3A_3486 = arith.addf %mul3A_3479, %mul3A_3485 : vector<16xf32>
      %get3A_3487 = arith.constant 56 : i32
      %get3A_3488 = arith.index_cast %get3A_3487 : i32 to index
      %get3A_3489 = arith.constant 32 : index
      %get3A_3490 = tpu.vector_load %arg7[%get3A_3488, %get3A_3489] {strides = array<i32>} : memref<80x64xf32, #tpu.memory_space<vmem>>, vector<1x16xf32>,
      %get3A_3491 = vector.shape_cast %get3A_3490 : vector<1x16xf32> to vector<16xf32>
      %mul3A_3492 = arith.mulf %get3A_1257, %get3A_3491 : vector<16xf32>
      %add3A_3493 = arith.addf %add3A_3486, %mul3A_3492 : vector<16xf32>
      %get3A_3494 = arith.constant 56 : i32
      %get3A_3495 = arith.index_cast %get3A_3494 : i32 to index
      %get3A_3496 = arith.constant 48 : index
      %get3A_3497 = tpu.vector_load %arg7[%get3A_3495, %get3A_3496] {strides = array<i32>} : memref<80x64xf32, #tpu.memory_space<vmem>>, vector<1x16xf32>,
      %get3A_3498 = vector.shape_cast %get3A_3497 : vector<1x16xf32> to vector<16xf32>
      %mul3A_3499 = arith.mulf %get3A_1262, %get3A_3498 : vector<16xf32>
      %add3A_3500 = arith.addf %add3A_3493, %mul3A_3499 : vector<16xf32>
      %get3A_3501 = arith.constant 57 : i32
      %get3A_3502 = arith.index_cast %get3A_3501 : i32 to index
      %get3A_3503 = arith.constant 0 : index
      %get3A_3504 = tpu.vector_load %arg7[%get3A_3502, %get3A_3503] {strides = array<i32>} : memref<80x64xf32, #tpu.memory_space<vmem>>, vector<1x16xf32>,
      %get3A_3505 = vector.shape_cast %get3A_3504 : vector<1x16xf32> to vector<16xf32>
      %mul3A_3506 = arith.mulf %get3A_1247, %get3A_3505 : vector<16xf32>
      %get3A_3507 = arith.constant 57 : i32
      %get3A_3508 = arith.index_cast %get3A_3507 : i32 to index
      %get3A_3509 = arith.constant 16 : index
      %get3A_3510 = tpu.vector_load %arg7[%get3A_3508, %get3A_3509] {strides = array<i32>} : memref<80x64xf32, #tpu.memory_space<vmem>>, vector<1x16xf32>,
      %get3A_3511 = vector.shape_cast %get3A_3510 : vector<1x16xf32> to vector<16xf32>
      %mul3A_3512 = arith.mulf %get3A_1252, %get3A_3511 : vector<16xf32>
      %add3A_3513 = arith.addf %mul3A_3506, %mul3A_3512 : vector<16xf32>
      %get3A_3514 = arith.constant 57 : i32
      %get3A_3515 = arith.index_cast %get3A_3514 : i32 to index
      %get3A_3516 = arith.constant 32 : index
      %get3A_3517 = tpu.vector_load %arg7[%get3A_3515, %get3A_3516] {strides = array<i32>} : memref<80x64xf32, #tpu.memory_space<vmem>>, vector<1x16xf32>,
      %get3A_3518 = vector.shape_cast %get3A_3517 : vector<1x16xf32> to vector<16xf32>
      %mul3A_3519 = arith.mulf %get3A_1257, %get3A_3518 : vector<16xf32>
      %add3A_3520 = arith.addf %add3A_3513, %mul3A_3519 : vector<16xf32>
      %get3A_3521 = arith.constant 57 : i32
      %get3A_3522 = arith.index_cast %get3A_3521 : i32 to index
      %get3A_3523 = arith.constant 48 : index
      %get3A_3524 = tpu.vector_load %arg7[%get3A_3522, %get3A_3523] {strides = array<i32>} : memref<80x64xf32, #tpu.memory_space<vmem>>, vector<1x16xf32>,
      %get3A_3525 = vector.shape_cast %get3A_3524 : vector<1x16xf32> to vector<16xf32>
      %mul3A_3526 = arith.mulf %get3A_1262, %get3A_3525 : vector<16xf32>
      %add3A_3527 = arith.addf %add3A_3520, %mul3A_3526 : vector<16xf32>
      %get3A_3528 = arith.constant 58 : i32
      %get3A_3529 = arith.index_cast %get3A_3528 : i32 to index
      %get3A_3530 = arith.constant 0 : index
      %get3A_3531 = tpu.vector_load %arg7[%get3A_3529, %get3A_3530] {strides = array<i32>} : memref<80x64xf32, #tpu.memory_space<vmem>>, vector<1x16xf32>,
      %get3A_3532 = vector.shape_cast %get3A_3531 : vector<1x16xf32> to vector<16xf32>
      %mul3A_3533 = arith.mulf %get3A_1247, %get3A_3532 : vector<16xf32>
      %get3A_3534 = arith.constant 58 : i32
      %get3A_3535 = arith.index_cast %get3A_3534 : i32 to index
      %get3A_3536 = arith.constant 16 : index
      %get3A_3537 = tpu.vector_load %arg7[%get3A_3535, %get3A_3536] {strides = array<i32>} : memref<80x64xf32, #tpu.memory_space<vmem>>, vector<1x16xf32>,
      %get3A_3538 = vector.shape_cast %get3A_3537 : vector<1x16xf32> to vector<16xf32>
      %mul3A_3539 = arith.mulf %get3A_1252, %get3A_3538 : vector<16xf32>
      %add3A_3540 = arith.addf %mul3A_3533, %mul3A_3539 : vector<16xf32>
      %get3A_3541 = arith.constant 58 : i32
      %get3A_3542 = arith.index_cast %get3A_3541 : i32 to index
      %get3A_3543 = arith.constant 32 : index
      %get3A_3544 = tpu.vector_load %arg7[%get3A_3542, %get3A_3543] {strides = array<i32>} : memref<80x64xf32, #tpu.memory_space<vmem>>, vector<1x16xf32>,
      %get3A_3545 = vector.shape_cast %get3A_3544 : vector<1x16xf32> to vector<16xf32>
      %mul3A_3546 = arith.mulf %get3A_1257, %get3A_3545 : vector<16xf32>
      %add3A_3547 = arith.addf %add3A_3540, %mul3A_3546 : vector<16xf32>
      %get3A_3548 = arith.constant 58 : i32
      %get3A_3549 = arith.index_cast %get3A_3548 : i32 to index
      %get3A_3550 = arith.constant 48 : index
      %get3A_3551 = tpu.vector_load %arg7[%get3A_3549, %get3A_3550] {strides = array<i32>} : memref<80x64xf32, #tpu.memory_space<vmem>>, vector<1x16xf32>,
      %get3A_3552 = vector.shape_cast %get3A_3551 : vector<1x16xf32> to vector<16xf32>
      %mul3A_3553 = arith.mulf %get3A_1262, %get3A_3552 : vector<16xf32>
      %add3A_3554 = arith.addf %add3A_3547, %mul3A_3553 : vector<16xf32>
      %get3A_3555 = arith.constant 59 : i32
      %get3A_3556 = arith.index_cast %get3A_3555 : i32 to index
      %get3A_3557 = arith.constant 0 : index
      %get3A_3558 = tpu.vector_load %arg7[%get3A_3556, %get3A_3557] {strides = array<i32>} : memref<80x64xf32, #tpu.memory_space<vmem>>, vector<1x16xf32>,
      %get3A_3559 = vector.shape_cast %get3A_3558 : vector<1x16xf32> to vector<16xf32>
      %mul3A_3560 = arith.mulf %get3A_1247, %get3A_3559 : vector<16xf32>
      %get3A_3561 = arith.constant 59 : i32
      %get3A_3562 = arith.index_cast %get3A_3561 : i32 to index
      %get3A_3563 = arith.constant 16 : index
      %get3A_3564 = tpu.vector_load %arg7[%get3A_3562, %get3A_3563] {strides = array<i32>} : memref<80x64xf32, #tpu.memory_space<vmem>>, vector<1x16xf32>,
      %get3A_3565 = vector.shape_cast %get3A_3564 : vector<1x16xf32> to vector<16xf32>
      %mul3A_3566 = arith.mulf %get3A_1252, %get3A_3565 : vector<16xf32>
      %add3A_3567 = arith.addf %mul3A_3560, %mul3A_3566 : vector<16xf32>
      %get3A_3568 = arith.constant 59 : i32
      %get3A_3569 = arith.index_cast %get3A_3568 : i32 to index
      %get3A_3570 = arith.constant 32 : index
      %get3A_3571 = tpu.vector_load %arg7[%get3A_3569, %get3A_3570] {strides = array<i32>} : memref<80x64xf32, #tpu.memory_space<vmem>>, vector<1x16xf32>,
      %get3A_3572 = vector.shape_cast %get3A_3571 : vector<1x16xf32> to vector<16xf32>
      %mul3A_3573 = arith.mulf %get3A_1257, %get3A_3572 : vector<16xf32>
      %add3A_3574 = arith.addf %add3A_3567, %mul3A_3573 : vector<16xf32>
      %get3A_3575 = arith.constant 59 : i32
      %get3A_3576 = arith.index_cast %get3A_3575 : i32 to index
      %get3A_3577 = arith.constant 48 : index
      %get3A_3578 = tpu.vector_load %arg7[%get3A_3576, %get3A_3577] {strides = array<i32>} : memref<80x64xf32, #tpu.memory_space<vmem>>, vector<1x16xf32>,
      %get3A_3579 = vector.shape_cast %get3A_3578 : vector<1x16xf32> to vector<16xf32>
      %mul3A_3580 = arith.mulf %get3A_1262, %get3A_3579 : vector<16xf32>
      %add3A_3581 = arith.addf %add3A_3574, %mul3A_3580 : vector<16xf32>
      %get3A_3582 = arith.constant 60 : i32
      %get3A_3583 = arith.index_cast %get3A_3582 : i32 to index
      %get3A_3584 = arith.constant 0 : index
      %get3A_3585 = tpu.vector_load %arg7[%get3A_3583, %get3A_3584] {strides = array<i32>} : memref<80x64xf32, #tpu.memory_space<vmem>>, vector<1x16xf32>,
      %get3A_3586 = vector.shape_cast %get3A_3585 : vector<1x16xf32> to vector<16xf32>
      %mul3A_3587 = arith.mulf %get3A_1267, %get3A_3586 : vector<16xf32>
      %get3A_3588 = arith.constant 60 : i32
      %get3A_3589 = arith.index_cast %get3A_3588 : i32 to index
      %get3A_3590 = arith.constant 16 : index
      %get3A_3591 = tpu.vector_load %arg7[%get3A_3589, %get3A_3590] {strides = array<i32>} : memref<80x64xf32, #tpu.memory_space<vmem>>, vector<1x16xf32>,
      %get3A_3592 = vector.shape_cast %get3A_3591 : vector<1x16xf32> to vector<16xf32>
      %mul3A_3593 = arith.mulf %get3A_1272, %get3A_3592 : vector<16xf32>
      %add3A_3594 = arith.addf %mul3A_3587, %mul3A_3593 : vector<16xf32>
      %get3A_3595 = arith.constant 60 : i32
      %get3A_3596 = arith.index_cast %get3A_3595 : i32 to index
      %get3A_3597 = arith.constant 32 : index
      %get3A_3598 = tpu.vector_load %arg7[%get3A_3596, %get3A_3597] {strides = array<i32>} : memref<80x64xf32, #tpu.memory_space<vmem>>, vector<1x16xf32>,
      %get3A_3599 = vector.shape_cast %get3A_3598 : vector<1x16xf32> to vector<16xf32>
      %mul3A_3600 = arith.mulf %get3A_1277, %get3A_3599 : vector<16xf32>
      %add3A_3601 = arith.addf %add3A_3594, %mul3A_3600 : vector<16xf32>
      %get3A_3602 = arith.constant 60 : i32
      %get3A_3603 = arith.index_cast %get3A_3602 : i32 to index
      %get3A_3604 = arith.constant 48 : index
      %get3A_3605 = tpu.vector_load %arg7[%get3A_3603, %get3A_3604] {strides = array<i32>} : memref<80x64xf32, #tpu.memory_space<vmem>>, vector<1x16xf32>,
      %get3A_3606 = vector.shape_cast %get3A_3605 : vector<1x16xf32> to vector<16xf32>
      %mul3A_3607 = arith.mulf %get3A_1282, %get3A_3606 : vector<16xf32>
      %add3A_3608 = arith.addf %add3A_3601, %mul3A_3607 : vector<16xf32>
      %get3A_3609 = arith.constant 61 : i32
      %get3A_3610 = arith.index_cast %get3A_3609 : i32 to index
      %get3A_3611 = arith.constant 0 : index
      %get3A_3612 = tpu.vector_load %arg7[%get3A_3610, %get3A_3611] {strides = array<i32>} : memref<80x64xf32, #tpu.memory_space<vmem>>, vector<1x16xf32>,
      %get3A_3613 = vector.shape_cast %get3A_3612 : vector<1x16xf32> to vector<16xf32>
      %mul3A_3614 = arith.mulf %get3A_1267, %get3A_3613 : vector<16xf32>
      %get3A_3615 = arith.constant 61 : i32
      %get3A_3616 = arith.index_cast %get3A_3615 : i32 to index
      %get3A_3617 = arith.constant 16 : index
      %get3A_3618 = tpu.vector_load %arg7[%get3A_3616, %get3A_3617] {strides = array<i32>} : memref<80x64xf32, #tpu.memory_space<vmem>>, vector<1x16xf32>,
      %get3A_3619 = vector.shape_cast %get3A_3618 : vector<1x16xf32> to vector<16xf32>
      %mul3A_3620 = arith.mulf %get3A_1272, %get3A_3619 : vector<16xf32>
      %add3A_3621 = arith.addf %mul3A_3614, %mul3A_3620 : vector<16xf32>
      %get3A_3622 = arith.constant 61 : i32
      %get3A_3623 = arith.index_cast %get3A_3622 : i32 to index
      %get3A_3624 = arith.constant 32 : index
      %get3A_3625 = tpu.vector_load %arg7[%get3A_3623, %get3A_3624] {strides = array<i32>} : memref<80x64xf32, #tpu.memory_space<vmem>>, vector<1x16xf32>,
      %get3A_3626 = vector.shape_cast %get3A_3625 : vector<1x16xf32> to vector<16xf32>
      %mul3A_3627 = arith.mulf %get3A_1277, %get3A_3626 : vector<16xf32>
      %add3A_3628 = arith.addf %add3A_3621, %mul3A_3627 : vector<16xf32>
      %get3A_3629 = arith.constant 61 : i32
      %get3A_3630 = arith.index_cast %get3A_3629 : i32 to index
      %get3A_3631 = arith.constant 48 : index
      %get3A_3632 = tpu.vector_load %arg7[%get3A_3630, %get3A_3631] {strides = array<i32>} : memref<80x64xf32, #tpu.memory_space<vmem>>, vector<1x16xf32>,
      %get3A_3633 = vector.shape_cast %get3A_3632 : vector<1x16xf32> to vector<16xf32>
      %mul3A_3634 = arith.mulf %get3A_1282, %get3A_3633 : vector<16xf32>
      %add3A_3635 = arith.addf %add3A_3628, %mul3A_3634 : vector<16xf32>
      %get3A_3636 = arith.constant 62 : i32
      %get3A_3637 = arith.index_cast %get3A_3636 : i32 to index
      %get3A_3638 = arith.constant 0 : index
      %get3A_3639 = tpu.vector_load %arg7[%get3A_3637, %get3A_3638] {strides = array<i32>} : memref<80x64xf32, #tpu.memory_space<vmem>>, vector<1x16xf32>,
      %get3A_3640 = vector.shape_cast %get3A_3639 : vector<1x16xf32> to vector<16xf32>
      %mul3A_3641 = arith.mulf %get3A_1267, %get3A_3640 : vector<16xf32>
      %get3A_3642 = arith.constant 62 : i32
      %get3A_3643 = arith.index_cast %get3A_3642 : i32 to index
      %get3A_3644 = arith.constant 16 : index
      %get3A_3645 = tpu.vector_load %arg7[%get3A_3643, %get3A_3644] {strides = array<i32>} : memref<80x64xf32, #tpu.memory_space<vmem>>, vector<1x16xf32>,
      %get3A_3646 = vector.shape_cast %get3A_3645 : vector<1x16xf32> to vector<16xf32>
      %mul3A_3647 = arith.mulf %get3A_1272, %get3A_3646 : vector<16xf32>
      %add3A_3648 = arith.addf %mul3A_3641, %mul3A_3647 : vector<16xf32>
      %get3A_3649 = arith.constant 62 : i32
      %get3A_3650 = arith.index_cast %get3A_3649 : i32 to index
      %get3A_3651 = arith.constant 32 : index
      %get3A_3652 = tpu.vector_load %arg7[%get3A_3650, %get3A_3651] {strides = array<i32>} : memref<80x64xf32, #tpu.memory_space<vmem>>, vector<1x16xf32>,
      %get3A_3653 = vector.shape_cast %get3A_3652 : vector<1x16xf32> to vector<16xf32>
      %mul3A_3654 = arith.mulf %get3A_1277, %get3A_3653 : vector<16xf32>
      %add3A_3655 = arith.addf %add3A_3648, %mul3A_3654 : vector<16xf32>
      %get3A_3656 = arith.constant 62 : i32
      %get3A_3657 = arith.index_cast %get3A_3656 : i32 to index
      %get3A_3658 = arith.constant 48 : index
      %get3A_3659 = tpu.vector_load %arg7[%get3A_3657, %get3A_3658] {strides = array<i32>} : memref<80x64xf32, #tpu.memory_space<vmem>>, vector<1x16xf32>,
      %get3A_3660 = vector.shape_cast %get3A_3659 : vector<1x16xf32> to vector<16xf32>
      %mul3A_3661 = arith.mulf %get3A_1282, %get3A_3660 : vector<16xf32>
      %add3A_3662 = arith.addf %add3A_3655, %mul3A_3661 : vector<16xf32>
      %get3A_3663 = arith.constant 63 : i32
      %get3A_3664 = arith.index_cast %get3A_3663 : i32 to index
      %get3A_3665 = arith.constant 0 : index
      %get3A_3666 = tpu.vector_load %arg7[%get3A_3664, %get3A_3665] {strides = array<i32>} : memref<80x64xf32, #tpu.memory_space<vmem>>, vector<1x16xf32>,
      %get3A_3667 = vector.shape_cast %get3A_3666 : vector<1x16xf32> to vector<16xf32>
      %mul3A_3668 = arith.mulf %get3A_1267, %get3A_3667 : vector<16xf32>
      %get3A_3669 = arith.constant 63 : i32
      %get3A_3670 = arith.index_cast %get3A_3669 : i32 to index
      %get3A_3671 = arith.constant 16 : index
      %get3A_3672 = tpu.vector_load %arg7[%get3A_3670, %get3A_3671] {strides = array<i32>} : memref<80x64xf32, #tpu.memory_space<vmem>>, vector<1x16xf32>,
      %get3A_3673 = vector.shape_cast %get3A_3672 : vector<1x16xf32> to vector<16xf32>
      %mul3A_3674 = arith.mulf %get3A_1272, %get3A_3673 : vector<16xf32>
      %add3A_3675 = arith.addf %mul3A_3668, %mul3A_3674 : vector<16xf32>
      %get3A_3676 = arith.constant 63 : i32
      %get3A_3677 = arith.index_cast %get3A_3676 : i32 to index
      %get3A_3678 = arith.constant 32 : index
      %get3A_3679 = tpu.vector_load %arg7[%get3A_3677, %get3A_3678] {strides = array<i32>} : memref<80x64xf32, #tpu.memory_space<vmem>>, vector<1x16xf32>,
      %get3A_3680 = vector.shape_cast %get3A_3679 : vector<1x16xf32> to vector<16xf32>
      %mul3A_3681 = arith.mulf %get3A_1277, %get3A_3680 : vector<16xf32>
      %add3A_3682 = arith.addf %add3A_3675, %mul3A_3681 : vector<16xf32>
      %get3A_3683 = arith.constant 63 : i32
      %get3A_3684 = arith.index_cast %get3A_3683 : i32 to index
      %get3A_3685 = arith.constant 48 : index
      %get3A_3686 = tpu.vector_load %arg7[%get3A_3684, %get3A_3685] {strides = array<i32>} : memref<80x64xf32, #tpu.memory_space<vmem>>, vector<1x16xf32>,
      %get3A_3687 = vector.shape_cast %get3A_3686 : vector<1x16xf32> to vector<16xf32>
      %mul3A_3688 = arith.mulf %get3A_1282, %get3A_3687 : vector<16xf32>
      %add3A_3689 = arith.addf %add3A_3682, %mul3A_3688 : vector<16xf32>
      %select_n3A_3690 = arith.select %eq3A_15, %add3A_3284, %add3A_3311 : vector<16xi1>, vector<16xf32>
      %select_n3A_3691 = arith.select %eq3A_15, %add3A_3311, %add3A_3284 : vector<16xi1>, vector<16xf32>
      %lt3A_3692 = arith.constant 0 : i32
      %lt3A_3693 = vector.broadcast %lt3A_3692 : i32 to vector<16xi32>
      %lt3A_3694 = arith.cmpi slt, %xor3A_2, %lt3A_3693 : vector<16xi32>
      %add3A_3695 = arith.constant 16 : i32
      %add3A_3696 = vector.broadcast %add3A_3695 : i32 to vector<16xi32>
      %add3A_3697 = arith.addi %xor3A_2, %add3A_3696 : vector<16xi32>
      %select_n3A_3698 = arith.select %lt3A_3694, %add3A_3697, %xor3A_2 : vector<16xi1>, vector<16xi32>
      %broadcast_in_dim3A_3699 = vector.shape_cast %select_n3A_3698 : vector<16xi32> to vector<16x1xi32>
      %gather3A_3700 = vector.shape_cast %broadcast_in_dim3A_3699 : vector<16x1xi32> to vector<16xi32>
      %gather3A_3701 = tpu.dynamic_gather %select_n3A_3691[%gather3A_3700] in [0] : vector<16xf32>, vector<16xi32> -> vector<16xf32>
      %add3A_3702 = arith.addf %select_n3A_3690, %gather3A_3701 : vector<16xf32>
      %select_n3A_3703 = arith.select %eq3A_15, %add3A_3338, %add3A_3365 : vector<16xi1>, vector<16xf32>
      %select_n3A_3704 = arith.select %eq3A_15, %add3A_3365, %add3A_3338 : vector<16xi1>, vector<16xf32>
      %lt3A_3705 = arith.constant 0 : i32
      %lt3A_3706 = vector.broadcast %lt3A_3705 : i32 to vector<16xi32>
      %lt3A_3707 = arith.cmpi slt, %xor3A_2, %lt3A_3706 : vector<16xi32>
      %add3A_3708 = arith.constant 16 : i32
      %add3A_3709 = vector.broadcast %add3A_3708 : i32 to vector<16xi32>
      %add3A_3710 = arith.addi %xor3A_2, %add3A_3709 : vector<16xi32>
      %select_n3A_3711 = arith.select %lt3A_3707, %add3A_3710, %xor3A_2 : vector<16xi1>, vector<16xi32>
      %broadcast_in_dim3A_3712 = vector.shape_cast %select_n3A_3711 : vector<16xi32> to vector<16x1xi32>
      %gather3A_3713 = vector.shape_cast %broadcast_in_dim3A_3712 : vector<16x1xi32> to vector<16xi32>
      %gather3A_3714 = tpu.dynamic_gather %select_n3A_3704[%gather3A_3713] in [0] : vector<16xf32>, vector<16xi32> -> vector<16xf32>
      %add3A_3715 = arith.addf %select_n3A_3703, %gather3A_3714 : vector<16xf32>
      %select_n3A_3716 = arith.select %eq3A_15, %add3A_3392, %add3A_3419 : vector<16xi1>, vector<16xf32>
      %select_n3A_3717 = arith.select %eq3A_15, %add3A_3419, %add3A_3392 : vector<16xi1>, vector<16xf32>
      %lt3A_3718 = arith.constant 0 : i32
      %lt3A_3719 = vector.broadcast %lt3A_3718 : i32 to vector<16xi32>
      %lt3A_3720 = arith.cmpi slt, %xor3A_2, %lt3A_3719 : vector<16xi32>
      %add3A_3721 = arith.constant 16 : i32
      %add3A_3722 = vector.broadcast %add3A_3721 : i32 to vector<16xi32>
      %add3A_3723 = arith.addi %xor3A_2, %add3A_3722 : vector<16xi32>
      %select_n3A_3724 = arith.select %lt3A_3720, %add3A_3723, %xor3A_2 : vector<16xi1>, vector<16xi32>
      %broadcast_in_dim3A_3725 = vector.shape_cast %select_n3A_3724 : vector<16xi32> to vector<16x1xi32>
      %gather3A_3726 = vector.shape_cast %broadcast_in_dim3A_3725 : vector<16x1xi32> to vector<16xi32>
      %gather3A_3727 = tpu.dynamic_gather %select_n3A_3717[%gather3A_3726] in [0] : vector<16xf32>, vector<16xi32> -> vector<16xf32>
      %add3A_3728 = arith.addf %select_n3A_3716, %gather3A_3727 : vector<16xf32>
      %select_n3A_3729 = arith.select %eq3A_15, %add3A_3446, %add3A_3473 : vector<16xi1>, vector<16xf32>
      %select_n3A_3730 = arith.select %eq3A_15, %add3A_3473, %add3A_3446 : vector<16xi1>, vector<16xf32>
      %lt3A_3731 = arith.constant 0 : i32
      %lt3A_3732 = vector.broadcast %lt3A_3731 : i32 to vector<16xi32>
      %lt3A_3733 = arith.cmpi slt, %xor3A_2, %lt3A_3732 : vector<16xi32>
      %add3A_3734 = arith.constant 16 : i32
      %add3A_3735 = vector.broadcast %add3A_3734 : i32 to vector<16xi32>
      %add3A_3736 = arith.addi %xor3A_2, %add3A_3735 : vector<16xi32>
      %select_n3A_3737 = arith.select %lt3A_3733, %add3A_3736, %xor3A_2 : vector<16xi1>, vector<16xi32>
      %broadcast_in_dim3A_3738 = vector.shape_cast %select_n3A_3737 : vector<16xi32> to vector<16x1xi32>
      %gather3A_3739 = vector.shape_cast %broadcast_in_dim3A_3738 : vector<16x1xi32> to vector<16xi32>
      %gather3A_3740 = tpu.dynamic_gather %select_n3A_3730[%gather3A_3739] in [0] : vector<16xf32>, vector<16xi32> -> vector<16xf32>
      %add3A_3741 = arith.addf %select_n3A_3729, %gather3A_3740 : vector<16xf32>
      %select_n3A_3742 = arith.select %eq3A_15, %add3A_3500, %add3A_3527 : vector<16xi1>, vector<16xf32>
      %select_n3A_3743 = arith.select %eq3A_15, %add3A_3527, %add3A_3500 : vector<16xi1>, vector<16xf32>
      %lt3A_3744 = arith.constant 0 : i32
      %lt3A_3745 = vector.broadcast %lt3A_3744 : i32 to vector<16xi32>
      %lt3A_3746 = arith.cmpi slt, %xor3A_2, %lt3A_3745 : vector<16xi32>
      %add3A_3747 = arith.constant 16 : i32
      %add3A_3748 = vector.broadcast %add3A_3747 : i32 to vector<16xi32>
      %add3A_3749 = arith.addi %xor3A_2, %add3A_3748 : vector<16xi32>
      %select_n3A_3750 = arith.select %lt3A_3746, %add3A_3749, %xor3A_2 : vector<16xi1>, vector<16xi32>
      %broadcast_in_dim3A_3751 = vector.shape_cast %select_n3A_3750 : vector<16xi32> to vector<16x1xi32>
      %gather3A_3752 = vector.shape_cast %broadcast_in_dim3A_3751 : vector<16x1xi32> to vector<16xi32>
      %gather3A_3753 = tpu.dynamic_gather %select_n3A_3743[%gather3A_3752] in [0] : vector<16xf32>, vector<16xi32> -> vector<16xf32>
      %add3A_3754 = arith.addf %select_n3A_3742, %gather3A_3753 : vector<16xf32>
      %select_n3A_3755 = arith.select %eq3A_15, %add3A_3554, %add3A_3581 : vector<16xi1>, vector<16xf32>
      %select_n3A_3756 = arith.select %eq3A_15, %add3A_3581, %add3A_3554 : vector<16xi1>, vector<16xf32>
      %lt3A_3757 = arith.constant 0 : i32
      %lt3A_3758 = vector.broadcast %lt3A_3757 : i32 to vector<16xi32>
      %lt3A_3759 = arith.cmpi slt, %xor3A_2, %lt3A_3758 : vector<16xi32>
      %add3A_3760 = arith.constant 16 : i32
      %add3A_3761 = vector.broadcast %add3A_3760 : i32 to vector<16xi32>
      %add3A_3762 = arith.addi %xor3A_2, %add3A_3761 : vector<16xi32>
      %select_n3A_3763 = arith.select %lt3A_3759, %add3A_3762, %xor3A_2 : vector<16xi1>, vector<16xi32>
      %broadcast_in_dim3A_3764 = vector.shape_cast %select_n3A_3763 : vector<16xi32> to vector<16x1xi32>
      %gather3A_3765 = vector.shape_cast %broadcast_in_dim3A_3764 : vector<16x1xi32> to vector<16xi32>
      %gather3A_3766 = tpu.dynamic_gather %select_n3A_3756[%gather3A_3765] in [0] : vector<16xf32>, vector<16xi32> -> vector<16xf32>
      %add3A_3767 = arith.addf %select_n3A_3755, %gather3A_3766 : vector<16xf32>
      %select_n3A_3768 = arith.select %eq3A_15, %add3A_3608, %add3A_3635 : vector<16xi1>, vector<16xf32>
      %select_n3A_3769 = arith.select %eq3A_15, %add3A_3635, %add3A_3608 : vector<16xi1>, vector<16xf32>
      %lt3A_3770 = arith.constant 0 : i32
      %lt3A_3771 = vector.broadcast %lt3A_3770 : i32 to vector<16xi32>
      %lt3A_3772 = arith.cmpi slt, %xor3A_2, %lt3A_3771 : vector<16xi32>
      %add3A_3773 = arith.constant 16 : i32
      %add3A_3774 = vector.broadcast %add3A_3773 : i32 to vector<16xi32>
      %add3A_3775 = arith.addi %xor3A_2, %add3A_3774 : vector<16xi32>
      %select_n3A_3776 = arith.select %lt3A_3772, %add3A_3775, %xor3A_2 : vector<16xi1>, vector<16xi32>
      %broadcast_in_dim3A_3777 = vector.shape_cast %select_n3A_3776 : vector<16xi32> to vector<16x1xi32>
      %gather3A_3778 = vector.shape_cast %broadcast_in_dim3A_3777 : vector<16x1xi32> to vector<16xi32>
      %gather3A_3779 = tpu.dynamic_gather %select_n3A_3769[%gather3A_3778] in [0] : vector<16xf32>, vector<16xi32> -> vector<16xf32>
      %add3A_3780 = arith.addf %select_n3A_3768, %gather3A_3779 : vector<16xf32>
      %select_n3A_3781 = arith.select %eq3A_15, %add3A_3662, %add3A_3689 : vector<16xi1>, vector<16xf32>
      %select_n3A_3782 = arith.select %eq3A_15, %add3A_3689, %add3A_3662 : vector<16xi1>, vector<16xf32>
      %lt3A_3783 = arith.constant 0 : i32
      %lt3A_3784 = vector.broadcast %lt3A_3783 : i32 to vector<16xi32>
      %lt3A_3785 = arith.cmpi slt, %xor3A_2, %lt3A_3784 : vector<16xi32>
      %add3A_3786 = arith.constant 16 : i32
      %add3A_3787 = vector.broadcast %add3A_3786 : i32 to vector<16xi32>
      %add3A_3788 = arith.addi %xor3A_2, %add3A_3787 : vector<16xi32>
      %select_n3A_3789 = arith.select %lt3A_3785, %add3A_3788, %xor3A_2 : vector<16xi1>, vector<16xi32>
      %broadcast_in_dim3A_3790 = vector.shape_cast %select_n3A_3789 : vector<16xi32> to vector<16x1xi32>
      %gather3A_3791 = vector.shape_cast %broadcast_in_dim3A_3790 : vector<16x1xi32> to vector<16xi32>
      %gather3A_3792 = tpu.dynamic_gather %select_n3A_3782[%gather3A_3791] in [0] : vector<16xf32>, vector<16xi32> -> vector<16xf32>
      %add3A_3793 = arith.addf %select_n3A_3781, %gather3A_3792 : vector<16xf32>
      %select_n3A_3794 = arith.select %eq3A_21, %add3A_3702, %add3A_3715 : vector<16xi1>, vector<16xf32>
      %select_n3A_3795 = arith.select %eq3A_21, %add3A_3715, %add3A_3702 : vector<16xi1>, vector<16xf32>
      %lt3A_3796 = arith.constant 0 : i32
      %lt3A_3797 = vector.broadcast %lt3A_3796 : i32 to vector<16xi32>
      %lt3A_3798 = arith.cmpi slt, %xor3A_5, %lt3A_3797 : vector<16xi32>
      %add3A_3799 = arith.constant 16 : i32
      %add3A_3800 = vector.broadcast %add3A_3799 : i32 to vector<16xi32>
      %add3A_3801 = arith.addi %xor3A_5, %add3A_3800 : vector<16xi32>
      %select_n3A_3802 = arith.select %lt3A_3798, %add3A_3801, %xor3A_5 : vector<16xi1>, vector<16xi32>
      %broadcast_in_dim3A_3803 = vector.shape_cast %select_n3A_3802 : vector<16xi32> to vector<16x1xi32>
      %gather3A_3804 = vector.shape_cast %broadcast_in_dim3A_3803 : vector<16x1xi32> to vector<16xi32>
      %gather3A_3805 = tpu.dynamic_gather %select_n3A_3795[%gather3A_3804] in [0] : vector<16xf32>, vector<16xi32> -> vector<16xf32>
      %add3A_3806 = arith.addf %select_n3A_3794, %gather3A_3805 : vector<16xf32>
      %select_n3A_3807 = arith.select %eq3A_21, %add3A_3728, %add3A_3741 : vector<16xi1>, vector<16xf32>
      %select_n3A_3808 = arith.select %eq3A_21, %add3A_3741, %add3A_3728 : vector<16xi1>, vector<16xf32>
      %lt3A_3809 = arith.constant 0 : i32
      %lt3A_3810 = vector.broadcast %lt3A_3809 : i32 to vector<16xi32>
      %lt3A_3811 = arith.cmpi slt, %xor3A_5, %lt3A_3810 : vector<16xi32>
      %add3A_3812 = arith.constant 16 : i32
      %add3A_3813 = vector.broadcast %add3A_3812 : i32 to vector<16xi32>
      %add3A_3814 = arith.addi %xor3A_5, %add3A_3813 : vector<16xi32>
      %select_n3A_3815 = arith.select %lt3A_3811, %add3A_3814, %xor3A_5 : vector<16xi1>, vector<16xi32>
      %broadcast_in_dim3A_3816 = vector.shape_cast %select_n3A_3815 : vector<16xi32> to vector<16x1xi32>
      %gather3A_3817 = vector.shape_cast %broadcast_in_dim3A_3816 : vector<16x1xi32> to vector<16xi32>
      %gather3A_3818 = tpu.dynamic_gather %select_n3A_3808[%gather3A_3817] in [0] : vector<16xf32>, vector<16xi32> -> vector<16xf32>
      %add3A_3819 = arith.addf %select_n3A_3807, %gather3A_3818 : vector<16xf32>
      %select_n3A_3820 = arith.select %eq3A_21, %add3A_3754, %add3A_3767 : vector<16xi1>, vector<16xf32>
      %select_n3A_3821 = arith.select %eq3A_21, %add3A_3767, %add3A_3754 : vector<16xi1>, vector<16xf32>
      %lt3A_3822 = arith.constant 0 : i32
      %lt3A_3823 = vector.broadcast %lt3A_3822 : i32 to vector<16xi32>
      %lt3A_3824 = arith.cmpi slt, %xor3A_5, %lt3A_3823 : vector<16xi32>
      %add3A_3825 = arith.constant 16 : i32
      %add3A_3826 = vector.broadcast %add3A_3825 : i32 to vector<16xi32>
      %add3A_3827 = arith.addi %xor3A_5, %add3A_3826 : vector<16xi32>
      %select_n3A_3828 = arith.select %lt3A_3824, %add3A_3827, %xor3A_5 : vector<16xi1>, vector<16xi32>
      %broadcast_in_dim3A_3829 = vector.shape_cast %select_n3A_3828 : vector<16xi32> to vector<16x1xi32>
      %gather3A_3830 = vector.shape_cast %broadcast_in_dim3A_3829 : vector<16x1xi32> to vector<16xi32>
      %gather3A_3831 = tpu.dynamic_gather %select_n3A_3821[%gather3A_3830] in [0] : vector<16xf32>, vector<16xi32> -> vector<16xf32>
      %add3A_3832 = arith.addf %select_n3A_3820, %gather3A_3831 : vector<16xf32>
      %select_n3A_3833 = arith.select %eq3A_21, %add3A_3780, %add3A_3793 : vector<16xi1>, vector<16xf32>
      %select_n3A_3834 = arith.select %eq3A_21, %add3A_3793, %add3A_3780 : vector<16xi1>, vector<16xf32>
      %lt3A_3835 = arith.constant 0 : i32
      %lt3A_3836 = vector.broadcast %lt3A_3835 : i32 to vector<16xi32>
      %lt3A_3837 = arith.cmpi slt, %xor3A_5, %lt3A_3836 : vector<16xi32>
      %add3A_3838 = arith.constant 16 : i32
      %add3A_3839 = vector.broadcast %add3A_3838 : i32 to vector<16xi32>
      %add3A_3840 = arith.addi %xor3A_5, %add3A_3839 : vector<16xi32>
      %select_n3A_3841 = arith.select %lt3A_3837, %add3A_3840, %xor3A_5 : vector<16xi1>, vector<16xi32>
      %broadcast_in_dim3A_3842 = vector.shape_cast %select_n3A_3841 : vector<16xi32> to vector<16x1xi32>
      %gather3A_3843 = vector.shape_cast %broadcast_in_dim3A_3842 : vector<16x1xi32> to vector<16xi32>
      %gather3A_3844 = tpu.dynamic_gather %select_n3A_3834[%gather3A_3843] in [0] : vector<16xf32>, vector<16xi32> -> vector<16xf32>
      %add3A_3845 = arith.addf %select_n3A_3833, %gather3A_3844 : vector<16xf32>
      %select_n3A_3846 = arith.select %eq3A_27, %add3A_3806, %add3A_3819 : vector<16xi1>, vector<16xf32>
      %select_n3A_3847 = arith.select %eq3A_27, %add3A_3819, %add3A_3806 : vector<16xi1>, vector<16xf32>
      %lt3A_3848 = arith.constant 0 : i32
      %lt3A_3849 = vector.broadcast %lt3A_3848 : i32 to vector<16xi32>
      %lt3A_3850 = arith.cmpi slt, %xor3A_8, %lt3A_3849 : vector<16xi32>
      %add3A_3851 = arith.constant 16 : i32
      %add3A_3852 = vector.broadcast %add3A_3851 : i32 to vector<16xi32>
      %add3A_3853 = arith.addi %xor3A_8, %add3A_3852 : vector<16xi32>
      %select_n3A_3854 = arith.select %lt3A_3850, %add3A_3853, %xor3A_8 : vector<16xi1>, vector<16xi32>
      %broadcast_in_dim3A_3855 = vector.shape_cast %select_n3A_3854 : vector<16xi32> to vector<16x1xi32>
      %gather3A_3856 = vector.shape_cast %broadcast_in_dim3A_3855 : vector<16x1xi32> to vector<16xi32>
      %gather3A_3857 = tpu.dynamic_gather %select_n3A_3847[%gather3A_3856] in [0] : vector<16xf32>, vector<16xi32> -> vector<16xf32>
      %add3A_3858 = arith.addf %select_n3A_3846, %gather3A_3857 : vector<16xf32>
      %select_n3A_3859 = arith.select %eq3A_27, %add3A_3832, %add3A_3845 : vector<16xi1>, vector<16xf32>
      %select_n3A_3860 = arith.select %eq3A_27, %add3A_3845, %add3A_3832 : vector<16xi1>, vector<16xf32>
      %lt3A_3861 = arith.constant 0 : i32
      %lt3A_3862 = vector.broadcast %lt3A_3861 : i32 to vector<16xi32>
      %lt3A_3863 = arith.cmpi slt, %xor3A_8, %lt3A_3862 : vector<16xi32>
      %add3A_3864 = arith.constant 16 : i32
      %add3A_3865 = vector.broadcast %add3A_3864 : i32 to vector<16xi32>
      %add3A_3866 = arith.addi %xor3A_8, %add3A_3865 : vector<16xi32>
      %select_n3A_3867 = arith.select %lt3A_3863, %add3A_3866, %xor3A_8 : vector<16xi1>, vector<16xi32>
      %broadcast_in_dim3A_3868 = vector.shape_cast %select_n3A_3867 : vector<16xi32> to vector<16x1xi32>
      %gather3A_3869 = vector.shape_cast %broadcast_in_dim3A_3868 : vector<16x1xi32> to vector<16xi32>
      %gather3A_3870 = tpu.dynamic_gather %select_n3A_3860[%gather3A_3869] in [0] : vector<16xf32>, vector<16xi32> -> vector<16xf32>
      %add3A_3871 = arith.addf %select_n3A_3859, %gather3A_3870 : vector<16xf32>
      %select_n3A_3872 = arith.select %eq3A_33, %add3A_3858, %add3A_3871 : vector<16xi1>, vector<16xf32>
      %select_n3A_3873 = arith.select %eq3A_33, %add3A_3871, %add3A_3858 : vector<16xi1>, vector<16xf32>
      %lt3A_3874 = arith.constant 0 : i32
      %lt3A_3875 = vector.broadcast %lt3A_3874 : i32 to vector<16xi32>
      %lt3A_3876 = arith.cmpi slt, %xor3A_11, %lt3A_3875 : vector<16xi32>
      %add3A_3877 = arith.constant 16 : i32
      %add3A_3878 = vector.broadcast %add3A_3877 : i32 to vector<16xi32>
      %add3A_3879 = arith.addi %xor3A_11, %add3A_3878 : vector<16xi32>
      %select_n3A_3880 = arith.select %lt3A_3876, %add3A_3879, %xor3A_11 : vector<16xi1>, vector<16xi32>
      %broadcast_in_dim3A_3881 = vector.shape_cast %select_n3A_3880 : vector<16xi32> to vector<16x1xi32>
      %gather3A_3882 = vector.shape_cast %broadcast_in_dim3A_3881 : vector<16x1xi32> to vector<16xi32>
      %gather3A_3883 = tpu.dynamic_gather %select_n3A_3873[%gather3A_3882] in [0] : vector<16xf32>, vector<16xi32> -> vector<16xf32>
      %add3A_3884 = arith.addf %select_n3A_3872, %gather3A_3883 : vector<16xf32>
      %neg3A_3885 = arith.constant 0.000000e+00 : f32
      %neg3A_3886 = vector.broadcast %neg3A_3885 : f32 to vector<16xf32>
      %neg3A_3887 = arith.subf %neg3A_3886, %add3A_3884 : vector<16xf32>
      %exp3A_3888 = math.exp %neg3A_3887 : vector<16xf32>
      %add3A_3889 = arith.constant 1.000000e+00 : f32
      %add3A_3890 = vector.broadcast %add3A_3889 : f32 to vector<16xf32>
      %add3A_3891 = arith.addf %add3A_3890, %exp3A_3888 : vector<16xf32>
      %div3A_3892 = arith.constant 1.000000e+00 : f32
      %div3A_3893 = vector.broadcast %div3A_3892 : f32 to vector<16xf32>
      %div3A_3894 = arith.divf %div3A_3893, %add3A_3891 : vector<16xf32>
      %swap3A_3895 = arith.constant 48 : index
      %swap3A_3896 = tpu.vector_load %arg9[%swap3A_3895] {strides = array<i32>} : memref<80xf32, #tpu.memory_space<vmem>>, vector<16xf32>,
      %swap3A_3897 = vector.shape_cast %swap3A_3896 : vector<16xf32> to vector<16xf32>
      %swap3A_3898 = vector.shape_cast %div3A_3894 : vector<16xf32> to vector<16xf32>
      tpu.vector_store %arg9[%swap3A_3895], %swap3A_3898 {strides = array<i32>} : memref<80xf32, #tpu.memory_space<vmem>>, vector<16xf32>,
      %get3A_3899 = arith.constant 64 : i32
      %get3A_3900 = arith.index_cast %get3A_3899 : i32 to index
      %get3A_3901 = arith.constant 0 : index
      %get3A_3902 = tpu.vector_load %arg7[%get3A_3900, %get3A_3901] {strides = array<i32>} : memref<80x64xf32, #tpu.memory_space<vmem>>, vector<1x16xf32>,
      %get3A_3903 = vector.shape_cast %get3A_3902 : vector<1x16xf32> to vector<16xf32>
      %mul3A_3904 = arith.mulf %get3A_1267, %get3A_3903 : vector<16xf32>
      %get3A_3905 = arith.constant 64 : i32
      %get3A_3906 = arith.index_cast %get3A_3905 : i32 to index
      %get3A_3907 = arith.constant 16 : index
      %get3A_3908 = tpu.vector_load %arg7[%get3A_3906, %get3A_3907] {strides = array<i32>} : memref<80x64xf32, #tpu.memory_space<vmem>>, vector<1x16xf32>,
      %get3A_3909 = vector.shape_cast %get3A_3908 : vector<1x16xf32> to vector<16xf32>
      %mul3A_3910 = arith.mulf %get3A_1272, %get3A_3909 : vector<16xf32>
      %add3A_3911 = arith.addf %mul3A_3904, %mul3A_3910 : vector<16xf32>
      %get3A_3912 = arith.constant 64 : i32
      %get3A_3913 = arith.index_cast %get3A_3912 : i32 to index
      %get3A_3914 = arith.constant 32 : index
      %get3A_3915 = tpu.vector_load %arg7[%get3A_3913, %get3A_3914] {strides = array<i32>} : memref<80x64xf32, #tpu.memory_space<vmem>>, vector<1x16xf32>,
      %get3A_3916 = vector.shape_cast %get3A_3915 : vector<1x16xf32> to vector<16xf32>
      %mul3A_3917 = arith.mulf %get3A_1277, %get3A_3916 : vector<16xf32>
      %add3A_3918 = arith.addf %add3A_3911, %mul3A_3917 : vector<16xf32>
      %get3A_3919 = arith.constant 64 : i32
      %get3A_3920 = arith.index_cast %get3A_3919 : i32 to index
      %get3A_3921 = arith.constant 48 : index
      %get3A_3922 = tpu.vector_load %arg7[%get3A_3920, %get3A_3921] {strides = array<i32>} : memref<80x64xf32, #tpu.memory_space<vmem>>, vector<1x16xf32>,
      %get3A_3923 = vector.shape_cast %get3A_3922 : vector<1x16xf32> to vector<16xf32>
      %mul3A_3924 = arith.mulf %get3A_1282, %get3A_3923 : vector<16xf32>
      %add3A_3925 = arith.addf %add3A_3918, %mul3A_3924 : vector<16xf32>
      %get3A_3926 = arith.constant 65 : i32
      %get3A_3927 = arith.index_cast %get3A_3926 : i32 to index
      %get3A_3928 = arith.constant 0 : index
      %get3A_3929 = tpu.vector_load %arg7[%get3A_3927, %get3A_3928] {strides = array<i32>} : memref<80x64xf32, #tpu.memory_space<vmem>>, vector<1x16xf32>,
      %get3A_3930 = vector.shape_cast %get3A_3929 : vector<1x16xf32> to vector<16xf32>
      %mul3A_3931 = arith.mulf %get3A_1287, %get3A_3930 : vector<16xf32>
      %get3A_3932 = arith.constant 65 : i32
      %get3A_3933 = arith.index_cast %get3A_3932 : i32 to index
      %get3A_3934 = arith.constant 16 : index
      %get3A_3935 = tpu.vector_load %arg7[%get3A_3933, %get3A_3934] {strides = array<i32>} : memref<80x64xf32, #tpu.memory_space<vmem>>, vector<1x16xf32>,
      %get3A_3936 = vector.shape_cast %get3A_3935 : vector<1x16xf32> to vector<16xf32>
      %mul3A_3937 = arith.mulf %get3A_1292, %get3A_3936 : vector<16xf32>
      %add3A_3938 = arith.addf %mul3A_3931, %mul3A_3937 : vector<16xf32>
      %get3A_3939 = arith.constant 65 : i32
      %get3A_3940 = arith.index_cast %get3A_3939 : i32 to index
      %get3A_3941 = arith.constant 32 : index
      %get3A_3942 = tpu.vector_load %arg7[%get3A_3940, %get3A_3941] {strides = array<i32>} : memref<80x64xf32, #tpu.memory_space<vmem>>, vector<1x16xf32>,
      %get3A_3943 = vector.shape_cast %get3A_3942 : vector<1x16xf32> to vector<16xf32>
      %mul3A_3944 = arith.mulf %get3A_1297, %get3A_3943 : vector<16xf32>
      %add3A_3945 = arith.addf %add3A_3938, %mul3A_3944 : vector<16xf32>
      %get3A_3946 = arith.constant 65 : i32
      %get3A_3947 = arith.index_cast %get3A_3946 : i32 to index
      %get3A_3948 = arith.constant 48 : index
      %get3A_3949 = tpu.vector_load %arg7[%get3A_3947, %get3A_3948] {strides = array<i32>} : memref<80x64xf32, #tpu.memory_space<vmem>>, vector<1x16xf32>,
      %get3A_3950 = vector.shape_cast %get3A_3949 : vector<1x16xf32> to vector<16xf32>
      %mul3A_3951 = arith.mulf %get3A_1302, %get3A_3950 : vector<16xf32>
      %add3A_3952 = arith.addf %add3A_3945, %mul3A_3951 : vector<16xf32>
      %get3A_3953 = arith.constant 66 : i32
      %get3A_3954 = arith.index_cast %get3A_3953 : i32 to index
      %get3A_3955 = arith.constant 0 : index
      %get3A_3956 = tpu.vector_load %arg7[%get3A_3954, %get3A_3955] {strides = array<i32>} : memref<80x64xf32, #tpu.memory_space<vmem>>, vector<1x16xf32>,
      %get3A_3957 = vector.shape_cast %get3A_3956 : vector<1x16xf32> to vector<16xf32>
      %mul3A_3958 = arith.mulf %get3A_1287, %get3A_3957 : vector<16xf32>
      %get3A_3959 = arith.constant 66 : i32
      %get3A_3960 = arith.index_cast %get3A_3959 : i32 to index
      %get3A_3961 = arith.constant 16 : index
      %get3A_3962 = tpu.vector_load %arg7[%get3A_3960, %get3A_3961] {strides = array<i32>} : memref<80x64xf32, #tpu.memory_space<vmem>>, vector<1x16xf32>,
      %get3A_3963 = vector.shape_cast %get3A_3962 : vector<1x16xf32> to vector<16xf32>
      %mul3A_3964 = arith.mulf %get3A_1292, %get3A_3963 : vector<16xf32>
      %add3A_3965 = arith.addf %mul3A_3958, %mul3A_3964 : vector<16xf32>
      %get3A_3966 = arith.constant 66 : i32
      %get3A_3967 = arith.index_cast %get3A_3966 : i32 to index
      %get3A_3968 = arith.constant 32 : index
      %get3A_3969 = tpu.vector_load %arg7[%get3A_3967, %get3A_3968] {strides = array<i32>} : memref<80x64xf32, #tpu.memory_space<vmem>>, vector<1x16xf32>,
      %get3A_3970 = vector.shape_cast %get3A_3969 : vector<1x16xf32> to vector<16xf32>
      %mul3A_3971 = arith.mulf %get3A_1297, %get3A_3970 : vector<16xf32>
      %add3A_3972 = arith.addf %add3A_3965, %mul3A_3971 : vector<16xf32>
      %get3A_3973 = arith.constant 66 : i32
      %get3A_3974 = arith.index_cast %get3A_3973 : i32 to index
      %get3A_3975 = arith.constant 48 : index
      %get3A_3976 = tpu.vector_load %arg7[%get3A_3974, %get3A_3975] {strides = array<i32>} : memref<80x64xf32, #tpu.memory_space<vmem>>, vector<1x16xf32>,
      %get3A_3977 = vector.shape_cast %get3A_3976 : vector<1x16xf32> to vector<16xf32>
      %mul3A_3978 = arith.mulf %get3A_1302, %get3A_3977 : vector<16xf32>
      %add3A_3979 = arith.addf %add3A_3972, %mul3A_3978 : vector<16xf32>
      %get3A_3980 = arith.constant 67 : i32
      %get3A_3981 = arith.index_cast %get3A_3980 : i32 to index
      %get3A_3982 = arith.constant 0 : index
      %get3A_3983 = tpu.vector_load %arg7[%get3A_3981, %get3A_3982] {strides = array<i32>} : memref<80x64xf32, #tpu.memory_space<vmem>>, vector<1x16xf32>,
      %get3A_3984 = vector.shape_cast %get3A_3983 : vector<1x16xf32> to vector<16xf32>
      %mul3A_3985 = arith.mulf %get3A_1287, %get3A_3984 : vector<16xf32>
      %get3A_3986 = arith.constant 67 : i32
      %get3A_3987 = arith.index_cast %get3A_3986 : i32 to index
      %get3A_3988 = arith.constant 16 : index
      %get3A_3989 = tpu.vector_load %arg7[%get3A_3987, %get3A_3988] {strides = array<i32>} : memref<80x64xf32, #tpu.memory_space<vmem>>, vector<1x16xf32>,
      %get3A_3990 = vector.shape_cast %get3A_3989 : vector<1x16xf32> to vector<16xf32>
      %mul3A_3991 = arith.mulf %get3A_1292, %get3A_3990 : vector<16xf32>
      %add3A_3992 = arith.addf %mul3A_3985, %mul3A_3991 : vector<16xf32>
      %get3A_3993 = arith.constant 67 : i32
      %get3A_3994 = arith.index_cast %get3A_3993 : i32 to index
      %get3A_3995 = arith.constant 32 : index
      %get3A_3996 = tpu.vector_load %arg7[%get3A_3994, %get3A_3995] {strides = array<i32>} : memref<80x64xf32, #tpu.memory_space<vmem>>, vector<1x16xf32>,
      %get3A_3997 = vector.shape_cast %get3A_3996 : vector<1x16xf32> to vector<16xf32>
      %mul3A_3998 = arith.mulf %get3A_1297, %get3A_3997 : vector<16xf32>
      %add3A_3999 = arith.addf %add3A_3992, %mul3A_3998 : vector<16xf32>
      %get3A_4000 = arith.constant 67 : i32
      %get3A_4001 = arith.index_cast %get3A_4000 : i32 to index
      %get3A_4002 = arith.constant 48 : index
      %get3A_4003 = tpu.vector_load %arg7[%get3A_4001, %get3A_4002] {strides = array<i32>} : memref<80x64xf32, #tpu.memory_space<vmem>>, vector<1x16xf32>,
      %get3A_4004 = vector.shape_cast %get3A_4003 : vector<1x16xf32> to vector<16xf32>
      %mul3A_4005 = arith.mulf %get3A_1302, %get3A_4004 : vector<16xf32>
      %add3A_4006 = arith.addf %add3A_3999, %mul3A_4005 : vector<16xf32>
      %get3A_4007 = arith.constant 68 : i32
      %get3A_4008 = arith.index_cast %get3A_4007 : i32 to index
      %get3A_4009 = arith.constant 0 : index
      %get3A_4010 = tpu.vector_load %arg7[%get3A_4008, %get3A_4009] {strides = array<i32>} : memref<80x64xf32, #tpu.memory_space<vmem>>, vector<1x16xf32>,
      %get3A_4011 = vector.shape_cast %get3A_4010 : vector<1x16xf32> to vector<16xf32>
      %mul3A_4012 = arith.mulf %get3A_1287, %get3A_4011 : vector<16xf32>
      %get3A_4013 = arith.constant 68 : i32
      %get3A_4014 = arith.index_cast %get3A_4013 : i32 to index
      %get3A_4015 = arith.constant 16 : index
      %get3A_4016 = tpu.vector_load %arg7[%get3A_4014, %get3A_4015] {strides = array<i32>} : memref<80x64xf32, #tpu.memory_space<vmem>>, vector<1x16xf32>,
      %get3A_4017 = vector.shape_cast %get3A_4016 : vector<1x16xf32> to vector<16xf32>
      %mul3A_4018 = arith.mulf %get3A_1292, %get3A_4017 : vector<16xf32>
      %add3A_4019 = arith.addf %mul3A_4012, %mul3A_4018 : vector<16xf32>
      %get3A_4020 = arith.constant 68 : i32
      %get3A_4021 = arith.index_cast %get3A_4020 : i32 to index
      %get3A_4022 = arith.constant 32 : index
      %get3A_4023 = tpu.vector_load %arg7[%get3A_4021, %get3A_4022] {strides = array<i32>} : memref<80x64xf32, #tpu.memory_space<vmem>>, vector<1x16xf32>,
      %get3A_4024 = vector.shape_cast %get3A_4023 : vector<1x16xf32> to vector<16xf32>
      %mul3A_4025 = arith.mulf %get3A_1297, %get3A_4024 : vector<16xf32>
      %add3A_4026 = arith.addf %add3A_4019, %mul3A_4025 : vector<16xf32>
      %get3A_4027 = arith.constant 68 : i32
      %get3A_4028 = arith.index_cast %get3A_4027 : i32 to index
      %get3A_4029 = arith.constant 48 : index
      %get3A_4030 = tpu.vector_load %arg7[%get3A_4028, %get3A_4029] {strides = array<i32>} : memref<80x64xf32, #tpu.memory_space<vmem>>, vector<1x16xf32>,
      %get3A_4031 = vector.shape_cast %get3A_4030 : vector<1x16xf32> to vector<16xf32>
      %mul3A_4032 = arith.mulf %get3A_1302, %get3A_4031 : vector<16xf32>
      %add3A_4033 = arith.addf %add3A_4026, %mul3A_4032 : vector<16xf32>
      %get3A_4034 = arith.constant 69 : i32
      %get3A_4035 = arith.index_cast %get3A_4034 : i32 to index
      %get3A_4036 = arith.constant 0 : index
      %get3A_4037 = tpu.vector_load %arg7[%get3A_4035, %get3A_4036] {strides = array<i32>} : memref<80x64xf32, #tpu.memory_space<vmem>>, vector<1x16xf32>,
      %get3A_4038 = vector.shape_cast %get3A_4037 : vector<1x16xf32> to vector<16xf32>
      %mul3A_4039 = arith.mulf %get3A_1287, %get3A_4038 : vector<16xf32>
      %get3A_4040 = arith.constant 69 : i32
      %get3A_4041 = arith.index_cast %get3A_4040 : i32 to index
      %get3A_4042 = arith.constant 16 : index
      %get3A_4043 = tpu.vector_load %arg7[%get3A_4041, %get3A_4042] {strides = array<i32>} : memref<80x64xf32, #tpu.memory_space<vmem>>, vector<1x16xf32>,
      %get3A_4044 = vector.shape_cast %get3A_4043 : vector<1x16xf32> to vector<16xf32>
      %mul3A_4045 = arith.mulf %get3A_1292, %get3A_4044 : vector<16xf32>
      %add3A_4046 = arith.addf %mul3A_4039, %mul3A_4045 : vector<16xf32>
      %get3A_4047 = arith.constant 69 : i32
      %get3A_4048 = arith.index_cast %get3A_4047 : i32 to index
      %get3A_4049 = arith.constant 32 : index
      %get3A_4050 = tpu.vector_load %arg7[%get3A_4048, %get3A_4049] {strides = array<i32>} : memref<80x64xf32, #tpu.memory_space<vmem>>, vector<1x16xf32>,
      %get3A_4051 = vector.shape_cast %get3A_4050 : vector<1x16xf32> to vector<16xf32>
      %mul3A_4052 = arith.mulf %get3A_1297, %get3A_4051 : vector<16xf32>
      %add3A_4053 = arith.addf %add3A_4046, %mul3A_4052 : vector<16xf32>
      %get3A_4054 = arith.constant 69 : i32
      %get3A_4055 = arith.index_cast %get3A_4054 : i32 to index
      %get3A_4056 = arith.constant 48 : index
      %get3A_4057 = tpu.vector_load %arg7[%get3A_4055, %get3A_4056] {strides = array<i32>} : memref<80x64xf32, #tpu.memory_space<vmem>>, vector<1x16xf32>,
      %get3A_4058 = vector.shape_cast %get3A_4057 : vector<1x16xf32> to vector<16xf32>
      %mul3A_4059 = arith.mulf %get3A_1302, %get3A_4058 : vector<16xf32>
      %add3A_4060 = arith.addf %add3A_4053, %mul3A_4059 : vector<16xf32>
      %get3A_4061 = arith.constant 70 : i32
      %get3A_4062 = arith.index_cast %get3A_4061 : i32 to index
      %get3A_4063 = arith.constant 0 : index
      %get3A_4064 = tpu.vector_load %arg7[%get3A_4062, %get3A_4063] {strides = array<i32>} : memref<80x64xf32, #tpu.memory_space<vmem>>, vector<1x16xf32>,
      %get3A_4065 = vector.shape_cast %get3A_4064 : vector<1x16xf32> to vector<16xf32>
      %mul3A_4066 = arith.mulf %get3A_1307, %get3A_4065 : vector<16xf32>
      %get3A_4067 = arith.constant 70 : i32
      %get3A_4068 = arith.index_cast %get3A_4067 : i32 to index
      %get3A_4069 = arith.constant 16 : index
      %get3A_4070 = tpu.vector_load %arg7[%get3A_4068, %get3A_4069] {strides = array<i32>} : memref<80x64xf32, #tpu.memory_space<vmem>>, vector<1x16xf32>,
      %get3A_4071 = vector.shape_cast %get3A_4070 : vector<1x16xf32> to vector<16xf32>
      %mul3A_4072 = arith.mulf %get3A_1312, %get3A_4071 : vector<16xf32>
      %add3A_4073 = arith.addf %mul3A_4066, %mul3A_4072 : vector<16xf32>
      %get3A_4074 = arith.constant 70 : i32
      %get3A_4075 = arith.index_cast %get3A_4074 : i32 to index
      %get3A_4076 = arith.constant 32 : index
      %get3A_4077 = tpu.vector_load %arg7[%get3A_4075, %get3A_4076] {strides = array<i32>} : memref<80x64xf32, #tpu.memory_space<vmem>>, vector<1x16xf32>,
      %get3A_4078 = vector.shape_cast %get3A_4077 : vector<1x16xf32> to vector<16xf32>
      %mul3A_4079 = arith.mulf %get3A_1317, %get3A_4078 : vector<16xf32>
      %add3A_4080 = arith.addf %add3A_4073, %mul3A_4079 : vector<16xf32>
      %get3A_4081 = arith.constant 70 : i32
      %get3A_4082 = arith.index_cast %get3A_4081 : i32 to index
      %get3A_4083 = arith.constant 48 : index
      %get3A_4084 = tpu.vector_load %arg7[%get3A_4082, %get3A_4083] {strides = array<i32>} : memref<80x64xf32, #tpu.memory_space<vmem>>, vector<1x16xf32>,
      %get3A_4085 = vector.shape_cast %get3A_4084 : vector<1x16xf32> to vector<16xf32>
      %mul3A_4086 = arith.mulf %get3A_1322, %get3A_4085 : vector<16xf32>
      %add3A_4087 = arith.addf %add3A_4080, %mul3A_4086 : vector<16xf32>
      %get3A_4088 = arith.constant 71 : i32
      %get3A_4089 = arith.index_cast %get3A_4088 : i32 to index
      %get3A_4090 = arith.constant 0 : index
      %get3A_4091 = tpu.vector_load %arg7[%get3A_4089, %get3A_4090] {strides = array<i32>} : memref<80x64xf32, #tpu.memory_space<vmem>>, vector<1x16xf32>,
      %get3A_4092 = vector.shape_cast %get3A_4091 : vector<1x16xf32> to vector<16xf32>
      %mul3A_4093 = arith.mulf %get3A_1307, %get3A_4092 : vector<16xf32>
      %get3A_4094 = arith.constant 71 : i32
      %get3A_4095 = arith.index_cast %get3A_4094 : i32 to index
      %get3A_4096 = arith.constant 16 : index
      %get3A_4097 = tpu.vector_load %arg7[%get3A_4095, %get3A_4096] {strides = array<i32>} : memref<80x64xf32, #tpu.memory_space<vmem>>, vector<1x16xf32>,
      %get3A_4098 = vector.shape_cast %get3A_4097 : vector<1x16xf32> to vector<16xf32>
      %mul3A_4099 = arith.mulf %get3A_1312, %get3A_4098 : vector<16xf32>
      %add3A_4100 = arith.addf %mul3A_4093, %mul3A_4099 : vector<16xf32>
      %get3A_4101 = arith.constant 71 : i32
      %get3A_4102 = arith.index_cast %get3A_4101 : i32 to index
      %get3A_4103 = arith.constant 32 : index
      %get3A_4104 = tpu.vector_load %arg7[%get3A_4102, %get3A_4103] {strides = array<i32>} : memref<80x64xf32, #tpu.memory_space<vmem>>, vector<1x16xf32>,
      %get3A_4105 = vector.shape_cast %get3A_4104 : vector<1x16xf32> to vector<16xf32>
      %mul3A_4106 = arith.mulf %get3A_1317, %get3A_4105 : vector<16xf32>
      %add3A_4107 = arith.addf %add3A_4100, %mul3A_4106 : vector<16xf32>
      %get3A_4108 = arith.constant 71 : i32
      %get3A_4109 = arith.index_cast %get3A_4108 : i32 to index
      %get3A_4110 = arith.constant 48 : index
      %get3A_4111 = tpu.vector_load %arg7[%get3A_4109, %get3A_4110] {strides = array<i32>} : memref<80x64xf32, #tpu.memory_space<vmem>>, vector<1x16xf32>,
      %get3A_4112 = vector.shape_cast %get3A_4111 : vector<1x16xf32> to vector<16xf32>
      %mul3A_4113 = arith.mulf %get3A_1322, %get3A_4112 : vector<16xf32>
      %add3A_4114 = arith.addf %add3A_4107, %mul3A_4113 : vector<16xf32>
      %get3A_4115 = arith.constant 72 : i32
      %get3A_4116 = arith.index_cast %get3A_4115 : i32 to index
      %get3A_4117 = arith.constant 0 : index
      %get3A_4118 = tpu.vector_load %arg7[%get3A_4116, %get3A_4117] {strides = array<i32>} : memref<80x64xf32, #tpu.memory_space<vmem>>, vector<1x16xf32>,
      %get3A_4119 = vector.shape_cast %get3A_4118 : vector<1x16xf32> to vector<16xf32>
      %mul3A_4120 = arith.mulf %get3A_1307, %get3A_4119 : vector<16xf32>
      %get3A_4121 = arith.constant 72 : i32
      %get3A_4122 = arith.index_cast %get3A_4121 : i32 to index
      %get3A_4123 = arith.constant 16 : index
      %get3A_4124 = tpu.vector_load %arg7[%get3A_4122, %get3A_4123] {strides = array<i32>} : memref<80x64xf32, #tpu.memory_space<vmem>>, vector<1x16xf32>,
      %get3A_4125 = vector.shape_cast %get3A_4124 : vector<1x16xf32> to vector<16xf32>
      %mul3A_4126 = arith.mulf %get3A_1312, %get3A_4125 : vector<16xf32>
      %add3A_4127 = arith.addf %mul3A_4120, %mul3A_4126 : vector<16xf32>
      %get3A_4128 = arith.constant 72 : i32
      %get3A_4129 = arith.index_cast %get3A_4128 : i32 to index
      %get3A_4130 = arith.constant 32 : index
      %get3A_4131 = tpu.vector_load %arg7[%get3A_4129, %get3A_4130] {strides = array<i32>} : memref<80x64xf32, #tpu.memory_space<vmem>>, vector<1x16xf32>,
      %get3A_4132 = vector.shape_cast %get3A_4131 : vector<1x16xf32> to vector<16xf32>
      %mul3A_4133 = arith.mulf %get3A_1317, %get3A_4132 : vector<16xf32>
      %add3A_4134 = arith.addf %add3A_4127, %mul3A_4133 : vector<16xf32>
      %get3A_4135 = arith.constant 72 : i32
      %get3A_4136 = arith.index_cast %get3A_4135 : i32 to index
      %get3A_4137 = arith.constant 48 : index
      %get3A_4138 = tpu.vector_load %arg7[%get3A_4136, %get3A_4137] {strides = array<i32>} : memref<80x64xf32, #tpu.memory_space<vmem>>, vector<1x16xf32>,
      %get3A_4139 = vector.shape_cast %get3A_4138 : vector<1x16xf32> to vector<16xf32>
      %mul3A_4140 = arith.mulf %get3A_1322, %get3A_4139 : vector<16xf32>
      %add3A_4141 = arith.addf %add3A_4134, %mul3A_4140 : vector<16xf32>
      %get3A_4142 = arith.constant 73 : i32
      %get3A_4143 = arith.index_cast %get3A_4142 : i32 to index
      %get3A_4144 = arith.constant 0 : index
      %get3A_4145 = tpu.vector_load %arg7[%get3A_4143, %get3A_4144] {strides = array<i32>} : memref<80x64xf32, #tpu.memory_space<vmem>>, vector<1x16xf32>,
      %get3A_4146 = vector.shape_cast %get3A_4145 : vector<1x16xf32> to vector<16xf32>
      %mul3A_4147 = arith.mulf %get3A_1307, %get3A_4146 : vector<16xf32>
      %get3A_4148 = arith.constant 73 : i32
      %get3A_4149 = arith.index_cast %get3A_4148 : i32 to index
      %get3A_4150 = arith.constant 16 : index
      %get3A_4151 = tpu.vector_load %arg7[%get3A_4149, %get3A_4150] {strides = array<i32>} : memref<80x64xf32, #tpu.memory_space<vmem>>, vector<1x16xf32>,
      %get3A_4152 = vector.shape_cast %get3A_4151 : vector<1x16xf32> to vector<16xf32>
      %mul3A_4153 = arith.mulf %get3A_1312, %get3A_4152 : vector<16xf32>
      %add3A_4154 = arith.addf %mul3A_4147, %mul3A_4153 : vector<16xf32>
      %get3A_4155 = arith.constant 73 : i32
      %get3A_4156 = arith.index_cast %get3A_4155 : i32 to index
      %get3A_4157 = arith.constant 32 : index
      %get3A_4158 = tpu.vector_load %arg7[%get3A_4156, %get3A_4157] {strides = array<i32>} : memref<80x64xf32, #tpu.memory_space<vmem>>, vector<1x16xf32>,
      %get3A_4159 = vector.shape_cast %get3A_4158 : vector<1x16xf32> to vector<16xf32>
      %mul3A_4160 = arith.mulf %get3A_1317, %get3A_4159 : vector<16xf32>
      %add3A_4161 = arith.addf %add3A_4154, %mul3A_4160 : vector<16xf32>
      %get3A_4162 = arith.constant 73 : i32
      %get3A_4163 = arith.index_cast %get3A_4162 : i32 to index
      %get3A_4164 = arith.constant 48 : index
      %get3A_4165 = tpu.vector_load %arg7[%get3A_4163, %get3A_4164] {strides = array<i32>} : memref<80x64xf32, #tpu.memory_space<vmem>>, vector<1x16xf32>,
      %get3A_4166 = vector.shape_cast %get3A_4165 : vector<1x16xf32> to vector<16xf32>
      %mul3A_4167 = arith.mulf %get3A_1322, %get3A_4166 : vector<16xf32>
      %add3A_4168 = arith.addf %add3A_4161, %mul3A_4167 : vector<16xf32>
      %get3A_4169 = arith.constant 74 : i32
      %get3A_4170 = arith.index_cast %get3A_4169 : i32 to index
      %get3A_4171 = arith.constant 0 : index
      %get3A_4172 = tpu.vector_load %arg7[%get3A_4170, %get3A_4171] {strides = array<i32>} : memref<80x64xf32, #tpu.memory_space<vmem>>, vector<1x16xf32>,
      %get3A_4173 = vector.shape_cast %get3A_4172 : vector<1x16xf32> to vector<16xf32>
      %mul3A_4174 = arith.mulf %get3A_1307, %get3A_4173 : vector<16xf32>
      %get3A_4175 = arith.constant 74 : i32
      %get3A_4176 = arith.index_cast %get3A_4175 : i32 to index
      %get3A_4177 = arith.constant 16 : index
      %get3A_4178 = tpu.vector_load %arg7[%get3A_4176, %get3A_4177] {strides = array<i32>} : memref<80x64xf32, #tpu.memory_space<vmem>>, vector<1x16xf32>,
      %get3A_4179 = vector.shape_cast %get3A_4178 : vector<1x16xf32> to vector<16xf32>
      %mul3A_4180 = arith.mulf %get3A_1312, %get3A_4179 : vector<16xf32>
      %add3A_4181 = arith.addf %mul3A_4174, %mul3A_4180 : vector<16xf32>
      %get3A_4182 = arith.constant 74 : i32
      %get3A_4183 = arith.index_cast %get3A_4182 : i32 to index
      %get3A_4184 = arith.constant 32 : index
      %get3A_4185 = tpu.vector_load %arg7[%get3A_4183, %get3A_4184] {strides = array<i32>} : memref<80x64xf32, #tpu.memory_space<vmem>>, vector<1x16xf32>,
      %get3A_4186 = vector.shape_cast %get3A_4185 : vector<1x16xf32> to vector<16xf32>
      %mul3A_4187 = arith.mulf %get3A_1317, %get3A_4186 : vector<16xf32>
      %add3A_4188 = arith.addf %add3A_4181, %mul3A_4187 : vector<16xf32>
      %get3A_4189 = arith.constant 74 : i32
      %get3A_4190 = arith.index_cast %get3A_4189 : i32 to index
      %get3A_4191 = arith.constant 48 : index
      %get3A_4192 = tpu.vector_load %arg7[%get3A_4190, %get3A_4191] {strides = array<i32>} : memref<80x64xf32, #tpu.memory_space<vmem>>, vector<1x16xf32>,
      %get3A_4193 = vector.shape_cast %get3A_4192 : vector<1x16xf32> to vector<16xf32>
      %mul3A_4194 = arith.mulf %get3A_1322, %get3A_4193 : vector<16xf32>
      %add3A_4195 = arith.addf %add3A_4188, %mul3A_4194 : vector<16xf32>
      %get3A_4196 = arith.constant 75 : i32
      %get3A_4197 = arith.index_cast %get3A_4196 : i32 to index
      %get3A_4198 = arith.constant 0 : index
      %get3A_4199 = tpu.vector_load %arg7[%get3A_4197, %get3A_4198] {strides = array<i32>} : memref<80x64xf32, #tpu.memory_space<vmem>>, vector<1x16xf32>,
      %get3A_4200 = vector.shape_cast %get3A_4199 : vector<1x16xf32> to vector<16xf32>
      %mul3A_4201 = arith.mulf %get3A_1327, %get3A_4200 : vector<16xf32>
      %get3A_4202 = arith.constant 75 : i32
      %get3A_4203 = arith.index_cast %get3A_4202 : i32 to index
      %get3A_4204 = arith.constant 16 : index
      %get3A_4205 = tpu.vector_load %arg7[%get3A_4203, %get3A_4204] {strides = array<i32>} : memref<80x64xf32, #tpu.memory_space<vmem>>, vector<1x16xf32>,
      %get3A_4206 = vector.shape_cast %get3A_4205 : vector<1x16xf32> to vector<16xf32>
      %mul3A_4207 = arith.mulf %get3A_1332, %get3A_4206 : vector<16xf32>
      %add3A_4208 = arith.addf %mul3A_4201, %mul3A_4207 : vector<16xf32>
      %get3A_4209 = arith.constant 75 : i32
      %get3A_4210 = arith.index_cast %get3A_4209 : i32 to index
      %get3A_4211 = arith.constant 32 : index
      %get3A_4212 = tpu.vector_load %arg7[%get3A_4210, %get3A_4211] {strides = array<i32>} : memref<80x64xf32, #tpu.memory_space<vmem>>, vector<1x16xf32>,
      %get3A_4213 = vector.shape_cast %get3A_4212 : vector<1x16xf32> to vector<16xf32>
      %mul3A_4214 = arith.mulf %get3A_1337, %get3A_4213 : vector<16xf32>
      %add3A_4215 = arith.addf %add3A_4208, %mul3A_4214 : vector<16xf32>
      %get3A_4216 = arith.constant 75 : i32
      %get3A_4217 = arith.index_cast %get3A_4216 : i32 to index
      %get3A_4218 = arith.constant 48 : index
      %get3A_4219 = tpu.vector_load %arg7[%get3A_4217, %get3A_4218] {strides = array<i32>} : memref<80x64xf32, #tpu.memory_space<vmem>>, vector<1x16xf32>,
      %get3A_4220 = vector.shape_cast %get3A_4219 : vector<1x16xf32> to vector<16xf32>
      %mul3A_4221 = arith.mulf %get3A_1342, %get3A_4220 : vector<16xf32>
      %add3A_4222 = arith.addf %add3A_4215, %mul3A_4221 : vector<16xf32>
      %get3A_4223 = arith.constant 76 : i32
      %get3A_4224 = arith.index_cast %get3A_4223 : i32 to index
      %get3A_4225 = arith.constant 0 : index
      %get3A_4226 = tpu.vector_load %arg7[%get3A_4224, %get3A_4225] {strides = array<i32>} : memref<80x64xf32, #tpu.memory_space<vmem>>, vector<1x16xf32>,
      %get3A_4227 = vector.shape_cast %get3A_4226 : vector<1x16xf32> to vector<16xf32>
      %mul3A_4228 = arith.mulf %get3A_1327, %get3A_4227 : vector<16xf32>
      %get3A_4229 = arith.constant 76 : i32
      %get3A_4230 = arith.index_cast %get3A_4229 : i32 to index
      %get3A_4231 = arith.constant 16 : index
      %get3A_4232 = tpu.vector_load %arg7[%get3A_4230, %get3A_4231] {strides = array<i32>} : memref<80x64xf32, #tpu.memory_space<vmem>>, vector<1x16xf32>,
      %get3A_4233 = vector.shape_cast %get3A_4232 : vector<1x16xf32> to vector<16xf32>
      %mul3A_4234 = arith.mulf %get3A_1332, %get3A_4233 : vector<16xf32>
      %add3A_4235 = arith.addf %mul3A_4228, %mul3A_4234 : vector<16xf32>
      %get3A_4236 = arith.constant 76 : i32
      %get3A_4237 = arith.index_cast %get3A_4236 : i32 to index
      %get3A_4238 = arith.constant 32 : index
      %get3A_4239 = tpu.vector_load %arg7[%get3A_4237, %get3A_4238] {strides = array<i32>} : memref<80x64xf32, #tpu.memory_space<vmem>>, vector<1x16xf32>,
      %get3A_4240 = vector.shape_cast %get3A_4239 : vector<1x16xf32> to vector<16xf32>
      %mul3A_4241 = arith.mulf %get3A_1337, %get3A_4240 : vector<16xf32>
      %add3A_4242 = arith.addf %add3A_4235, %mul3A_4241 : vector<16xf32>
      %get3A_4243 = arith.constant 76 : i32
      %get3A_4244 = arith.index_cast %get3A_4243 : i32 to index
      %get3A_4245 = arith.constant 48 : index
      %get3A_4246 = tpu.vector_load %arg7[%get3A_4244, %get3A_4245] {strides = array<i32>} : memref<80x64xf32, #tpu.memory_space<vmem>>, vector<1x16xf32>,
      %get3A_4247 = vector.shape_cast %get3A_4246 : vector<1x16xf32> to vector<16xf32>
      %mul3A_4248 = arith.mulf %get3A_1342, %get3A_4247 : vector<16xf32>
      %add3A_4249 = arith.addf %add3A_4242, %mul3A_4248 : vector<16xf32>
      %get3A_4250 = arith.constant 77 : i32
      %get3A_4251 = arith.index_cast %get3A_4250 : i32 to index
      %get3A_4252 = arith.constant 0 : index
      %get3A_4253 = tpu.vector_load %arg7[%get3A_4251, %get3A_4252] {strides = array<i32>} : memref<80x64xf32, #tpu.memory_space<vmem>>, vector<1x16xf32>,
      %get3A_4254 = vector.shape_cast %get3A_4253 : vector<1x16xf32> to vector<16xf32>
      %mul3A_4255 = arith.mulf %get3A_1327, %get3A_4254 : vector<16xf32>
      %get3A_4256 = arith.constant 77 : i32
      %get3A_4257 = arith.index_cast %get3A_4256 : i32 to index
      %get3A_4258 = arith.constant 16 : index
      %get3A_4259 = tpu.vector_load %arg7[%get3A_4257, %get3A_4258] {strides = array<i32>} : memref<80x64xf32, #tpu.memory_space<vmem>>, vector<1x16xf32>,
      %get3A_4260 = vector.shape_cast %get3A_4259 : vector<1x16xf32> to vector<16xf32>
      %mul3A_4261 = arith.mulf %get3A_1332, %get3A_4260 : vector<16xf32>
      %add3A_4262 = arith.addf %mul3A_4255, %mul3A_4261 : vector<16xf32>
      %get3A_4263 = arith.constant 77 : i32
      %get3A_4264 = arith.index_cast %get3A_4263 : i32 to index
      %get3A_4265 = arith.constant 32 : index
      %get3A_4266 = tpu.vector_load %arg7[%get3A_4264, %get3A_4265] {strides = array<i32>} : memref<80x64xf32, #tpu.memory_space<vmem>>, vector<1x16xf32>,
      %get3A_4267 = vector.shape_cast %get3A_4266 : vector<1x16xf32> to vector<16xf32>
      %mul3A_4268 = arith.mulf %get3A_1337, %get3A_4267 : vector<16xf32>
      %add3A_4269 = arith.addf %add3A_4262, %mul3A_4268 : vector<16xf32>
      %get3A_4270 = arith.constant 77 : i32
      %get3A_4271 = arith.index_cast %get3A_4270 : i32 to index
      %get3A_4272 = arith.constant 48 : index
      %get3A_4273 = tpu.vector_load %arg7[%get3A_4271, %get3A_4272] {strides = array<i32>} : memref<80x64xf32, #tpu.memory_space<vmem>>, vector<1x16xf32>,
      %get3A_4274 = vector.shape_cast %get3A_4273 : vector<1x16xf32> to vector<16xf32>
      %mul3A_4275 = arith.mulf %get3A_1342, %get3A_4274 : vector<16xf32>
      %add3A_4276 = arith.addf %add3A_4269, %mul3A_4275 : vector<16xf32>
      %get3A_4277 = arith.constant 78 : i32
      %get3A_4278 = arith.index_cast %get3A_4277 : i32 to index
      %get3A_4279 = arith.constant 0 : index
      %get3A_4280 = tpu.vector_load %arg7[%get3A_4278, %get3A_4279] {strides = array<i32>} : memref<80x64xf32, #tpu.memory_space<vmem>>, vector<1x16xf32>,
      %get3A_4281 = vector.shape_cast %get3A_4280 : vector<1x16xf32> to vector<16xf32>
      %mul3A_4282 = arith.mulf %get3A_1327, %get3A_4281 : vector<16xf32>
      %get3A_4283 = arith.constant 78 : i32
      %get3A_4284 = arith.index_cast %get3A_4283 : i32 to index
      %get3A_4285 = arith.constant 16 : index
      %get3A_4286 = tpu.vector_load %arg7[%get3A_4284, %get3A_4285] {strides = array<i32>} : memref<80x64xf32, #tpu.memory_space<vmem>>, vector<1x16xf32>,
      %get3A_4287 = vector.shape_cast %get3A_4286 : vector<1x16xf32> to vector<16xf32>
      %mul3A_4288 = arith.mulf %get3A_1332, %get3A_4287 : vector<16xf32>
      %add3A_4289 = arith.addf %mul3A_4282, %mul3A_4288 : vector<16xf32>
      %get3A_4290 = arith.constant 78 : i32
      %get3A_4291 = arith.index_cast %get3A_4290 : i32 to index
      %get3A_4292 = arith.constant 32 : index
      %get3A_4293 = tpu.vector_load %arg7[%get3A_4291, %get3A_4292] {strides = array<i32>} : memref<80x64xf32, #tpu.memory_space<vmem>>, vector<1x16xf32>,
      %get3A_4294 = vector.shape_cast %get3A_4293 : vector<1x16xf32> to vector<16xf32>
      %mul3A_4295 = arith.mulf %get3A_1337, %get3A_4294 : vector<16xf32>
      %add3A_4296 = arith.addf %add3A_4289, %mul3A_4295 : vector<16xf32>
      %get3A_4297 = arith.constant 78 : i32
      %get3A_4298 = arith.index_cast %get3A_4297 : i32 to index
      %get3A_4299 = arith.constant 48 : index
      %get3A_4300 = tpu.vector_load %arg7[%get3A_4298, %get3A_4299] {strides = array<i32>} : memref<80x64xf32, #tpu.memory_space<vmem>>, vector<1x16xf32>,
      %get3A_4301 = vector.shape_cast %get3A_4300 : vector<1x16xf32> to vector<16xf32>
      %mul3A_4302 = arith.mulf %get3A_1342, %get3A_4301 : vector<16xf32>
      %add3A_4303 = arith.addf %add3A_4296, %mul3A_4302 : vector<16xf32>
      %get3A_4304 = arith.constant 79 : i32
      %get3A_4305 = arith.index_cast %get3A_4304 : i32 to index
      %get3A_4306 = arith.constant 0 : index
      %get3A_4307 = tpu.vector_load %arg7[%get3A_4305, %get3A_4306] {strides = array<i32>} : memref<80x64xf32, #tpu.memory_space<vmem>>, vector<1x16xf32>,
      %get3A_4308 = vector.shape_cast %get3A_4307 : vector<1x16xf32> to vector<16xf32>
      %mul3A_4309 = arith.mulf %get3A_1327, %get3A_4308 : vector<16xf32>
      %get3A_4310 = arith.constant 79 : i32
      %get3A_4311 = arith.index_cast %get3A_4310 : i32 to index
      %get3A_4312 = arith.constant 16 : index
      %get3A_4313 = tpu.vector_load %arg7[%get3A_4311, %get3A_4312] {strides = array<i32>} : memref<80x64xf32, #tpu.memory_space<vmem>>, vector<1x16xf32>,
      %get3A_4314 = vector.shape_cast %get3A_4313 : vector<1x16xf32> to vector<16xf32>
      %mul3A_4315 = arith.mulf %get3A_1332, %get3A_4314 : vector<16xf32>
      %add3A_4316 = arith.addf %mul3A_4309, %mul3A_4315 : vector<16xf32>
      %get3A_4317 = arith.constant 79 : i32
      %get3A_4318 = arith.index_cast %get3A_4317 : i32 to index
      %get3A_4319 = arith.constant 32 : index
      %get3A_4320 = tpu.vector_load %arg7[%get3A_4318, %get3A_4319] {strides = array<i32>} : memref<80x64xf32, #tpu.memory_space<vmem>>, vector<1x16xf32>,
      %get3A_4321 = vector.shape_cast %get3A_4320 : vector<1x16xf32> to vector<16xf32>
      %mul3A_4322 = arith.mulf %get3A_1337, %get3A_4321 : vector<16xf32>
      %add3A_4323 = arith.addf %add3A_4316, %mul3A_4322 : vector<16xf32>
      %get3A_4324 = arith.constant 79 : i32
      %get3A_4325 = arith.index_cast %get3A_4324 : i32 to index
      %get3A_4326 = arith.constant 48 : index
      %get3A_4327 = tpu.vector_load %arg7[%get3A_4325, %get3A_4326] {strides = array<i32>} : memref<80x64xf32, #tpu.memory_space<vmem>>, vector<1x16xf32>,
      %get3A_4328 = vector.shape_cast %get3A_4327 : vector<1x16xf32> to vector<16xf32>
      %mul3A_4329 = arith.mulf %get3A_1342, %get3A_4328 : vector<16xf32>
      %add3A_4330 = arith.addf %add3A_4323, %mul3A_4329 : vector<16xf32>
      %select_n3A_4331 = arith.select %eq3A_15, %add3A_3925, %add3A_3952 : vector<16xi1>, vector<16xf32>
      %select_n3A_4332 = arith.select %eq3A_15, %add3A_3952, %add3A_3925 : vector<16xi1>, vector<16xf32>
      %lt3A_4333 = arith.constant 0 : i32
      %lt3A_4334 = vector.broadcast %lt3A_4333 : i32 to vector<16xi32>
      %lt3A_4335 = arith.cmpi slt, %xor3A_2, %lt3A_4334 : vector<16xi32>
      %add3A_4336 = arith.constant 16 : i32
      %add3A_4337 = vector.broadcast %add3A_4336 : i32 to vector<16xi32>
      %add3A_4338 = arith.addi %xor3A_2, %add3A_4337 : vector<16xi32>
      %select_n3A_4339 = arith.select %lt3A_4335, %add3A_4338, %xor3A_2 : vector<16xi1>, vector<16xi32>
      %broadcast_in_dim3A_4340 = vector.shape_cast %select_n3A_4339 : vector<16xi32> to vector<16x1xi32>
      %gather3A_4341 = vector.shape_cast %broadcast_in_dim3A_4340 : vector<16x1xi32> to vector<16xi32>
      %gather3A_4342 = tpu.dynamic_gather %select_n3A_4332[%gather3A_4341] in [0] : vector<16xf32>, vector<16xi32> -> vector<16xf32>
      %add3A_4343 = arith.addf %select_n3A_4331, %gather3A_4342 : vector<16xf32>
      %select_n3A_4344 = arith.select %eq3A_15, %add3A_3979, %add3A_4006 : vector<16xi1>, vector<16xf32>
      %select_n3A_4345 = arith.select %eq3A_15, %add3A_4006, %add3A_3979 : vector<16xi1>, vector<16xf32>
      %lt3A_4346 = arith.constant 0 : i32
      %lt3A_4347 = vector.broadcast %lt3A_4346 : i32 to vector<16xi32>
      %lt3A_4348 = arith.cmpi slt, %xor3A_2, %lt3A_4347 : vector<16xi32>
      %add3A_4349 = arith.constant 16 : i32
      %add3A_4350 = vector.broadcast %add3A_4349 : i32 to vector<16xi32>
      %add3A_4351 = arith.addi %xor3A_2, %add3A_4350 : vector<16xi32>
      %select_n3A_4352 = arith.select %lt3A_4348, %add3A_4351, %xor3A_2 : vector<16xi1>, vector<16xi32>
      %broadcast_in_dim3A_4353 = vector.shape_cast %select_n3A_4352 : vector<16xi32> to vector<16x1xi32>
      %gather3A_4354 = vector.shape_cast %broadcast_in_dim3A_4353 : vector<16x1xi32> to vector<16xi32>
      %gather3A_4355 = tpu.dynamic_gather %select_n3A_4345[%gather3A_4354] in [0] : vector<16xf32>, vector<16xi32> -> vector<16xf32>
      %add3A_4356 = arith.addf %select_n3A_4344, %gather3A_4355 : vector<16xf32>
      %select_n3A_4357 = arith.select %eq3A_15, %add3A_4033, %add3A_4060 : vector<16xi1>, vector<16xf32>
      %select_n3A_4358 = arith.select %eq3A_15, %add3A_4060, %add3A_4033 : vector<16xi1>, vector<16xf32>
      %lt3A_4359 = arith.constant 0 : i32
      %lt3A_4360 = vector.broadcast %lt3A_4359 : i32 to vector<16xi32>
      %lt3A_4361 = arith.cmpi slt, %xor3A_2, %lt3A_4360 : vector<16xi32>
      %add3A_4362 = arith.constant 16 : i32
      %add3A_4363 = vector.broadcast %add3A_4362 : i32 to vector<16xi32>
      %add3A_4364 = arith.addi %xor3A_2, %add3A_4363 : vector<16xi32>
      %select_n3A_4365 = arith.select %lt3A_4361, %add3A_4364, %xor3A_2 : vector<16xi1>, vector<16xi32>
      %broadcast_in_dim3A_4366 = vector.shape_cast %select_n3A_4365 : vector<16xi32> to vector<16x1xi32>
      %gather3A_4367 = vector.shape_cast %broadcast_in_dim3A_4366 : vector<16x1xi32> to vector<16xi32>
      %gather3A_4368 = tpu.dynamic_gather %select_n3A_4358[%gather3A_4367] in [0] : vector<16xf32>, vector<16xi32> -> vector<16xf32>
      %add3A_4369 = arith.addf %select_n3A_4357, %gather3A_4368 : vector<16xf32>
      %select_n3A_4370 = arith.select %eq3A_15, %add3A_4087, %add3A_4114 : vector<16xi1>, vector<16xf32>
      %select_n3A_4371 = arith.select %eq3A_15, %add3A_4114, %add3A_4087 : vector<16xi1>, vector<16xf32>
      %lt3A_4372 = arith.constant 0 : i32
      %lt3A_4373 = vector.broadcast %lt3A_4372 : i32 to vector<16xi32>
      %lt3A_4374 = arith.cmpi slt, %xor3A_2, %lt3A_4373 : vector<16xi32>
      %add3A_4375 = arith.constant 16 : i32
      %add3A_4376 = vector.broadcast %add3A_4375 : i32 to vector<16xi32>
      %add3A_4377 = arith.addi %xor3A_2, %add3A_4376 : vector<16xi32>
      %select_n3A_4378 = arith.select %lt3A_4374, %add3A_4377, %xor3A_2 : vector<16xi1>, vector<16xi32>
      %broadcast_in_dim3A_4379 = vector.shape_cast %select_n3A_4378 : vector<16xi32> to vector<16x1xi32>
      %gather3A_4380 = vector.shape_cast %broadcast_in_dim3A_4379 : vector<16x1xi32> to vector<16xi32>
      %gather3A_4381 = tpu.dynamic_gather %select_n3A_4371[%gather3A_4380] in [0] : vector<16xf32>, vector<16xi32> -> vector<16xf32>
      %add3A_4382 = arith.addf %select_n3A_4370, %gather3A_4381 : vector<16xf32>
      %select_n3A_4383 = arith.select %eq3A_15, %add3A_4141, %add3A_4168 : vector<16xi1>, vector<16xf32>
      %select_n3A_4384 = arith.select %eq3A_15, %add3A_4168, %add3A_4141 : vector<16xi1>, vector<16xf32>
      %lt3A_4385 = arith.constant 0 : i32
      %lt3A_4386 = vector.broadcast %lt3A_4385 : i32 to vector<16xi32>
      %lt3A_4387 = arith.cmpi slt, %xor3A_2, %lt3A_4386 : vector<16xi32>
      %add3A_4388 = arith.constant 16 : i32
      %add3A_4389 = vector.broadcast %add3A_4388 : i32 to vector<16xi32>
      %add3A_4390 = arith.addi %xor3A_2, %add3A_4389 : vector<16xi32>
      %select_n3A_4391 = arith.select %lt3A_4387, %add3A_4390, %xor3A_2 : vector<16xi1>, vector<16xi32>
      %broadcast_in_dim3A_4392 = vector.shape_cast %select_n3A_4391 : vector<16xi32> to vector<16x1xi32>
      %gather3A_4393 = vector.shape_cast %broadcast_in_dim3A_4392 : vector<16x1xi32> to vector<16xi32>
      %gather3A_4394 = tpu.dynamic_gather %select_n3A_4384[%gather3A_4393] in [0] : vector<16xf32>, vector<16xi32> -> vector<16xf32>
      %add3A_4395 = arith.addf %select_n3A_4383, %gather3A_4394 : vector<16xf32>
      %select_n3A_4396 = arith.select %eq3A_15, %add3A_4195, %add3A_4222 : vector<16xi1>, vector<16xf32>
      %select_n3A_4397 = arith.select %eq3A_15, %add3A_4222, %add3A_4195 : vector<16xi1>, vector<16xf32>
      %lt3A_4398 = arith.constant 0 : i32
      %lt3A_4399 = vector.broadcast %lt3A_4398 : i32 to vector<16xi32>
      %lt3A_4400 = arith.cmpi slt, %xor3A_2, %lt3A_4399 : vector<16xi32>
      %add3A_4401 = arith.constant 16 : i32
      %add3A_4402 = vector.broadcast %add3A_4401 : i32 to vector<16xi32>
      %add3A_4403 = arith.addi %xor3A_2, %add3A_4402 : vector<16xi32>
      %select_n3A_4404 = arith.select %lt3A_4400, %add3A_4403, %xor3A_2 : vector<16xi1>, vector<16xi32>
      %broadcast_in_dim3A_4405 = vector.shape_cast %select_n3A_4404 : vector<16xi32> to vector<16x1xi32>
      %gather3A_4406 = vector.shape_cast %broadcast_in_dim3A_4405 : vector<16x1xi32> to vector<16xi32>
      %gather3A_4407 = tpu.dynamic_gather %select_n3A_4397[%gather3A_4406] in [0] : vector<16xf32>, vector<16xi32> -> vector<16xf32>
      %add3A_4408 = arith.addf %select_n3A_4396, %gather3A_4407 : vector<16xf32>
      %select_n3A_4409 = arith.select %eq3A_15, %add3A_4249, %add3A_4276 : vector<16xi1>, vector<16xf32>
      %select_n3A_4410 = arith.select %eq3A_15, %add3A_4276, %add3A_4249 : vector<16xi1>, vector<16xf32>
      %lt3A_4411 = arith.constant 0 : i32
      %lt3A_4412 = vector.broadcast %lt3A_4411 : i32 to vector<16xi32>
      %lt3A_4413 = arith.cmpi slt, %xor3A_2, %lt3A_4412 : vector<16xi32>
      %add3A_4414 = arith.constant 16 : i32
      %add3A_4415 = vector.broadcast %add3A_4414 : i32 to vector<16xi32>
      %add3A_4416 = arith.addi %xor3A_2, %add3A_4415 : vector<16xi32>
      %select_n3A_4417 = arith.select %lt3A_4413, %add3A_4416, %xor3A_2 : vector<16xi1>, vector<16xi32>
      %broadcast_in_dim3A_4418 = vector.shape_cast %select_n3A_4417 : vector<16xi32> to vector<16x1xi32>
      %gather3A_4419 = vector.shape_cast %broadcast_in_dim3A_4418 : vector<16x1xi32> to vector<16xi32>
      %gather3A_4420 = tpu.dynamic_gather %select_n3A_4410[%gather3A_4419] in [0] : vector<16xf32>, vector<16xi32> -> vector<16xf32>
      %add3A_4421 = arith.addf %select_n3A_4409, %gather3A_4420 : vector<16xf32>
      %select_n3A_4422 = arith.select %eq3A_15, %add3A_4303, %add3A_4330 : vector<16xi1>, vector<16xf32>
      %select_n3A_4423 = arith.select %eq3A_15, %add3A_4330, %add3A_4303 : vector<16xi1>, vector<16xf32>
      %lt3A_4424 = arith.constant 0 : i32
      %lt3A_4425 = vector.broadcast %lt3A_4424 : i32 to vector<16xi32>
      %lt3A_4426 = arith.cmpi slt, %xor3A_2, %lt3A_4425 : vector<16xi32>
      %add3A_4427 = arith.constant 16 : i32
      %add3A_4428 = vector.broadcast %add3A_4427 : i32 to vector<16xi32>
      %add3A_4429 = arith.addi %xor3A_2, %add3A_4428 : vector<16xi32>
      %select_n3A_4430 = arith.select %lt3A_4426, %add3A_4429, %xor3A_2 : vector<16xi1>, vector<16xi32>
      %broadcast_in_dim3A_4431 = vector.shape_cast %select_n3A_4430 : vector<16xi32> to vector<16x1xi32>
      %gather3A_4432 = vector.shape_cast %broadcast_in_dim3A_4431 : vector<16x1xi32> to vector<16xi32>
      %gather3A_4433 = tpu.dynamic_gather %select_n3A_4423[%gather3A_4432] in [0] : vector<16xf32>, vector<16xi32> -> vector<16xf32>
      %add3A_4434 = arith.addf %select_n3A_4422, %gather3A_4433 : vector<16xf32>
      %select_n3A_4435 = arith.select %eq3A_21, %add3A_4343, %add3A_4356 : vector<16xi1>, vector<16xf32>
      %select_n3A_4436 = arith.select %eq3A_21, %add3A_4356, %add3A_4343 : vector<16xi1>, vector<16xf32>
      %lt3A_4437 = arith.constant 0 : i32
      %lt3A_4438 = vector.broadcast %lt3A_4437 : i32 to vector<16xi32>
      %lt3A_4439 = arith.cmpi slt, %xor3A_5, %lt3A_4438 : vector<16xi32>
      %add3A_4440 = arith.constant 16 : i32
      %add3A_4441 = vector.broadcast %add3A_4440 : i32 to vector<16xi32>
      %add3A_4442 = arith.addi %xor3A_5, %add3A_4441 : vector<16xi32>
      %select_n3A_4443 = arith.select %lt3A_4439, %add3A_4442, %xor3A_5 : vector<16xi1>, vector<16xi32>
      %broadcast_in_dim3A_4444 = vector.shape_cast %select_n3A_4443 : vector<16xi32> to vector<16x1xi32>
      %gather3A_4445 = vector.shape_cast %broadcast_in_dim3A_4444 : vector<16x1xi32> to vector<16xi32>
      %gather3A_4446 = tpu.dynamic_gather %select_n3A_4436[%gather3A_4445] in [0] : vector<16xf32>, vector<16xi32> -> vector<16xf32>
      %add3A_4447 = arith.addf %select_n3A_4435, %gather3A_4446 : vector<16xf32>
      %select_n3A_4448 = arith.select %eq3A_21, %add3A_4369, %add3A_4382 : vector<16xi1>, vector<16xf32>
      %select_n3A_4449 = arith.select %eq3A_21, %add3A_4382, %add3A_4369 : vector<16xi1>, vector<16xf32>
      %lt3A_4450 = arith.constant 0 : i32
      %lt3A_4451 = vector.broadcast %lt3A_4450 : i32 to vector<16xi32>
      %lt3A_4452 = arith.cmpi slt, %xor3A_5, %lt3A_4451 : vector<16xi32>
      %add3A_4453 = arith.constant 16 : i32
      %add3A_4454 = vector.broadcast %add3A_4453 : i32 to vector<16xi32>
      %add3A_4455 = arith.addi %xor3A_5, %add3A_4454 : vector<16xi32>
      %select_n3A_4456 = arith.select %lt3A_4452, %add3A_4455, %xor3A_5 : vector<16xi1>, vector<16xi32>
      %broadcast_in_dim3A_4457 = vector.shape_cast %select_n3A_4456 : vector<16xi32> to vector<16x1xi32>
      %gather3A_4458 = vector.shape_cast %broadcast_in_dim3A_4457 : vector<16x1xi32> to vector<16xi32>
      %gather3A_4459 = tpu.dynamic_gather %select_n3A_4449[%gather3A_4458] in [0] : vector<16xf32>, vector<16xi32> -> vector<16xf32>
      %add3A_4460 = arith.addf %select_n3A_4448, %gather3A_4459 : vector<16xf32>
      %select_n3A_4461 = arith.select %eq3A_21, %add3A_4395, %add3A_4408 : vector<16xi1>, vector<16xf32>
      %select_n3A_4462 = arith.select %eq3A_21, %add3A_4408, %add3A_4395 : vector<16xi1>, vector<16xf32>
      %lt3A_4463 = arith.constant 0 : i32
      %lt3A_4464 = vector.broadcast %lt3A_4463 : i32 to vector<16xi32>
      %lt3A_4465 = arith.cmpi slt, %xor3A_5, %lt3A_4464 : vector<16xi32>
      %add3A_4466 = arith.constant 16 : i32
      %add3A_4467 = vector.broadcast %add3A_4466 : i32 to vector<16xi32>
      %add3A_4468 = arith.addi %xor3A_5, %add3A_4467 : vector<16xi32>
      %select_n3A_4469 = arith.select %lt3A_4465, %add3A_4468, %xor3A_5 : vector<16xi1>, vector<16xi32>
      %broadcast_in_dim3A_4470 = vector.shape_cast %select_n3A_4469 : vector<16xi32> to vector<16x1xi32>
      %gather3A_4471 = vector.shape_cast %broadcast_in_dim3A_4470 : vector<16x1xi32> to vector<16xi32>
      %gather3A_4472 = tpu.dynamic_gather %select_n3A_4462[%gather3A_4471] in [0] : vector<16xf32>, vector<16xi32> -> vector<16xf32>
      %add3A_4473 = arith.addf %select_n3A_4461, %gather3A_4472 : vector<16xf32>
      %select_n3A_4474 = arith.select %eq3A_21, %add3A_4421, %add3A_4434 : vector<16xi1>, vector<16xf32>
      %select_n3A_4475 = arith.select %eq3A_21, %add3A_4434, %add3A_4421 : vector<16xi1>, vector<16xf32>
      %lt3A_4476 = arith.constant 0 : i32
      %lt3A_4477 = vector.broadcast %lt3A_4476 : i32 to vector<16xi32>
      %lt3A_4478 = arith.cmpi slt, %xor3A_5, %lt3A_4477 : vector<16xi32>
      %add3A_4479 = arith.constant 16 : i32
      %add3A_4480 = vector.broadcast %add3A_4479 : i32 to vector<16xi32>
      %add3A_4481 = arith.addi %xor3A_5, %add3A_4480 : vector<16xi32>
      %select_n3A_4482 = arith.select %lt3A_4478, %add3A_4481, %xor3A_5 : vector<16xi1>, vector<16xi32>
      %broadcast_in_dim3A_4483 = vector.shape_cast %select_n3A_4482 : vector<16xi32> to vector<16x1xi32>
      %gather3A_4484 = vector.shape_cast %broadcast_in_dim3A_4483 : vector<16x1xi32> to vector<16xi32>
      %gather3A_4485 = tpu.dynamic_gather %select_n3A_4475[%gather3A_4484] in [0] : vector<16xf32>, vector<16xi32> -> vector<16xf32>
      %add3A_4486 = arith.addf %select_n3A_4474, %gather3A_4485 : vector<16xf32>
      %select_n3A_4487 = arith.select %eq3A_27, %add3A_4447, %add3A_4460 : vector<16xi1>, vector<16xf32>
      %select_n3A_4488 = arith.select %eq3A_27, %add3A_4460, %add3A_4447 : vector<16xi1>, vector<16xf32>
      %lt3A_4489 = arith.constant 0 : i32
      %lt3A_4490 = vector.broadcast %lt3A_4489 : i32 to vector<16xi32>
      %lt3A_4491 = arith.cmpi slt, %xor3A_8, %lt3A_4490 : vector<16xi32>
      %add3A_4492 = arith.constant 16 : i32
      %add3A_4493 = vector.broadcast %add3A_4492 : i32 to vector<16xi32>
      %add3A_4494 = arith.addi %xor3A_8, %add3A_4493 : vector<16xi32>
      %select_n3A_4495 = arith.select %lt3A_4491, %add3A_4494, %xor3A_8 : vector<16xi1>, vector<16xi32>
      %broadcast_in_dim3A_4496 = vector.shape_cast %select_n3A_4495 : vector<16xi32> to vector<16x1xi32>
      %gather3A_4497 = vector.shape_cast %broadcast_in_dim3A_4496 : vector<16x1xi32> to vector<16xi32>
      %gather3A_4498 = tpu.dynamic_gather %select_n3A_4488[%gather3A_4497] in [0] : vector<16xf32>, vector<16xi32> -> vector<16xf32>
      %add3A_4499 = arith.addf %select_n3A_4487, %gather3A_4498 : vector<16xf32>
      %select_n3A_4500 = arith.select %eq3A_27, %add3A_4473, %add3A_4486 : vector<16xi1>, vector<16xf32>
      %select_n3A_4501 = arith.select %eq3A_27, %add3A_4486, %add3A_4473 : vector<16xi1>, vector<16xf32>
      %lt3A_4502 = arith.constant 0 : i32
      %lt3A_4503 = vector.broadcast %lt3A_4502 : i32 to vector<16xi32>
      %lt3A_4504 = arith.cmpi slt, %xor3A_8, %lt3A_4503 : vector<16xi32>
      %add3A_4505 = arith.constant 16 : i32
      %add3A_4506 = vector.broadcast %add3A_4505 : i32 to vector<16xi32>
      %add3A_4507 = arith.addi %xor3A_8, %add3A_4506 : vector<16xi32>
      %select_n3A_4508 = arith.select %lt3A_4504, %add3A_4507, %xor3A_8 : vector<16xi1>, vector<16xi32>
      %broadcast_in_dim3A_4509 = vector.shape_cast %select_n3A_4508 : vector<16xi32> to vector<16x1xi32>
      %gather3A_4510 = vector.shape_cast %broadcast_in_dim3A_4509 : vector<16x1xi32> to vector<16xi32>
      %gather3A_4511 = tpu.dynamic_gather %select_n3A_4501[%gather3A_4510] in [0] : vector<16xf32>, vector<16xi32> -> vector<16xf32>
      %add3A_4512 = arith.addf %select_n3A_4500, %gather3A_4511 : vector<16xf32>
      %select_n3A_4513 = arith.select %eq3A_33, %add3A_4499, %add3A_4512 : vector<16xi1>, vector<16xf32>
      %select_n3A_4514 = arith.select %eq3A_33, %add3A_4512, %add3A_4499 : vector<16xi1>, vector<16xf32>
      %lt3A_4515 = arith.constant 0 : i32
      %lt3A_4516 = vector.broadcast %lt3A_4515 : i32 to vector<16xi32>
      %lt3A_4517 = arith.cmpi slt, %xor3A_11, %lt3A_4516 : vector<16xi32>
      %add3A_4518 = arith.constant 16 : i32
      %add3A_4519 = vector.broadcast %add3A_4518 : i32 to vector<16xi32>
      %add3A_4520 = arith.addi %xor3A_11, %add3A_4519 : vector<16xi32>
      %select_n3A_4521 = arith.select %lt3A_4517, %add3A_4520, %xor3A_11 : vector<16xi1>, vector<16xi32>
      %broadcast_in_dim3A_4522 = vector.shape_cast %select_n3A_4521 : vector<16xi32> to vector<16x1xi32>
      %gather3A_4523 = vector.shape_cast %broadcast_in_dim3A_4522 : vector<16x1xi32> to vector<16xi32>
      %gather3A_4524 = tpu.dynamic_gather %select_n3A_4514[%gather3A_4523] in [0] : vector<16xf32>, vector<16xi32> -> vector<16xf32>
      %add3A_4525 = arith.addf %select_n3A_4513, %gather3A_4524 : vector<16xf32>
      %neg3A_4526 = arith.constant 0.000000e+00 : f32
      %neg3A_4527 = vector.broadcast %neg3A_4526 : f32 to vector<16xf32>
      %neg3A_4528 = arith.subf %neg3A_4527, %add3A_4525 : vector<16xf32>
      %exp3A_4529 = math.exp %neg3A_4528 : vector<16xf32>
      %add3A_4530 = arith.constant 1.000000e+00 : f32
      %add3A_4531 = vector.broadcast %add3A_4530 : f32 to vector<16xf32>
      %add3A_4532 = arith.addf %add3A_4531, %exp3A_4529 : vector<16xf32>
      %div3A_4533 = arith.constant 1.000000e+00 : f32
      %div3A_4534 = vector.broadcast %div3A_4533 : f32 to vector<16xf32>
      %div3A_4535 = arith.divf %div3A_4534, %add3A_4532 : vector<16xf32>
      %swap3A_4536 = arith.constant 64 : index
      %swap3A_4537 = tpu.vector_load %arg9[%swap3A_4536] {strides = array<i32>} : memref<80xf32, #tpu.memory_space<vmem>>, vector<16xf32>,
      %swap3A_4538 = vector.shape_cast %swap3A_4537 : vector<16xf32> to vector<16xf32>
      %swap3A_4539 = vector.shape_cast %div3A_4535 : vector<16xf32> to vector<16xf32>
      tpu.vector_store %arg9[%swap3A_4536], %swap3A_4539 {strides = array<i32>} : memref<80xf32, #tpu.memory_space<vmem>>, vector<16xf32>,
      "tpu.region"() ({
        %run_scoped3A = tpu.sem_alloc : memref<!tpu.dma_semaphore, #tpu.memory_space<semaphore_mem>>
        %dma_start3A_4540 = tpu.memref_slice %arg5[%mul3A_46] : memref<81920xf32, #tpu.memory_space<hbm>> -> memref<80xf32, #tpu.memory_space<hbm>>
        %dma_start3A_4541 = tpu.memref_slice %arg5[%mul3A_46] : memref<81920xf32, #tpu.memory_space<hbm>> -> memref<80xf32, #tpu.memory_space<hbm>>
        tpu.enqueue_dma source(%arg9 : memref<80xf32, #tpu.memory_space<vmem>>) target(%dma_start3A_4541 : memref<80xf32, #tpu.memory_space<hbm>>) target_semaphore(%run_scoped3A : memref<!tpu.dma_semaphore, #tpu.memory_space<semaphore_mem>>)
        %dma_wait3A_4542 = tpu.memref_slice %arg5[%mul3A_46] : memref<81920xf32, #tpu.memory_space<hbm>> -> memref<80xf32, #tpu.memory_space<hbm>>
        %dma_wait3A_4543 = tpu.memref_slice %arg5[%mul3A_46] : memref<81920xf32, #tpu.memory_space<hbm>> -> memref<80xf32, #tpu.memory_space<hbm>>
        tpu.wait_dma2 semaphore(%run_scoped3A : memref<!tpu.dma_semaphore, #tpu.memory_space<semaphore_mem>>) src(%arg9 : memref<80xf32, #tpu.memory_space<vmem>>) dst(%dma_wait3A_4543 : memref<80xf32, #tpu.memory_space<hbm>>)
        tpu.yield
      }) : () -> ()
    }
    %scan3A_38 = arith.constant 32 : i32
    return
  }
}

</mosaic_0001>

<sc_bundles>
// kernel: kernel.3.cloned.1.call-start
scs
__scs_entry_jumppad:
0x0: {  	(pc) =	sbr.rel $0x88, $3  }
0x1: {  	(tag) =	ssettag $0x0;
	lr =	simm.s32 $0x1  }
0x2: {  	[smem:$0x3F9E] =	sst lr;
	_ =	strace $0xD0000000  }
0x3: {  	_ = 	snop  }
0x4: {  	_ = 	snop  }
0x5: {  	_ = 	snop  }
0x6: {  	_ = 	snop  }
0x7: {  	_ = 	snop  }
__scs_overlays_trampoline_lowered:
0x8: {  	[smem:$0x3FAD] =	sst s0  }
0x9: {  	[smem:$0x3FAE] =	sst s1  }
0xa: {  	[smem:$0x3FAF] =	sst s2  }
0xb: {  	[smem:$0x3FB0] =	sst s3  }
0xc: {  	[smem:$0x3FB1] =	sst s4  }
0xd: {  	[smem:$0x3FB2] =	sst s5  }
0xe: {  	[smem:$0x3FB3] =	sst s6  }
0xf: {  	[smem:$0x3FB4] =	sst s7  }
0x10: {  	[smem:$0x3FB5] =	sst s8  }
0x11: {  	[smem:$0x3FB6] =	sst s9;
	s0 =	simm.s32 @!p0 $0x0  }
0x12: {  	s1 =	sld [smem:$0x3F9C];
	s0 =	simm.s32 @p0 $0x1  }
0x13: {  	[smem:$0x3FB7] =	sst s0;
	s0 =	simm.s32 @!p1 $0x0  }
0x14: {  	s2 =	sld [smem:$0x3F9B];
	s0 =	simm.s32 @p1 $0x1  }
0x15: {  	[smem:$0x3FB8] =	sst s0;
	s0 =	simm.s32 @!p2 $0x0  }
0x16: {  	s3 =	sld [smem:$0x3FDB];
	s0 =	simm.s32 @p2 $0x1  }
0x17: {  	s4 =	simm.s32 $0x1BF5;
	[smem:$0x3FBA] =	sst s0  }
0x18: {  	s0 =	sld [smem:$0x3F9D];
	_ =	swait.ge [sflag:s4], $0x0  }
0x19: {  	s7 =	sld [smem:$0x3F9E]  }
0x1a: {  	s8 =	sadd.s32 $0xFFFFE003, lr  }
0x1b: {  	s9 =	sadd.s32 $0xFFFFFEF7, lr;
	s5 =	simm.s32 $0xFFFFFFFF;
	p2 =	slt.u32 s8, $0xFFFFF086  }
0x1c: {  	p1 =	slt.u32 s9, $0xF7A;
	s5 =	simm.s32 @!p2 $0x0  }
0x1d: {  	s5 =	simm.s32 @p1 $0x1;
	p0 =	seq.s32 s7, s2  }
0x1e: {  	s7 =	smul.u32 @!p0 $0xF7A, s2;
	p2 =	seq.s32 @!p0 s5, $0x0  }
0x1f: {  	s9 =	smul.u32 $0xF7A, s1;
	s8 =	simm.s32 @!p0 $0x1BF5;
	p2 =	por !p2, p0  }
0x20: {  	[sflag:s8] =	ssyncset.s32 @!p0 $0xFFFFF086;
	s6 =	sadd.s32 @!p0 s3, s7;
	s7 =	simm.s32 @!p0 $0x108  }
0x21: {  	s3 =	sadd.s32 s3, s9;
	s6 =	sadd.s32 @!p0 $0x88, s6;
	s7 =	simm.s32 @p2 $0x1082  }
0x22: {  	[simem:s7], [sflag:s8] =	dma.local @!p0 [hbm:s6], $0xF7A  }
0x23: {  	s9 =	sor.u32 $0xD0000000, s2;
	s6 =	simm.s32 $0x108;
	_ =	swait.ge @!p0 [sflag:s8], $0x0  }
0x24: {  	s3 =	sadd.s32 $0x88, s3;
	s6 =	simm.s32 @!p1 $0x1082;
	[sflag:s4] =	ssyncset.s32 $0xFFFFF086  }
0x25: {  	[simem:s6], [sflag:s4] =	dma.local [hbm:s3], $0xF7A  }
0x26: {  	[smem:$0x3F9E] =	sst s1;
	(tag) =	ssettag s2;
	_ =	strace s9  }
0x27: {  	s1 =	sld [smem:$0x3FAE]  }
0x28: {  	s2 =	sld [smem:$0x3FAF]  }
0x29: {  	s4 =	sld [smem:$0x3FB1]  }
0x2a: {  	p0 =	seq.s32 s5, $0x0;
	s5 =	sld [smem:$0x3FB2]  }
0x2b: {  	s6 =	sld [smem:$0x3FB3]  }
0x2c: {  	s7 =	sld [smem:$0x3FB4]  }
0x2d: {  	s3 =	simm.s32 $0x108;
	s8 =	sld [smem:$0x3FB5]  }
0x2e: {  	s3 =	simm.s32 @!p0 $0x1082;
	s9 =	sld [smem:$0x3FB6]  }
0x2f: {  	lr =	sadd.s32 s0, s3;
	s0 =	sld [smem:$0x3FAD]  }
0x30: {  	s3 =	sld [smem:$0x3FB0]  }
0x31: {  	[smem:$0x3FB9] =	sst s10  }
0x32: {  	s10 =	sld [smem:$0x3FB7];
	_ =	sdelay $0x3  }
0x33: {  	p0 =	seq.s32 s10, $0x1;
	s10 =	sld [smem:$0x3FB9];
	_ =	sdelay $0x3  }
0x34: {  	[smem:$0x3FB9] =	sst s10  }
0x35: {  	s10 =	sld [smem:$0x3FB8];
	_ =	sdelay $0x3  }
0x36: {  	p1 =	seq.s32 s10, $0x1;
	s10 =	sld [smem:$0x3FB9];
	_ =	sdelay $0x3  }
0x37: {  	[smem:$0x3FB9] =	sst s10  }
0x38: {  	s10 =	sld [smem:$0x3FBA]  }
0x39: {  	_ = 	snop;
	(pc) =	sbr.ind lr, $3  }
0x3a: {  	_ = 	snop  }
0x3b: {  	_ = 	snop  }
0x3c: {  	p2 =	seq.s32 s10, $0x1;
	s10 =	sld [smem:$0x3FB9]  }
0x3d: {  	_ =	shalt  }
0x3e: {  	_ =	shalt  }
0x3f: {  	_ =	shalt  }
0x40: {  	_ =	shalt  }
0x41: {  	_ =	shalt  }
0x42: {  	_ =	shalt  }
0x43: {  	_ =	shalt  }
0x44: {  	_ =	shalt  }
0x45: {  	_ =	shalt  }
0x46: {  	_ =	shalt  }
0x47: {  	_ =	shalt  }
0x48: {  	_ =	shalt  }
0x49: {  	_ =	shalt  }
0x4a: {  	_ =	shalt  }
0x4b: {  	_ =	shalt  }
0x4c: {  	_ =	shalt  }
0x4d: {  	_ =	shalt  }
0x4e: {  	_ =	shalt  }
0x4f: {  	_ =	shalt  }
0x50: {  	_ =	shalt  }
0x51: {  	_ =	shalt  }
0x52: {  	_ =	shalt  }
0x53: {  	_ =	shalt  }
0x54: {  	_ =	shalt  }
0x55: {  	_ =	shalt  }
0x56: {  	_ =	shalt  }
0x57: {  	_ =	shalt  }
0x58: {  	_ =	shalt  }
0x59: {  	_ =	shalt  }
0x5a: {  	_ =	shalt  }
0x5b: {  	_ =	shalt  }
0x5c: {  	_ =	shalt  }
0x5d: {  	_ =	shalt  }
0x5e: {  	_ =	shalt  }
0x5f: {  	_ =	shalt  }
0x60: {  	_ =	shalt  }
0x61: {  	_ =	shalt  }
0x62: {  	_ =	shalt  }
0x63: {  	_ =	shalt  }
0x64: {  	_ =	shalt  }
0x65: {  	_ =	shalt  }
0x66: {  	_ =	shalt  }
0x67: {  	_ =	shalt  }
0x68: {  	_ =	shalt  }
0x69: {  	_ =	shalt  }
0x6a: {  	_ =	shalt  }
0x6b: {  	_ =	shalt  }
0x6c: {  	_ =	shalt  }
0x6d: {  	_ =	shalt  }
0x6e: {  	_ =	shalt  }
0x6f: {  	_ =	shalt  }
0x70: {  	_ =	shalt  }
0x71: {  	_ =	shalt  }
0x72: {  	_ =	shalt  }
0x73: {  	_ =	shalt  }
0x74: {  	_ =	shalt  }
0x75: {  	_ =	shalt  }
0x76: {  	_ =	shalt  }
0x77: {  	_ =	shalt  }
0x78: {  	_ =	shalt  }
0x79: {  	_ =	shalt  }
0x7a: {  	_ =	shalt  }
0x7b: {  	_ =	shalt  }
0x7c: {  	_ =	shalt  }
0x7d: {  	_ =	shalt  }
0x7e: {  	_ =	shalt  }
0x7f: {  	_ =	shalt  }
0x80: {  	_ =	shalt  }
0x81: {  	_ =	shalt  }
0x82: {  	_ =	shalt  }
0x83: {  	_ =	shalt  }
0x84: {  	_ =	shalt  }
0x85: {  	_ =	shalt  }
0x86: {  	_ =	shalt  }
0x87: {  	_ =	shalt  }
.Lfunc_end0:
.L_simem_size_0:
called_computation_lowered:
.L_overlay_start_0:
0x88: {  	s2 =	sld [smem:$0x3FD9]  }
0x89: {  	s3 =	sld [smem:$0x3FFE];
	_ =	sdelay $0x1  }
0x8a: {  	s1 =	srdreg.scid  }
0x8b: {  	s0 =	sand.u32 $0x1, s1  }
0x8c: {  	s17 =	sshll.u32 s0, $0xA;
	s2 =	sadd.s32 s3, s2  }
0x8d: {  	s2 =	sadd.s32 s2, s17  }
0x8e: {  	[smem:$0x3FC5] =	sst s2  }
0x8f: {  	_ = 	snop  }
0x90: {  	s2 =	sld [smem:$0x3FD0];
	(tm) =	ssettm $0x1  }
0x91: {  	s18 =	sld [smem:$0x3FFB];
	_ =	sdelay $0x3  }
0x92: {  	_ =	strace s18  }
0x93: {  	s3 =	sld [smem:$0x3FFC];
	_ =	sdelay $0x3  }
0x94: {  	_ =	strace s3  }
0x95: {  	s3 =	sld [smem:$0x3FFD];
	_ =	sdelay $0x3  }
0x96: {  	_ =	strace s3  }
0x97: {  	_ =	strace $0x8FFFFFFF  }
0x98: {  	s19 =	sld [smem:$0x3FDB];
	_ =	sdelay $0x1  }
0x99: {  	s4 =	simm.s32 $_scs_section_size  }
0x9a: {  	s5 =	simm.s32 $_size__tile_overlayer_lowered;
	s6 =	simm.s32 $_tile_overlayer_lowered  }
0x9b: {  	s22 =	simm.s32 $0x1BFF;
	s21 =	sshll.u32 s6, $0x1;
	s3 =	sadd.s32 s4, s19  }
0x9c: {  	s7 =	simm.s32 $0x0;
	s20 =	sshll.u32 s5, $0x1;
	s5 =	sadd.s32 s21, s3  }
0x9d: {  	[timem:s7], [sflag:s22] =	dma.local [hbm:s5], s20  }
0x9e: {  	_ =	swait.ge [sflag:s22], s20  }
0x9f: {  	s4 =	ssub.s32 $0x0, s20;
	[sflag:s22] =	ssyncset.done $0x0  }
0xa0: {  	[sflag:s22] =	ssyncadd.s32 s4;
	_ =	sdelay $0x1  }
0xa1: {  	s23 =	simm.s32 $0x1B8B  }
0xa2: {  	_ =	swait.ge [sflag:s23], $0x1  }
0xa3: {  	[sflag:s23] =	ssyncset.done $0x0  }
0xa4: {  	s25 =	simm.s32 $0x1B8E;
	s24 =	sld [smem:$0x3FFE];
	[sflag:s23] =	ssyncadd.s32 $0xFFFFFFFF  }
0xa5: {  	s26 =	simm.s32 $execute0_lowered;
	[smem:$0x3FD2] =	sst s25  }
0xa6: {  	s5 =	sshll.u32 s26, $0x1;
	_ =	strace $0x80000046;
	[dreg:$0x1] =	wrdreg $0xFFFFFFFF  }
0xa7: {  	s28 =	simm.s32 $_size_execute0_lowered;
	s3 =	sadd.s32 s3, s5;
	[dreg:$0x0] =	wrdreg $0x0  }
0xa8: {  	s5 =	sshll.u32 s28, $0x1;
	[dreg:$0x2] =	wrdreg s3  }
0xa9: {  	[dreg:$0x3] =	wrdreg s5  }
0xaa: {  	[dreg:$0x4] =	wrdreg $0xC0  }
0xab: {  	_ =	task [dreg:s7], $0x5FFFF  }
0xac: {  	[dreg:$0x1] =	wrdreg $0xFFFFFFFF  }
0xad: {  	[dreg:$0x0] =	wrdreg $0x60  }
0xae: {  	[dreg:$0x2] =	wrdreg s24  }
0xaf: {  	[dreg:$0x3] =	wrdreg s2  }
0xb0: {  	[dreg:$0x4] =	wrdreg $0x9  }
0xb1: {  	_ =	task.clear_ibuf [dreg:s7], $0x5FFFF;
	_ =	strace $0x90000046  }
0xb2: {  	s29 =	simm.s32 $0x9;
	_ =	strace $0x80000048  }
0xb3: {  	_ =	swait.ge [sflag:s29], $0x1  }
0xb4: {  	[sflag:s29] =	ssyncadd.s32 $0xFFFFFFFF  }
0xb5: {  	_ =	strace $0x90000048  }
0xb6: {  	_ =	sfence  }
0xb7: {  	s30 =	sld [smem:$0x0];
	_ =	sdelay $0x2  }
0xb8: {  	s31 =	sshll.u32 s1, $0xD;
	s1 =	sshrl.u32 s1, $0x2  }
0xb9: {  	s3 =	sand.u32 $0x4000, s31;
	s1 =	sadd.s32 s1, s30  }
0xba: {  	s0 =	sor.u32 s3, s0;
	s1 =	sshll.u32 s1, $0x11  }
0xbb: {  	s0 =	sor.u32 s1, s0  }
0xbc: {  	s0 =	sadd.s32 $0x8F2B, s0  }
0xbd: {  	[sflag:s0] =	ssyncadd.remote.s32 $0x1  }
0xbe: {  	_ =	sfence.sel $0xFFFF  }
0xbf: {  	[dreg:$0x0] =	wrdreg $0xFFFFFFFF;
	(pc) =	sbr.abs _section_cstart, $3  }
0xc0: {  	[dreg:$0x1] =	wrdreg $0xFFFFFFFF  }
0xc1: {  	_ =	task.clear_ibuf [dreg:s7], $0x2FFFF;
	_ =	strace $0x9FFFFFFF  }
0xc2: {  	(tm) =	ssettm $0x7FFFFFFF  }
0xc3: {  	_ =	shalt  }
tec
execute0_lowered:
.L_overlay_start_1:
0x0: {  	(tag) =	ssettag $0x1  }
0x1: {  	s0 =	stileid.u32;
	s1 =	srdreg.scid  }
0x2: {  	s5 =	sand.u32 $0x1, s1;
	s21 =	smul.u32 $0x1400, s0  }
0x3: {  	s3 =	rddreg [dreg:$0x0];
	s2 =	smul.u32 $0xA00, s5  }
0x4: {  	s4 =	rddreg [dreg:$0x1]  }
0x5: {  	s1 =	rddreg [dreg:$0x2];
	s6 =	sadd.s32 s2, s21;
	s2 =	simm.s32 $0x0  }
0x6: {  	s22 =	simm.s32 $0x2880;
	[smem:$0x7FF] =	sst s2  }
0x7: {  	s23 =	simm.s32 $0x80;
	_ =	strace $0x80000047;
	[dreg:$0x5] =	wrdreg s22  }
0x8: {  	s24 =	simm.s32 $0x100;
	[dreg:$0x6] =	wrdreg s23  }
0x9: {  	s25 =	simm.s32 $0x180;
	[dreg:$0x7] =	wrdreg s24  }
0xa: {  	s26 =	simm.s32 $0x200;
	[dreg:$0x8] =	wrdreg s25  }
0xb: {  	s28 =	simm.s32 $0x280;
	[dreg:$0x9] =	wrdreg s26  }
0xc: {  	s29 =	simm.s32 $0x300;
	[dreg:$0xa] =	wrdreg s28  }
0xd: {  	s30 =	simm.s32 $0x380;
	[dreg:$0xb] =	wrdreg s29  }
0xe: {  	s31 =	simm.s32 $0x400;
	[dreg:$0xc] =	wrdreg s30  }
0xf: {  	s8 =	simm.s32 $0x580;
	[dreg:$0xd] =	wrdreg s31  }
0x10: {  	s9 =	simm.s32 $0x600;
	[dreg:$0x10] =	wrdreg s8  }
0x11: {  	s10 =	simm.s32 $0x680;
	[dreg:$0x11] =	wrdreg s9  }
0x12: {  	s11 =	simm.s32 $0x700;
	[dreg:$0x12] =	wrdreg s10  }
0x13: {  	s12 =	simm.s32 $0x780;
	[dreg:$0x13] =	wrdreg s11  }
0x14: {  	s13 =	simm.s32 $0x800;
	[dreg:$0x14] =	wrdreg s12  }
0x15: {  	s14 =	simm.s32 $0x880;
	[dreg:$0x15] =	wrdreg s13  }
0x16: {  	s15 =	simm.s32 $0x900;
	[dreg:$0x16] =	wrdreg s14  }
0x17: {  	s16 =	simm.s32 $0x980;
	[dreg:$0x17] =	wrdreg s15  }
0x18: {  	s17 =	simm.s32 $0xA00;
	[dreg:$0x18] =	wrdreg s16  }
0x19: {  	s18 =	simm.s32 $0xA80;
	[dreg:$0x19] =	wrdreg s17  }
0x1a: {  	s19 =	simm.s32 $0xB00;
	[dreg:$0x1a] =	wrdreg s18  }
0x1b: {  	s20 =	simm.s32 $0xB80;
	[dreg:$0x1b] =	wrdreg s19  }
0x1c: {  	s21 =	simm.s32 $0xC00;
	s6 =	sshrl.u32 s6, $0x3;
	[dreg:$0x1c] =	wrdreg s20  }
0x1d: {  	s4 =	sadd.s32 s6, s4;
	[dreg:$0x1d] =	wrdreg s21  }
0x1e: {  	s7 =	sadd.s32 s6, s3;
	s6 =	simm.s32 $0x480;
	[dreg:$0x4] =	wrdreg s4  }
0x1f: {  	s22 =	simm.s32 $0xC80;
	[dreg:$0xe] =	wrdreg s6  }
0x20: {  	s23 =	simm.s32 $0xD00;
	[dreg:$0x1e] =	wrdreg s22  }
0x21: {  	s24 =	simm.s32 $0xD80;
	[dreg:$0x1f] =	wrdreg s23  }
0x22: {  	s25 =	simm.s32 $0xE00;
	[smem:$0x7C7] =	sst s24  }
0x23: {  	s26 =	simm.s32 $0xE80;
	[smem:$0x7C8] =	sst s25  }
0x24: {  	s28 =	simm.s32 $0xF00;
	[smem:$0x7C9] =	sst s26  }
0x25: {  	s29 =	simm.s32 $0xF80;
	[smem:$0x7CA] =	sst s28  }
0x26: {  	s30 =	simm.s32 $0x1000;
	[smem:$0x7CB] =	sst s29  }
0x27: {  	s31 =	simm.s32 $0x1080;
	[smem:$0x7CC] =	sst s30  }
0x28: {  	s8 =	simm.s32 $0x1200;
	[smem:$0x7CD] =	sst s31  }
0x29: {  	s9 =	simm.s32 $0x1280;
	[smem:$0x7D0] =	sst s8  }
0x2a: {  	s10 =	simm.s32 $0x1300;
	[smem:$0x7D1] =	sst s9  }
0x2b: {  	s11 =	simm.s32 $0x1380;
	[smem:$0x7D2] =	sst s10  }
0x2c: {  	s12 =	simm.s32 $0x1400;
	[smem:$0x7D3] =	sst s11  }
0x2d: {  	s13 =	simm.s32 $0x1480;
	[smem:$0x7D4] =	sst s12  }
0x2e: {  	s14 =	simm.s32 $0x1500;
	[smem:$0x7D5] =	sst s13  }
0x2f: {  	s15 =	simm.s32 $0x1580;
	[smem:$0x7D6] =	sst s14  }
0x30: {  	s16 =	simm.s32 $0x1600;
	[smem:$0x7D7] =	sst s15  }
0x31: {  	s17 =	simm.s32 $0x1680;
	[smem:$0x7D8] =	sst s16  }
0x32: {  	s18 =	simm.s32 $0x1700;
	[smem:$0x7D9] =	sst s17  }
0x33: {  	s19 =	simm.s32 $0x1780;
	[smem:$0x7DA] =	sst s18  }
0x34: {  	s20 =	simm.s32 $0x1800;
	[smem:$0x7DB] =	sst s19  }
0x35: {  	s21 =	simm.s32 $0x1880;
	[smem:$0x7DC] =	sst s20  }
0x36: {  	s7 =	sadd.s32 $0xF82A00, s7;
	[smem:$0x7DD] =	sst s21  }
0x37: {  	s6 =	simm.s32 $0x1100;
	[dreg:$0x3] =	wrdreg s7  }
0x38: {  	s22 =	simm.s32 $0x1900;
	[smem:$0x7CE] =	sst s6  }
0x39: {  	s23 =	simm.s32 $0x1980;
	[smem:$0x7DE] =	sst s22  }
0x3a: {  	s24 =	simm.s32 $0x1A00;
	[smem:$0x7DF] =	sst s23  }
0x3b: {  	s25 =	simm.s32 $0x1A80;
	[smem:$0x7E0] =	sst s24  }
0x3c: {  	s26 =	simm.s32 $0x1B00;
	[smem:$0x7E1] =	sst s25  }
0x3d: {  	s28 =	simm.s32 $0x1B80;
	[smem:$0x7E2] =	sst s26  }
0x3e: {  	s29 =	simm.s32 $0x1C00;
	[smem:$0x7E3] =	sst s28  }
0x3f: {  	s30 =	simm.s32 $0x1C80;
	[smem:$0x7E4] =	sst s29  }
0x40: {  	s31 =	simm.s32 $0x1D00;
	[smem:$0x7E5] =	sst s30  }
0x41: {  	s8 =	simm.s32 $0x1E80;
	[smem:$0x7E6] =	sst s31  }
0x42: {  	s9 =	simm.s32 $0x1F00;
	[smem:$0x7E9] =	sst s8  }
0x43: {  	s10 =	simm.s32 $0x1F80;
	[smem:$0x7EA] =	sst s9  }
0x44: {  	s11 =	simm.s32 $0x2000;
	[smem:$0x7EB] =	sst s10  }
0x45: {  	s12 =	simm.s32 $0x2080;
	[smem:$0x7EC] =	sst s11  }
0x46: {  	s13 =	simm.s32 $0x2100;
	[smem:$0x7ED] =	sst s12  }
0x47: {  	s14 =	simm.s32 $0x2180;
	[smem:$0x7EE] =	sst s13  }
0x48: {  	s15 =	simm.s32 $0x2200;
	[smem:$0x7EF] =	sst s14  }
0x49: {  	vm0 =	vcmask $0xB08;
	vm1 =	vcmask $0x300;
	v0 =	vimm.s32 $0xEFCDAB89;
	s16 =	simm.s32 $0x2280;
	[smem:$0x7F0] =	sst s15  }
0x4a: {  	v1 =	vimm.s32 $0x67452301;
	v2 =	vimm.s32 $0xDCFE98BA;
	s17 =	simm.s32 $0x2300;
	[smem:$0x7F1] =	sst s16  }
0x4b: {  	v3 =	vimm.s32 $0xBA98FEDC;
	v4 =	vimm.s32 $0x32107654;
	s19 =	simm.s32 $0x2380;
	[smem:$0x7F2] =	sst s17  }
0x4c: {  	vm2 =	vcmask $0x700;
	v63 =	vimm.s32 $0x76543210;
	vm0 =	vmor vm1, vm0;
	s20 =	simm.s32 $0x2400;
	[smem:$0x7F3] =	sst s19  }
0x4d: {  	vm1 =	vcmask $0x1310;
	v0 =	vunpack.c.l.s4.s8 v0;
	v1 =	vunpack.c.l.s4.s8 v1;
	s21 =	simm.s32 $0x2480;
	[smem:$0x7F4] =	sst s20  }
0x4e: {  	vm3 =	vcmask $0xF00;
	v3 =	vunpack.c.l.s4.s8 v3;
	vm0 =	vmor vm0, vm1;
	s7 =	simm.s32 $0x500;
	[smem:$0x7F5] =	sst s21  }
0x4f: {  	vm1 =	vcmask $0x1B18;
	v0 =	vunpack.c.0.s8.s32 v0;
	v1 =	vunpack.c.0.s8.s32 v1;
	s6 =	simm.s32 $0x1D80;
	[dreg:$0xf] =	wrdreg s7  }
0x50: {  	v4 =	vunpack.c.l.s4.s8 v4;
	vm0 =	vmor vm0, vm1;
	vm1 =	vcmask $0x2320;
	s23 =	simm.s32 $0x2500;
	[smem:$0x7E7] =	sst s6  }
0x51: {  	v0 =	vcombine.low v1, v0;
	v1 =	vunpack.c.l.s4.s8 v2;
	v2 =	vimm.s32 $0x54761032;
	s24 =	simm.s32 $0x2580;
	[smem:$0x7F6] =	sst s23  }
0x52: {  	vm0 =	vmor vm0, vm1;
	vm1 =	vcmask $0x2B28;
	v2 =	vunpack.c.l.s4.s8 v2;
	s25 =	simm.s32 $0x2600;
	[smem:$0x7F7] =	sst s24  }
0x53: {  	v3 =	vunpack.c.0.s8.s32 v3;
	v4 =	vunpack.c.0.s8.s32 v4;
	vm0 =	vmor vm0, vm1;
	s26 =	simm.s32 $0x2680;
	[smem:$0x7F8] =	sst s25  }
0x54: {  	vm1 =	vcmask $0x3330;
	v1 =	vunpack.c.0.s8.s32 v1;
	v2 =	vunpack.c.0.s8.s32 v2;
	s28 =	simm.s32 $0x2700;
	[smem:$0x7F9] =	sst s26  }
0x55: {  	v3 =	vcombine.low v4, v3;
	v4 =	vunpack.c.l.s4.s8 v63;
	vm0 =	vmor vm0, vm1;
	s18 =	sshll.u32 s0, $0xE;
	s29 =	simm.s32 $0x2780;
	[smem:$0x7FA] =	sst s28  }
0x56: {  	vm1 =	vcmask $0x3B38;
	s22 =	ssub.s32 $0x2, s5;
	s30 =	simm.s32 $0x2800;
	[smem:$0x7FB] =	sst s29;
	v1 =	vcombine.low v2, v1;
	v2 =	vimm.s32 $0xFEDCBA98  }
0x57: {  	vm0 =	vmor vm0, vm1;
	vm1 =	vcmask $0x1710;
	s5 =	sshll.u32 s5, $0xD;
	s31 =	simm.s32 $0x3080;
	[smem:$0x7FC] =	sst s30;
	v2 =	vunpack.c.l.s4.s8 v2  }
0x58: {  	v0 =	vand.u32 $0xF, v0;
	vm1 =	vmor vm2, vm1;
	vm2 =	vcmask $0x2720;
	s7 =	simm.s32 $0x1180;
	s6 =	sadd.s32 s18, s3;
	[smem:$0x7FD] =	sst s31  }
0x59: {  	s3 =	sadd.s32 $0x40600, s3;
	s8 =	sshrl.u32 s22, $0x1;
	vm1 =	vmor vm1, vm2;
	vm2 =	vcmask $0x3730;
	[smem:$0x7CF] =	sst s7;
	v2 =	vunpack.c.0.s8.s32 v2  }
0x5a: {  	v4 =	vunpack.c.0.s8.s32 v4;
	v45 =	vand.u32 $0xF, v3;
	s7 =	simm.s32 $0x1E00;
	s5 =	sadd.s32 s5, s6;
	vm1 =	vmor vm1, vm2;
	s6 =	simm.s32 $0x2  }
0x5b: {  	vm2 =	vcmask $0x2F20;
	[smem:$0x7E8] =	sst s7;
	s7 =	ssub.s32 s22, s8;
	s5 =	sadd.s32 $0x600, s5;
	v44 =	vand.u32 $0xF, v1;
	v1 =	vand.u32 $0xF, v2  }
0x5c: {  	vm2 =	vmor vm3, vm2;
	vm3 =	vmmov $0xff;
	s8 =	simm.s32 $0x0;
	s4 =	smax.u32 s7, $0x1;
	s7 =	simm.s32 $0x1;
	v46 =	vcombine.low v1, v4  }
.LBB2_1:
0x5d: {  	s9 =	smov.u32 s5;
	s10 =	simm.s32 $0x0  }
.LBB2_2:
0x5e: {  	s11 =	rddreg [dreg:$0x4]  }
0x5f: {  	s11 =	sadd.s32 s10, s11  }
0x60: {  	[tilespmem:s2], [sflag:$0x2] =	stream.linear.gather [hbm4b:s11+s2], $0x50, $0x38;
	[tilespmem:$0x3100] =	vst v63  }
0x61: {  	_ =	swait.ge [sflag:s6], $0x50  }
0x62: {  	[sflag:s6] =	ssyncset.done $0x0  }
0x63: {  	s13 =	rddreg [dreg:$0x5];
	[sflag:s6] =	ssyncadd.s32 $0xFFFFFFB0  }
0x64: {  	[tilespmem:s13], [sflag:$0x2] =	stream.linear.gather [hbm4b:s9+s2], $0x800, $0x38;
	[tilespmem:$0x3100] =	vst v63  }
0x65: {  	_ =	swait.ge [sflag:s6], $0x800  }
0x66: {  	[sflag:s6] =	ssyncset.done $0x0  }
0x67: {  	[sflag:s6] =	ssyncadd.s32 $0xFFFFF800  }
0x68: {  	v1 =	vld [tilespmem:$0x0];
	_ =	sdelay $0x4  }
0x69: {  	v1 =	vshll.u32 v1, $0x4  }
0x6a: {  	(v2sf) =	vpush v1, $0x0;
	_ =	sdelay $0x1  }
0x6b: {  	(v2sf) =	vpush v1, $0x1;
	_ =	sdelay $0x1  }
0x6c: {  	(v2sf) =	vpush v1, $0x2;
	_ =	sdelay $0x2  }
0x6d: {  	(v2sf) =	vpush v1, $0x3;
	_ =	sdelay $0x7  }
0x6e: {  	s14 =	spop (v2sf);
	(v2sf) =	vpush v1, $0x4;
	_ =	sdelay $0x1  }
0x6f: {  	s15 =	spop (v2sf);
	(v2sf) =	vpush v1, $0x5;
	_ =	sdelay $0x1  }
0x70: {  	s17 =	spop (v2sf);
	(v2sf) =	vpush v1, $0x6;
	_ =	sdelay $0x1  }
0x71: {  	s11 =	sand.u32 $0x1FFFFFF0, s14  }
0x72: {  	s12 =	rddreg [dreg:$0x6];
	s11 =	sadd.s32 s3, s11;
	s19 =	spop (v2sf);
	(v2sf) =	vpush v1, $0x7  }
0x73: {  	[tilespmem:s12], [sflag:$0x1] =	stream.linear.gather [hbm4b:s11+s2], $0x80, $0x38;
	[tilespmem:$0x3100] =	vst v63  }
0x74: {  	s11 =	sand.u32 $0x1FFFFFF0, s15  }
0x75: {  	s16 =	rddreg [dreg:$0x7];
	s11 =	sadd.s32 s3, s11  }
0x76: {  	[tilespmem:s16], [sflag:$0x1] =	stream.linear.gather [hbm4b:s11+s2], $0x80, $0x38;
	[tilespmem:$0x3100] =	vst v63  }
0x77: {  	s11 =	sand.u32 $0x1FFFFFF0, s17  }
0x78: {  	s18 =	rddreg [dreg:$0x8];
	s11 =	sadd.s32 s3, s11  }
0x79: {  	[tilespmem:s18], [sflag:$0x1] =	stream.linear.gather [hbm4b:s11+s2], $0x80, $0x38;
	[tilespmem:$0x3100] =	vst v63  }
0x7a: {  	s21 =	spop (v2sf);
	(v2sf) =	vpush v1, $0x8  }
0x7b: {  	s11 =	sand.u32 $0x1FFFFFF0, s19  }
0x7c: {  	s20 =	rddreg [dreg:$0x9];
	s11 =	sadd.s32 s3, s11;
	s23 =	spop (v2sf);
	(v2sf) =	vpush v1, $0x9  }
0x7d: {  	[tilespmem:s20], [sflag:$0x1] =	stream.linear.gather [hbm4b:s11+s2], $0x80, $0x38;
	[tilespmem:$0x3100] =	vst v63  }
0x7e: {  	s11 =	sand.u32 $0x1FFFFFF0, s21;
	s25 =	spop (v2sf);
	(v2sf) =	vpush v1, $0xA  }
0x7f: {  	s22 =	rddreg [dreg:$0xa];
	s11 =	sadd.s32 s3, s11  }
0x80: {  	[tilespmem:s22], [sflag:$0x1] =	stream.linear.gather [hbm4b:s11+s2], $0x80, $0x38;
	[tilespmem:$0x3100] =	vst v63  }
0x81: {  	s28 =	spop (v2sf);
	(v2sf) =	vpush v1, $0xB  }
0x82: {  	s11 =	sand.u32 $0x1FFFFFF0, s23  }
0x83: {  	s24 =	rddreg [dreg:$0xb];
	s11 =	sadd.s32 s3, s11  }
0x84: {  	[tilespmem:s24], [sflag:$0x1] =	stream.linear.gather [hbm4b:s11+s2], $0x80, $0x38;
	[tilespmem:$0x3100] =	vst v63  }
0x85: {  	s11 =	sand.u32 $0x1FFFFFF0, s25  }
0x86: {  	s26 =	rddreg [dreg:$0xc];
	s11 =	sadd.s32 s3, s11  }
0x87: {  	[tilespmem:s26], [sflag:$0x1] =	stream.linear.gather [hbm4b:s11+s2], $0x80, $0x38;
	[tilespmem:$0x3100] =	vst v63  }
0x88: {  	s11 =	sand.u32 $0x1FFFFFF0, s28  }
0x89: {  	s29 =	rddreg [dreg:$0xd];
	s11 =	sadd.s32 s3, s11;
	s30 =	spop (v2sf);
	(v2sf) =	vpush v1, $0xC  }
0x8a: {  	[tilespmem:s29], [sflag:$0x1] =	stream.linear.gather [hbm4b:s11+s2], $0x80, $0x38;
	[tilespmem:$0x3100] =	vst v63  }
0x8b: {  	s13 =	spop (v2sf);
	(v2sf) =	vpush v1, $0xD  }
0x8c: {  	s11 =	sand.u32 $0x1FFFFFF0, s30  }
0x8d: {  	s31 =	rddreg [dreg:$0xe];
	s11 =	sadd.s32 s3, s11;
	s15 =	spop (v2sf)  }
0x8e: {  	(v2sf) =	vpush v1, $0xE;
	[tilespmem:s31], [sflag:$0x1] =	stream.linear.gather [hbm4b:s11+s2], $0x80, $0x38;
	[tilespmem:$0x3100] =	vst v63  }
0x8f: {  	s11 =	sand.u32 $0x1FFFFFF0, s13  }
0x90: {  	s14 =	rddreg [dreg:$0xf];
	s17 =	spop (v2sf);
	s11 =	sadd.s32 s3, s11  }
0x91: {  	(v2sf) =	vpush v1, $0xF;
	[tilespmem:s14], [sflag:$0x1] =	stream.linear.gather [hbm4b:s11+s2], $0x80, $0x38;
	[tilespmem:$0x3100] =	vst v63  }
0x92: {  	s11 =	sand.u32 $0x1FFFFFF0, s15  }
0x93: {  	s16 =	rddreg [dreg:$0x10];
	s11 =	sadd.s32 s3, s11  }
0x94: {  	[tilespmem:s16], [sflag:$0x1] =	stream.linear.gather [hbm4b:s11+s2], $0x80, $0x38;
	[tilespmem:$0x3100] =	vst v63  }
0x95: {  	s11 =	sand.u32 $0x1FFFFFF0, s17  }
0x96: {  	s18 =	rddreg [dreg:$0x11];
	s11 =	sadd.s32 s3, s11  }
0x97: {  	[tilespmem:s18], [sflag:$0x1] =	stream.linear.gather [hbm4b:s11+s2], $0x80, $0x38;
	[tilespmem:$0x3100] =	vst v63  }
0x98: {  	s19 =	spop (v2sf)  }
0x99: {  	s11 =	sand.u32 $0x1FFFFFF0, s19  }
0x9a: {  	s20 =	rddreg [dreg:$0x12];
	s21 =	spop (v2sf);
	s11 =	sadd.s32 s3, s11  }
0x9b: {  	[tilespmem:s20], [sflag:$0x1] =	stream.linear.gather [hbm4b:s11+s2], $0x80, $0x38;
	[tilespmem:$0x3100] =	vst v63  }
0x9c: {  	s11 =	sand.u32 $0x1FFFFFF0, s21  }
0x9d: {  	s22 =	rddreg [dreg:$0x13];
	s23 =	spop (v2sf);
	s11 =	sadd.s32 s3, s11  }
0x9e: {  	[tilespmem:s22], [sflag:$0x1] =	stream.linear.gather [hbm4b:s11+s2], $0x80, $0x38;
	[tilespmem:$0x3100] =	vst v63  }
0x9f: {  	s11 =	sand.u32 $0x1FFFFFF0, s23  }
0xa0: {  	s24 =	rddreg [dreg:$0x14];
	s25 =	spop (v2sf);
	s11 =	sadd.s32 s3, s11  }
0xa1: {  	[tilespmem:s24], [sflag:$0x1] =	stream.linear.gather [hbm4b:s11+s2], $0x80, $0x38;
	[tilespmem:$0x3100] =	vst v63  }
0xa2: {  	s11 =	sand.u32 $0x1FFFFFF0, s25  }
0xa3: {  	s26 =	rddreg [dreg:$0x15];
	s11 =	sadd.s32 s3, s11  }
0xa4: {  	[tilespmem:s26], [sflag:$0x1] =	stream.linear.gather [hbm4b:s11+s2], $0x80, $0x38;
	[tilespmem:$0x3100] =	vst v63  }
0xa5: {  	v1 =	vld [tilespmem:$0x10];
	_ =	sdelay $0x4  }
0xa6: {  	v1 =	vshll.u32 v1, $0x4  }
0xa7: {  	(v2sf) =	vpush v1, $0x0;
	_ =	sdelay $0x1  }
0xa8: {  	(v2sf) =	vpush v1, $0x1;
	_ =	sdelay $0x1  }
0xa9: {  	(v2sf) =	vpush v1, $0x2;
	_ =	sdelay $0x2  }
0xaa: {  	(v2sf) =	vpush v1, $0x3;
	_ =	sdelay $0x7  }
0xab: {  	s28 =	spop (v2sf);
	(v2sf) =	vpush v1, $0x4;
	_ =	sdelay $0x1  }
0xac: {  	s30 =	spop (v2sf);
	(v2sf) =	vpush v1, $0x5;
	_ =	sdelay $0x1  }
0xad: {  	s13 =	spop (v2sf);
	(v2sf) =	vpush v1, $0x6;
	_ =	sdelay $0x1  }
0xae: {  	s11 =	sand.u32 $0x1FFFFFF0, s28  }
0xaf: {  	s29 =	rddreg [dreg:$0x16];
	s11 =	sadd.s32 s3, s11;
	s15 =	spop (v2sf);
	(v2sf) =	vpush v1, $0x7  }
0xb0: {  	[tilespmem:s29], [sflag:$0x1] =	stream.linear.gather [hbm4b:s11+s2], $0x80, $0x38;
	[tilespmem:$0x3100] =	vst v63  }
0xb1: {  	s11 =	sand.u32 $0x1FFFFFF0, s30  }
0xb2: {  	s31 =	rddreg [dreg:$0x17];
	s11 =	sadd.s32 s3, s11  }
0xb3: {  	[tilespmem:s31], [sflag:$0x1] =	stream.linear.gather [hbm4b:s11+s2], $0x80, $0x38;
	[tilespmem:$0x3100] =	vst v63  }
0xb4: {  	s11 =	sand.u32 $0x1FFFFFF0, s13  }
0xb5: {  	s14 =	rddreg [dreg:$0x18];
	s11 =	sadd.s32 s3, s11  }
0xb6: {  	[tilespmem:s14], [sflag:$0x1] =	stream.linear.gather [hbm4b:s11+s2], $0x80, $0x38;
	[tilespmem:$0x3100] =	vst v63  }
0xb7: {  	s17 =	spop (v2sf);
	(v2sf) =	vpush v1, $0x8  }
0xb8: {  	s11 =	sand.u32 $0x1FFFFFF0, s15  }
0xb9: {  	s16 =	rddreg [dreg:$0x19];
	s11 =	sadd.s32 s3, s11;
	s19 =	spop (v2sf);
	(v2sf) =	vpush v1, $0x9  }
0xba: {  	[tilespmem:s16], [sflag:$0x1] =	stream.linear.gather [hbm4b:s11+s2], $0x80, $0x38;
	[tilespmem:$0x3100] =	vst v63  }
0xbb: {  	s11 =	sand.u32 $0x1FFFFFF0, s17;
	s21 =	spop (v2sf);
	(v2sf) =	vpush v1, $0xA  }
0xbc: {  	s18 =	rddreg [dreg:$0x1a];
	s11 =	sadd.s32 s3, s11  }
0xbd: {  	[tilespmem:s18], [sflag:$0x1] =	stream.linear.gather [hbm4b:s11+s2], $0x80, $0x38;
	[tilespmem:$0x3100] =	vst v63  }
0xbe: {  	s23 =	spop (v2sf);
	(v2sf) =	vpush v1, $0xB  }
0xbf: {  	s11 =	sand.u32 $0x1FFFFFF0, s19  }
0xc0: {  	s20 =	rddreg [dreg:$0x1b];
	s11 =	sadd.s32 s3, s11  }
0xc1: {  	[tilespmem:s20], [sflag:$0x1] =	stream.linear.gather [hbm4b:s11+s2], $0x80, $0x38;
	[tilespmem:$0x3100] =	vst v63  }
0xc2: {  	s11 =	sand.u32 $0x1FFFFFF0, s21  }
0xc3: {  	s22 =	rddreg [dreg:$0x1c];
	s11 =	sadd.s32 s3, s11  }
0xc4: {  	[tilespmem:s22], [sflag:$0x1] =	stream.linear.gather [hbm4b:s11+s2], $0x80, $0x38;
	[tilespmem:$0x3100] =	vst v63  }
0xc5: {  	s11 =	sand.u32 $0x1FFFFFF0, s23  }
0xc6: {  	s24 =	rddreg [dreg:$0x1d];
	s11 =	sadd.s32 s3, s11;
	s25 =	spop (v2sf);
	(v2sf) =	vpush v1, $0xC  }
0xc7: {  	[tilespmem:s24], [sflag:$0x1] =	stream.linear.gather [hbm4b:s11+s2], $0x80, $0x38;
	[tilespmem:$0x3100] =	vst v63  }
0xc8: {  	s28 =	spop (v2sf);
	(v2sf) =	vpush v1, $0xD  }
0xc9: {  	s11 =	sand.u32 $0x1FFFFFF0, s25  }
0xca: {  	s26 =	rddreg [dreg:$0x1e];
	s11 =	sadd.s32 s3, s11;
	s30 =	spop (v2sf)  }
0xcb: {  	(v2sf) =	vpush v1, $0xE;
	[tilespmem:s26], [sflag:$0x1] =	stream.linear.gather [hbm4b:s11+s2], $0x80, $0x38;
	[tilespmem:$0x3100] =	vst v63  }
0xcc: {  	s29 =	rddreg [dreg:$0x1f];
	s11 =	sand.u32 $0x1FFFFFF0, s28  }
0xcd: {  	s31 =	sld [smem:$0x7C7];
	s13 =	spop (v2sf);
	s11 =	sadd.s32 s3, s11  }
0xce: {  	(v2sf) =	vpush v1, $0xF;
	[tilespmem:s29], [sflag:$0x1] =	stream.linear.gather [hbm4b:s11+s2], $0x80, $0x38;
	[tilespmem:$0x3100] =	vst v63  }
0xcf: {  	s11 =	sand.u32 $0x1FFFFFF0, s30  }
0xd0: {  	s14 =	sld [smem:$0x7C8];
	s11 =	sadd.s32 s3, s11  }
0xd1: {  	[tilespmem:s31], [sflag:$0x1] =	stream.linear.gather [hbm4b:s11+s2], $0x80, $0x38;
	[tilespmem:$0x3100] =	vst v63  }
0xd2: {  	s11 =	sand.u32 $0x1FFFFFF0, s13  }
0xd3: {  	s11 =	sadd.s32 s3, s11  }
0xd4: {  	[tilespmem:s14], [sflag:$0x1] =	stream.linear.gather [hbm4b:s11+s2], $0x80, $0x38;
	[tilespmem:$0x3100] =	vst v63  }
0xd5: {  	s16 =	sld [smem:$0x7C9];
	s15 =	spop (v2sf)  }
0xd6: {  	s11 =	sand.u32 $0x1FFFFFF0, s15  }
0xd7: {  	s18 =	sld [smem:$0x7CA];
	s17 =	spop (v2sf);
	s11 =	sadd.s32 s3, s11  }
0xd8: {  	[tilespmem:s16], [sflag:$0x1] =	stream.linear.gather [hbm4b:s11+s2], $0x80, $0x38;
	[tilespmem:$0x3100] =	vst v63  }
0xd9: {  	s11 =	sand.u32 $0x1FFFFFF0, s17  }
0xda: {  	s20 =	sld [smem:$0x7CB];
	s19 =	spop (v2sf);
	s11 =	sadd.s32 s3, s11  }
0xdb: {  	[tilespmem:s18], [sflag:$0x1] =	stream.linear.gather [hbm4b:s11+s2], $0x80, $0x38;
	[tilespmem:$0x3100] =	vst v63  }
0xdc: {  	s11 =	sand.u32 $0x1FFFFFF0, s19  }
0xdd: {  	s22 =	sld [smem:$0x7CC];
	s21 =	spop (v2sf);
	s11 =	sadd.s32 s3, s11  }
0xde: {  	[tilespmem:s20], [sflag:$0x1] =	stream.linear.gather [hbm4b:s11+s2], $0x80, $0x38;
	[tilespmem:$0x3100] =	vst v63  }
0xdf: {  	s11 =	sand.u32 $0x1FFFFFF0, s21  }
0xe0: {  	s11 =	sadd.s32 s3, s11  }
0xe1: {  	[tilespmem:s22], [sflag:$0x1] =	stream.linear.gather [hbm4b:s11+s2], $0x80, $0x38;
	[tilespmem:$0x3100] =	vst v63  }
0xe2: {  	v1 =	vld [tilespmem:$0x20];
	_ =	sdelay $0x4  }
0xe3: {  	v1 =	vshll.u32 v1, $0x4  }
0xe4: {  	(v2sf) =	vpush v1, $0x0;
	_ =	sdelay $0x1  }
0xe5: {  	(v2sf) =	vpush v1, $0x1;
	_ =	sdelay $0x1  }
0xe6: {  	(v2sf) =	vpush v1, $0x2;
	_ =	sdelay $0x2  }
0xe7: {  	(v2sf) =	vpush v1, $0x3;
	_ =	sdelay $0x7  }
0xe8: {  	s23 =	spop (v2sf);
	(v2sf) =	vpush v1, $0x4;
	_ =	sdelay $0x1  }
0xe9: {  	s25 =	spop (v2sf);
	(v2sf) =	vpush v1, $0x5;
	_ =	sdelay $0x1  }
0xea: {  	s28 =	spop (v2sf);
	(v2sf) =	vpush v1, $0x6  }
0xeb: {  	s24 =	sld [smem:$0x7CD]  }
0xec: {  	s11 =	sand.u32 $0x1FFFFFF0, s23  }
0xed: {  	s26 =	sld [smem:$0x7CE];
	s11 =	sadd.s32 s3, s11;
	s30 =	spop (v2sf);
	(v2sf) =	vpush v1, $0x7  }
0xee: {  	[tilespmem:s24], [sflag:$0x1] =	stream.linear.gather [hbm4b:s11+s2], $0x80, $0x38;
	[tilespmem:$0x3100] =	vst v63  }
0xef: {  	s11 =	sand.u32 $0x1FFFFFF0, s25  }
0xf0: {  	s29 =	sld [smem:$0x7CF];
	s11 =	sadd.s32 s3, s11  }
0xf1: {  	[tilespmem:s26], [sflag:$0x1] =	stream.linear.gather [hbm4b:s11+s2], $0x80, $0x38;
	[tilespmem:$0x3100] =	vst v63  }
0xf2: {  	s11 =	sand.u32 $0x1FFFFFF0, s28  }
0xf3: {  	s11 =	sadd.s32 s3, s11  }
0xf4: {  	[tilespmem:s29], [sflag:$0x1] =	stream.linear.gather [hbm4b:s11+s2], $0x80, $0x38;
	[tilespmem:$0x3100] =	vst v63  }
0xf5: {  	s31 =	sld [smem:$0x7D0];
	s13 =	spop (v2sf);
	(v2sf) =	vpush v1, $0x8  }
0xf6: {  	s11 =	sand.u32 $0x1FFFFFF0, s30  }
0xf7: {  	s14 =	sld [smem:$0x7D1];
	s11 =	sadd.s32 s3, s11;
	s15 =	spop (v2sf);
	(v2sf) =	vpush v1, $0x9  }
0xf8: {  	[tilespmem:s31], [sflag:$0x1] =	stream.linear.gather [hbm4b:s11+s2], $0x80, $0x38;
	[tilespmem:$0x3100] =	vst v63  }
0xf9: {  	s11 =	sand.u32 $0x1FFFFFF0, s13;
	s17 =	spop (v2sf);
	(v2sf) =	vpush v1, $0xA  }
0xfa: {  	s11 =	sadd.s32 s3, s11  }
0xfb: {  	[tilespmem:s14], [sflag:$0x1] =	stream.linear.gather [hbm4b:s11+s2], $0x80, $0x38;
	[tilespmem:$0x3100] =	vst v63  }
0xfc: {  	s16 =	sld [smem:$0x7D2];
	s19 =	spop (v2sf);
	(v2sf) =	vpush v1, $0xB  }
0xfd: {  	s11 =	sand.u32 $0x1FFFFFF0, s15  }
0xfe: {  	s18 =	sld [smem:$0x7D3];
	s11 =	sadd.s32 s3, s11  }
0xff: {  	[tilespmem:s16], [sflag:$0x1] =	stream.linear.gather [hbm4b:s11+s2], $0x80, $0x38;
	[tilespmem:$0x3100] =	vst v63  }
0x100: {  	s11 =	sand.u32 $0x1FFFFFF0, s17  }
0x101: {  	s20 =	sld [smem:$0x7D4];
	s11 =	sadd.s32 s3, s11  }
0x102: {  	[tilespmem:s18], [sflag:$0x1] =	stream.linear.gather [hbm4b:s11+s2], $0x80, $0x38;
	[tilespmem:$0x3100] =	vst v63  }
0x103: {  	s11 =	sand.u32 $0x1FFFFFF0, s19  }
0x104: {  	s11 =	sadd.s32 s3, s11;
	s21 =	spop (v2sf);
	(v2sf) =	vpush v1, $0xC  }
0x105: {  	[tilespmem:s20], [sflag:$0x1] =	stream.linear.gather [hbm4b:s11+s2], $0x80, $0x38;
	[tilespmem:$0x3100] =	vst v63  }
0x106: {  	s22 =	sld [smem:$0x7D5];
	s23 =	spop (v2sf);
	(v2sf) =	vpush v1, $0xD  }
0x107: {  	s11 =	sand.u32 $0x1FFFFFF0, s21  }
0x108: {  	s24 =	sld [smem:$0x7D6];
	s11 =	sadd.s32 s3, s11;
	s25 =	spop (v2sf)  }
0x109: {  	(v2sf) =	vpush v1, $0xE;
	[tilespmem:s22], [sflag:$0x1] =	stream.linear.gather [hbm4b:s11+s2], $0x80, $0x38;
	[tilespmem:$0x3100] =	vst v63  }
0x10a: {  	s11 =	sand.u32 $0x1FFFFFF0, s23  }
0x10b: {  	s26 =	sld [smem:$0x7D7];
	s28 =	spop (v2sf);
	s11 =	sadd.s32 s3, s11  }
0x10c: {  	(v2sf) =	vpush v1, $0xF;
	[tilespmem:s24], [sflag:$0x1] =	stream.linear.gather [hbm4b:s11+s2], $0x80, $0x38;
	[tilespmem:$0x3100] =	vst v63  }
0x10d: {  	s11 =	sand.u32 $0x1FFFFFF0, s25  }
0x10e: {  	s29 =	sld [smem:$0x7D8];
	s11 =	sadd.s32 s3, s11  }
0x10f: {  	[tilespmem:s26], [sflag:$0x1] =	stream.linear.gather [hbm4b:s11+s2], $0x80, $0x38;
	[tilespmem:$0x3100] =	vst v63  }
0x110: {  	s11 =	sand.u32 $0x1FFFFFF0, s28  }
0x111: {  	s11 =	sadd.s32 s3, s11  }
0x112: {  	[tilespmem:s29], [sflag:$0x1] =	stream.linear.gather [hbm4b:s11+s2], $0x80, $0x38;
	[tilespmem:$0x3100] =	vst v63  }
0x113: {  	s31 =	sld [smem:$0x7D9];
	s30 =	spop (v2sf)  }
0x114: {  	s11 =	sand.u32 $0x1FFFFFF0, s30  }
0x115: {  	s14 =	sld [smem:$0x7DA];
	s13 =	spop (v2sf);
	s11 =	sadd.s32 s3, s11  }
0x116: {  	[tilespmem:s31], [sflag:$0x1] =	stream.linear.gather [hbm4b:s11+s2], $0x80, $0x38;
	[tilespmem:$0x3100] =	vst v63  }
0x117: {  	s11 =	sand.u32 $0x1FFFFFF0, s13  }
0x118: {  	s16 =	sld [smem:$0x7DB];
	s15 =	spop (v2sf);
	s11 =	sadd.s32 s3, s11  }
0x119: {  	[tilespmem:s14], [sflag:$0x1] =	stream.linear.gather [hbm4b:s11+s2], $0x80, $0x38;
	[tilespmem:$0x3100] =	vst v63  }
0x11a: {  	s11 =	sand.u32 $0x1FFFFFF0, s15  }
0x11b: {  	s18 =	sld [smem:$0x7DC];
	s17 =	spop (v2sf);
	s11 =	sadd.s32 s3, s11  }
0x11c: {  	[tilespmem:s16], [sflag:$0x1] =	stream.linear.gather [hbm4b:s11+s2], $0x80, $0x38;
	[tilespmem:$0x3100] =	vst v63  }
0x11d: {  	s11 =	sand.u32 $0x1FFFFFF0, s17  }
0x11e: {  	s11 =	sadd.s32 s3, s11  }
0x11f: {  	[tilespmem:s18], [sflag:$0x1] =	stream.linear.gather [hbm4b:s11+s2], $0x80, $0x38;
	[tilespmem:$0x3100] =	vst v63  }
0x120: {  	v1 =	vld [tilespmem:$0x30];
	_ =	sdelay $0x4  }
0x121: {  	v1 =	vshll.u32 v1, $0x4  }
0x122: {  	(v2sf) =	vpush v1, $0x0;
	_ =	sdelay $0x1  }
0x123: {  	(v2sf) =	vpush v1, $0x1;
	_ =	sdelay $0x1  }
0x124: {  	(v2sf) =	vpush v1, $0x2;
	_ =	sdelay $0x2  }
0x125: {  	(v2sf) =	vpush v1, $0x3;
	_ =	sdelay $0x7  }
0x126: {  	s19 =	spop (v2sf);
	(v2sf) =	vpush v1, $0x4;
	_ =	sdelay $0x1  }
0x127: {  	s21 =	spop (v2sf);
	(v2sf) =	vpush v1, $0x5;
	_ =	sdelay $0x1  }
0x128: {  	s23 =	spop (v2sf);
	(v2sf) =	vpush v1, $0x6  }
0x129: {  	s20 =	sld [smem:$0x7DD]  }
0x12a: {  	s11 =	sand.u32 $0x1FFFFFF0, s19  }
0x12b: {  	s22 =	sld [smem:$0x7DE];
	s11 =	sadd.s32 s3, s11;
	s25 =	spop (v2sf);
	(v2sf) =	vpush v1, $0x7  }
0x12c: {  	[tilespmem:s20], [sflag:$0x1] =	stream.linear.gather [hbm4b:s11+s2], $0x80, $0x38;
	[tilespmem:$0x3100] =	vst v63  }
0x12d: {  	s11 =	sand.u32 $0x1FFFFFF0, s21  }
0x12e: {  	s24 =	sld [smem:$0x7DF];
	s11 =	sadd.s32 s3, s11  }
0x12f: {  	[tilespmem:s22], [sflag:$0x1] =	stream.linear.gather [hbm4b:s11+s2], $0x80, $0x38;
	[tilespmem:$0x3100] =	vst v63  }
0x130: {  	s11 =	sand.u32 $0x1FFFFFF0, s23  }
0x131: {  	s11 =	sadd.s32 s3, s11  }
0x132: {  	[tilespmem:s24], [sflag:$0x1] =	stream.linear.gather [hbm4b:s11+s2], $0x80, $0x38;
	[tilespmem:$0x3100] =	vst v63  }
0x133: {  	s26 =	sld [smem:$0x7E0];
	s28 =	spop (v2sf);
	(v2sf) =	vpush v1, $0x8  }
0x134: {  	s11 =	sand.u32 $0x1FFFFFF0, s25  }
0x135: {  	s29 =	sld [smem:$0x7E1];
	s11 =	sadd.s32 s3, s11;
	s30 =	spop (v2sf);
	(v2sf) =	vpush v1, $0x9  }
0x136: {  	[tilespmem:s26], [sflag:$0x1] =	stream.linear.gather [hbm4b:s11+s2], $0x80, $0x38;
	[tilespmem:$0x3100] =	vst v63  }
0x137: {  	s11 =	sand.u32 $0x1FFFFFF0, s28;
	s13 =	spop (v2sf);
	(v2sf) =	vpush v1, $0xA  }
0x138: {  	s11 =	sadd.s32 s3, s11  }
0x139: {  	[tilespmem:s29], [sflag:$0x1] =	stream.linear.gather [hbm4b:s11+s2], $0x80, $0x38;
	[tilespmem:$0x3100] =	vst v63  }
0x13a: {  	s31 =	sld [smem:$0x7E2];
	s15 =	spop (v2sf);
	(v2sf) =	vpush v1, $0xB  }
0x13b: {  	s11 =	sand.u32 $0x1FFFFFF0, s30  }
0x13c: {  	s14 =	sld [smem:$0x7E3];
	s11 =	sadd.s32 s3, s11  }
0x13d: {  	[tilespmem:s31], [sflag:$0x1] =	stream.linear.gather [hbm4b:s11+s2], $0x80, $0x38;
	[tilespmem:$0x3100] =	vst v63  }
0x13e: {  	s11 =	sand.u32 $0x1FFFFFF0, s13  }
0x13f: {  	s16 =	sld [smem:$0x7E4];
	s11 =	sadd.s32 s3, s11  }
0x140: {  	[tilespmem:s14], [sflag:$0x1] =	stream.linear.gather [hbm4b:s11+s2], $0x80, $0x38;
	[tilespmem:$0x3100] =	vst v63  }
0x141: {  	s11 =	sand.u32 $0x1FFFFFF0, s15  }
0x142: {  	s11 =	sadd.s32 s3, s11;
	s17 =	spop (v2sf);
	(v2sf) =	vpush v1, $0xC  }
0x143: {  	[tilespmem:s16], [sflag:$0x1] =	stream.linear.gather [hbm4b:s11+s2], $0x80, $0x38;
	[tilespmem:$0x3100] =	vst v63  }
0x144: {  	s18 =	sld [smem:$0x7E5];
	s19 =	spop (v2sf);
	(v2sf) =	vpush v1, $0xD  }
0x145: {  	s11 =	sand.u32 $0x1FFFFFF0, s17  }
0x146: {  	s20 =	sld [smem:$0x7E6];
	s11 =	sadd.s32 s3, s11;
	s21 =	spop (v2sf)  }
0x147: {  	(v2sf) =	vpush v1, $0xE;
	[tilespmem:s18], [sflag:$0x1] =	stream.linear.gather [hbm4b:s11+s2], $0x80, $0x38;
	[tilespmem:$0x3100] =	vst v63  }
0x148: {  	s11 =	sand.u32 $0x1FFFFFF0, s19  }
0x149: {  	s22 =	sld [smem:$0x7E7];
	s23 =	spop (v2sf);
	s11 =	sadd.s32 s3, s11  }
0x14a: {  	(v2sf) =	vpush v1, $0xF;
	[tilespmem:s20], [sflag:$0x1] =	stream.linear.gather [hbm4b:s11+s2], $0x80, $0x38;
	[tilespmem:$0x3100] =	vst v63  }
0x14b: {  	s11 =	sand.u32 $0x1FFFFFF0, s21  }
0x14c: {  	s24 =	sld [smem:$0x7E8];
	s11 =	sadd.s32 s3, s11  }
0x14d: {  	[tilespmem:s22], [sflag:$0x1] =	stream.linear.gather [hbm4b:s11+s2], $0x80, $0x38;
	[tilespmem:$0x3100] =	vst v63  }
0x14e: {  	s11 =	sand.u32 $0x1FFFFFF0, s23  }
0x14f: {  	s11 =	sadd.s32 s3, s11  }
0x150: {  	[tilespmem:s24], [sflag:$0x1] =	stream.linear.gather [hbm4b:s11+s2], $0x80, $0x38;
	[tilespmem:$0x3100] =	vst v63  }
0x151: {  	s26 =	sld [smem:$0x7E9];
	s25 =	spop (v2sf)  }
0x152: {  	s11 =	sand.u32 $0x1FFFFFF0, s25  }
0x153: {  	s29 =	sld [smem:$0x7EA];
	s28 =	spop (v2sf);
	s11 =	sadd.s32 s3, s11  }
0x154: {  	[tilespmem:s26], [sflag:$0x1] =	stream.linear.gather [hbm4b:s11+s2], $0x80, $0x38;
	[tilespmem:$0x3100] =	vst v63  }
0x155: {  	s11 =	sand.u32 $0x1FFFFFF0, s28  }
0x156: {  	s31 =	sld [smem:$0x7EB];
	s30 =	spop (v2sf);
	s11 =	sadd.s32 s3, s11  }
0x157: {  	[tilespmem:s29], [sflag:$0x1] =	stream.linear.gather [hbm4b:s11+s2], $0x80, $0x38;
	[tilespmem:$0x3100] =	vst v63  }
0x158: {  	s11 =	sand.u32 $0x1FFFFFF0, s30  }
0x159: {  	s14 =	sld [smem:$0x7EC];
	s13 =	spop (v2sf);
	s11 =	sadd.s32 s3, s11  }
0x15a: {  	[tilespmem:s31], [sflag:$0x1] =	stream.linear.gather [hbm4b:s11+s2], $0x80, $0x38;
	[tilespmem:$0x3100] =	vst v63  }
0x15b: {  	s11 =	sand.u32 $0x1FFFFFF0, s13  }
0x15c: {  	s11 =	sadd.s32 s3, s11  }
0x15d: {  	[tilespmem:s14], [sflag:$0x1] =	stream.linear.gather [hbm4b:s11+s2], $0x80, $0x38;
	[tilespmem:$0x3100] =	vst v63  }
0x15e: {  	v1 =	vld [tilespmem:$0x40];
	_ =	sdelay $0x4  }
0x15f: {  	v1 =	vshll.u32 v1, $0x4  }
0x160: {  	(v2sf) =	vpush v1, $0x0;
	_ =	sdelay $0x1  }
0x161: {  	(v2sf) =	vpush v1, $0x1;
	_ =	sdelay $0x1  }
0x162: {  	(v2sf) =	vpush v1, $0x2;
	_ =	sdelay $0x2  }
0x163: {  	(v2sf) =	vpush v1, $0x3;
	_ =	sdelay $0x7  }
0x164: {  	s15 =	spop (v2sf);
	(v2sf) =	vpush v1, $0x4;
	_ =	sdelay $0x1  }
0x165: {  	s17 =	spop (v2sf);
	(v2sf) =	vpush v1, $0x5;
	_ =	sdelay $0x1  }
0x166: {  	s19 =	spop (v2sf);
	(v2sf) =	vpush v1, $0x6  }
0x167: {  	s16 =	sld [smem:$0x7ED]  }
0x168: {  	s11 =	sand.u32 $0x1FFFFFF0, s15  }
0x169: {  	s18 =	sld [smem:$0x7EE];
	s11 =	sadd.s32 s3, s11;
	s21 =	spop (v2sf);
	(v2sf) =	vpush v1, $0x7  }
0x16a: {  	[tilespmem:s16], [sflag:$0x1] =	stream.linear.gather [hbm4b:s11+s2], $0x80, $0x38;
	[tilespmem:$0x3100] =	vst v63  }
0x16b: {  	s11 =	sand.u32 $0x1FFFFFF0, s17  }
0x16c: {  	s20 =	sld [smem:$0x7EF];
	s11 =	sadd.s32 s3, s11  }
0x16d: {  	[tilespmem:s18], [sflag:$0x1] =	stream.linear.gather [hbm4b:s11+s2], $0x80, $0x38;
	[tilespmem:$0x3100] =	vst v63  }
0x16e: {  	s11 =	sand.u32 $0x1FFFFFF0, s19  }
0x16f: {  	s11 =	sadd.s32 s3, s11  }
0x170: {  	[tilespmem:s20], [sflag:$0x1] =	stream.linear.gather [hbm4b:s11+s2], $0x80, $0x38;
	[tilespmem:$0x3100] =	vst v63  }
0x171: {  	s22 =	sld [smem:$0x7F0];
	s23 =	spop (v2sf);
	(v2sf) =	vpush v1, $0x8  }
0x172: {  	s11 =	sand.u32 $0x1FFFFFF0, s21  }
0x173: {  	s24 =	sld [smem:$0x7F1];
	s11 =	sadd.s32 s3, s11;
	s25 =	spop (v2sf);
	(v2sf) =	vpush v1, $0x9  }
0x174: {  	[tilespmem:s22], [sflag:$0x1] =	stream.linear.gather [hbm4b:s11+s2], $0x80, $0x38;
	[tilespmem:$0x3100] =	vst v63  }
0x175: {  	s11 =	sand.u32 $0x1FFFFFF0, s23;
	s28 =	spop (v2sf);
	(v2sf) =	vpush v1, $0xA  }
0x176: {  	s11 =	sadd.s32 s3, s11  }
0x177: {  	[tilespmem:s24], [sflag:$0x1] =	stream.linear.gather [hbm4b:s11+s2], $0x80, $0x38;
	[tilespmem:$0x3100] =	vst v63  }
0x178: {  	s26 =	sld [smem:$0x7F2];
	s30 =	spop (v2sf);
	(v2sf) =	vpush v1, $0xB  }
0x179: {  	s11 =	sand.u32 $0x1FFFFFF0, s25  }
0x17a: {  	s29 =	sld [smem:$0x7F3];
	s11 =	sadd.s32 s3, s11  }
0x17b: {  	[tilespmem:s26], [sflag:$0x1] =	stream.linear.gather [hbm4b:s11+s2], $0x80, $0x38;
	[tilespmem:$0x3100] =	vst v63  }
0x17c: {  	s11 =	sand.u32 $0x1FFFFFF0, s28  }
0x17d: {  	s31 =	sld [smem:$0x7F4];
	s11 =	sadd.s32 s3, s11  }
0x17e: {  	[tilespmem:s29], [sflag:$0x1] =	stream.linear.gather [hbm4b:s11+s2], $0x80, $0x38;
	[tilespmem:$0x3100] =	vst v63  }
0x17f: {  	s11 =	sand.u32 $0x1FFFFFF0, s30  }
0x180: {  	s11 =	sadd.s32 s3, s11;
	s13 =	spop (v2sf);
	(v2sf) =	vpush v1, $0xC  }
0x181: {  	[tilespmem:s31], [sflag:$0x1] =	stream.linear.gather [hbm4b:s11+s2], $0x80, $0x38;
	[tilespmem:$0x3100] =	vst v63  }
0x182: {  	s14 =	sld [smem:$0x7F5];
	s15 =	spop (v2sf);
	(v2sf) =	vpush v1, $0xD  }
0x183: {  	s11 =	sand.u32 $0x1FFFFFF0, s13  }
0x184: {  	s16 =	sld [smem:$0x7F6];
	s11 =	sadd.s32 s3, s11;
	s17 =	spop (v2sf)  }
0x185: {  	(v2sf) =	vpush v1, $0xE;
	[tilespmem:s14], [sflag:$0x1] =	stream.linear.gather [hbm4b:s11+s2], $0x80, $0x38;
	[tilespmem:$0x3100] =	vst v63  }
0x186: {  	s11 =	sand.u32 $0x1FFFFFF0, s15  }
0x187: {  	s18 =	sld [smem:$0x7F7];
	s19 =	spop (v2sf);
	s11 =	sadd.s32 s3, s11  }
0x188: {  	(v2sf) =	vpush v1, $0xF;
	[tilespmem:s16], [sflag:$0x1] =	stream.linear.gather [hbm4b:s11+s2], $0x80, $0x38;
	[tilespmem:$0x3100] =	vst v63  }
0x189: {  	s11 =	sand.u32 $0x1FFFFFF0, s17  }
0x18a: {  	s20 =	sld [smem:$0x7F8];
	s11 =	sadd.s32 s3, s11  }
0x18b: {  	[tilespmem:s18], [sflag:$0x1] =	stream.linear.gather [hbm4b:s11+s2], $0x80, $0x38;
	[tilespmem:$0x3100] =	vst v63  }
0x18c: {  	s11 =	sand.u32 $0x1FFFFFF0, s19  }
0x18d: {  	s11 =	sadd.s32 s3, s11  }
0x18e: {  	[tilespmem:s20], [sflag:$0x1] =	stream.linear.gather [hbm4b:s11+s2], $0x80, $0x38;
	[tilespmem:$0x3100] =	vst v63  }
0x18f: {  	s22 =	sld [smem:$0x7F9];
	s21 =	spop (v2sf)  }
0x190: {  	s11 =	sand.u32 $0x1FFFFFF0, s21  }
0x191: {  	s24 =	sld [smem:$0x7FA];
	s23 =	spop (v2sf);
	s11 =	sadd.s32 s3, s11  }
0x192: {  	[tilespmem:s22], [sflag:$0x1] =	stream.linear.gather [hbm4b:s11+s2], $0x80, $0x38;
	[tilespmem:$0x3100] =	vst v63  }
0x193: {  	s11 =	sand.u32 $0x1FFFFFF0, s23  }
0x194: {  	s26 =	sld [smem:$0x7FB];
	s25 =	spop (v2sf);
	s11 =	sadd.s32 s3, s11  }
0x195: {  	[tilespmem:s24], [sflag:$0x1] =	stream.linear.gather [hbm4b:s11+s2], $0x80, $0x38;
	[tilespmem:$0x3100] =	vst v63  }
0x196: {  	s11 =	sand.u32 $0x1FFFFFF0, s25  }
0x197: {  	s29 =	sld [smem:$0x7FC];
	s28 =	spop (v2sf);
	s11 =	sadd.s32 s3, s11  }
0x198: {  	[tilespmem:s26], [sflag:$0x1] =	stream.linear.gather [hbm4b:s11+s2], $0x80, $0x38;
	[tilespmem:$0x3100] =	vst v63  }
0x199: {  	s11 =	sand.u32 $0x1FFFFFF0, s28  }
0x19a: {  	s11 =	sadd.s32 s3, s11  }
0x19b: {  	[tilespmem:s29], [sflag:$0x1] =	stream.linear.gather [hbm4b:s11+s2], $0x80, $0x38;
	[tilespmem:$0x3100] =	vst v63  }
0x19c: {  	_ =	swait.ge [sflag:s7], $0x2800  }
0x19d: {  	[sflag:s7] =	ssyncset.done $0x0  }
0x19e: {  	[sflag:s7] =	ssyncadd.s32 $0xFFFFD800  }
0x19f: {  	v1 =	vld [tilespmem:$0x2A30];
	_ =	sdelay $0x4  }
0x1a0: {  	[tilespmem:$0x1FCF0] =	vst v1;
	v1 =	vld [tilespmem:$0x2A80];
	_ =	sdelay $0x2  }
0x1a1: {  	v4 =	vld [tilespmem:$0x2880]  }
0x1a2: {  	v5 =	vld [tilespmem:$0x2890]  }
0x1a3: {  	[tilespmem:$0x1FD00] =	vst v1;
	v1 =	vld [tilespmem:$0x2A90]  }
0x1a4: {  	v2 =	vld [tilespmem:$0x28A0]  }
0x1a5: {  	v3 =	vld [tilespmem:$0x28B0]  }
0x1a6: {  	v62 =	vld [tilespmem:$0x2900]  }
0x1a7: {  	v63 =	vld [tilespmem:$0x2910]  }
0x1a8: {  	[tilespmem:$0x1FD10] =	vst v1;
	v1 =	vld [tilespmem:$0x2AA0]  }
0x1a9: {  	v61 =	vld [tilespmem:$0x2920]  }
0x1aa: {  	v60 =	vld [tilespmem:$0x2930]  }
0x1ab: {  	v59 =	vld [tilespmem:$0x2980]  }
0x1ac: {  	v58 =	vld [tilespmem:$0x2990]  }
0x1ad: {  	[tilespmem:$0x1FD20] =	vst v1;
	v1 =	vld [tilespmem:$0x2AB0]  }
0x1ae: {  	v57 =	vld [tilespmem:$0x29A0]  }
0x1af: {  	v56 =	vld [tilespmem:$0x29B0]  }
0x1b0: {  	v54 =	vld [tilespmem:$0x2A00]  }
0x1b1: {  	v55 =	vld [tilespmem:$0x2A10]  }
0x1b2: {  	v53 =	vld [tilespmem:$0x2A20];
	[tilespmem:$0x1FD30] =	vst v1  }
0x1b3: {  	v1 =	vld [tilespmem:$0x2B00];
	_ =	sdelay $0x4  }
0x1b4: {  	[tilespmem:$0x1FD40] =	vst v1;
	v1 =	vld [tilespmem:$0x2B10];
	_ =	sdelay $0x4  }
0x1b5: {  	[tilespmem:$0x1FD50] =	vst v1;
	v1 =	vld [tilespmem:$0x2B20];
	_ =	sdelay $0x4  }
0x1b6: {  	[tilespmem:$0x1FD60] =	vst v1;
	v1 =	vld [tilespmem:$0x2B30];
	_ =	sdelay $0x4  }
0x1b7: {  	[tilespmem:$0x1FD70] =	vst v1;
	v1 =	vld [tilespmem:$0x2B80];
	_ =	sdelay $0x4  }
0x1b8: {  	[tilespmem:$0x1FD80] =	vst v1;
	v1 =	vld [tilespmem:$0x2B90];
	_ =	sdelay $0x4  }
0x1b9: {  	[tilespmem:$0x1FD90] =	vst v1;
	v1 =	vld [tilespmem:$0x2BA0];
	_ =	sdelay $0x4  }
0x1ba: {  	[tilespmem:$0x1FDA0] =	vst v1;
	v1 =	vld [tilespmem:$0x2BB0];
	_ =	sdelay $0x4  }
0x1bb: {  	[tilespmem:$0x1FDB0] =	vst v1;
	v1 =	vld [tilespmem:$0x2C00];
	_ =	sdelay $0x4  }
0x1bc: {  	[tilespmem:$0x1FDC0] =	vst v1;
	v1 =	vld [tilespmem:$0x2C10];
	_ =	sdelay $0x4  }
0x1bd: {  	[tilespmem:$0x1FDD0] =	vst v1;
	v1 =	vld [tilespmem:$0x2C20];
	_ =	sdelay $0x4  }
0x1be: {  	[tilespmem:$0x1FDE0] =	vst v1;
	v1 =	vld [tilespmem:$0x2C30];
	_ =	sdelay $0x4  }
0x1bf: {  	[tilespmem:$0x1FDF0] =	vst v1;
	v1 =	vld [tilespmem:$0x2C80];
	_ =	sdelay $0x4  }
0x1c0: {  	[tilespmem:$0x1FE00] =	vst v1;
	v1 =	vld [tilespmem:$0x2C90];
	_ =	sdelay $0x4  }
0x1c1: {  	[tilespmem:$0x1FE10] =	vst v1;
	v1 =	vld [tilespmem:$0x2CA0];
	_ =	sdelay $0x4  }
0x1c2: {  	[tilespmem:$0x1FE20] =	vst v1;
	v1 =	vld [tilespmem:$0x2CB0];
	_ =	sdelay $0x4  }
0x1c3: {  	[tilespmem:$0x1FE30] =	vst v1;
	v1 =	vld [tilespmem:$0x2D00];
	_ =	sdelay $0x4  }
0x1c4: {  	[tilespmem:$0x1FE40] =	vst v1;
	v1 =	vld [tilespmem:$0x2D10];
	_ =	sdelay $0x4  }
0x1c5: {  	[tilespmem:$0x1FE50] =	vst v1;
	v1 =	vld [tilespmem:$0x2D20];
	_ =	sdelay $0x4  }
0x1c6: {  	[tilespmem:$0x1FE60] =	vst v1;
	v1 =	vld [tilespmem:$0x2D30];
	_ =	sdelay $0x4  }
0x1c7: {  	[tilespmem:$0x1FE70] =	vst v1;
	v1 =	vld [tilespmem:$0x2D80];
	_ =	sdelay $0x4  }
0x1c8: {  	[tilespmem:$0x1FE80] =	vst v1;
	v1 =	vld [tilespmem:$0x2D90];
	_ =	sdelay $0x4  }
0x1c9: {  	[tilespmem:$0x1FE90] =	vst v1;
	v1 =	vld [tilespmem:$0x2DA0];
	_ =	sdelay $0x4  }
0x1ca: {  	[tilespmem:$0x1FEA0] =	vst v1;
	v1 =	vld [tilespmem:$0x2DB0];
	_ =	sdelay $0x4  }
0x1cb: {  	[tilespmem:$0x1FEB0] =	vst v1;
	v1 =	vld [tilespmem:$0x2E00];
	_ =	sdelay $0x4  }
0x1cc: {  	[tilespmem:$0x1FEC0] =	vst v1;
	v1 =	vld [tilespmem:$0x2E10];
	_ =	sdelay $0x4  }
0x1cd: {  	[tilespmem:$0x1FED0] =	vst v1;
	v1 =	vld [tilespmem:$0x2E20];
	_ =	sdelay $0x4  }
0x1ce: {  	[tilespmem:$0x1FEE0] =	vst v1;
	v1 =	vld [tilespmem:$0x2E30];
	_ =	sdelay $0x4  }
0x1cf: {  	[tilespmem:$0x1FEF0] =	vst v1;
	v1 =	vld [tilespmem:$0x2E80];
	_ =	sdelay $0x4  }
0x1d0: {  	[tilespmem:$0x1FF00] =	vst v1;
	v1 =	vld [tilespmem:$0x2E90];
	_ =	sdelay $0x4  }
0x1d1: {  	[tilespmem:$0x1FF10] =	vst v1;
	v1 =	vld [tilespmem:$0x2EA0];
	_ =	sdelay $0x4  }
0x1d2: {  	[tilespmem:$0x1FF20] =	vst v1;
	v1 =	vld [tilespmem:$0x2EB0];
	_ =	sdelay $0x4  }
0x1d3: {  	[tilespmem:$0x1FF30] =	vst v1;
	v1 =	vld [tilespmem:$0x2F00];
	_ =	sdelay $0x4  }
0x1d4: {  	[tilespmem:$0x1FF40] =	vst v1;
	v1 =	vld [tilespmem:$0x2F10];
	_ =	sdelay $0x1  }
0x1d5: {  	v6 =	vld [tilespmem:$0x90]  }
0x1d6: {  	v7 =	vld [tilespmem:$0xA0]  }
0x1d7: {  	v8 =	vld [tilespmem:$0xB0]  }
0x1d8: {  	[tilespmem:$0x1FF50] =	vst v1;
	v1 =	vld [tilespmem:$0x2F20]  }
0x1d9: {  	v9 =	vld [tilespmem:$0x100]  }
0x1da: {  	v10 =	vld [tilespmem:$0x110]  }
0x1db: {  	v11 =	vld [tilespmem:$0x120]  }
0x1dc: {  	v12 =	vld [tilespmem:$0x130]  }
0x1dd: {  	[tilespmem:$0x1FF60] =	vst v1;
	v1 =	vld [tilespmem:$0x2F30]  }
0x1de: {  	v13 =	vld [tilespmem:$0x180]  }
0x1df: {  	v14 =	vld [tilespmem:$0x190]  }
0x1e0: {  	v15 =	vld [tilespmem:$0x1A0]  }
0x1e1: {  	v16 =	vld [tilespmem:$0x1B0]  }
0x1e2: {  	[tilespmem:$0x1FF70] =	vst v1;
	v1 =	vld [tilespmem:$0x2F80]  }
0x1e3: {  	v18 =	vld [tilespmem:$0x200]  }
0x1e4: {  	v19 =	vld [tilespmem:$0x210]  }
0x1e5: {  	v20 =	vld [tilespmem:$0x220]  }
0x1e6: {  	v21 =	vld [tilespmem:$0x230]  }
0x1e7: {  	[tilespmem:$0x1FF80] =	vst v1;
	v1 =	vld [tilespmem:$0x2F90]  }
0x1e8: {  	v22 =	vld [tilespmem:$0x280]  }
0x1e9: {  	v23 =	vld [tilespmem:$0x290]  }
0x1ea: {  	v24 =	vld [tilespmem:$0x2A0]  }
0x1eb: {  	v17 =	vld [tilespmem:$0x2B0]  }
0x1ec: {  	[tilespmem:$0x1FF90] =	vst v1;
	v1 =	vld [tilespmem:$0x2FA0]  }
0x1ed: {  	v25 =	vld [tilespmem:$0x300]  }
0x1ee: {  	v26 =	vld [tilespmem:$0x310]  }
0x1ef: {  	v27 =	vld [tilespmem:$0x320]  }
0x1f0: {  	v28 =	vld [tilespmem:$0x330]  }
0x1f1: {  	[tilespmem:$0x1FFA0] =	vst v1;
	v1 =	vld [tilespmem:$0x2FB0]  }
0x1f2: {  	v29 =	vld [tilespmem:$0x380]  }
0x1f3: {  	v30 =	vld [tilespmem:$0x390]  }
0x1f4: {  	v31 =	vld [tilespmem:$0x3A0]  }
0x1f5: {  	v32 =	vld [tilespmem:$0x3B0]  }
0x1f6: {  	[tilespmem:$0x1FFB0] =	vst v1;
	v1 =	vld [tilespmem:$0x3000]  }
0x1f7: {  	v34 =	vld [tilespmem:$0x400]  }
0x1f8: {  	v35 =	vld [tilespmem:$0x410]  }
0x1f9: {  	v33 =	vld [tilespmem:$0x420]  }
0x1fa: {  	v36 =	vld [tilespmem:$0x430]  }
0x1fb: {  	[tilespmem:$0x1FFC0] =	vst v1;
	v1 =	vld [tilespmem:$0x3010]  }
0x1fc: {  	v52 =	vld [tilespmem:$0x620]  }
0x1fd: {  	v37 =	vld [tilespmem:$0x480]  }
0x1fe: {  	v38 =	vld [tilespmem:$0x490]  }
0x1ff: {  	v39 =	vld [tilespmem:$0x4A0]  }
0x200: {  	[tilespmem:$0x1FFD0] =	vst v1;
	v1 =	vld [tilespmem:$0x3020]  }
0x201: {  	[tilespmem:$0x1FCB0] =	vst v52;
	v52 =	vld [tilespmem:$0x630]  }
0x202: {  	v40 =	vld [tilespmem:$0x4B0]  }
0x203: {  	v41 =	vld [tilespmem:$0x500]  }
0x204: {  	v42 =	vld [tilespmem:$0x510]  }
0x205: {  	[tilespmem:$0x1FFE0] =	vst v1;
	v1 =	vld [tilespmem:$0x3030]  }
0x206: {  	[tilespmem:$0x1FCE0] =	vst v52;
	v52 =	vld [tilespmem:$0x680]  }
0x207: {  	v47 =	vld [tilespmem:$0x520]  }
0x208: {  	v49 =	vld [tilespmem:$0x530]  }
0x209: {  	v50 =	vld [tilespmem:$0x5B0]  }
0x20a: {  	[tilespmem:$0x1FFF0] =	vst v1;
	v1 =	vld [tilespmem:$0x80]  }
0x20b: {  	[tilespmem:$0x1FCC0] =	vst v52;
	v52 =	vld [tilespmem:$0x690]  }
0x20c: {  	v43 =	vld [tilespmem:$0x590]  }
0x20d: {  	v48 =	vld [tilespmem:$0x5A0]  }
0x20e: {  	v51 =	vld [tilespmem:$0x610];
	[tilespmem:$0x1FC90] =	vst v40;
	v9 =	vmul.f32 v9, v4;
	v10 =	vmul.f32 v10, v5  }
0x20f: {  	v40 =	vld [tilespmem:$0x580];
	[tilespmem:$0x1FCA0] =	vst v50;
	v6 =	vmul.f32 v6, v5;
	v1 =	vmul.f32 v1, v4  }
0x210: {  	v50 =	vld [tilespmem:$0x600];
	v9 =	vadd.f32 v10, v9;
	[tilespmem:$0x1FCD0] =	vst v52;
	v52 =	vmul.f32 v11, v2  }
0x211: {  	v11 =	vld [tilespmem:$0x6B0];
	v1 =	vadd.f32 v6, v1;
	v6 =	vmul.f32 v7, v2  }
0x212: {  	v8 =	vmul.f32 v8, v3;
	v9 =	vadd.f32 v52, v9;
	v52 =	vmul.f32 v12, v3;
	v12 =	vld [tilespmem:$0x710]  }
0x213: {  	v7 =	vld [tilespmem:$0x6A0];
	v1 =	vadd.f32 v6, v1;
	v6 =	vmul.f32 v13, v4;
	v13 =	vmul.f32 v14, v5  }
0x214: {  	v14 =	vld [tilespmem:$0x700]  }
0x215: {  	v1 =	vadd.f32 v8, v1;
	v6 =	vadd.f32 v13, v6;
	v8 =	vmul.f32 v15, v2;
	v15 =	vld [tilespmem:$0x720]  }
0x216: {  	v13 =	vadd.f32 v52, v9;
	v9 =	vmul.f32 v18, v4;
	v52 =	vmul.f32 v19, v5;
	v18 =	vld [tilespmem:$0x730]  }
0x217: {  	v4 =	vmul.f32 v22, v4;
	v5 =	vmul.f32 v23, v5;
	v19 =	vld [tilespmem:$0x780]  }
0x218: {  	v22 =	vld [tilespmem:$0x7B0];
	v6 =	vadd.f32 v8, v6;
	v8 =	vadd.f32 v52, v9;
	v52 =	vmul.f32 v20, v2  }
0x219: {  	v2 =	vmul.f32 v24, v2;
	v20 =	vld [tilespmem:$0x790];
	v4 =	vadd.f32 v5, v4;
	v5 =	vmul.f32 v16, v3  }
0x21a: {  	v24 =	vmul.f32 v21, v3;
	v21 =	vld [tilespmem:$0x7A0];
	v9 =	vmul.f32 v25, v62  }
0x21b: {  	v3 =	vmul.f32 v17, v3;
	v17 =	vld [tilespmem:$0x800];
	v8 =	vadd.f32 v52, v8;
	v52 =	vmul.f32 v26, v63  }
0x21c: {  	v31 =	vmul.f32 v31, v61;
	v25 =	vld [tilespmem:$0x810];
	v2 =	vadd.f32 v2, v4  }
0x21d: {  	v37 =	vmul.f32 v37, v62;
	v16 =	vmul.f32 v27, v61;
	v27 =	vld [tilespmem:$0x820];
	v10 =	vadd.f32 v52, v9  }
0x21e: {  	v4 =	vld [tilespmem:$0x880];
	v26 =	vadd.f32 v3, v2;
	v2 =	vmul.f32 v29, v62;
	v3 =	vmul.f32 v30, v63  }
0x21f: {  	v23 =	vadd.f32 v5, v6;
	v5 =	vld [tilespmem:$0x890];
	v19 =	vmul.f32 v19, v59;
	v20 =	vmul.f32 v20, v58  }
0x220: {  	v52 =	vmul.f32 v34, v62;
	v29 =	vld [tilespmem:$0x830];
	v6 =	vadd.f32 v16, v10;
	v2 =	vadd.f32 v3, v2  }
0x221: {  	v16 =	vmul.f32 v35, v63;
	v3 =	vmul.f32 v28, v60;
	v19 =	vadd.f32 v20, v19;
	v20 =	vld [tilespmem:$0xB20]  }
0x222: {  	v38 =	vmul.f32 v38, v63;
	v24 =	vadd.f32 v24, v8;
	v9 =	vadd.f32 v31, v2;
	v2 =	vld [tilespmem:$0x8A0]  }
0x223: {  	v35 =	vmul.f32 v33, v61;
	v8 =	vadd.f32 v16, v52;
	v31 =	vadd.f32 v3, v6;
	v3 =	vld [tilespmem:$0x8B0]  }
0x224: {  	v34 =	vmul.f32 v32, v60;
	v6 =	vld [tilespmem:$0x900]  }
0x225: {  	v8 =	vadd.f32 v35, v8;
	v35 =	vadd.f32 v38, v37;
	v38 =	vmul.f32 v42, v63;
	v63 =	vld [tilespmem:$0x910]  }
0x226: {  	v52 =	vmul.f32 v36, v60;
	v37 =	vmul.f32 v41, v62;
	v62 =	vld [tilespmem:$0x920]  }
0x227: {  	v36 =	vmul.f32 v39, v61;
	v39 =	vmul.f32 v40, v59;
	v42 =	vld [tilespmem:$0x1FC90]  }
0x228: {  	v40 =	vmul.f32 v43, v58;
	v41 =	vmul.f32 v47, v61;
	v61 =	vld [tilespmem:$0x930]  }
0x229: {  	v32 =	vadd.f32 v34, v9;
	v9 =	vld [tilespmem:$0x990]  }
0x22a: {  	v47 =	vmul.f32 v49, v60;
	v30 =	vadd.f32 v40, v39;
	v49 =	vmul.f32 v48, v57;
	v40 =	vld [tilespmem:$0x1FCA0]  }
0x22b: {  	v28 =	vadd.f32 v52, v8;
	v8 =	vld [tilespmem:$0x980]  }
0x22c: {  	v16 =	vadd.f32 v38, v37;
	v52 =	vadd.f32 v49, v30;
	v49 =	vld [tilespmem:$0x1FCD0]  }
0x22d: {  	v38 =	vld [tilespmem:$0xA90]  }
0x22e: {  	v51 =	vmul.f32 v51, v58;
	v50 =	vmul.f32 v50, v59;
	v33 =	vadd.f32 v41, v16;
	v16 =	vld [tilespmem:$0x9A0]  }
0x22f: {  	v43 =	vmul.f32 v42, v60;
	v60 =	vld [tilespmem:$0x9B0]  }
0x230: {  	v42 =	vadd.f32 v51, v50;
	v51 =	vld [tilespmem:$0x1FCE0]  }
0x231: {  	v10 =	vadd.f32 v36, v35;
	v41 =	vmul.f32 v40, v56;
	v40 =	vld [tilespmem:$0x1FCF0]  }
0x232: {  	v33 =	vadd.f32 v47, v33;
	v47 =	vld [tilespmem:$0x1FCC0]  }
0x233: {  	v34 =	vadd.f32 v43, v10;
	v43 =	vld [tilespmem:$0x1FCB0]  }
0x234: {  	v10 =	vld [tilespmem:$0xA00]  }
0x235: {  	v30 =	vadd.f32 v41, v52;
	v52 =	vmul.f32 v14, v59;
	v14 =	vld [tilespmem:$0xA10]  }
0x236: {  	v41 =	vmul.f32 v7, v57;
	v7 =	vld [tilespmem:$0xA30]  }
0x237: {  	v12 =	vmul.f32 v12, v58;
	v50 =	vmul.f32 v49, v58;
	v58 =	vld [tilespmem:$0xAB0]  }
0x238: {  	v15 =	vmul.f32 v15, v57;
	v49 =	vmul.f32 v22, v56;
	v22 =	vld [tilespmem:$0xB00]  }
0x239: {  	v18 =	vmul.f32 v18, v56;
	v48 =	vmul.f32 v47, v59;
	v59 =	vld [tilespmem:$0xA20]  }
0x23a: {  	v12 =	vadd.f32 v12, v52;
	v36 =	vmul.f32 v43, v57;
	v43 =	vmul.f32 v21, v57;
	v21 =	vld [tilespmem:$0xAA0]  }
0x23b: {  	v17 =	vmul.f32 v17, v54;
	v25 =	vmul.f32 v25, v55;
	v39 =	vsel vm0, v26, v31;
	v57 =	vld [tilespmem:$0xB30]  }
0x23c: {  	v12 =	vadd.f32 v15, v12;
	v37 =	vadd.f32 v50, v48;
	v48 =	vmul.f32 v27, v53;
	v27 =	vld [tilespmem:$0xB10]  }
0x23d: {  	v47 =	vadd.f32 v25, v17;
	v50 =	vmul.f32 v29, v40;
	v29 =	vsel vm0, v31, v26;
	v26 =	vld [tilespmem:$0xBA0]  }
0x23e: {  	v25 =	vsel vm0, v24, v23;
	v31 =	vld [tilespmem:$0xC00];
	v35 =	vadd.f32 v36, v42;
	v36 =	vmul.f32 v51, v56  }
0x23f: {  	v51 =	vsel vm0, v13, v1;
	v1 =	vsel vm0, v1, v13;
	v13 =	vperm.xlane v25, v0;
	v25 =	vld [tilespmem:$0xB90]  }
0x240: {  	v11 =	vmul.f32 v11, v56;
	v19 =	vadd.f32 v43, v19;
	v17 =	vperm.xlane v29, v0;
	v29 =	vld [tilespmem:$0xBB0]  }
0x241: {  	v4 =	vmul.f32 v4, v54;
	v12 =	vadd.f32 v18, v12;
	v42 =	vadd.f32 v41, v37;
	v37 =	vld [tilespmem:$0xA80]  }
0x242: {  	v23 =	vsel vm0, v23, v24;
	v15 =	vadd.f32 v48, v47;
	v18 =	vadd.f32 v49, v19;
	v19 =	vld [tilespmem:$0xB80]  }
0x243: {  	v41 =	vsel vm0, v32, v28;
	v35 =	vadd.f32 v36, v35;
	v36 =	vsel vm0, v28, v32;
	v32 =	vld [tilespmem:$0xD00]  }
0x244: {  	v52 =	vperm.xlane v51, v0;
	v48 =	vsel vm0, v34, v33;
	v17 =	vadd.f32 v17, v39;
	v39 =	vld [tilespmem:$0xD90]  }
0x245: {  	v13 =	vadd.f32 v13, v23;
	v11 =	vadd.f32 v11, v42;
	v42 =	vsel vm0, v33, v34;
	v34 =	vld [tilespmem:$0xC10]  }
0x246: {  	v15 =	vadd.f32 v50, v15;
	v1 =	vadd.f32 v52, v1;
	v33 =	vld [tilespmem:$0xC20];
	v47 =	vsel vm0, v35, v30  }
0x247: {  	v24 =	vperm.xlane v36, v0;
	v36 =	vld [tilespmem:$0xC90];
	v30 =	vsel vm0, v30, v35;
	v28 =	vperm.xlane v47, v0  }
0x248: {  	v35 =	vld [tilespmem:$0xC80];
	v49 =	vsel vm0, v12, v11;
	v11 =	vsel vm0, v11, v12;
	v51 =	vsel vm0, v15, v18  }
0x249: {  	v52 =	vsel vm1, v13, v1;
	v15 =	vsel vm0, v18, v15;
	v18 =	vld [tilespmem:$0xCB0];
	v12 =	vperm.xlane v51, v0  }
0x24a: {  	v43 =	vperm.xlane v42, v0;
	v23 =	vadd.f32 v24, v41;
	v28 =	vadd.f32 v28, v30;
	v30 =	vld [tilespmem:$0xC30]  }
0x24b: {  	v3 =	vmul.f32 v3, v40;
	v50 =	vperm.xlane v49, v0;
	v12 =	vadd.f32 v12, v15;
	v15 =	vld [tilespmem:$0xCA0]  }
0x24c: {  	v24 =	vadd.f32 v43, v48;
	v56 =	vperm.xlane v52, v44;
	v41 =	vsel vm1, v23, v17;
	v52 =	vmovc v40;
	v40 =	vld [tilespmem:$0xE00]  }
0x24d: {  	v6 =	vmul.f32 v6, v54;
	v11 =	vadd.f32 v50, v11;
	v42 =	vperm.xlane v41, v44;
	v41 =	vld [tilespmem:$0x1FD30]  }
0x24e: {  	v50 =	vmul.f32 v63, v55;
	v43 =	vsel vm1, v28, v24;
	v24 =	vsel vm1, v24, v28;
	v28 =	vld [tilespmem:$0xD10]  }
0x24f: {  	v5 =	vmul.f32 v5, v55;
	v47 =	vsel vm1, v12, v11;
	v11 =	vsel vm1, v11, v12;
	v12 =	vld [tilespmem:$0xD20]  }
0x250: {  	v1 =	vsel vm1, v1, v13;
	v17 =	vsel vm1, v17, v23;
	v51 =	vadd.f32 v50, v6;
	v6 =	vld [tilespmem:$0xDB0]  }
0x251: {  	v1 =	vadd.f32 v56, v1;
	v13 =	vadd.f32 v42, v17;
	v17 =	vperm.xlane v43, v44;
	v43 =	vld [tilespmem:$0x1FD10]  }
0x252: {  	v50 =	vmul.f32 v16, v53;
	v16 =	vld [tilespmem:$0xE80]  }
0x253: {  	v4 =	vadd.f32 v5, v4;
	v42 =	vld [tilespmem:$0x1FD20];
	v23 =	vperm.xlane v47, v44;
	v48 =	vsel vm2, v13, v1  }
0x254: {  	v2 =	vmul.f32 v2, v53;
	v17 =	vadd.f32 v17, v24;
	v24 =	vld [tilespmem:$0xD30];
	v49 =	vperm.xlane v48, v45  }
0x255: {  	v1 =	vsel vm2, v1, v13;
	v11 =	vadd.f32 v23, v11;
	v23 =	vld [tilespmem:$0xD80]  }
0x256: {  	v47 =	vmul.f32 v62, v53;
	v56 =	vadd.f32 v49, v1;
	v1 =	vadd.f32 v2, v4;
	v2 =	vld [tilespmem:$0xDA0]  }
0x257: {  	v62 =	vsel vm2, v17, v11;
	v63 =	vsel vm2, v11, v17;
	v11 =	vld [tilespmem:$0xE10]  }
0x258: {  	v9 =	vmul.f32 v9, v55;
	v4 =	vadd.f32 v47, v51;
	v51 =	vmul.f32 v10, v54;
	v10 =	vld [tilespmem:$0xE30]  }
0x259: {  	v8 =	vmul.f32 v8, v54;
	v59 =	vmul.f32 v59, v53;
	v47 =	vld [tilespmem:$0x1FD00]  }
0x25a: {  	v48 =	vmul.f32 v61, v52;
	v53 =	vmul.f32 v20, v42;
	v20 =	vld [tilespmem:$0xF10]  }
0x25b: {  	v1 =	vadd.f32 v3, v1;
	v3 =	vadd.f32 v9, v8;
	v9 =	vld [tilespmem:$0xE20]  }
0x25c: {  	v13 =	vadd.f32 v48, v4;
	v48 =	vmul.f32 v21, v42;
	v21 =	vld [tilespmem:$0xEA0]  }
0x25d: {  	v49 =	vmov v52;
	v52 =	vmul.f32 v14, v55;
	v14 =	vld [tilespmem:$0xF00]  }
0x25e: {  	v61 =	vmul.f32 v60, v49;
	v60 =	vmul.f32 v57, v41;
	v57 =	vld [tilespmem:$0x1020]  }
0x25f: {  	v3 =	vadd.f32 v50, v3;
	v50 =	vmul.f32 v27, v43;
	v27 =	vld [tilespmem:$0xEB0]  }
0x260: {  	v4 =	vadd.f32 v52, v51;
	v51 =	vmul.f32 v58, v41;
	v58 =	vmul.f32 v34, v43;
	v34 =	vld [tilespmem:$0xF90]  }
0x261: {  	v55 =	vmul.f32 v38, v43;
	v54 =	vmul.f32 v37, v47;
	v37 =	vld [tilespmem:$0xE90]  }
0x262: {  	v7 =	vmul.f32 v7, v49;
	v4 =	vadd.f32 v59, v4;
	v59 =	vmul.f32 v35, v47;
	v35 =	vld [tilespmem:$0xFA0]  }
0x263: {  	v49 =	vmul.f32 v22, v47;
	v8 =	vadd.f32 v55, v54;
	v54 =	vmul.f32 v25, v43;
	v25 =	vld [tilespmem:$0xF30]  }
0x264: {  	v55 =	vmul.f32 v31, v47;
	v31 =	vld [tilespmem:$0xF80]  }
0x265: {  	v52 =	vadd.f32 v50, v49;
	v49 =	vld [tilespmem:$0x1FD40]  }
0x266: {  	v17 =	vadd.f32 v61, v3;
	v3 =	vadd.f32 v48, v8;
	v48 =	vmul.f32 v15, v42;
	v15 =	vld [tilespmem:$0x1000]  }
0x267: {  	v38 =	vadd.f32 v7, v4;
	v4 =	vadd.f32 v53, v52;
	v53 =	vld [tilespmem:$0x1010]  }
0x268: {  	v5 =	vadd.f32 v58, v55;
	v58 =	vld [tilespmem:$0x1FD60]  }
0x269: {  	v8 =	vld [tilespmem:$0x1120]  }
0x26a: {  	v22 =	vadd.f32 v51, v3;
	v3 =	vmul.f32 v19, v47;
	v19 =	vld [tilespmem:$0xF20]  }
0x26b: {  	v51 =	vld [tilespmem:$0x1FD50]  }
0x26c: {  	v29 =	vmul.f32 v29, v41;
	v47 =	vmul.f32 v30, v41;
	v30 =	vld [tilespmem:$0xFB0]  }
0x26d: {  	v33 =	vmul.f32 v33, v42;
	v61 =	vmul.f32 v36, v43;
	v36 =	vadd.f32 v60, v4;
	v4 =	vld [tilespmem:$0x1080]  }
0x26e: {  	v26 =	vmul.f32 v26, v42;
	v50 =	vmul.f32 v32, v49;
	v32 =	vld [tilespmem:$0x1030];
	v3 =	vadd.f32 v54, v3  }
0x26f: {  	v18 =	vmul.f32 v18, v41;
	v43 =	vadd.f32 v33, v5;
	v54 =	vmul.f32 v23, v49;
	v23 =	vld [tilespmem:$0x1220]  }
0x270: {  	v33 =	vmul.f32 v16, v49;
	v3 =	vadd.f32 v26, v3;
	v52 =	vmul.f32 v28, v51;
	v28 =	vld [tilespmem:$0x1190]  }
0x271: {  	v41 =	vsel vm0, v22, v36;
	v55 =	vmul.f32 v39, v51;
	v39 =	vsel vm0, v36, v22;
	v36 =	vld [tilespmem:$0x1310]  }
0x272: {  	v14 =	vmul.f32 v14, v49;
	v29 =	vadd.f32 v29, v3;
	v3 =	vadd.f32 v61, v59;
	v59 =	vld [tilespmem:$0x1FD70]  }
0x273: {  	v20 =	vmul.f32 v20, v51;
	v61 =	vmul.f32 v40, v49;
	v49 =	vld [tilespmem:$0x1FD80]  }
0x274: {  	v40 =	vmul.f32 v37, v51;
	v37 =	vsel vm0, v38, v17;
	v17 =	vsel vm0, v17, v38;
	v38 =	vld [tilespmem:$0x1410]  }
0x275: {  	v5 =	vadd.f32 v52, v50;
	v50 =	vld [tilespmem:$0x1FD90]  }
0x276: {  	v14 =	vadd.f32 v20, v14;
	v20 =	vld [tilespmem:$0x1230]  }
0x277: {  	v12 =	vmul.f32 v12, v58;
	v3 =	vadd.f32 v48, v3;
	v48 =	vld [tilespmem:$0x1FDA0]  }
0x278: {  	v2 =	vmul.f32 v2, v58;
	v7 =	vadd.f32 v55, v54;
	v16 =	vadd.f32 v40, v33;
	v33 =	vld [tilespmem:$0x12A0]  }
0x279: {  	v12 =	vadd.f32 v12, v5;
	v5 =	vld [tilespmem:$0x1090]  }
0x27a: {  	v21 =	vmul.f32 v21, v58;
	v7 =	vadd.f32 v2, v7;
	v2 =	vld [tilespmem:$0x10A0]  }
0x27b: {  	v9 =	vmul.f32 v9, v58;
	v18 =	vadd.f32 v18, v3;
	v3 =	vld [tilespmem:$0x10B0]  }
0x27c: {  	v11 =	vmul.f32 v11, v51;
	v16 =	vadd.f32 v21, v16;
	v21 =	vperm.xlane v39, v0;
	v39 =	vld [tilespmem:$0x1400]  }
0x27d: {  	v26 =	vadd.f32 v47, v43;
	v42 =	vmul.f32 v19, v58;
	v47 =	vmul.f32 v31, v49;
	v31 =	vld [tilespmem:$0x1180]  }
0x27e: {  	v60 =	vmul.f32 v24, v59;
	v43 =	vmul.f32 v27, v59;
	v27 =	vld [tilespmem:$0x11A0]  }
0x27f: {  	v6 =	vmul.f32 v6, v59;
	v24 =	vadd.f32 v11, v61;
	v58 =	vmul.f32 v25, v59;
	v25 =	vld [tilespmem:$0x1200]  }
0x280: {  	v61 =	vsel vm0, v13, v1;
	v1 =	vsel vm0, v1, v13;
	v13 =	vperm.xlane v37, v0;
	v37 =	vld [tilespmem:$0x1390]  }
0x281: {  	v40 =	vsel vm0, v26, v29;
	v14 =	vadd.f32 v42, v14;
	v52 =	vmul.f32 v34, v50;
	v34 =	vld [tilespmem:$0x1290]  }
0x282: {  	v42 =	vperm.xlane v40, v0;
	v10 =	vmul.f32 v10, v59;
	v11 =	vadd.f32 v6, v7;
	v7 =	vld [tilespmem:$0x1100]  }
0x283: {  	v15 =	vmul.f32 v15, v49;
	v4 =	vmul.f32 v4, v49;
	v24 =	vadd.f32 v9, v24;
	v9 =	vld [tilespmem:$0x1110]  }
0x284: {  	v53 =	vmul.f32 v53, v50;
	v12 =	vadd.f32 v60, v12;
	v6 =	vld [tilespmem:$0x1130];
	v16 =	vadd.f32 v43, v16  }
0x285: {  	v55 =	vmul.f32 v35, v48;
	v14 =	vadd.f32 v58, v14;
	v43 =	vsel vm0, v29, v26;
	v29 =	vld [tilespmem:$0x12B0]  }
0x286: {  	v57 =	vmul.f32 v57, v48;
	v13 =	vadd.f32 v13, v17;
	v17 =	vadd.f32 v21, v41;
	v26 =	vld [tilespmem:$0x1380]  }
0x287: {  	v35 =	vperm.xlane v61, v0;
	v41 =	vld [tilespmem:$0x1490];
	v54 =	vadd.f32 v52, v47;
	v15 =	vadd.f32 v53, v15  }
0x288: {  	v47 =	vld [tilespmem:$0x1FDB0];
	v21 =	vadd.f32 v42, v43;
	v5 =	vmul.f32 v5, v50;
	v24 =	vadd.f32 v10, v24  }
0x289: {  	v10 =	vld [tilespmem:$0x11B0];
	v1 =	vadd.f32 v35, v1;
	v51 =	vsel vm0, v12, v18;
	v12 =	vsel vm0, v18, v12  }
0x28a: {  	v35 =	vld [tilespmem:$0x1300];
	v19 =	vadd.f32 v55, v54;
	v15 =	vadd.f32 v57, v15;
	v52 =	vperm.xlane v51, v0  }
0x28b: {  	v18 =	vld [tilespmem:$0x1330];
	v55 =	vsel vm0, v14, v16;
	v14 =	vsel vm0, v16, v14;
	v61 =	vsel vm1, v21, v17  }
0x28c: {  	v17 =	vsel vm1, v17, v21;
	v21 =	vld [tilespmem:$0x1480];
	v4 =	vadd.f32 v5, v4;
	v53 =	vsel vm0, v24, v11  }
0x28d: {  	v5 =	vld [tilespmem:$0x1580];
	v11 =	vsel vm0, v11, v24;
	v59 =	vmul.f32 v30, v47;
	v60 =	vmul.f32 v32, v47  }
0x28e: {  	v57 =	vperm.xlane v55, v0;
	v24 =	vld [tilespmem:$0x1320];
	v54 =	vperm.xlane v53, v0;
	v12 =	vadd.f32 v52, v12  }
0x28f: {  	v32 =	vld [tilespmem:$0x1210];
	v19 =	vadd.f32 v59, v19;
	v15 =	vadd.f32 v60, v15;
	v59 =	vsel vm1, v13, v1  }
0x290: {  	v30 =	vld [tilespmem:$0x1280];
	v60 =	vperm.xlane v63, v45;
	v1 =	vsel vm1, v1, v13;
	v13 =	vperm.xlane v61, v44  }
0x291: {  	v11 =	vadd.f32 v54, v11;
	v22 =	vperm.xlane v59, v44;
	v59 =	vmul.f32 v31, v49;
	v31 =	vld [tilespmem:$0x1610]  }
0x292: {  	v58 =	vsel vm0, v15, v19;
	v15 =	vsel vm0, v19, v15;
	v13 =	vadd.f32 v13, v17;
	v17 =	vld [tilespmem:$0x1430]  }
0x293: {  	v19 =	vadd.f32 v60, v62;
	v60 =	vmul.f32 v28, v50;
	v28 =	vld [tilespmem:$0x15A0];
	v16 =	vperm.xlane v58, v0  }
0x294: {  	v2 =	vmul.f32 v2, v48;
	v14 =	vadd.f32 v57, v14;
	v62 =	vmul.f32 v27, v48;
	v27 =	vld [tilespmem:$0x15B0]  }
0x295: {  	v63 =	vsel vm1, v11, v12;
	v1 =	vadd.f32 v22, v1;
	v22 =	vld [tilespmem:$0x13B0];
	v15 =	vadd.f32 v16, v15  }
0x296: {  	v43 =	vperm.xlane v63, v44;
	v58 =	vmul.f32 v9, v50;
	v9 =	vld [tilespmem:$0x1590]  }
0x297: {  	v11 =	vsel vm1, v12, v11;
	v50 =	vld [tilespmem:$0x1FDD0];
	v42 =	vsel vm1, v15, v14  }
0x298: {  	v2 =	vadd.f32 v2, v4;
	v11 =	vadd.f32 v43, v11;
	v43 =	vld [tilespmem:$0x1520];
	v51 =	vperm.xlane v42, v44  }
0x299: {  	v53 =	vsel vm3, v19, v56;
	v4 =	vadd.f32 v60, v59;
	v59 =	vld [tilespmem:$0x1FDF0];
	v52 =	vsel vm1, v14, v15  }
0x29a: {  	v3 =	vmul.f32 v3, v47;
	v16 =	vld [tilespmem:$0x13A0];
	v14 =	vperm.xlane v53, v46;
	v12 =	vadd.f32 v51, v52  }
0x29b: {  	v19 =	vsel vm3, v56, v19;
	v54 =	vsel vm2, v13, v1;
	v1 =	vsel vm2, v1, v13;
	v13 =	vld [tilespmem:$0x14B0]  }
0x29c: {  	v15 =	vld [tilespmem:$0x1420];
	v53 =	vmul.f32 v10, v47;
	v14 =	vadd.f32 v19, v14;
	v55 =	vsel vm2, v12, v11  }
0x29d: {  	v10 =	vld [tilespmem:$0x1620];
	v19 =	vperm.xlane v54, v45;
	v40 =	vperm.xlane v55, v45  }
0x29e: {  	v6 =	vmul.f32 v6, v47;
	v47 =	vld [tilespmem:$0x1FE10];
	v56 =	vsub.f32 $0.0e+00, v14;
	v11 =	vsel vm2, v11, v12  }
0x29f: {  	v42 =	vld [tilespmem:$0x14A0];
	v1 =	vadd.f32 v19, v1;
	v11 =	vadd.f32 v40, v11  }
0x2a0: {  	v14 =	vld [tilespmem:$0x1500]  }
0x2a1: {  	v12 =	vmul.f32 $1.442695020e+00, v56;
	v55 =	vld [tilespmem:$0x1FDE0];
	v40 =	vsel vm3, v11, v1  }
0x2a2: {  	v19 =	vld [tilespmem:$0x1510];
	v57 =	vperm.xlane v40, v46  }
0x2a3: {  	(erf) = vpow2.f32 v12;
	v12 =	vld [tilespmem:$0x1600];
	v1 =	vsel vm3, v1, v11  }
0x2a4: {  	v40 =	vld [tilespmem:$0x1530];
	v11 =	vadd.f32 v1, v57;
	v1 =	vmul.f32 v7, v49  }
0x2a5: {  	v49 =	vld [tilespmem:$0x1FDC0]  }
0x2a6: {  	v61 =	vmul.f32 v8, v48;
	v56 =	vmul.f32 v23, v55;
	v23 =	vld [tilespmem:$0x1630];
	v1 =	vadd.f32 v58, v1  }
0x2a7: {  	v52 =	vmul.f32 v32, v50;
	v51 =	vmul.f32 v24, v55;
	v24 =	vld [tilespmem:$0x1710]  }
0x2a8: {  	v16 =	vmul.f32 v16, v55;
	v1 =	vadd.f32 v61, v1;
	v61 =	vmul.f32 v33, v55;
	v33 =	vld [tilespmem:$0x16A0]  }
0x2a9: {  	v15 =	vmul.f32 v15, v55;
	v55 =	vmul.f32 v22, v59;
	v22 =	vld [tilespmem:$0x1780]  }
0x2aa: {  	v4 =	vadd.f32 v62, v4;
	v58 =	vmul.f32 v34, v50;
	v63 =	vmul.f32 v25, v49;
	v25 =	vld [tilespmem:$0x1680]  }
0x2ab: {  	v2 =	vadd.f32 v3, v2;
	v57 =	vmul.f32 v30, v49;
	v30 =	vld [tilespmem:$0x1690];
	v62 =	vmul.f32 v35, v49  }
0x2ac: {  	v35 =	vmul.f32 v26, v49;
	v26 =	vld [tilespmem:$0x16B0];
	v3 =	vadd.f32 v6, v1;
	v1 =	vadd.f32 v53, v4  }
0x2ad: {  	v53 =	vmul.f32 v38, v50;
	v38 =	vld [tilespmem:$0x1B80];
	v54 =	vadd.f32 v52, v63;
	v63 =	vmul.f32 v36, v50  }
0x2ae: {  	v36 =	vmul.f32 v37, v50;
	v37 =	vmul.f32 v29, v59;
	v29 =	vld [tilespmem:$0x1700]  }
0x2af: {  	v4 =	vadd.f32 v58, v57;
	v57 =	vld [tilespmem:$0x1FE00]  }
0x2b0: {  	v60 =	vmul.f32 v20, v59;
	v52 =	vmul.f32 v39, v49;
	v49 =	vld [tilespmem:$0x1FE20]  }
0x2b1: {  	v6 =	vadd.f32 v56, v54;
	v54 =	vmul.f32 v18, v59;
	v56 =	vmovc v59;
	v59 =	vmul.f32 v19, v47;
	v19 =	vld [tilespmem:$0x1810]  }
0x2b2: {  	v8 =	vadd.f32 v63, v62;
	v63 =	vld [tilespmem:$0x1820]  }
0x2b3: {  	v4 =	vadd.f32 v61, v4;
	v48 =	vmul.f32 v17, v56;
	v17 =	vld [tilespmem:$0x17B0]  }
0x2b4: {  	v34 =	vadd.f32 v60, v6;
	v6 =	vadd.f32 v36, v35;
	v35 =	vld [tilespmem:$0x1720]  }
0x2b5: {  	v7 =	vadd.f32 v51, v8;
	v51 =	vld [tilespmem:$0x1FE30]  }
0x2b6: {  	v20 =	vadd.f32 v37, v4;
	v4 =	vadd.f32 v53, v52;
	v53 =	vld [tilespmem:$0x1830]  }
0x2b7: {  	v8 =	vld [tilespmem:$0x1880]  }
0x2b8: {  	v60 =	vmul.f32 v9, v47;
	v9 =	vld [tilespmem:$0x1910]  }
0x2b9: {  	v39 =	vmul.f32 v21, v57;
	v21 =	vld [tilespmem:$0x1790]  }
0x2ba: {  	v58 =	vmul.f32 v14, v57;
	v14 =	vld [tilespmem:$0x1800]  }
0x2bb: {  	v62 =	vmul.f32 v28, v49;
	v28 =	vld [tilespmem:$0x19B0]  }
0x2bc: {  	v31 =	vmul.f32 v31, v47;
	v12 =	vmul.f32 v12, v57;
	v6 =	vadd.f32 v16, v6;
	v16 =	vld [tilespmem:$0x1730]  }
0x2bd: {  	v5 =	vmul.f32 v5, v57;
	v4 =	vadd.f32 v15, v4;
	v15 =	vld [tilespmem:$0x17A0]  }
0x2be: {  	v32 =	vadd.f32 v54, v7;
	v54 =	vadd.f32 v31, v12;
	v12 =	vld [tilespmem:$0x1890]  }
0x2bf: {  	v41 =	vmul.f32 v41, v47;
	v5 =	vadd.f32 v60, v5;
	v60 =	vmul.f32 v30, v47;
	v47 =	vld [tilespmem:$0x1FE60]  }
0x2c0: {  	v56 =	vpop (erf);
	v30 =	vld [tilespmem:$0x1980]  }
0x2c1: {  	v11 =	vsub.f32 $0.0e+00, v11;
	v52 =	vmov v57;
	v57 =	vadd.f32 $1.000000000e+00, v56;
	v31 =	vld [tilespmem:$0x1A90]  }
0x2c2: {  	v50 =	vmul.f32 v42, v49;
	v7 =	vadd.f32 v41, v39;
	v36 =	vadd.f32 v48, v4;
	v48 =	vld [tilespmem:$0x1FE40]  }
0x2c3: {  	v11 =	vmul.f32 $1.442695020e+00, v11;
	v18 =	vadd.f32 v55, v6;
	v6 =	vld [tilespmem:$0x1920]  }
0x2c4: {  	v61 =	vmul.f32 v43, v49;
	(erf) = vrcp.f32 v57;
	v7 =	vadd.f32 v50, v7;
	v50 =	vld [tilespmem:$0x1FE70]  }
0x2c5: {  	v10 =	vmul.f32 v10, v49;
	v4 =	vadd.f32 v59, v58;
	(erf) = vpow2.f32 v11;
	v11 =	vld [tilespmem:$0x1A30]  }
0x2c6: {  	v39 =	vsel vm0, v32, v20;
	v55 =	vmul.f32 v40, v51;
	v40 =	vsel vm0, v20, v32;
	v20 =	vld [tilespmem:$0x1AA0]  }
0x2c7: {  	v59 =	vmul.f32 v25, v52;
	v13 =	vmul.f32 v13, v51;
	v32 =	vld [tilespmem:$0x1AB0]  }
0x2c8: {  	v5 =	vadd.f32 v62, v5;
	v4 =	vadd.f32 v61, v4;
	v61 =	vmul.f32 v33, v49;
	v49 =	vld [tilespmem:$0x1FE50]  }
0x2c9: {  	v27 =	vmul.f32 v27, v51;
	v41 =	vsel vm0, v36, v18;
	v18 =	vsel vm0, v18, v36;
	v36 =	vld [tilespmem:$0x1B10]  }
0x2ca: {  	v10 =	vadd.f32 v10, v54;
	v23 =	vmul.f32 v23, v51;
	v13 =	vadd.f32 v13, v7;
	v7 =	vld [tilespmem:$0x18A0]  }
0x2cb: {  	v25 =	vadd.f32 v60, v59;
	v27 =	vadd.f32 v27, v5;
	v5 =	vld [tilespmem:$0x1900]  }
0x2cc: {  	v37 =	vsel vm0, v34, v1;
	v26 =	vmul.f32 v26, v51;
	v23 =	vadd.f32 v23, v10;
	v10 =	vld [tilespmem:$0x1930]  }
0x2cd: {  	v58 =	vadd.f32 v55, v4;
	v4 =	vld [tilespmem:$0x18B0];
	v62 =	vmul.f32 v35, v47;
	v25 =	vadd.f32 v61, v25  }
0x2ce: {  	v35 =	vsel vm0, v3, v2;
	v2 =	vsel vm0, v2, v3;
	v3 =	vperm.xlane v39, v0;
	v39 =	vld [tilespmem:$0x1C00]  }
0x2cf: {  	v29 =	vmul.f32 v29, v48;
	v43 =	vsel vm0, v23, v27;
	v51 =	vsel vm0, v27, v23;
	v23 =	vld [tilespmem:$0x1B20]  }
0x2d0: {  	v22 =	vmul.f32 v22, v48;
	v14 =	vmul.f32 v14, v48;
	v25 =	vadd.f32 v26, v25;
	v26 =	vld [tilespmem:$0x1A10]  }
0x2d1: {  	v3 =	vadd.f32 v3, v40;
	v40 =	vld [tilespmem:$0x1C90];
	v24 =	vmul.f32 v24, v49;
	v21 =	vmul.f32 v21, v49  }
0x2d2: {  	v1 =	vsel vm0, v1, v34;
	v34 =	vperm.xlane v43, v0;
	v43 =	vld [tilespmem:$0x1CB0];
	v19 =	vmul.f32 v19, v49  }
0x2d3: {  	v15 =	vmul.f32 v15, v47;
	v24 =	vadd.f32 v24, v29;
	v29 =	vld [tilespmem:$0x1990];
	v21 =	vadd.f32 v21, v22  }
0x2d4: {  	v63 =	vmul.f32 v63, v47;
	v16 =	vmul.f32 v16, v50;
	v22 =	vld [tilespmem:$0x19A0];
	v14 =	vadd.f32 v19, v14  }
0x2d5: {  	v17 =	vmul.f32 v17, v50;
	v19 =	vperm.xlane v35, v0;
	v35 =	vld [tilespmem:$0x1B00];
	v15 =	vadd.f32 v15, v21  }
0x2d6: {  	v33 =	vmul.f32 v53, v50;
	v24 =	vadd.f32 v62, v24;
	v21 =	vld [tilespmem:$0x1A00];
	v14 =	vadd.f32 v63, v14  }
0x2d7: {  	v2 =	vadd.f32 v19, v2;
	v19 =	vperm.xlane v41, v0;
	v15 =	vadd.f32 v17, v15;
	v17 =	vld [tilespmem:$0x1A20]  }
0x2d8: {  	v16 =	vadd.f32 v16, v24;
	v14 =	vadd.f32 v33, v14;
	v33 =	vld [tilespmem:$0x1A80]  }
0x2d9: {  	v24 =	vperm.xlane v37, v0;
	v18 =	vadd.f32 v19, v18;
	v19 =	vadd.f32 v34, v51;
	v34 =	vld [tilespmem:$0x1B30]  }
0x2da: {  	v37 =	vld [tilespmem:$0x1C10]  }
0x2db: {  	v1 =	vadd.f32 v24, v1;
	v52 =	vsel vm0, v16, v25;
	v16 =	vsel vm0, v25, v16;
	v25 =	vld [tilespmem:$0x1B90]  }
0x2dc: {  	v42 =	vsel vm0, v58, v13;
	v53 =	vsel vm0, v14, v15;
	v14 =	vsel vm0, v15, v14;
	v15 =	vld [tilespmem:$0x1BB0]  }
0x2dd: {  	v13 =	vsel vm0, v13, v58;
	v24 =	vperm.xlane v42, v0;
	v42 =	vld [tilespmem:$0x1CA0];
	v54 =	vsel vm1, v1, v2  }
0x2de: {  	v1 =	vsel vm1, v2, v1;
	v2 =	vsel vm1, v18, v3;
	v3 =	vsel vm1, v3, v18;
	v18 =	vld [tilespmem:$0x1C30]  }
0x2df: {  	v27 =	vperm.xlane v53, v0;
	v13 =	vadd.f32 v24, v13;
	v24 =	vperm.xlane v52, v0;
	v52 =	vld [tilespmem:$0x1FE80]  }
0x2e0: {  	v55 =	vperm.xlane v54, v44;
	v2 =	vperm.xlane v2, v44;
	v54 =	vld [tilespmem:$0x1FE90]  }
0x2e1: {  	v14 =	vadd.f32 v27, v14;
	v16 =	vadd.f32 v24, v16;
	v24 =	vld [tilespmem:$0x1BA0]  }
0x2e2: {  	v56 =	vsel vm1, v19, v13;
	v2 =	vadd.f32 v2, v3;
	v3 =	vsel vm1, v13, v19;
	v19 =	vld [tilespmem:$0x1C80]  }
0x2e3: {  	v1 =	vadd.f32 v55, v1;
	v58 =	vperm.xlane v56, v44;
	v55 =	vmul.f32 v10, v50;
	v10 =	vld [tilespmem:$0x1DA0]  }
0x2e4: {  	v56 =	vld [tilespmem:$0x1FEA0]  }
0x2e5: {  	v57 =	vsel vm1, v14, v16;
	v60 =	vsel vm1, v16, v14;
	v14 =	vld [tilespmem:$0x1C20];
	v61 =	vadd.f32 v58, v3  }
0x2e6: {  	v3 =	vsel vm2, v2, v1;
	v1 =	vsel vm2, v1, v2;
	v2 =	vmul.f32 v8, v48;
	v8 =	vld [tilespmem:$0x1D20]  }
0x2e7: {  	v53 =	vmul.f32 v30, v52;
	v30 =	vld [tilespmem:$0x1D90]  }
0x2e8: {  	v5 =	vmul.f32 v5, v48;
	v59 =	vperm.xlane v57, v44;
	v57 =	vld [tilespmem:$0x1FEB0]  }
0x2e9: {  	v48 =	vmul.f32 v38, v52;
	v38 =	vld [tilespmem:$0x1F90];
	v62 =	vperm.xlane v3, v45  }
0x2ea: {  	v29 =	vmul.f32 v29, v54;
	v13 =	vadd.f32 v59, v60;
	v59 =	vmul.f32 v26, v54;
	v26 =	vld [tilespmem:$0x1E00]  }
0x2eb: {  	v25 =	vmul.f32 v25, v54;
	v60 =	vmul.f32 v33, v52;
	v33 =	vld [tilespmem:$0x1E10]  }
0x2ec: {  	v31 =	vmul.f32 v31, v54;
	v36 =	vmul.f32 v36, v54;
	v54 =	vld [tilespmem:$0x1FED0]  }
0x2ed: {  	v9 =	vmul.f32 v9, v49;
	v58 =	vmul.f32 v21, v52;
	v21 =	vadd.f32 v25, v48;
	v25 =	vld [tilespmem:$0x1F80]  }
0x2ee: {  	v41 =	vadd.f32 v62, v1;
	v27 =	vsel vm2, v13, v61;
	v1 =	vsel vm2, v61, v13;
	v13 =	vld [tilespmem:$0x1D00]  }
0x2ef: {  	v6 =	vmul.f32 v6, v47;
	v5 =	vadd.f32 v9, v5;
	v61 =	vmul.f32 v17, v56;
	v17 =	vld [tilespmem:$0x1E20]  }
0x2f0: {  	v62 =	vadd.f32 v31, v60;
	v31 =	vld [tilespmem:$0x1E80]  }
0x2f1: {  	v5 =	vadd.f32 v6, v5;
	v24 =	vmul.f32 v24, v56;
	v6 =	vadd.f32 v59, v58;
	v58 =	vld [tilespmem:$0x1FEF0]  }
0x2f2: {  	v4 =	vmul.f32 v4, v50;
	v3 =	vpop (erf);
	v50 =	vmul.f32 v32, v57;
	v32 =	vld [tilespmem:$0x1EB0]  }
0x2f3: {  	v63 =	vmul.f32 v12, v49;
	v51 =	vpop (erf);
	v27 =	vperm.xlane v27, v45;
	v21 =	vadd.f32 v24, v21;
	v24 =	vld [tilespmem:$0x1F10]  }
0x2f4: {  	v12 =	vadd.f32 $1.000000000e+00, v51;
	v28 =	vmul.f32 v28, v57;
	v51 =	vmul.f32 v34, v57;
	v34 =	vld [tilespmem:$0x1F20]  }
0x2f5: {  	v11 =	vmul.f32 v11, v57;
	v15 =	vmul.f32 v15, v57;
	v57 =	vld [tilespmem:$0x1FEE0]  }
0x2f6: {  	v16 =	vadd.f32 v27, v1;
	v1 =	vadd.f32 v63, v2;
	v2 =	vmul.f32 v7, v47;
	v7 =	vld [tilespmem:$0x1D10]  }
0x2f7: {  	(erf) = vrcp.f32 v12;
	v12 =	vld [tilespmem:$0x1D30]  }
0x2f8: {  	v27 =	vld [tilespmem:$0x1D80]  }
0x2f9: {  	v20 =	vmul.f32 v20, v56;
	v63 =	vmul.f32 v35, v52;
	v35 =	vld [tilespmem:$0x1E90]  }
0x2fa: {  	v52 =	vld [tilespmem:$0x1FEC0]  }
0x2fb: {  	v22 =	vmul.f32 v22, v56;
	v20 =	vadd.f32 v20, v62;
	v62 =	vmul.f32 v30, v54;
	v30 =	vld [tilespmem:$0x1FB0]  }
0x2fc: {  	v23 =	vmul.f32 v23, v56;
	v56 =	vmul.f32 v40, v54;
	v40 =	vld [tilespmem:$0x1FF20]  }
0x2fd: {  	v20 =	vadd.f32 v50, v20;
	v50 =	vld [tilespmem:$0x2010]  }
0x2fe: {  	v9 =	vadd.f32 v36, v63;
	v36 =	vld [tilespmem:$0x1F30]  }
0x2ff: {  	v63 =	vld [tilespmem:$0x2000]  }
0x300: {  	v60 =	vmul.f32 v43, v58;
	v43 =	vld [tilespmem:$0x1FF00]  }
0x301: {  	v2 =	vadd.f32 v2, v1;
	v1 =	vsel vm3, v41, v16;
	v16 =	vsel vm3, v16, v41;
	v41 =	vld [tilespmem:$0x1FF30]  }
0x302: {  	v5 =	vadd.f32 v55, v5;
	v59 =	vmul.f32 v42, v57;
	v42 =	vld [tilespmem:$0x1FF10]  }
0x303: {  	v2 =	vadd.f32 v4, v2;
	v4 =	vadd.f32 v29, v53;
	v29 =	vld [tilespmem:$0x1DB0]  }
0x304: {  	v55 =	vmul.f32 v37, v54;
	v9 =	vadd.f32 v23, v9;
	v23 =	vld [tilespmem:$0x1F00];
	v53 =	vmul.f32 v39, v52  }
0x305: {  	v6 =	vadd.f32 v61, v6;
	v19 =	vmul.f32 v19, v52;
	v61 =	vmul.f32 v27, v52;
	v27 =	vld [tilespmem:$0x21B0]  }
0x306: {  	v13 =	vmul.f32 v13, v52;
	v7 =	vmul.f32 v7, v54;
	v4 =	vadd.f32 v22, v4;
	v22 =	vld [tilespmem:$0x1E30]  }
0x307: {  	v9 =	vadd.f32 v51, v9;
	v51 =	vmul.f32 v26, v52;
	v52 =	vmul.f32 v33, v54;
	v54 =	vld [tilespmem:$0x2030]  }
0x308: {  	v33 =	vld [tilespmem:$0x2090]  }
0x309: {  	v15 =	vadd.f32 v15, v21;
	v6 =	vadd.f32 v11, v6;
	v18 =	vmul.f32 v18, v58;
	v26 =	vld [tilespmem:$0x2130]  }
0x30a: {  	v14 =	vmul.f32 v14, v57;
	v8 =	vmul.f32 v8, v57;
	v11 =	vadd.f32 v55, v53;
	v53 =	vld [tilespmem:$0x2020]  }
0x30b: {  	v10 =	vmul.f32 v10, v57;
	v19 =	vadd.f32 v56, v19;
	v56 =	vmul.f32 v31, v43;
	v31 =	vld [tilespmem:$0x2100]  }
0x30c: {  	v16 =	vperm.xlane v16, v46;
	v49 =	vadd.f32 v62, v61;
	v61 =	vmul.f32 v34, v40;
	v34 =	vld [tilespmem:$0x2110]  }
0x30d: {  	v17 =	vmul.f32 v17, v57;
	v4 =	vadd.f32 v28, v4;
	v28 =	vld [tilespmem:$0x1EA0];
	v57 =	vmul.f32 v35, v42  }
0x30e: {  	v37 =	vsel vm0, v5, v2;
	v35 =	vmul.f32 v36, v41;
	v36 =	vmul.f32 v30, v41;
	v30 =	vld [tilespmem:$0x2190]  }
0x30f: {  	v21 =	vmul.f32 v50, v42;
	v48 =	vsel vm0, v9, v20;
	v50 =	vsel vm0, v20, v9;
	v20 =	vld [tilespmem:$0x2230]  }
0x310: {  	v1 =	vadd.f32 v1, v16;
	v62 =	vmul.f32 v38, v42;
	v38 =	vperm.xlane v37, v0;
	v37 =	vld [tilespmem:$0x2310]  }
0x311: {  	v7 =	vadd.f32 v7, v13;
	v13 =	vmul.f32 v63, v43;
	v11 =	vadd.f32 v14, v11;
	v14 =	vld [tilespmem:$0x1FA0]  }
0x312: {  	v12 =	vmul.f32 v12, v58;
	v1 =	vsub.f32 $0.0e+00, v1;
	v55 =	vmul.f32 v29, v58;
	v29 =	vld [tilespmem:$0x2080]  }
0x313: {  	v2 =	vsel vm0, v2, v5;
	v19 =	vadd.f32 v59, v19;
	v13 =	vadd.f32 v21, v13;
	v21 =	vld [tilespmem:$0x21A0]  }
0x314: {  	v25 =	vmul.f32 v25, v43;
	v7 =	vadd.f32 v8, v7;
	v2 =	vadd.f32 v38, v2;
	v38 =	vld [tilespmem:$0x2390]  }
0x315: {  	v10 =	vadd.f32 v10, v49;
	v39 =	vsel vm0, v6, v4;
	v58 =	vmul.f32 v22, v58;
	v22 =	vld [tilespmem:$0x20A0]  }
0x316: {  	v11 =	vadd.f32 v18, v11;
	v18 =	vadd.f32 v60, v19;
	v60 =	vmul.f32 v24, v42;
	v24 =	vld [tilespmem:$0x2180]  }
0x317: {  	v8 =	vadd.f32 v52, v51;
	v23 =	vmul.f32 v23, v43;
	v47 =	vperm.xlane v39, v0;
	v39 =	vld [tilespmem:$0x23A0]  }
0x318: {  	v25 =	vadd.f32 v62, v25;
	v7 =	vadd.f32 v12, v7;
	v59 =	vmul.f32 v28, v40;
	v28 =	vld [tilespmem:$0x20B0]  }
0x319: {  	v4 =	vsel vm0, v4, v6;
	v8 =	vadd.f32 v17, v8;
	v17 =	vadd.f32 v60, v23;
	v23 =	vld [tilespmem:$0x2120]  }
0x31a: {  	v10 =	vadd.f32 v55, v10;
	v51 =	vsel vm0, v11, v15;
	v11 =	vsel vm0, v15, v11;
	v15 =	vld [tilespmem:$0x22A0]  }
0x31b: {  	v63 =	vmul.f32 v53, v40;
	v53 =	vsel vm0, v7, v18;
	v7 =	vsel vm0, v18, v7;
	v18 =	vld [tilespmem:$0x2300]  }
0x31c: {  	v8 =	vadd.f32 v58, v8;
	v52 =	vperm.xlane v51, v0;
	v51 =	vmul.f32 v29, v43;
	v29 =	vld [tilespmem:$0x2420]  }
0x31d: {  	v19 =	vmul.f32 v54, v41;
	v13 =	vadd.f32 v63, v13;
	v9 =	vperm.xlane v53, v0;
	v53 =	vld [tilespmem:$0x1FF40]  }
0x31e: {  	v14 =	vmul.f32 v14, v40;
	v54 =	vsel vm0, v8, v10;
	v8 =	vsel vm0, v10, v8;
	v10 =	vld [tilespmem:$0x22B0]  }
0x31f: {  	v4 =	vadd.f32 v47, v4;
	v13 =	vadd.f32 v19, v13;
	v19 =	vld [tilespmem:$0x2220]  }
0x320: {  	v32 =	vmul.f32 v32, v41;
	v12 =	vadd.f32 v57, v56;
	v14 =	vadd.f32 v14, v25;
	v25 =	vld [tilespmem:$0x2280]  }
0x321: {  	v58 =	vsel vm1, v4, v2;
	v6 =	vadd.f32 v52, v11;
	v52 =	vmul.f32 v33, v42;
	v33 =	vld [tilespmem:$0x2430]  }
0x322: {  	v12 =	vadd.f32 v59, v12;
	v60 =	vperm.xlane v58, v44;
	v58 =	vmul.f32 v22, v40;
	v22 =	vld [tilespmem:$0x2490]  }
0x323: {  	v17 =	vadd.f32 v61, v17;
	v40 =	vld [tilespmem:$0x1FFF0]  }
0x324: {  	v49 =	vperm.xlane v48, v0;
	v1 =	vmul.f32 $1.442695020e+00, v1;
	v12 =	vadd.f32 v32, v12;
	v32 =	vld [tilespmem:$0x2200]  }
0x325: {  	v55 =	vperm.xlane v54, v0;
	v17 =	vadd.f32 v35, v17;
	v35 =	vld [tilespmem:$0x2210]  }
0x326: {  	v5 =	vadd.f32 v49, v50;
	(erf) = vpow2.f32 v1;
	v14 =	vadd.f32 v36, v14;
	v36 =	vld [tilespmem:$0x2290]  }
0x327: {  	v2 =	vsel vm1, v2, v4;
	v7 =	vadd.f32 v9, v7;
	v8 =	vadd.f32 v55, v8;
	v55 =	vld [tilespmem:$0x1FF50]  }
0x328: {  	v61 =	vsel vm1, v6, v5;
	v2 =	vadd.f32 v60, v2;
	v54 =	vmul.f32 v31, v53;
	v31 =	vld [tilespmem:$0x2480]  }
0x329: {  	v5 =	vsel vm1, v5, v6;
	v4 =	vperm.xlane v61, v44;
	v61 =	vmul.f32 v28, v41;
	v28 =	vld [tilespmem:$0x24B0]  }
0x32a: {  	v56 =	vsel vm0, v17, v12;
	v12 =	vsel vm0, v12, v17;
	v41 =	vld [tilespmem:$0x1FF70];
	v18 =	vmul.f32 v18, v53  }
0x32b: {  	v9 =	vperm.xlane v56, v0;
	v57 =	vsel vm0, v13, v14;
	v59 =	vsel vm0, v14, v13;
	v14 =	vld [tilespmem:$0x2320]  }
0x32c: {  	v13 =	vld [tilespmem:$0x2380];
	v62 =	vsel vm1, v8, v7;
	v7 =	vsel vm1, v7, v8;
	v11 =	vperm.xlane v57, v0  }
0x32d: {  	v8 =	vld [tilespmem:$0x2400];
	v4 =	vadd.f32 v4, v5;
	v17 =	vperm.xlane v62, v44;
	v57 =	vadd.f32 v52, v51  }
0x32e: {  	v25 =	vmul.f32 v25, v53;
	v9 =	vadd.f32 v9, v12;
	v12 =	vld [tilespmem:$0x2330];
	v11 =	vadd.f32 v11, v59  }
0x32f: {  	v49 =	vsel vm2, v4, v2;
	v56 =	vmul.f32 v34, v55;
	v59 =	vld [tilespmem:$0x1FF60];
	v34 =	vmul.f32 v30, v55  }
0x330: {  	v5 =	vadd.f32 v17, v7;
	v30 =	vld [tilespmem:$0x2520];
	v52 =	vmul.f32 v36, v55;
	v7 =	vperm.xlane v49, v45  }
0x331: {  	v2 =	vsel vm2, v2, v4;
	v62 =	vmul.f32 v26, v41;
	v51 =	vmul.f32 v27, v41;
	v27 =	vld [tilespmem:$0x2530]  }
0x332: {  	v49 =	vmul.f32 v35, v55;
	v26 =	vld [tilespmem:$0x2580];
	v55 =	vmul.f32 v37, v55;
	v63 =	vsel vm1, v11, v9  }
0x333: {  	v10 =	vmul.f32 v10, v41;
	v37 =	vld [tilespmem:$0x1FFB0];
	v48 =	vsel vm1, v9, v11;
	v47 =	vperm.xlane v63, v44  }
0x334: {  	v9 =	vld [tilespmem:$0x23B0];
	v1 =	vadd.f32 v56, v54;
	v54 =	vmul.f32 v20, v41;
	v2 =	vadd.f32 v7, v2  }
0x335: {  	v11 =	vld [tilespmem:$0x2410];
	v63 =	vmul.f32 v24, v53;
	v7 =	vadd.f32 v52, v25;
	v6 =	vadd.f32 v47, v48  }
0x336: {  	v56 =	vld [tilespmem:$0x2600];
	v18 =	vadd.f32 v55, v18;
	v12 =	vmul.f32 v12, v41;
	v60 =	vmul.f32 v23, v59  }
0x337: {  	v25 =	vld [tilespmem:$0x2630];
	v15 =	vmul.f32 v15, v59;
	v14 =	vmul.f32 v14, v59;
	v50 =	vsel vm2, v6, v5  }
0x338: {  	v24 =	vld [tilespmem:$0x2700];
	v48 =	vmul.f32 v32, v53;
	v4 =	vperm.xlane v50, v45  }
0x339: {  	v23 =	vld [tilespmem:$0x24A0];
	v5 =	vsel vm2, v5, v6;
	v7 =	vadd.f32 v15, v7;
	v14 =	vadd.f32 v14, v18  }
0x33a: {  	v19 =	vmul.f32 v19, v59;
	v4 =	vadd.f32 v4, v5;
	v5 =	vadd.f32 v58, v57;
	v57 =	vld [tilespmem:$0x1FF80]  }
0x33b: {  	v41 =	vmul.f32 v33, v37;
	v52 =	vmul.f32 v27, v37;
	v58 =	vld [tilespmem:$0x1FF90]  }
0x33c: {  	v47 =	vld [tilespmem:$0x2510];
	v9 =	vmul.f32 v9, v37;
	v7 =	vadd.f32 v10, v7;
	v12 =	vadd.f32 v12, v14  }
0x33d: {  	v6 =	vld [tilespmem:$0x2500];
	v17 =	vsel vm3, v2, v4;
	v16 =	vsel vm3, v4, v2;
	v2 =	vadd.f32 v60, v1  }
0x33e: {  	v53 =	vld [tilespmem:$0x2590];
	v50 =	vmul.f32 v21, v59;
	v1 =	vadd.f32 v61, v5;
	v5 =	vadd.f32 v34, v63  }
0x33f: {  	v18 =	vld [tilespmem:$0x2620];
	v4 =	vadd.f32 v49, v48;
	v49 =	vmul.f32 v28, v37;
	v13 =	vmul.f32 v13, v57  }
0x340: {  	v61 =	vld [tilespmem:$0x1FFA0];
	v28 =	vsel vm0, v7, v12;
	v59 =	vmul.f32 v38, v58;
	v8 =	vmul.f32 v8, v57  }
0x341: {  	v21 =	vld [tilespmem:$0x25B0];
	v5 =	vadd.f32 v50, v5;
	v11 =	vmul.f32 v11, v58;
	v42 =	vmul.f32 v31, v57  }
0x342: {  	v14 =	vld [tilespmem:$0x26A0];
	v4 =	vadd.f32 v19, v4;
	v43 =	vmul.f32 v22, v58;
	v6 =	vmul.f32 v6, v57  }
0x343: {  	v34 =	vld [tilespmem:$0x25A0];
	v2 =	vadd.f32 v62, v2;
	v47 =	vmul.f32 v47, v58;
	v26 =	vmul.f32 v26, v57  }
0x344: {  	v60 =	vld [tilespmem:$0x2610];
	v53 =	vmul.f32 v53, v58;
	v5 =	vadd.f32 v51, v5;
	v4 =	vadd.f32 v54, v4  }
0x345: {  	v50 =	vld [tilespmem:$0x2710];
	v13 =	vadd.f32 v59, v13;
	v62 =	vmul.f32 v39, v61;
	v8 =	vadd.f32 v11, v8  }
0x346: {  	v54 =	vld [tilespmem:$0x1FFC0];
	v63 =	vmul.f32 v29, v61;
	v10 =	vadd.f32 v43, v42;
	v48 =	vmul.f32 v23, v61  }
0x347: {  	v58 =	vld [tilespmem:$0x2780];
	v6 =	vadd.f32 v47, v6;
	v51 =	vmul.f32 v30, v61;
	v59 =	vadd.f32 v53, v26  }
0x348: {  	v21 =	vmul.f32 v21, v37;
	v22 =	vld [tilespmem:$0x26B0];
	v35 =	vadd.f32 v62, v13;
	v8 =	vadd.f32 v63, v8  }
0x349: {  	v29 =	vld [tilespmem:$0x2680];
	v26 =	vsel vm0, v12, v7;
	v10 =	vadd.f32 v48, v10;
	v6 =	vadd.f32 v51, v6  }
0x34a: {  	v27 =	vperm.xlane v26, v0;
	v62 =	vld [tilespmem:$0x1FFE0];
	v9 =	vadd.f32 v9, v35;
	v8 =	vadd.f32 v41, v8  }
0x34b: {  	v38 =	vld [tilespmem:$0x2800];
	v55 =	vmul.f32 v56, v54;
	v10 =	vadd.f32 v49, v10;
	v41 =	vmul.f32 v25, v40  }
0x34c: {  	v56 =	vld [tilespmem:$0x1FFD0];
	v6 =	vadd.f32 v52, v6;
	v48 =	vmul.f32 v24, v54;
	v20 =	vmul.f32 v58, v54  }
0x34d: {  	v13 =	vld [tilespmem:$0x2690];
	v25 =	vsel vm0, v2, v1;
	v1 =	vsel vm0, v1, v2;
	v2 =	vsel vm0, v4, v5  }
0x34e: {  	v42 =	vld [tilespmem:$0x2810];
	v4 =	vsel vm0, v5, v4;
	v43 =	vmul.f32 v29, v54;
	v2 =	vperm.xlane v2, v0  }
0x34f: {  	v30 =	vld [tilespmem:$0x2720];
	v29 =	vsel vm0, v8, v9;
	v32 =	vsel vm0, v9, v8;
	v63 =	vmul.f32 v18, v62  }
0x350: {  	v47 =	vld [tilespmem:$0x27A0];
	v33 =	vsel vm0, v6, v10;
	v14 =	vmul.f32 v14, v62;
	v18 =	vmul.f32 v38, v54  }
0x351: {  	v49 =	vld [tilespmem:$0x2820];
	v6 =	vsel vm0, v10, v6;
	v35 =	vperm.xlane v33, v0;
	v57 =	vmul.f32 v60, v56  }
0x352: {  	v51 =	vld [tilespmem:$0x27B0];
	v2 =	vadd.f32 v2, v4;
	v60 =	vmul.f32 v34, v61;
	v13 =	vmul.f32 v13, v56  }
0x353: {  	v61 =	vld [tilespmem:$0x2790];
	v54 =	vmul.f32 v42, v56;
	v6 =	vadd.f32 v35, v6;
	v11 =	vadd.f32 v57, v55  }
0x354: {  	v53 =	vld [tilespmem:$0x2830];
	v50 =	vmul.f32 v50, v56;
	v39 =	vadd.f32 v60, v59;
	v13 =	vadd.f32 v13, v43  }
0x355: {  	v31 =	vld [tilespmem:$0x2730];
	v55 =	vmul.f32 v30, v62;
	v57 =	vmul.f32 v47, v62;
	v18 =	vadd.f32 v54, v18  }
0x356: {  	v59 =	vmul.f32 v49, v62;
	v60 =	vmul.f32 v22, v40;
	v30 =	vadd.f32 v27, v28  }
0x357: {  	v62 =	vmul.f32 v51, v40;
	v11 =	vadd.f32 v63, v11;
	v19 =	vadd.f32 v21, v39  }
0x358: {  	v21 =	vadd.f32 v50, v48;
	v13 =	vadd.f32 v14, v13;
	v52 =	vmul.f32 v61, v56  }
0x359: {  	v18 =	vadd.f32 v59, v18;
	v63 =	vmul.f32 v53, v40;
	v11 =	vadd.f32 v41, v11  }
0x35a: {  	v61 =	vmul.f32 v31, v40;
	v58 =	vadd.f32 v55, v21;
	v56 =	vadd.f32 v52, v20  }
0x35b: {  	v31 =	vperm.xlane v29, v0;
	v13 =	vadd.f32 v60, v13;
	v18 =	vadd.f32 v63, v18  }
0x35c: {  	v41 =	vperm.xlane v16, v46;
	v20 =	vperm.xlane v25, v0;
	v14 =	vadd.f32 v57, v56  }
0x35d: {  	v5 =	vadd.f32 v31, v32;
	v24 =	vadd.f32 v61, v58;
	v34 =	vsel vm0, v11, v19  }
0x35e: {  	v37 =	vsel vm0, v19, v11;
	v9 =	vadd.f32 v17, v41;
	v14 =	vadd.f32 v62, v14  }
0x35f: {  	v1 =	vadd.f32 v20, v1;
	v36 =	vperm.xlane v34, v0;
	v50 =	vsel vm1, v5, v30  }
0x360: {  	v38 =	vsel vm0, v24, v13;
	v42 =	vsel vm0, v13, v24;
	v43 =	vsel vm0, v18, v14  }
0x361: {  	v39 =	vadd.f32 v36, v37;
	v40 =	vperm.xlane v38, v0;
	v47 =	vperm.xlane v43, v0  }
0x362: {  	v48 =	vsel vm1, v2, v1;
	v1 =	vsel vm1, v1, v2;
	v49 =	vsel vm0, v14, v18  }
0x363: {  	v2 =	vperm.xlane v50, v44;
	v8 =	vadd.f32 v40, v42;
	v10 =	vadd.f32 v47, v49  }
0x364: {  	v4 =	vsel vm1, v30, v5;
	v9 =	vsub.f32 $0.0e+00, v9;
	v11 =	vperm.xlane v48, v44  }
0x365: {  	v51 =	vpop (erf);
	v2 =	vadd.f32 v2, v4;
	v52 =	vsel vm1, v39, v6;
	v53 =	vsel vm1, v10, v8  }
0x366: {  	v54 =	vpop (erf);
	v1 =	vadd.f32 v11, v1;
	v4 =	vperm.xlane v52, v44;
	v11 =	vperm.xlane v53, v44  }
0x367: {  	v56 =	vadd.f32 $1.000000000e+00, v54;
	v6 =	vsel vm1, v6, v39;
	v55 =	vsel vm1, v8, v10  }
0x368: {  	v58 =	vmul.f32 $1.442695020e+00, v9;
	v4 =	vadd.f32 v4, v6;
	v57 =	vadd.f32 v11, v55  }
0x369: {  	(erf) = vrcp.f32 v56  }
0x36a: {  	(erf) = vpow2.f32 v58;
	v59 =	vsel vm2, v2, v1;
	v60 =	vsel vm2, v57, v4  }
0x36b: {  	v7 =	vperm.xlane v59, v45;
	v8 =	vperm.xlane v60, v45  }
0x36c: {  	v1 =	vsel vm2, v1, v2;
	v2 =	vsel vm2, v4, v57  }
0x36d: {  	v1 =	vadd.f32 v7, v1;
	v2 =	vadd.f32 v8, v2;
	_ =	sdelay $0x1  }
0x36e: {  	v61 =	vsel vm3, v2, v1  }
0x36f: {  	v4 =	vperm.xlane v61, v46  }
0x370: {  	v1 =	vsel vm3, v1, v2  }
0x371: {  	v1 =	vadd.f32 v1, v4  }
0x372: {  	v2 =	vpop (erf)  }
0x373: {  	v62 =	vpop (erf);
	v1 =	vsub.f32 $0.0e+00, v1  }
0x374: {  	v4 =	vadd.f32 $1.000000000e+00, v62  }
0x375: {  	v1 =	vmul.f32 $1.442695020e+00, v1  }
0x376: {  	(erf) = vrcp.f32 v4  }
0x377: {  	(erf) = vpow2.f32 v1;
	_ =	sdelay $0x7  }
0x378: {  	v1 =	vpop (erf)  }
0x379: {  	v63 =	vpop (erf)  }
0x37a: {  	v4 =	vadd.f32 $1.000000000e+00, v63;
	_ =	sdelay $0x1  }
0x37b: {  	(erf) = vrcp.f32 v4;
	_ =	sdelay $0x5  }
0x37c: {  	[tilespmem:$0x3080] =	vst v3  }
0x37d: {  	[tilespmem:$0x3090] =	vst v51  }
0x37e: {  	s31 =	sld [smem:$0x7FD];
	[tilespmem:$0x30A0] =	vst v2  }
0x37f: {  	p0 =	sne.s32 s10, $0x136;
	s30 =	rddreg [dreg:$0x3];
	[tilespmem:$0x30B0] =	vst v1;
	v1 =	vpop (erf)  }
.Ltmp0:
0x380: {  	s11 =	sadd.s32 s10, s30;
	[tilespmem:$0x30C0] =	vst v1;
	(pc) =	sbr.rel @p0 .LBB2_2-.Ltmp0, $4  }
0x381: {  	[hbm4b:s11+s2] =	stream.linear.scatter [tilespmem:s31], [sflag:$0x2], $0x50, $0x38;
	[tilespmem:$0x3100] =	vst v63  }
0x382: {  	_ =	swait.ge [sflag:s6], $0x50  }
0x383: {  	[sflag:s6] =	ssyncset.done $0x0  }
0x384: {  	s9 =	sadd.s32 $0x100, s9;
	s10 =	sadd.s32 $0xA, s10;
	[sflag:s6] =	ssyncadd.s32 $0xFFFFFFB0  }
0x385: {  	s8 =	sadd.s32 $0x1, s8  }
0x386: {  	p0 =	sne.s32 s8, s4  }
.Ltmp1:
0x387: {  	_ = 	snop;
	(pc) =	sbr.rel @p0 .LBB2_1-.Ltmp1, $1  }
0x388: {  	_ =	sdelay $0x3  }
0x389: {  	_ =	sfence.sel $0x180000  }
0x38a: {  	[bflag:$0x0] =	sbarrier.arrive $0xFFFF  }
0x38b: {  	p0 =	sne.s32 s0, $0x0;
	_ =	strace $0x90000047  }
0x38c: {  	s0 =	sadd.s32 @!p0 $0x100000, s1;
	[bflag:$0x2] =	sbarrier.arrive $0xFFFF  }
0x38d: {  	[sflag:s0] =	ssyncadd.tile.s32 @!p0 $0x1;
	_ =	shalt  }
.Lfunc_end2:
_tile_overlayer_lowered:
.L_overlay_start_2:
0x38e: {  	(tag) =	ssettag $0x2  }
0x38f: {  	s0 =	rddreg [dreg:$0x0];
	s2 =	stileid.u32  }
0x390: {  	s1 =	rddreg [dreg:$0x1];
	p0 =	sne.s32 s2, $0x0  }
0x391: {  	s3 =	rddreg [dreg:$0x2];
	[bflag:$0x3] =	sbarrier.arrive $0xFFFF;
	s2 =	simm.s32 @!p0 $0x1C02  }
0x392: {  	[timem:s3], [sflag:s2] =	dma.local @!p0 [hbm:s0], s1  }
0x393: {  	s0 =	simm.s32 @!p0 $0x2  }
0x394: {  	_ =	swait.ge @!p0 [sflag:s0], s1  }
0x395: {  	s1 =	ssub.s32 @!p0 $0x0, s1;
	[sflag:s0] =	ssyncset.done @!p0 $0x0  }
0x396: {  	[sflag:s0] =	ssyncadd.s32 @!p0 s1  }
0x397: {  	[bflag:$0x3] =	sbarrier.arrive $0xFFFF  }
0x398: {  	_ =	shalt  }

</sc_bundles>
